<compile_context>
chip_gen: v7x
topology: tpu7x:2x2x1
jax: 0.10.2.dev20260603
libtpu: 0.0.44.dev20260713+nightly
codegen_flags: <defaults>
</compile_context>

<pallas_src>
import math

import jax
import jax.numpy as jnp
import numpy as np
from jax.experimental import pallas as pl
from jax.experimental.pallas import tpu as pltpu
from jax.experimental.pallas import tpu_sc as plsc
import functools

D_MODEL = 768
N_HEADS = 12
DH = D_MODEL // N_HEADS
D_FF = 3072
HORIZON = 22
HQ = 24
B_SZ = 4
S_LEN = 8192
NQ = N_HEADS * HQ
U_TOP = min(HORIZON, 5 * int(math.ceil(math.log(HORIZON))))
S_BLK = 2048
NS = S_LEN // S_BLK


def _make_pe_pad():
    pos = np.arange(HORIZON, dtype=np.float32)[:, None]
    div = np.exp(np.arange(0, D_MODEL, 2, dtype=np.float32)
                 * (-math.log(10000.0) / D_MODEL))
    pe = np.zeros((HQ, D_MODEL), dtype=np.float32)
    pe[:HORIZON, 0::2] = np.sin(pos * div)
    pe[:HORIZON, 1::2] = np.cos(pos * div)
    return pe


def _eye(n):
    ii = jax.lax.broadcasted_iota(jnp.int32, (n, n), 0)
    jj = jax.lax.broadcasted_iota(jnp.int32, (n, n), 1)
    return (ii == jj).astype(jnp.float32)


def _to_col(row):
    n = row.shape[1]
    return jax.lax.dot_general(_eye(n), row, (((1,), (1,)), ((), ())),
                               precision=jax.lax.Precision.HIGHEST,
                               preferred_element_type=jnp.float32)


def _score_body(pe_ref, wq_ref, bq_ref, enc_ref, wk_ref,
                sc_ref, m_ref, l_ref, ssum_ref, qp_scr):
    b = pl.program_id(0)
    s = pl.program_id(1)
    scale = 1.0 / math.sqrt(DH)

    @pl.when((b == 0) & (s == 0))
    def _build_qp():
        qp = jax.lax.dot_general(pe_ref[...], wq_ref[...],
                                 (((1,), (1,)), ((), ())),
                                 preferred_element_type=jnp.float32
                                 ) + bq_ref[...]
        lanes = jax.lax.broadcasted_iota(jnp.int32, (1, D_MODEL), 1)
        blocks = []
        for h in range(N_HEADS):
            msk = ((lanes >= h * DH)
                   & (lanes < (h + 1) * DH)).astype(jnp.float32)
            blocks.append(qp * msk)
        qp_scr[...] = jnp.concatenate(blocks, axis=0)

    enc = enc_ref[0]
    k_blk = jax.lax.dot_general(enc, wk_ref[...], (((1,), (1,)), ((), ())),
                                preferred_element_type=jnp.float32)
    scores = jax.lax.dot_general(k_blk, qp_scr[...], (((1,), (1,)), ((), ())),
                                 preferred_element_type=jnp.float32)
    sc_ref[0] = scores
    blk_max = jnp.max(scores, axis=0, keepdims=True)
    blk_sum = jnp.sum(scores, axis=0, keepdims=True)

    @pl.when(s == 0)
    def _init():
        m_ref[0] = blk_max
        l_ref[0] = jnp.sum(jnp.exp((scores - blk_max) * scale),
                           axis=0, keepdims=True)
        ssum_ref[0] = blk_sum

    @pl.when(s != 0)
    def _update():
        m_old = m_ref[0]
        m_new = jnp.maximum(m_old, blk_max)
        alpha = jnp.exp((m_old - m_new) * scale)
        p = jnp.exp((scores - m_new) * scale)
        m_ref[0] = m_new
        l_ref[0] = l_ref[0] * alpha + jnp.sum(p, axis=0, keepdims=True)
        ssum_ref[0] = ssum_ref[0] + blk_sum


def _attn_body(enc_ref, sc_ref, m_ref, l_ref, wv_ref, bv_ref,
               vsum_ref, pacc_ref):
    s = pl.program_id(1)
    enc = enc_ref[0]
    v_blk = jax.lax.dot_general(enc, wv_ref[...], (((1,), (1,)), ((), ())),
                                preferred_element_type=jnp.float32) + bv_ref[...]
    scale = 1.0 / math.sqrt(DH)
    w = jnp.exp((sc_ref[0] - m_ref[0]) * scale) / l_ref[0]
    vsum = jnp.sum(v_blk, axis=0, keepdims=True)
    pacc = jax.lax.dot_general(w, v_blk, (((0,), (0,)), ((), ())),
                               preferred_element_type=jnp.float32)

    @pl.when(s == 0)
    def _init():
        vsum_ref[0] = vsum
        pacc_ref[0] = pacc

    @pl.when(s != 0)
    def _update():
        vsum_ref[0] = vsum_ref[0] + vsum
        pacc_ref[0] = pacc_ref[0] + pacc



NG = B_SZ * N_HEADS
GQ = 32
NCHUNK = NG // 16


def _sc_lazy_select(m_flat, ssum_flat):
    mesh = plsc.VectorSubcoreMesh(core_axis_name="c", subcore_axis_name="s")
    n_in = NCHUNK * GQ * 16
    n_slot = GQ * 16

    @functools.partial(
        pl.kernel, mesh=mesh,
        out_type=jax.ShapeDtypeStruct((32 * n_slot,), jnp.float32),
        scratch_types=[
            pltpu.VMEM((n_in,), jnp.float32),
            pltpu.VMEM((n_in,), jnp.float32),
            pltpu.VMEM((n_slot,), jnp.float32),
            pltpu.VMEM((n_slot,), jnp.float32),
        ],
    )
    def lazy_kernel(m_hbm, s_hbm, out_hbm, m_v, s_v, mst_v, out_v):
        wid = jax.lax.axis_index("s") * 2 + jax.lax.axis_index("c")
        chunk = jax.lax.rem(wid, NCHUNK)
        base = chunk * n_slot
        pltpu.sync_copy(m_hbm, m_v)
        pltpu.sync_copy(s_hbm, s_v)
        inv_s = 1.0 / float(S_LEN)
        for i in range(HORIZON):
            mst_v[pl.ds(i * 16, 16)] = (m_v[pl.ds(base + i * 16, 16)]
                                        - s_v[pl.ds(base + i * 16, 16)] * inv_s)
        zero16 = jnp.zeros((16,), jnp.float32)
        one16 = jnp.ones((16,), jnp.float32)
        for i in range(HORIZON):
            mi = mst_v[pl.ds(i * 16, 16)]
            rank = zero16
            for j in range(HORIZON):
                if j == i:
                    continue
                mj = mst_v[pl.ds(j * 16, 16)]
                beats = (mj >= mi) if j < i else (mj > mi)
                rank = rank + jnp.where(beats, one16, zero16)
            out_v[pl.ds(i * 16, 16)] = jnp.where(rank >= float(U_TOP),
                                                 one16, zero16)
        for i in range(HORIZON, GQ):
            out_v[pl.ds(i * 16, 16)] = zero16
        pltpu.sync_copy(out_v, out_hbm.at[pl.ds(wid * n_slot, n_slot)])

    return lazy_kernel(m_flat, ssum_flat)


def _layer_norm(x, g, b, eps=1e-5):
    m = jnp.mean(x, axis=-1, keepdims=True)
    v = jnp.mean((x - m) ** 2, axis=-1, keepdims=True)
    return (x - m) / jnp.sqrt(v + eps) * g + b


def _tail_body(lazy_ref, m_ref, ssum_ref, vsum_ref, pacc_ref,
               wo_ref, bo_ref, w1_ref, b1_ref, w2_ref, b2_ref,
               g1_ref, be1_ref, g2_ref, be2_ref, wout_ref,
               fc_ref, y_ref):
    del m_ref, ssum_ref
    lazy3 = jnp.concatenate([_to_col(lazy_ref[b])[None] for b in range(B_SZ)],
                            axis=0)

    ctx_all = pacc_ref[...]

    vmean3 = jnp.concatenate([vsum_ref[b][None] for b in range(B_SZ)],
                             axis=0) / S_LEN

    lanes = jax.lax.broadcasted_iota(jnp.int32, (1, 1, D_MODEL), 2)
    attn = jnp.zeros((B_SZ, HQ, D_MODEL), jnp.float32)
    for h in range(N_HEADS):
        mask = ((lanes >= h * DH) & (lanes < (h + 1) * DH)).astype(jnp.float32)
        act = ctx_all[:, h * HQ:(h + 1) * HQ, :]
        lz = lazy3[:, h * HQ:(h + 1) * HQ, :]
        sel = act * (1.0 - lz) + vmean3 * lz
        attn = attn + sel * mask
    attn = attn.reshape(B_SZ * HQ, D_MODEL)

    proj = jax.lax.dot_general(attn, wo_ref[...], (((1,), (1,)), ((), ())),
                               preferred_element_type=jnp.float32) + bo_ref[...]
    x = _layer_norm(proj + proj, g1_ref[...], be1_ref[...])
    h1 = jax.lax.dot_general(x, w1_ref[...], (((1,), (1,)), ((), ())),
                             preferred_element_type=jnp.float32) + b1_ref[...]
    h1 = jnp.maximum(h1, 0.0)
    ff = jax.lax.dot_general(h1, w2_ref[...], (((1,), (1,)), ((), ())),
                             preferred_element_type=jnp.float32) + b2_ref[...]
    y = _layer_norm(x + ff, g2_ref[...], be2_ref[...])
    fc = jax.lax.dot_general(y, wout_ref[...], (((1,), (1,)), ((), ())),
                             preferred_element_type=jnp.float32)
    y_ref[...] = y
    fc_ref[...] = fc


def kernel(encoder_output, Wq, bq, Wk, bk, Wv, bv, Wo, bo,
           W1, b1, W2, b2, g1, be1, g2, be2, Wout, bout):
    pe_pad = jnp.asarray(_make_pe_pad())

    def to_chunks(x):
        g = jnp.pad(x.reshape(NG, HQ), ((0, 0), (0, GQ - HQ)))
        return g.T.reshape(GQ, NCHUNK, 16).transpose(1, 0, 2)

    stats_shape = jax.ShapeDtypeStruct((B_SZ, 1, NQ), jnp.float32)
    sc_hbm, m_s, l_s, ssum_s = pl.pallas_call(
        _score_body,
        grid=(B_SZ, NS),
        in_specs=[
            pl.BlockSpec((HQ, D_MODEL), lambda b, s: (0, 0)),
            pl.BlockSpec((D_MODEL, D_MODEL), lambda b, s: (0, 0)),
            pl.BlockSpec((D_MODEL,), lambda b, s: (0,)),
            pl.BlockSpec((1, S_BLK, D_MODEL), lambda b, s: (b, s, 0)),
            pl.BlockSpec((D_MODEL, D_MODEL), lambda b, s: (0, 0)),
        ],
        out_specs=[
            pl.BlockSpec((1, S_BLK, NQ), lambda b, s: (b, s, 0)),
            pl.BlockSpec((1, 1, NQ), lambda b, s: (b, 0, 0)),
            pl.BlockSpec((1, 1, NQ), lambda b, s: (b, 0, 0)),
            pl.BlockSpec((1, 1, NQ), lambda b, s: (b, 0, 0)),
        ],
        out_shape=[
            jax.ShapeDtypeStruct((B_SZ, S_LEN, NQ), jnp.float32),
            stats_shape, stats_shape, stats_shape,
        ],
        scratch_shapes=[pltpu.VMEM((NQ, D_MODEL), jnp.float32)],
    )(pe_pad, Wq, bq, encoder_output, Wk)

    lazy_flat = _sc_lazy_select(to_chunks(m_s).reshape(-1),
                                to_chunks(ssum_s).reshape(-1))
    lazy_chunks = lazy_flat[:NCHUNK * GQ * 16].reshape(NCHUNK, GQ, 16)
    lazy_row = (lazy_chunks.transpose(1, 0, 2).reshape(GQ, NG)
                .T[:, :HQ].reshape(B_SZ, 1, NQ))

    vsum_s, pacc_s = pl.pallas_call(
        _attn_body,
        grid=(B_SZ, NS),
        in_specs=[
            pl.BlockSpec((1, S_BLK, D_MODEL), lambda b, s: (b, s, 0)),
            pl.BlockSpec((1, S_BLK, NQ), lambda b, s: (b, s, 0)),
            pl.BlockSpec((1, 1, NQ), lambda b, s: (b, 0, 0)),
            pl.BlockSpec((1, 1, NQ), lambda b, s: (b, 0, 0)),
            pl.BlockSpec((D_MODEL, D_MODEL), lambda b, s: (0, 0)),
            pl.BlockSpec((D_MODEL,), lambda b, s: (0,)),
        ],
        out_specs=[
            pl.BlockSpec((1, 1, D_MODEL), lambda b, s: (b, 0, 0)),
            pl.BlockSpec((1, NQ, D_MODEL), lambda b, s: (b, 0, 0)),
        ],
        out_shape=[
            jax.ShapeDtypeStruct((B_SZ, 1, D_MODEL), jnp.float32),
            jax.ShapeDtypeStruct((B_SZ, NQ, D_MODEL), jnp.float32),
        ],
    )(encoder_output, sc_hbm, m_s, l_s, Wv, bv)

    fc_pad, y_pad = pl.pallas_call(
        _tail_body,
        out_shape=[
            jax.ShapeDtypeStruct((B_SZ * HQ, 8), jnp.float32),
            jax.ShapeDtypeStruct((B_SZ * HQ, D_MODEL), jnp.float32),
        ],
    )(lazy_row,
      m_s, ssum_s, vsum_s, pacc_s,
      Wo, bo, W1, b1, W2, b2, g1, be1, g2, be2,
      jnp.pad(Wout, ((0, 7), (0, 0))))

    y = y_pad.reshape(B_SZ, HQ, D_MODEL)[:, :HORIZON, :]
    forecasts = fc_pad[:, 0].reshape(B_SZ, HQ)[:, :HORIZON] + bout
    return forecasts, y

# --- scband reference (transcript-rebuilt; emitter-appended) ---
"""Pipeline reference for scband-sparse-decoder-33500744909536 (READ-ONLY COPY).

The authoritative reference and input builder live on the scoring server;
editing this copy changes nothing except your own understanding.
"""

import jax, jax.numpy as jnp
import numpy as np
import math

D_MODEL = 768
N_HEADS = 12
D_FF = 3072
HORIZON = 22
MAX_LEN = 5000
FACTOR = 5
B = 4
S = 8192


def make_pe(max_len, d_model):
    pos = np.arange(max_len, dtype=np.float32)[:, None]
    div = np.exp(np.arange(0, d_model, 2, dtype=np.float32) * (-math.log(10000.0) / d_model))
    pe = np.zeros((max_len, d_model), dtype=np.float32)
    pe[:, 0::2] = np.sin(pos * div)
    pe[:, 1::2] = np.cos(pos * div)
    return jnp.asarray(pe)


def layer_norm(x, g, b, eps=1e-5):
    m = x.mean(-1, keepdims=True)
    v = ((x - m) ** 2).mean(-1, keepdims=True)
    return (x - m) / jnp.sqrt(v + eps) * g + b


def setup_inputs(seed=0):
    key = jax.random.key(seed)
    ks = jax.random.split(key, 12)
    def p(k, shape, scale=0.02):
        return jax.random.normal(k, shape, dtype=jnp.float32) * scale
    return {
        "encoder_output": jax.random.normal(ks[0], (B, S, D_MODEL), dtype=jnp.float32),
        "Wq": p(ks[1], (D_MODEL, D_MODEL)), "bq": jnp.zeros((D_MODEL,), jnp.float32),
        "Wk": p(ks[2], (D_MODEL, D_MODEL)), "bk": jnp.zeros((D_MODEL,), jnp.float32),
        "Wv": p(ks[3], (D_MODEL, D_MODEL)), "bv": jnp.zeros((D_MODEL,), jnp.float32),
        "Wo": p(ks[4], (D_MODEL, D_MODEL)), "bo": jnp.zeros((D_MODEL,), jnp.float32),
        "W1": p(ks[5], (D_FF, D_MODEL)), "b1": jnp.zeros((D_FF,), jnp.float32),
        "W2": p(ks[6], (D_MODEL, D_FF)), "b2": jnp.zeros((D_MODEL,), jnp.float32),
        "g1": jnp.ones((D_MODEL,), jnp.float32), "be1": jnp.zeros((D_MODEL,), jnp.float32),
        "g2": jnp.ones((D_MODEL,), jnp.float32), "be2": jnp.zeros((D_MODEL,), jnp.float32),
        "Wout": p(ks[7], (1, D_MODEL)), "bout": jnp.zeros((1,), jnp.float32),
    }


def _forward(encoder_output, Wq, bq, Wk, bk, Wv, bv, Wo, bo, W1, b1, W2, b2, g1, be1, g2, be2, Wout, bout):
    pe = make_pe(MAX_LEN, D_MODEL)
    # dummy zeros + positional encoding -> queries are just pe[:HORIZON]
    queries = pe[None, :HORIZON, :]
    dh = D_MODEL // N_HEADS
    q = (queries @ Wq.T + bq).reshape(1, HORIZON, N_HEADS, dh).transpose(0, 2, 1, 3)
    k = (encoder_output @ Wk.T + bk).reshape(B, S, N_HEADS, dh).transpose(0, 2, 1, 3)
    v = (encoder_output @ Wv.T + bv).reshape(B, S, N_HEADS, dh).transpose(0, 2, 1, 3)
    q = jnp.broadcast_to(q, (B, N_HEADS, HORIZON, dh))
    # deterministic ProbSparse (Informer-style) cross attention
    scores = jnp.einsum('bhqd,bhkd->bhqk', q, k) / math.sqrt(dh)
    M = scores.max(axis=-1) - scores.mean(axis=-1)  # sparsity measurement per query
    u = min(HORIZON, FACTOR * int(math.ceil(math.log(HORIZON))))
    _, top_idx = jax.lax.top_k(M, u)  # [B, H, u] active queries
    # lazy queries receive mean of V (non-causal cross attention init)
    context = jnp.broadcast_to(v.mean(axis=2, keepdims=True), (B, N_HEADS, HORIZON, dh))
    scores_top = jnp.take_along_axis(scores, top_idx[..., None], axis=2)  # [B,H,u,S]
    attn = jax.nn.softmax(scores_top, axis=-1)
    out_top = jnp.einsum('bhuk,bhkd->bhud', attn, v)
    bi = jnp.arange(B)[:, None, None]
    hi = jnp.arange(N_HEADS)[None, :, None]
    context = context.at[bi, hi, top_idx].set(out_top)
    attn_out = context.transpose(0, 2, 1, 3).reshape(B, HORIZON, D_MODEL)
    attn_out = attn_out @ Wo.T + bo
    # dropout is identity in eval mode
    x = layer_norm(attn_out + attn_out, g1, be1)
    ff = jax.nn.relu(x @ W1.T + b1) @ W2.T + b2  # 1x1 convs == pointwise linears
    y = layer_norm(x + ff, g2, be2)
    forecasts = (y @ Wout.T + bout).squeeze(-1)
    return forecasts, y


def reference(encoder_output, Wq, bq, Wk, bk, Wv, bv, Wo, bo, W1, b1, W2, b2, g1, be1, g2, be2, Wout, bout):
    return _forward(encoder_output, Wq, bq, Wk, bk, Wv, bv, Wo, bo, W1, b1, W2, b2, g1, be1, g2, be2, Wout, bout)

if __name__ == "__main__":
    import jax
    _d = setup_inputs()
    print(jax.jit(kernel)(*tuple(_d.values())))

</pallas_src>

<mosaic_0001>
#map = affine_map<(d0, d1) -> (0)>
module attributes {stable_mosaic.version = 14 : i64} {
  func.func @lazy_kernel(%arg0: i32, %arg1: i32, %arg2: memref<1536xf32, #tpu.memory_space<hbm>>, %arg3: memref<1536xf32, #tpu.memory_space<hbm>>, %arg4: memref<16384xf32, #tpu.memory_space<hbm>>, %arg5: memref<1536xf32, #tpu.memory_space<vmem>>, %arg6: memref<1536xf32, #tpu.memory_space<vmem>>, %arg7: memref<512xf32, #tpu.memory_space<vmem>>, %arg8: memref<512xf32, #tpu.memory_space<vmem>>) attributes {dimension_semantics = [#tpu.dimension_semantics<core_parallel>, #tpu.dimension_semantics<subcore_parallel>], iteration_bounds = array<i64: 2, 16>, scalar_prefetch = 0 : i64, scratch_operands = 4 : i64, tpu.core_type = #tpu.core_type<sc_vector_subcore>, window_params = [{transform_indices = #map}, {transform_indices = #map}, {transform_indices = #map}]} {
    %mul3A = arith.constant 2 : i32
    %mul3A_0 = arith.muli %arg1, %mul3A : i32
    %add3A = arith.addi %mul3A_0, %arg0 : i32
    %rem3A = arith.constant 3 : i32
    %rem3A_1 = arith.remsi %add3A, %rem3A : i32
    %mul3A_2 = arith.constant 512 : i32
    %mul3A_3 = arith.muli %rem3A_1, %mul3A_2 : i32
    "tpu.region"() ({
      %run_scoped3A = tpu.sem_alloc : memref<!tpu.dma_semaphore, #tpu.memory_space<semaphore_mem>>
      tpu.enqueue_dma source(%arg2 : memref<1536xf32, #tpu.memory_space<hbm>>) target(%arg5 : memref<1536xf32, #tpu.memory_space<vmem>>) target_semaphore(%run_scoped3A : memref<!tpu.dma_semaphore, #tpu.memory_space<semaphore_mem>>)
      tpu.wait_dma2 semaphore(%run_scoped3A : memref<!tpu.dma_semaphore, #tpu.memory_space<semaphore_mem>>) src(%arg2 : memref<1536xf32, #tpu.memory_space<hbm>>) dst(%arg5 : memref<1536xf32, #tpu.memory_space<vmem>>)
      tpu.yield
    }) : () -> ()
    "tpu.region"() ({
      %run_scoped3A = tpu.sem_alloc : memref<!tpu.dma_semaphore, #tpu.memory_space<semaphore_mem>>
      tpu.enqueue_dma source(%arg3 : memref<1536xf32, #tpu.memory_space<hbm>>) target(%arg6 : memref<1536xf32, #tpu.memory_space<vmem>>) target_semaphore(%run_scoped3A : memref<!tpu.dma_semaphore, #tpu.memory_space<semaphore_mem>>)
      tpu.wait_dma2 semaphore(%run_scoped3A : memref<!tpu.dma_semaphore, #tpu.memory_space<semaphore_mem>>) src(%arg3 : memref<1536xf32, #tpu.memory_space<hbm>>) dst(%arg6 : memref<1536xf32, #tpu.memory_space<vmem>>)
      tpu.yield
    }) : () -> ()
    %add3A_4 = arith.constant 0 : i32
    %add3A_5 = arith.addi %mul3A_3, %add3A_4 : i32
    %get3A = arith.index_cast %add3A_5 : i32 to index
    %get3A_6 = tpu.vector_load %arg5[%get3A] {strides = array<i32>} : memref<1536xf32, #tpu.memory_space<vmem>>, vector<16xf32>,
    %get3A_7 = vector.shape_cast %get3A_6 : vector<16xf32> to vector<16xf32>
    %add3A_8 = arith.constant 0 : i32
    %add3A_9 = arith.addi %mul3A_3, %add3A_8 : i32
    %get3A_10 = arith.index_cast %add3A_9 : i32 to index
    %get3A_11 = tpu.vector_load %arg6[%get3A_10] {strides = array<i32>} : memref<1536xf32, #tpu.memory_space<vmem>>, vector<16xf32>,
    %get3A_12 = vector.shape_cast %get3A_11 : vector<16xf32> to vector<16xf32>
    %mul3A_13 = arith.constant 1.22070313E-4 : f32
    %mul3A_14 = vector.broadcast %mul3A_13 : f32 to vector<16xf32>
    %mul3A_15 = arith.mulf %get3A_12, %mul3A_14 : vector<16xf32>
    %sub3A = arith.subf %get3A_7, %mul3A_15 : vector<16xf32>
    %swap3A = arith.constant 0 : index
    %swap3A_16 = tpu.vector_load %arg7[%swap3A] {strides = array<i32>} : memref<512xf32, #tpu.memory_space<vmem>>, vector<16xf32>,
    %swap3A_17 = vector.shape_cast %swap3A_16 : vector<16xf32> to vector<16xf32>
    %swap3A_18 = vector.shape_cast %sub3A : vector<16xf32> to vector<16xf32>
    tpu.vector_store %arg7[%swap3A], %swap3A_18 {strides = array<i32>} : memref<512xf32, #tpu.memory_space<vmem>>, vector<16xf32>,
    %add3A_19 = arith.constant 16 : i32
    %add3A_20 = arith.addi %mul3A_3, %add3A_19 : i32
    %get3A_21 = arith.index_cast %add3A_20 : i32 to index
    %get3A_22 = tpu.vector_load %arg5[%get3A_21] {strides = array<i32>} : memref<1536xf32, #tpu.memory_space<vmem>>, vector<16xf32>,
    %get3A_23 = vector.shape_cast %get3A_22 : vector<16xf32> to vector<16xf32>
    %add3A_24 = arith.constant 16 : i32
    %add3A_25 = arith.addi %mul3A_3, %add3A_24 : i32
    %get3A_26 = arith.index_cast %add3A_25 : i32 to index
    %get3A_27 = tpu.vector_load %arg6[%get3A_26] {strides = array<i32>} : memref<1536xf32, #tpu.memory_space<vmem>>, vector<16xf32>,
    %get3A_28 = vector.shape_cast %get3A_27 : vector<16xf32> to vector<16xf32>
    %mul3A_29 = arith.constant 1.22070313E-4 : f32
    %mul3A_30 = vector.broadcast %mul3A_29 : f32 to vector<16xf32>
    %mul3A_31 = arith.mulf %get3A_28, %mul3A_30 : vector<16xf32>
    %sub3A_32 = arith.subf %get3A_23, %mul3A_31 : vector<16xf32>
    %swap3A_33 = arith.constant 16 : index
    %swap3A_34 = tpu.vector_load %arg7[%swap3A_33] {strides = array<i32>} : memref<512xf32, #tpu.memory_space<vmem>>, vector<16xf32>,
    %swap3A_35 = vector.shape_cast %swap3A_34 : vector<16xf32> to vector<16xf32>
    %swap3A_36 = vector.shape_cast %sub3A_32 : vector<16xf32> to vector<16xf32>
    tpu.vector_store %arg7[%swap3A_33], %swap3A_36 {strides = array<i32>} : memref<512xf32, #tpu.memory_space<vmem>>, vector<16xf32>,
    %add3A_37 = arith.constant 32 : i32
    %add3A_38 = arith.addi %mul3A_3, %add3A_37 : i32
    %get3A_39 = arith.index_cast %add3A_38 : i32 to index
    %get3A_40 = tpu.vector_load %arg5[%get3A_39] {strides = array<i32>} : memref<1536xf32, #tpu.memory_space<vmem>>, vector<16xf32>,
    %get3A_41 = vector.shape_cast %get3A_40 : vector<16xf32> to vector<16xf32>
    %add3A_42 = arith.constant 32 : i32
    %add3A_43 = arith.addi %mul3A_3, %add3A_42 : i32
    %get3A_44 = arith.index_cast %add3A_43 : i32 to index
    %get3A_45 = tpu.vector_load %arg6[%get3A_44] {strides = array<i32>} : memref<1536xf32, #tpu.memory_space<vmem>>, vector<16xf32>,
    %get3A_46 = vector.shape_cast %get3A_45 : vector<16xf32> to vector<16xf32>
    %mul3A_47 = arith.constant 1.22070313E-4 : f32
    %mul3A_48 = vector.broadcast %mul3A_47 : f32 to vector<16xf32>
    %mul3A_49 = arith.mulf %get3A_46, %mul3A_48 : vector<16xf32>
    %sub3A_50 = arith.subf %get3A_41, %mul3A_49 : vector<16xf32>
    %swap3A_51 = arith.constant 32 : index
    %swap3A_52 = tpu.vector_load %arg7[%swap3A_51] {strides = array<i32>} : memref<512xf32, #tpu.memory_space<vmem>>, vector<16xf32>,
    %swap3A_53 = vector.shape_cast %swap3A_52 : vector<16xf32> to vector<16xf32>
    %swap3A_54 = vector.shape_cast %sub3A_50 : vector<16xf32> to vector<16xf32>
    tpu.vector_store %arg7[%swap3A_51], %swap3A_54 {strides = array<i32>} : memref<512xf32, #tpu.memory_space<vmem>>, vector<16xf32>,
    %add3A_55 = arith.constant 48 : i32
    %add3A_56 = arith.addi %mul3A_3, %add3A_55 : i32
    %get3A_57 = arith.index_cast %add3A_56 : i32 to index
    %get3A_58 = tpu.vector_load %arg5[%get3A_57] {strides = array<i32>} : memref<1536xf32, #tpu.memory_space<vmem>>, vector<16xf32>,
    %get3A_59 = vector.shape_cast %get3A_58 : vector<16xf32> to vector<16xf32>
    %add3A_60 = arith.constant 48 : i32
    %add3A_61 = arith.addi %mul3A_3, %add3A_60 : i32
    %get3A_62 = arith.index_cast %add3A_61 : i32 to index
    %get3A_63 = tpu.vector_load %arg6[%get3A_62] {strides = array<i32>} : memref<1536xf32, #tpu.memory_space<vmem>>, vector<16xf32>,
    %get3A_64 = vector.shape_cast %get3A_63 : vector<16xf32> to vector<16xf32>
    %mul3A_65 = arith.constant 1.22070313E-4 : f32
    %mul3A_66 = vector.broadcast %mul3A_65 : f32 to vector<16xf32>
    %mul3A_67 = arith.mulf %get3A_64, %mul3A_66 : vector<16xf32>
    %sub3A_68 = arith.subf %get3A_59, %mul3A_67 : vector<16xf32>
    %swap3A_69 = arith.constant 48 : index
    %swap3A_70 = tpu.vector_load %arg7[%swap3A_69] {strides = array<i32>} : memref<512xf32, #tpu.memory_space<vmem>>, vector<16xf32>,
    %swap3A_71 = vector.shape_cast %swap3A_70 : vector<16xf32> to vector<16xf32>
    %swap3A_72 = vector.shape_cast %sub3A_68 : vector<16xf32> to vector<16xf32>
    tpu.vector_store %arg7[%swap3A_69], %swap3A_72 {strides = array<i32>} : memref<512xf32, #tpu.memory_space<vmem>>, vector<16xf32>,
    %add3A_73 = arith.constant 64 : i32
    %add3A_74 = arith.addi %mul3A_3, %add3A_73 : i32
    %get3A_75 = arith.index_cast %add3A_74 : i32 to index
    %get3A_76 = tpu.vector_load %arg5[%get3A_75] {strides = array<i32>} : memref<1536xf32, #tpu.memory_space<vmem>>, vector<16xf32>,
    %get3A_77 = vector.shape_cast %get3A_76 : vector<16xf32> to vector<16xf32>
    %add3A_78 = arith.constant 64 : i32
    %add3A_79 = arith.addi %mul3A_3, %add3A_78 : i32
    %get3A_80 = arith.index_cast %add3A_79 : i32 to index
    %get3A_81 = tpu.vector_load %arg6[%get3A_80] {strides = array<i32>} : memref<1536xf32, #tpu.memory_space<vmem>>, vector<16xf32>,
    %get3A_82 = vector.shape_cast %get3A_81 : vector<16xf32> to vector<16xf32>
    %mul3A_83 = arith.constant 1.22070313E-4 : f32
    %mul3A_84 = vector.broadcast %mul3A_83 : f32 to vector<16xf32>
    %mul3A_85 = arith.mulf %get3A_82, %mul3A_84 : vector<16xf32>
    %sub3A_86 = arith.subf %get3A_77, %mul3A_85 : vector<16xf32>
    %swap3A_87 = arith.constant 64 : index
    %swap3A_88 = tpu.vector_load %arg7[%swap3A_87] {strides = array<i32>} : memref<512xf32, #tpu.memory_space<vmem>>, vector<16xf32>,
    %swap3A_89 = vector.shape_cast %swap3A_88 : vector<16xf32> to vector<16xf32>
    %swap3A_90 = vector.shape_cast %sub3A_86 : vector<16xf32> to vector<16xf32>
    tpu.vector_store %arg7[%swap3A_87], %swap3A_90 {strides = array<i32>} : memref<512xf32, #tpu.memory_space<vmem>>, vector<16xf32>,
    %add3A_91 = arith.constant 80 : i32
    %add3A_92 = arith.addi %mul3A_3, %add3A_91 : i32
    %get3A_93 = arith.index_cast %add3A_92 : i32 to index
    %get3A_94 = tpu.vector_load %arg5[%get3A_93] {strides = array<i32>} : memref<1536xf32, #tpu.memory_space<vmem>>, vector<16xf32>,
    %get3A_95 = vector.shape_cast %get3A_94 : vector<16xf32> to vector<16xf32>
    %add3A_96 = arith.constant 80 : i32
    %add3A_97 = arith.addi %mul3A_3, %add3A_96 : i32
    %get3A_98 = arith.index_cast %add3A_97 : i32 to index
    %get3A_99 = tpu.vector_load %arg6[%get3A_98] {strides = array<i32>} : memref<1536xf32, #tpu.memory_space<vmem>>, vector<16xf32>,
    %get3A_100 = vector.shape_cast %get3A_99 : vector<16xf32> to vector<16xf32>
    %mul3A_101 = arith.constant 1.22070313E-4 : f32
    %mul3A_102 = vector.broadcast %mul3A_101 : f32 to vector<16xf32>
    %mul3A_103 = arith.mulf %get3A_100, %mul3A_102 : vector<16xf32>
    %sub3A_104 = arith.subf %get3A_95, %mul3A_103 : vector<16xf32>
    %swap3A_105 = arith.constant 80 : index
    %swap3A_106 = tpu.vector_load %arg7[%swap3A_105] {strides = array<i32>} : memref<512xf32, #tpu.memory_space<vmem>>, vector<16xf32>,
    %swap3A_107 = vector.shape_cast %swap3A_106 : vector<16xf32> to vector<16xf32>
    %swap3A_108 = vector.shape_cast %sub3A_104 : vector<16xf32> to vector<16xf32>
    tpu.vector_store %arg7[%swap3A_105], %swap3A_108 {strides = array<i32>} : memref<512xf32, #tpu.memory_space<vmem>>, vector<16xf32>,
    %add3A_109 = arith.constant 96 : i32
    %add3A_110 = arith.addi %mul3A_3, %add3A_109 : i32
    %get3A_111 = arith.index_cast %add3A_110 : i32 to index
    %get3A_112 = tpu.vector_load %arg5[%get3A_111] {strides = array<i32>} : memref<1536xf32, #tpu.memory_space<vmem>>, vector<16xf32>,
    %get3A_113 = vector.shape_cast %get3A_112 : vector<16xf32> to vector<16xf32>
    %add3A_114 = arith.constant 96 : i32
    %add3A_115 = arith.addi %mul3A_3, %add3A_114 : i32
    %get3A_116 = arith.index_cast %add3A_115 : i32 to index
    %get3A_117 = tpu.vector_load %arg6[%get3A_116] {strides = array<i32>} : memref<1536xf32, #tpu.memory_space<vmem>>, vector<16xf32>,
    %get3A_118 = vector.shape_cast %get3A_117 : vector<16xf32> to vector<16xf32>
    %mul3A_119 = arith.constant 1.22070313E-4 : f32
    %mul3A_120 = vector.broadcast %mul3A_119 : f32 to vector<16xf32>
    %mul3A_121 = arith.mulf %get3A_118, %mul3A_120 : vector<16xf32>
    %sub3A_122 = arith.subf %get3A_113, %mul3A_121 : vector<16xf32>
    %swap3A_123 = arith.constant 96 : index
    %swap3A_124 = tpu.vector_load %arg7[%swap3A_123] {strides = array<i32>} : memref<512xf32, #tpu.memory_space<vmem>>, vector<16xf32>,
    %swap3A_125 = vector.shape_cast %swap3A_124 : vector<16xf32> to vector<16xf32>
    %swap3A_126 = vector.shape_cast %sub3A_122 : vector<16xf32> to vector<16xf32>
    tpu.vector_store %arg7[%swap3A_123], %swap3A_126 {strides = array<i32>} : memref<512xf32, #tpu.memory_space<vmem>>, vector<16xf32>,
    %add3A_127 = arith.constant 112 : i32
    %add3A_128 = arith.addi %mul3A_3, %add3A_127 : i32
    %get3A_129 = arith.index_cast %add3A_128 : i32 to index
    %get3A_130 = tpu.vector_load %arg5[%get3A_129] {strides = array<i32>} : memref<1536xf32, #tpu.memory_space<vmem>>, vector<16xf32>,
    %get3A_131 = vector.shape_cast %get3A_130 : vector<16xf32> to vector<16xf32>
    %add3A_132 = arith.constant 112 : i32
    %add3A_133 = arith.addi %mul3A_3, %add3A_132 : i32
    %get3A_134 = arith.index_cast %add3A_133 : i32 to index
    %get3A_135 = tpu.vector_load %arg6[%get3A_134] {strides = array<i32>} : memref<1536xf32, #tpu.memory_space<vmem>>, vector<16xf32>,
    %get3A_136 = vector.shape_cast %get3A_135 : vector<16xf32> to vector<16xf32>
    %mul3A_137 = arith.constant 1.22070313E-4 : f32
    %mul3A_138 = vector.broadcast %mul3A_137 : f32 to vector<16xf32>
    %mul3A_139 = arith.mulf %get3A_136, %mul3A_138 : vector<16xf32>
    %sub3A_140 = arith.subf %get3A_131, %mul3A_139 : vector<16xf32>
    %swap3A_141 = arith.constant 112 : index
    %swap3A_142 = tpu.vector_load %arg7[%swap3A_141] {strides = array<i32>} : memref<512xf32, #tpu.memory_space<vmem>>, vector<16xf32>,
    %swap3A_143 = vector.shape_cast %swap3A_142 : vector<16xf32> to vector<16xf32>
    %swap3A_144 = vector.shape_cast %sub3A_140 : vector<16xf32> to vector<16xf32>
    tpu.vector_store %arg7[%swap3A_141], %swap3A_144 {strides = array<i32>} : memref<512xf32, #tpu.memory_space<vmem>>, vector<16xf32>,
    %add3A_145 = arith.constant 128 : i32
    %add3A_146 = arith.addi %mul3A_3, %add3A_145 : i32
    %get3A_147 = arith.index_cast %add3A_146 : i32 to index
    %get3A_148 = tpu.vector_load %arg5[%get3A_147] {strides = array<i32>} : memref<1536xf32, #tpu.memory_space<vmem>>, vector<16xf32>,
    %get3A_149 = vector.shape_cast %get3A_148 : vector<16xf32> to vector<16xf32>
    %add3A_150 = arith.constant 128 : i32
    %add3A_151 = arith.addi %mul3A_3, %add3A_150 : i32
    %get3A_152 = arith.index_cast %add3A_151 : i32 to index
    %get3A_153 = tpu.vector_load %arg6[%get3A_152] {strides = array<i32>} : memref<1536xf32, #tpu.memory_space<vmem>>, vector<16xf32>,
    %get3A_154 = vector.shape_cast %get3A_153 : vector<16xf32> to vector<16xf32>
    %mul3A_155 = arith.constant 1.22070313E-4 : f32
    %mul3A_156 = vector.broadcast %mul3A_155 : f32 to vector<16xf32>
    %mul3A_157 = arith.mulf %get3A_154, %mul3A_156 : vector<16xf32>
    %sub3A_158 = arith.subf %get3A_149, %mul3A_157 : vector<16xf32>
    %swap3A_159 = arith.constant 128 : index
    %swap3A_160 = tpu.vector_load %arg7[%swap3A_159] {strides = array<i32>} : memref<512xf32, #tpu.memory_space<vmem>>, vector<16xf32>,
    %swap3A_161 = vector.shape_cast %swap3A_160 : vector<16xf32> to vector<16xf32>
    %swap3A_162 = vector.shape_cast %sub3A_158 : vector<16xf32> to vector<16xf32>
    tpu.vector_store %arg7[%swap3A_159], %swap3A_162 {strides = array<i32>} : memref<512xf32, #tpu.memory_space<vmem>>, vector<16xf32>,
    %add3A_163 = arith.constant 144 : i32
    %add3A_164 = arith.addi %mul3A_3, %add3A_163 : i32
    %get3A_165 = arith.index_cast %add3A_164 : i32 to index
    %get3A_166 = tpu.vector_load %arg5[%get3A_165] {strides = array<i32>} : memref<1536xf32, #tpu.memory_space<vmem>>, vector<16xf32>,
    %get3A_167 = vector.shape_cast %get3A_166 : vector<16xf32> to vector<16xf32>
    %add3A_168 = arith.constant 144 : i32
    %add3A_169 = arith.addi %mul3A_3, %add3A_168 : i32
    %get3A_170 = arith.index_cast %add3A_169 : i32 to index
    %get3A_171 = tpu.vector_load %arg6[%get3A_170] {strides = array<i32>} : memref<1536xf32, #tpu.memory_space<vmem>>, vector<16xf32>,
    %get3A_172 = vector.shape_cast %get3A_171 : vector<16xf32> to vector<16xf32>
    %mul3A_173 = arith.constant 1.22070313E-4 : f32
    %mul3A_174 = vector.broadcast %mul3A_173 : f32 to vector<16xf32>
    %mul3A_175 = arith.mulf %get3A_172, %mul3A_174 : vector<16xf32>
    %sub3A_176 = arith.subf %get3A_167, %mul3A_175 : vector<16xf32>
    %swap3A_177 = arith.constant 144 : index
    %swap3A_178 = tpu.vector_load %arg7[%swap3A_177] {strides = array<i32>} : memref<512xf32, #tpu.memory_space<vmem>>, vector<16xf32>,
    %swap3A_179 = vector.shape_cast %swap3A_178 : vector<16xf32> to vector<16xf32>
    %swap3A_180 = vector.shape_cast %sub3A_176 : vector<16xf32> to vector<16xf32>
    tpu.vector_store %arg7[%swap3A_177], %swap3A_180 {strides = array<i32>} : memref<512xf32, #tpu.memory_space<vmem>>, vector<16xf32>,
    %add3A_181 = arith.constant 160 : i32
    %add3A_182 = arith.addi %mul3A_3, %add3A_181 : i32
    %get3A_183 = arith.index_cast %add3A_182 : i32 to index
    %get3A_184 = tpu.vector_load %arg5[%get3A_183] {strides = array<i32>} : memref<1536xf32, #tpu.memory_space<vmem>>, vector<16xf32>,
    %get3A_185 = vector.shape_cast %get3A_184 : vector<16xf32> to vector<16xf32>
    %add3A_186 = arith.constant 160 : i32
    %add3A_187 = arith.addi %mul3A_3, %add3A_186 : i32
    %get3A_188 = arith.index_cast %add3A_187 : i32 to index
    %get3A_189 = tpu.vector_load %arg6[%get3A_188] {strides = array<i32>} : memref<1536xf32, #tpu.memory_space<vmem>>, vector<16xf32>,
    %get3A_190 = vector.shape_cast %get3A_189 : vector<16xf32> to vector<16xf32>
    %mul3A_191 = arith.constant 1.22070313E-4 : f32
    %mul3A_192 = vector.broadcast %mul3A_191 : f32 to vector<16xf32>
    %mul3A_193 = arith.mulf %get3A_190, %mul3A_192 : vector<16xf32>
    %sub3A_194 = arith.subf %get3A_185, %mul3A_193 : vector<16xf32>
    %swap3A_195 = arith.constant 160 : index
    %swap3A_196 = tpu.vector_load %arg7[%swap3A_195] {strides = array<i32>} : memref<512xf32, #tpu.memory_space<vmem>>, vector<16xf32>,
    %swap3A_197 = vector.shape_cast %swap3A_196 : vector<16xf32> to vector<16xf32>
    %swap3A_198 = vector.shape_cast %sub3A_194 : vector<16xf32> to vector<16xf32>
    tpu.vector_store %arg7[%swap3A_195], %swap3A_198 {strides = array<i32>} : memref<512xf32, #tpu.memory_space<vmem>>, vector<16xf32>,
    %add3A_199 = arith.constant 176 : i32
    %add3A_200 = arith.addi %mul3A_3, %add3A_199 : i32
    %get3A_201 = arith.index_cast %add3A_200 : i32 to index
    %get3A_202 = tpu.vector_load %arg5[%get3A_201] {strides = array<i32>} : memref<1536xf32, #tpu.memory_space<vmem>>, vector<16xf32>,
    %get3A_203 = vector.shape_cast %get3A_202 : vector<16xf32> to vector<16xf32>
    %add3A_204 = arith.constant 176 : i32
    %add3A_205 = arith.addi %mul3A_3, %add3A_204 : i32
    %get3A_206 = arith.index_cast %add3A_205 : i32 to index
    %get3A_207 = tpu.vector_load %arg6[%get3A_206] {strides = array<i32>} : memref<1536xf32, #tpu.memory_space<vmem>>, vector<16xf32>,
    %get3A_208 = vector.shape_cast %get3A_207 : vector<16xf32> to vector<16xf32>
    %mul3A_209 = arith.constant 1.22070313E-4 : f32
    %mul3A_210 = vector.broadcast %mul3A_209 : f32 to vector<16xf32>
    %mul3A_211 = arith.mulf %get3A_208, %mul3A_210 : vector<16xf32>
    %sub3A_212 = arith.subf %get3A_203, %mul3A_211 : vector<16xf32>
    %swap3A_213 = arith.constant 176 : index
    %swap3A_214 = tpu.vector_load %arg7[%swap3A_213] {strides = array<i32>} : memref<512xf32, #tpu.memory_space<vmem>>, vector<16xf32>,
    %swap3A_215 = vector.shape_cast %swap3A_214 : vector<16xf32> to vector<16xf32>
    %swap3A_216 = vector.shape_cast %sub3A_212 : vector<16xf32> to vector<16xf32>
    tpu.vector_store %arg7[%swap3A_213], %swap3A_216 {strides = array<i32>} : memref<512xf32, #tpu.memory_space<vmem>>, vector<16xf32>,
    %add3A_217 = arith.constant 192 : i32
    %add3A_218 = arith.addi %mul3A_3, %add3A_217 : i32
    %get3A_219 = arith.index_cast %add3A_218 : i32 to index
    %get3A_220 = tpu.vector_load %arg5[%get3A_219] {strides = array<i32>} : memref<1536xf32, #tpu.memory_space<vmem>>, vector<16xf32>,
    %get3A_221 = vector.shape_cast %get3A_220 : vector<16xf32> to vector<16xf32>
    %add3A_222 = arith.constant 192 : i32
    %add3A_223 = arith.addi %mul3A_3, %add3A_222 : i32
    %get3A_224 = arith.index_cast %add3A_223 : i32 to index
    %get3A_225 = tpu.vector_load %arg6[%get3A_224] {strides = array<i32>} : memref<1536xf32, #tpu.memory_space<vmem>>, vector<16xf32>,
    %get3A_226 = vector.shape_cast %get3A_225 : vector<16xf32> to vector<16xf32>
    %mul3A_227 = arith.constant 1.22070313E-4 : f32
    %mul3A_228 = vector.broadcast %mul3A_227 : f32 to vector<16xf32>
    %mul3A_229 = arith.mulf %get3A_226, %mul3A_228 : vector<16xf32>
    %sub3A_230 = arith.subf %get3A_221, %mul3A_229 : vector<16xf32>
    %swap3A_231 = arith.constant 192 : index
    %swap3A_232 = tpu.vector_load %arg7[%swap3A_231] {strides = array<i32>} : memref<512xf32, #tpu.memory_space<vmem>>, vector<16xf32>,
    %swap3A_233 = vector.shape_cast %swap3A_232 : vector<16xf32> to vector<16xf32>
    %swap3A_234 = vector.shape_cast %sub3A_230 : vector<16xf32> to vector<16xf32>
    tpu.vector_store %arg7[%swap3A_231], %swap3A_234 {strides = array<i32>} : memref<512xf32, #tpu.memory_space<vmem>>, vector<16xf32>,
    %add3A_235 = arith.constant 208 : i32
    %add3A_236 = arith.addi %mul3A_3, %add3A_235 : i32
    %get3A_237 = arith.index_cast %add3A_236 : i32 to index
    %get3A_238 = tpu.vector_load %arg5[%get3A_237] {strides = array<i32>} : memref<1536xf32, #tpu.memory_space<vmem>>, vector<16xf32>,
    %get3A_239 = vector.shape_cast %get3A_238 : vector<16xf32> to vector<16xf32>
    %add3A_240 = arith.constant 208 : i32
    %add3A_241 = arith.addi %mul3A_3, %add3A_240 : i32
    %get3A_242 = arith.index_cast %add3A_241 : i32 to index
    %get3A_243 = tpu.vector_load %arg6[%get3A_242] {strides = array<i32>} : memref<1536xf32, #tpu.memory_space<vmem>>, vector<16xf32>,
    %get3A_244 = vector.shape_cast %get3A_243 : vector<16xf32> to vector<16xf32>
    %mul3A_245 = arith.constant 1.22070313E-4 : f32
    %mul3A_246 = vector.broadcast %mul3A_245 : f32 to vector<16xf32>
    %mul3A_247 = arith.mulf %get3A_244, %mul3A_246 : vector<16xf32>
    %sub3A_248 = arith.subf %get3A_239, %mul3A_247 : vector<16xf32>
    %swap3A_249 = arith.constant 208 : index
    %swap3A_250 = tpu.vector_load %arg7[%swap3A_249] {strides = array<i32>} : memref<512xf32, #tpu.memory_space<vmem>>, vector<16xf32>,
    %swap3A_251 = vector.shape_cast %swap3A_250 : vector<16xf32> to vector<16xf32>
    %swap3A_252 = vector.shape_cast %sub3A_248 : vector<16xf32> to vector<16xf32>
    tpu.vector_store %arg7[%swap3A_249], %swap3A_252 {strides = array<i32>} : memref<512xf32, #tpu.memory_space<vmem>>, vector<16xf32>,
    %add3A_253 = arith.constant 224 : i32
    %add3A_254 = arith.addi %mul3A_3, %add3A_253 : i32
    %get3A_255 = arith.index_cast %add3A_254 : i32 to index
    %get3A_256 = tpu.vector_load %arg5[%get3A_255] {strides = array<i32>} : memref<1536xf32, #tpu.memory_space<vmem>>, vector<16xf32>,
    %get3A_257 = vector.shape_cast %get3A_256 : vector<16xf32> to vector<16xf32>
    %add3A_258 = arith.constant 224 : i32
    %add3A_259 = arith.addi %mul3A_3, %add3A_258 : i32
    %get3A_260 = arith.index_cast %add3A_259 : i32 to index
    %get3A_261 = tpu.vector_load %arg6[%get3A_260] {strides = array<i32>} : memref<1536xf32, #tpu.memory_space<vmem>>, vector<16xf32>,
    %get3A_262 = vector.shape_cast %get3A_261 : vector<16xf32> to vector<16xf32>
    %mul3A_263 = arith.constant 1.22070313E-4 : f32
    %mul3A_264 = vector.broadcast %mul3A_263 : f32 to vector<16xf32>
    %mul3A_265 = arith.mulf %get3A_262, %mul3A_264 : vector<16xf32>
    %sub3A_266 = arith.subf %get3A_257, %mul3A_265 : vector<16xf32>
    %swap3A_267 = arith.constant 224 : index
    %swap3A_268 = tpu.vector_load %arg7[%swap3A_267] {strides = array<i32>} : memref<512xf32, #tpu.memory_space<vmem>>, vector<16xf32>,
    %swap3A_269 = vector.shape_cast %swap3A_268 : vector<16xf32> to vector<16xf32>
    %swap3A_270 = vector.shape_cast %sub3A_266 : vector<16xf32> to vector<16xf32>
    tpu.vector_store %arg7[%swap3A_267], %swap3A_270 {strides = array<i32>} : memref<512xf32, #tpu.memory_space<vmem>>, vector<16xf32>,
    %add3A_271 = arith.constant 240 : i32
    %add3A_272 = arith.addi %mul3A_3, %add3A_271 : i32
    %get3A_273 = arith.index_cast %add3A_272 : i32 to index
    %get3A_274 = tpu.vector_load %arg5[%get3A_273] {strides = array<i32>} : memref<1536xf32, #tpu.memory_space<vmem>>, vector<16xf32>,
    %get3A_275 = vector.shape_cast %get3A_274 : vector<16xf32> to vector<16xf32>
    %add3A_276 = arith.constant 240 : i32
    %add3A_277 = arith.addi %mul3A_3, %add3A_276 : i32
    %get3A_278 = arith.index_cast %add3A_277 : i32 to index
    %get3A_279 = tpu.vector_load %arg6[%get3A_278] {strides = array<i32>} : memref<1536xf32, #tpu.memory_space<vmem>>, vector<16xf32>,
    %get3A_280 = vector.shape_cast %get3A_279 : vector<16xf32> to vector<16xf32>
    %mul3A_281 = arith.constant 1.22070313E-4 : f32
    %mul3A_282 = vector.broadcast %mul3A_281 : f32 to vector<16xf32>
    %mul3A_283 = arith.mulf %get3A_280, %mul3A_282 : vector<16xf32>
    %sub3A_284 = arith.subf %get3A_275, %mul3A_283 : vector<16xf32>
    %swap3A_285 = arith.constant 240 : index
    %swap3A_286 = tpu.vector_load %arg7[%swap3A_285] {strides = array<i32>} : memref<512xf32, #tpu.memory_space<vmem>>, vector<16xf32>,
    %swap3A_287 = vector.shape_cast %swap3A_286 : vector<16xf32> to vector<16xf32>
    %swap3A_288 = vector.shape_cast %sub3A_284 : vector<16xf32> to vector<16xf32>
    tpu.vector_store %arg7[%swap3A_285], %swap3A_288 {strides = array<i32>} : memref<512xf32, #tpu.memory_space<vmem>>, vector<16xf32>,
    %add3A_289 = arith.constant 256 : i32
    %add3A_290 = arith.addi %mul3A_3, %add3A_289 : i32
    %get3A_291 = arith.index_cast %add3A_290 : i32 to index
    %get3A_292 = tpu.vector_load %arg5[%get3A_291] {strides = array<i32>} : memref<1536xf32, #tpu.memory_space<vmem>>, vector<16xf32>,
    %get3A_293 = vector.shape_cast %get3A_292 : vector<16xf32> to vector<16xf32>
    %add3A_294 = arith.constant 256 : i32
    %add3A_295 = arith.addi %mul3A_3, %add3A_294 : i32
    %get3A_296 = arith.index_cast %add3A_295 : i32 to index
    %get3A_297 = tpu.vector_load %arg6[%get3A_296] {strides = array<i32>} : memref<1536xf32, #tpu.memory_space<vmem>>, vector<16xf32>,
    %get3A_298 = vector.shape_cast %get3A_297 : vector<16xf32> to vector<16xf32>
    %mul3A_299 = arith.constant 1.22070313E-4 : f32
    %mul3A_300 = vector.broadcast %mul3A_299 : f32 to vector<16xf32>
    %mul3A_301 = arith.mulf %get3A_298, %mul3A_300 : vector<16xf32>
    %sub3A_302 = arith.subf %get3A_293, %mul3A_301 : vector<16xf32>
    %swap3A_303 = arith.constant 256 : index
    %swap3A_304 = tpu.vector_load %arg7[%swap3A_303] {strides = array<i32>} : memref<512xf32, #tpu.memory_space<vmem>>, vector<16xf32>,
    %swap3A_305 = vector.shape_cast %swap3A_304 : vector<16xf32> to vector<16xf32>
    %swap3A_306 = vector.shape_cast %sub3A_302 : vector<16xf32> to vector<16xf32>
    tpu.vector_store %arg7[%swap3A_303], %swap3A_306 {strides = array<i32>} : memref<512xf32, #tpu.memory_space<vmem>>, vector<16xf32>,
    %add3A_307 = arith.constant 272 : i32
    %add3A_308 = arith.addi %mul3A_3, %add3A_307 : i32
    %get3A_309 = arith.index_cast %add3A_308 : i32 to index
    %get3A_310 = tpu.vector_load %arg5[%get3A_309] {strides = array<i32>} : memref<1536xf32, #tpu.memory_space<vmem>>, vector<16xf32>,
    %get3A_311 = vector.shape_cast %get3A_310 : vector<16xf32> to vector<16xf32>
    %add3A_312 = arith.constant 272 : i32
    %add3A_313 = arith.addi %mul3A_3, %add3A_312 : i32
    %get3A_314 = arith.index_cast %add3A_313 : i32 to index
    %get3A_315 = tpu.vector_load %arg6[%get3A_314] {strides = array<i32>} : memref<1536xf32, #tpu.memory_space<vmem>>, vector<16xf32>,
    %get3A_316 = vector.shape_cast %get3A_315 : vector<16xf32> to vector<16xf32>
    %mul3A_317 = arith.constant 1.22070313E-4 : f32
    %mul3A_318 = vector.broadcast %mul3A_317 : f32 to vector<16xf32>
    %mul3A_319 = arith.mulf %get3A_316, %mul3A_318 : vector<16xf32>
    %sub3A_320 = arith.subf %get3A_311, %mul3A_319 : vector<16xf32>
    %swap3A_321 = arith.constant 272 : index
    %swap3A_322 = tpu.vector_load %arg7[%swap3A_321] {strides = array<i32>} : memref<512xf32, #tpu.memory_space<vmem>>, vector<16xf32>,
    %swap3A_323 = vector.shape_cast %swap3A_322 : vector<16xf32> to vector<16xf32>
    %swap3A_324 = vector.shape_cast %sub3A_320 : vector<16xf32> to vector<16xf32>
    tpu.vector_store %arg7[%swap3A_321], %swap3A_324 {strides = array<i32>} : memref<512xf32, #tpu.memory_space<vmem>>, vector<16xf32>,
    %add3A_325 = arith.constant 288 : i32
    %add3A_326 = arith.addi %mul3A_3, %add3A_325 : i32
    %get3A_327 = arith.index_cast %add3A_326 : i32 to index
    %get3A_328 = tpu.vector_load %arg5[%get3A_327] {strides = array<i32>} : memref<1536xf32, #tpu.memory_space<vmem>>, vector<16xf32>,
    %get3A_329 = vector.shape_cast %get3A_328 : vector<16xf32> to vector<16xf32>
    %add3A_330 = arith.constant 288 : i32
    %add3A_331 = arith.addi %mul3A_3, %add3A_330 : i32
    %get3A_332 = arith.index_cast %add3A_331 : i32 to index
    %get3A_333 = tpu.vector_load %arg6[%get3A_332] {strides = array<i32>} : memref<1536xf32, #tpu.memory_space<vmem>>, vector<16xf32>,
    %get3A_334 = vector.shape_cast %get3A_333 : vector<16xf32> to vector<16xf32>
    %mul3A_335 = arith.constant 1.22070313E-4 : f32
    %mul3A_336 = vector.broadcast %mul3A_335 : f32 to vector<16xf32>
    %mul3A_337 = arith.mulf %get3A_334, %mul3A_336 : vector<16xf32>
    %sub3A_338 = arith.subf %get3A_329, %mul3A_337 : vector<16xf32>
    %swap3A_339 = arith.constant 288 : index
    %swap3A_340 = tpu.vector_load %arg7[%swap3A_339] {strides = array<i32>} : memref<512xf32, #tpu.memory_space<vmem>>, vector<16xf32>,
    %swap3A_341 = vector.shape_cast %swap3A_340 : vector<16xf32> to vector<16xf32>
    %swap3A_342 = vector.shape_cast %sub3A_338 : vector<16xf32> to vector<16xf32>
    tpu.vector_store %arg7[%swap3A_339], %swap3A_342 {strides = array<i32>} : memref<512xf32, #tpu.memory_space<vmem>>, vector<16xf32>,
    %add3A_343 = arith.constant 304 : i32
    %add3A_344 = arith.addi %mul3A_3, %add3A_343 : i32
    %get3A_345 = arith.index_cast %add3A_344 : i32 to index
    %get3A_346 = tpu.vector_load %arg5[%get3A_345] {strides = array<i32>} : memref<1536xf32, #tpu.memory_space<vmem>>, vector<16xf32>,
    %get3A_347 = vector.shape_cast %get3A_346 : vector<16xf32> to vector<16xf32>
    %add3A_348 = arith.constant 304 : i32
    %add3A_349 = arith.addi %mul3A_3, %add3A_348 : i32
    %get3A_350 = arith.index_cast %add3A_349 : i32 to index
    %get3A_351 = tpu.vector_load %arg6[%get3A_350] {strides = array<i32>} : memref<1536xf32, #tpu.memory_space<vmem>>, vector<16xf32>,
    %get3A_352 = vector.shape_cast %get3A_351 : vector<16xf32> to vector<16xf32>
    %mul3A_353 = arith.constant 1.22070313E-4 : f32
    %mul3A_354 = vector.broadcast %mul3A_353 : f32 to vector<16xf32>
    %mul3A_355 = arith.mulf %get3A_352, %mul3A_354 : vector<16xf32>
    %sub3A_356 = arith.subf %get3A_347, %mul3A_355 : vector<16xf32>
    %swap3A_357 = arith.constant 304 : index
    %swap3A_358 = tpu.vector_load %arg7[%swap3A_357] {strides = array<i32>} : memref<512xf32, #tpu.memory_space<vmem>>, vector<16xf32>,
    %swap3A_359 = vector.shape_cast %swap3A_358 : vector<16xf32> to vector<16xf32>
    %swap3A_360 = vector.shape_cast %sub3A_356 : vector<16xf32> to vector<16xf32>
    tpu.vector_store %arg7[%swap3A_357], %swap3A_360 {strides = array<i32>} : memref<512xf32, #tpu.memory_space<vmem>>, vector<16xf32>,
    %add3A_361 = arith.constant 320 : i32
    %add3A_362 = arith.addi %mul3A_3, %add3A_361 : i32
    %get3A_363 = arith.index_cast %add3A_362 : i32 to index
    %get3A_364 = tpu.vector_load %arg5[%get3A_363] {strides = array<i32>} : memref<1536xf32, #tpu.memory_space<vmem>>, vector<16xf32>,
    %get3A_365 = vector.shape_cast %get3A_364 : vector<16xf32> to vector<16xf32>
    %add3A_366 = arith.constant 320 : i32
    %add3A_367 = arith.addi %mul3A_3, %add3A_366 : i32
    %get3A_368 = arith.index_cast %add3A_367 : i32 to index
    %get3A_369 = tpu.vector_load %arg6[%get3A_368] {strides = array<i32>} : memref<1536xf32, #tpu.memory_space<vmem>>, vector<16xf32>,
    %get3A_370 = vector.shape_cast %get3A_369 : vector<16xf32> to vector<16xf32>
    %mul3A_371 = arith.constant 1.22070313E-4 : f32
    %mul3A_372 = vector.broadcast %mul3A_371 : f32 to vector<16xf32>
    %mul3A_373 = arith.mulf %get3A_370, %mul3A_372 : vector<16xf32>
    %sub3A_374 = arith.subf %get3A_365, %mul3A_373 : vector<16xf32>
    %swap3A_375 = arith.constant 320 : index
    %swap3A_376 = tpu.vector_load %arg7[%swap3A_375] {strides = array<i32>} : memref<512xf32, #tpu.memory_space<vmem>>, vector<16xf32>,
    %swap3A_377 = vector.shape_cast %swap3A_376 : vector<16xf32> to vector<16xf32>
    %swap3A_378 = vector.shape_cast %sub3A_374 : vector<16xf32> to vector<16xf32>
    tpu.vector_store %arg7[%swap3A_375], %swap3A_378 {strides = array<i32>} : memref<512xf32, #tpu.memory_space<vmem>>, vector<16xf32>,
    %add3A_379 = arith.constant 336 : i32
    %add3A_380 = arith.addi %mul3A_3, %add3A_379 : i32
    %get3A_381 = arith.index_cast %add3A_380 : i32 to index
    %get3A_382 = tpu.vector_load %arg5[%get3A_381] {strides = array<i32>} : memref<1536xf32, #tpu.memory_space<vmem>>, vector<16xf32>,
    %get3A_383 = vector.shape_cast %get3A_382 : vector<16xf32> to vector<16xf32>
    %add3A_384 = arith.constant 336 : i32
    %add3A_385 = arith.addi %mul3A_3, %add3A_384 : i32
    %get3A_386 = arith.index_cast %add3A_385 : i32 to index
    %get3A_387 = tpu.vector_load %arg6[%get3A_386] {strides = array<i32>} : memref<1536xf32, #tpu.memory_space<vmem>>, vector<16xf32>,
    %get3A_388 = vector.shape_cast %get3A_387 : vector<16xf32> to vector<16xf32>
    %mul3A_389 = arith.constant 1.22070313E-4 : f32
    %mul3A_390 = vector.broadcast %mul3A_389 : f32 to vector<16xf32>
    %mul3A_391 = arith.mulf %get3A_388, %mul3A_390 : vector<16xf32>
    %sub3A_392 = arith.subf %get3A_383, %mul3A_391 : vector<16xf32>
    %swap3A_393 = arith.constant 336 : index
    %swap3A_394 = tpu.vector_load %arg7[%swap3A_393] {strides = array<i32>} : memref<512xf32, #tpu.memory_space<vmem>>, vector<16xf32>,
    %swap3A_395 = vector.shape_cast %swap3A_394 : vector<16xf32> to vector<16xf32>
    %swap3A_396 = vector.shape_cast %sub3A_392 : vector<16xf32> to vector<16xf32>
    tpu.vector_store %arg7[%swap3A_393], %swap3A_396 {strides = array<i32>} : memref<512xf32, #tpu.memory_space<vmem>>, vector<16xf32>,
    %broadcast_in_dim3A = arith.constant 0.000000e+00 : f32
    %broadcast_in_dim3A_397 = vector.broadcast %broadcast_in_dim3A : f32 to vector<16xf32>
    %broadcast_in_dim3A_398 = arith.constant 1.000000e+00 : f32
    %broadcast_in_dim3A_399 = vector.broadcast %broadcast_in_dim3A_398 : f32 to vector<16xf32>
    %get3A_400 = arith.constant 0 : index
    %get3A_401 = tpu.vector_load %arg7[%get3A_400] {strides = array<i32>} : memref<512xf32, #tpu.memory_space<vmem>>, vector<16xf32>,
    %get3A_402 = vector.shape_cast %get3A_401 : vector<16xf32> to vector<16xf32>
    %get3A_403 = arith.constant 16 : index
    %get3A_404 = tpu.vector_load %arg7[%get3A_403] {strides = array<i32>} : memref<512xf32, #tpu.memory_space<vmem>>, vector<16xf32>,
    %get3A_405 = vector.shape_cast %get3A_404 : vector<16xf32> to vector<16xf32>
    %gt3A = arith.cmpf ogt, %get3A_405, %get3A_402 : vector<16xf32>
    %select_n3A = arith.select %gt3A, %broadcast_in_dim3A_399, %broadcast_in_dim3A_397 : vector<16xi1>, vector<16xf32>
    %add3A_406 = arith.addf %broadcast_in_dim3A_397, %select_n3A : vector<16xf32>
    %get3A_407 = arith.constant 32 : index
    %get3A_408 = tpu.vector_load %arg7[%get3A_407] {strides = array<i32>} : memref<512xf32, #tpu.memory_space<vmem>>, vector<16xf32>,
    %get3A_409 = vector.shape_cast %get3A_408 : vector<16xf32> to vector<16xf32>
    %gt3A_410 = arith.cmpf ogt, %get3A_409, %get3A_402 : vector<16xf32>
    %select_n3A_411 = arith.select %gt3A_410, %broadcast_in_dim3A_399, %broadcast_in_dim3A_397 : vector<16xi1>, vector<16xf32>
    %add3A_412 = arith.addf %add3A_406, %select_n3A_411 : vector<16xf32>
    %get3A_413 = arith.constant 48 : index
    %get3A_414 = tpu.vector_load %arg7[%get3A_413] {strides = array<i32>} : memref<512xf32, #tpu.memory_space<vmem>>, vector<16xf32>,
    %get3A_415 = vector.shape_cast %get3A_414 : vector<16xf32> to vector<16xf32>
    %gt3A_416 = arith.cmpf ogt, %get3A_415, %get3A_402 : vector<16xf32>
    %select_n3A_417 = arith.select %gt3A_416, %broadcast_in_dim3A_399, %broadcast_in_dim3A_397 : vector<16xi1>, vector<16xf32>
    %add3A_418 = arith.addf %add3A_412, %select_n3A_417 : vector<16xf32>
    %get3A_419 = arith.constant 64 : index
    %get3A_420 = tpu.vector_load %arg7[%get3A_419] {strides = array<i32>} : memref<512xf32, #tpu.memory_space<vmem>>, vector<16xf32>,
    %get3A_421 = vector.shape_cast %get3A_420 : vector<16xf32> to vector<16xf32>
    %gt3A_422 = arith.cmpf ogt, %get3A_421, %get3A_402 : vector<16xf32>
    %select_n3A_423 = arith.select %gt3A_422, %broadcast_in_dim3A_399, %broadcast_in_dim3A_397 : vector<16xi1>, vector<16xf32>
    %add3A_424 = arith.addf %add3A_418, %select_n3A_423 : vector<16xf32>
    %get3A_425 = arith.constant 80 : index
    %get3A_426 = tpu.vector_load %arg7[%get3A_425] {strides = array<i32>} : memref<512xf32, #tpu.memory_space<vmem>>, vector<16xf32>,
    %get3A_427 = vector.shape_cast %get3A_426 : vector<16xf32> to vector<16xf32>
    %gt3A_428 = arith.cmpf ogt, %get3A_427, %get3A_402 : vector<16xf32>
    %select_n3A_429 = arith.select %gt3A_428, %broadcast_in_dim3A_399, %broadcast_in_dim3A_397 : vector<16xi1>, vector<16xf32>
    %add3A_430 = arith.addf %add3A_424, %select_n3A_429 : vector<16xf32>
    %get3A_431 = arith.constant 96 : index
    %get3A_432 = tpu.vector_load %arg7[%get3A_431] {strides = array<i32>} : memref<512xf32, #tpu.memory_space<vmem>>, vector<16xf32>,
    %get3A_433 = vector.shape_cast %get3A_432 : vector<16xf32> to vector<16xf32>
    %gt3A_434 = arith.cmpf ogt, %get3A_433, %get3A_402 : vector<16xf32>
    %select_n3A_435 = arith.select %gt3A_434, %broadcast_in_dim3A_399, %broadcast_in_dim3A_397 : vector<16xi1>, vector<16xf32>
    %add3A_436 = arith.addf %add3A_430, %select_n3A_435 : vector<16xf32>
    %get3A_437 = arith.constant 112 : index
    %get3A_438 = tpu.vector_load %arg7[%get3A_437] {strides = array<i32>} : memref<512xf32, #tpu.memory_space<vmem>>, vector<16xf32>,
    %get3A_439 = vector.shape_cast %get3A_438 : vector<16xf32> to vector<16xf32>
    %gt3A_440 = arith.cmpf ogt, %get3A_439, %get3A_402 : vector<16xf32>
    %select_n3A_441 = arith.select %gt3A_440, %broadcast_in_dim3A_399, %broadcast_in_dim3A_397 : vector<16xi1>, vector<16xf32>
    %add3A_442 = arith.addf %add3A_436, %select_n3A_441 : vector<16xf32>
    %get3A_443 = arith.constant 128 : index
    %get3A_444 = tpu.vector_load %arg7[%get3A_443] {strides = array<i32>} : memref<512xf32, #tpu.memory_space<vmem>>, vector<16xf32>,
    %get3A_445 = vector.shape_cast %get3A_444 : vector<16xf32> to vector<16xf32>
    %gt3A_446 = arith.cmpf ogt, %get3A_445, %get3A_402 : vector<16xf32>
    %select_n3A_447 = arith.select %gt3A_446, %broadcast_in_dim3A_399, %broadcast_in_dim3A_397 : vector<16xi1>, vector<16xf32>
    %add3A_448 = arith.addf %add3A_442, %select_n3A_447 : vector<16xf32>
    %get3A_449 = arith.constant 144 : index
    %get3A_450 = tpu.vector_load %arg7[%get3A_449] {strides = array<i32>} : memref<512xf32, #tpu.memory_space<vmem>>, vector<16xf32>,
    %get3A_451 = vector.shape_cast %get3A_450 : vector<16xf32> to vector<16xf32>
    %gt3A_452 = arith.cmpf ogt, %get3A_451, %get3A_402 : vector<16xf32>
    %select_n3A_453 = arith.select %gt3A_452, %broadcast_in_dim3A_399, %broadcast_in_dim3A_397 : vector<16xi1>, vector<16xf32>
    %add3A_454 = arith.addf %add3A_448, %select_n3A_453 : vector<16xf32>
    %get3A_455 = arith.constant 160 : index
    %get3A_456 = tpu.vector_load %arg7[%get3A_455] {strides = array<i32>} : memref<512xf32, #tpu.memory_space<vmem>>, vector<16xf32>,
    %get3A_457 = vector.shape_cast %get3A_456 : vector<16xf32> to vector<16xf32>
    %gt3A_458 = arith.cmpf ogt, %get3A_457, %get3A_402 : vector<16xf32>
    %select_n3A_459 = arith.select %gt3A_458, %broadcast_in_dim3A_399, %broadcast_in_dim3A_397 : vector<16xi1>, vector<16xf32>
    %add3A_460 = arith.addf %add3A_454, %select_n3A_459 : vector<16xf32>
    %get3A_461 = arith.constant 176 : index
    %get3A_462 = tpu.vector_load %arg7[%get3A_461] {strides = array<i32>} : memref<512xf32, #tpu.memory_space<vmem>>, vector<16xf32>,
    %get3A_463 = vector.shape_cast %get3A_462 : vector<16xf32> to vector<16xf32>
    %gt3A_464 = arith.cmpf ogt, %get3A_463, %get3A_402 : vector<16xf32>
    %select_n3A_465 = arith.select %gt3A_464, %broadcast_in_dim3A_399, %broadcast_in_dim3A_397 : vector<16xi1>, vector<16xf32>
    %add3A_466 = arith.addf %add3A_460, %select_n3A_465 : vector<16xf32>
    %get3A_467 = arith.constant 192 : index
    %get3A_468 = tpu.vector_load %arg7[%get3A_467] {strides = array<i32>} : memref<512xf32, #tpu.memory_space<vmem>>, vector<16xf32>,
    %get3A_469 = vector.shape_cast %get3A_468 : vector<16xf32> to vector<16xf32>
    %gt3A_470 = arith.cmpf ogt, %get3A_469, %get3A_402 : vector<16xf32>
    %select_n3A_471 = arith.select %gt3A_470, %broadcast_in_dim3A_399, %broadcast_in_dim3A_397 : vector<16xi1>, vector<16xf32>
    %add3A_472 = arith.addf %add3A_466, %select_n3A_471 : vector<16xf32>
    %get3A_473 = arith.constant 208 : index
    %get3A_474 = tpu.vector_load %arg7[%get3A_473] {strides = array<i32>} : memref<512xf32, #tpu.memory_space<vmem>>, vector<16xf32>,
    %get3A_475 = vector.shape_cast %get3A_474 : vector<16xf32> to vector<16xf32>
    %gt3A_476 = arith.cmpf ogt, %get3A_475, %get3A_402 : vector<16xf32>
    %select_n3A_477 = arith.select %gt3A_476, %broadcast_in_dim3A_399, %broadcast_in_dim3A_397 : vector<16xi1>, vector<16xf32>
    %add3A_478 = arith.addf %add3A_472, %select_n3A_477 : vector<16xf32>
    %get3A_479 = arith.constant 224 : index
    %get3A_480 = tpu.vector_load %arg7[%get3A_479] {strides = array<i32>} : memref<512xf32, #tpu.memory_space<vmem>>, vector<16xf32>,
    %get3A_481 = vector.shape_cast %get3A_480 : vector<16xf32> to vector<16xf32>
    %gt3A_482 = arith.cmpf ogt, %get3A_481, %get3A_402 : vector<16xf32>
    %select_n3A_483 = arith.select %gt3A_482, %broadcast_in_dim3A_399, %broadcast_in_dim3A_397 : vector<16xi1>, vector<16xf32>
    %add3A_484 = arith.addf %add3A_478, %select_n3A_483 : vector<16xf32>
    %get3A_485 = arith.constant 240 : index
    %get3A_486 = tpu.vector_load %arg7[%get3A_485] {strides = array<i32>} : memref<512xf32, #tpu.memory_space<vmem>>, vector<16xf32>,
    %get3A_487 = vector.shape_cast %get3A_486 : vector<16xf32> to vector<16xf32>
    %gt3A_488 = arith.cmpf ogt, %get3A_487, %get3A_402 : vector<16xf32>
    %select_n3A_489 = arith.select %gt3A_488, %broadcast_in_dim3A_399, %broadcast_in_dim3A_397 : vector<16xi1>, vector<16xf32>
    %add3A_490 = arith.addf %add3A_484, %select_n3A_489 : vector<16xf32>
    %get3A_491 = arith.constant 256 : index
    %get3A_492 = tpu.vector_load %arg7[%get3A_491] {strides = array<i32>} : memref<512xf32, #tpu.memory_space<vmem>>, vector<16xf32>,
    %get3A_493 = vector.shape_cast %get3A_492 : vector<16xf32> to vector<16xf32>
    %gt3A_494 = arith.cmpf ogt, %get3A_493, %get3A_402 : vector<16xf32>
    %select_n3A_495 = arith.select %gt3A_494, %broadcast_in_dim3A_399, %broadcast_in_dim3A_397 : vector<16xi1>, vector<16xf32>
    %add3A_496 = arith.addf %add3A_490, %select_n3A_495 : vector<16xf32>
    %get3A_497 = arith.constant 272 : index
    %get3A_498 = tpu.vector_load %arg7[%get3A_497] {strides = array<i32>} : memref<512xf32, #tpu.memory_space<vmem>>, vector<16xf32>,
    %get3A_499 = vector.shape_cast %get3A_498 : vector<16xf32> to vector<16xf32>
    %gt3A_500 = arith.cmpf ogt, %get3A_499, %get3A_402 : vector<16xf32>
    %select_n3A_501 = arith.select %gt3A_500, %broadcast_in_dim3A_399, %broadcast_in_dim3A_397 : vector<16xi1>, vector<16xf32>
    %add3A_502 = arith.addf %add3A_496, %select_n3A_501 : vector<16xf32>
    %get3A_503 = arith.constant 288 : index
    %get3A_504 = tpu.vector_load %arg7[%get3A_503] {strides = array<i32>} : memref<512xf32, #tpu.memory_space<vmem>>, vector<16xf32>,
    %get3A_505 = vector.shape_cast %get3A_504 : vector<16xf32> to vector<16xf32>
    %gt3A_506 = arith.cmpf ogt, %get3A_505, %get3A_402 : vector<16xf32>
    %select_n3A_507 = arith.select %gt3A_506, %broadcast_in_dim3A_399, %broadcast_in_dim3A_397 : vector<16xi1>, vector<16xf32>
    %add3A_508 = arith.addf %add3A_502, %select_n3A_507 : vector<16xf32>
    %get3A_509 = arith.constant 304 : index
    %get3A_510 = tpu.vector_load %arg7[%get3A_509] {strides = array<i32>} : memref<512xf32, #tpu.memory_space<vmem>>, vector<16xf32>,
    %get3A_511 = vector.shape_cast %get3A_510 : vector<16xf32> to vector<16xf32>
    %gt3A_512 = arith.cmpf ogt, %get3A_511, %get3A_402 : vector<16xf32>
    %select_n3A_513 = arith.select %gt3A_512, %broadcast_in_dim3A_399, %broadcast_in_dim3A_397 : vector<16xi1>, vector<16xf32>
    %add3A_514 = arith.addf %add3A_508, %select_n3A_513 : vector<16xf32>
    %get3A_515 = arith.constant 320 : index
    %get3A_516 = tpu.vector_load %arg7[%get3A_515] {strides = array<i32>} : memref<512xf32, #tpu.memory_space<vmem>>, vector<16xf32>,
    %get3A_517 = vector.shape_cast %get3A_516 : vector<16xf32> to vector<16xf32>
    %gt3A_518 = arith.cmpf ogt, %get3A_517, %get3A_402 : vector<16xf32>
    %select_n3A_519 = arith.select %gt3A_518, %broadcast_in_dim3A_399, %broadcast_in_dim3A_397 : vector<16xi1>, vector<16xf32>
    %add3A_520 = arith.addf %add3A_514, %select_n3A_519 : vector<16xf32>
    %get3A_521 = arith.constant 336 : index
    %get3A_522 = tpu.vector_load %arg7[%get3A_521] {strides = array<i32>} : memref<512xf32, #tpu.memory_space<vmem>>, vector<16xf32>,
    %get3A_523 = vector.shape_cast %get3A_522 : vector<16xf32> to vector<16xf32>
    %gt3A_524 = arith.cmpf ogt, %get3A_523, %get3A_402 : vector<16xf32>
    %select_n3A_525 = arith.select %gt3A_524, %broadcast_in_dim3A_399, %broadcast_in_dim3A_397 : vector<16xi1>, vector<16xf32>
    %add3A_526 = arith.addf %add3A_520, %select_n3A_525 : vector<16xf32>
    %ge3A = arith.constant 2.000000e+01 : f32
    %ge3A_527 = vector.broadcast %ge3A : f32 to vector<16xf32>
    %ge3A_528 = arith.cmpf oge, %add3A_526, %ge3A_527 : vector<16xf32>
    %select_n3A_529 = arith.select %ge3A_528, %broadcast_in_dim3A_399, %broadcast_in_dim3A_397 : vector<16xi1>, vector<16xf32>
    %swap3A_530 = arith.constant 0 : index
    %swap3A_531 = tpu.vector_load %arg8[%swap3A_530] {strides = array<i32>} : memref<512xf32, #tpu.memory_space<vmem>>, vector<16xf32>,
    %swap3A_532 = vector.shape_cast %swap3A_531 : vector<16xf32> to vector<16xf32>
    %swap3A_533 = vector.shape_cast %select_n3A_529 : vector<16xf32> to vector<16xf32>
    tpu.vector_store %arg8[%swap3A_530], %swap3A_533 {strides = array<i32>} : memref<512xf32, #tpu.memory_space<vmem>>, vector<16xf32>,
    %get3A_534 = arith.constant 16 : index
    %get3A_535 = tpu.vector_load %arg7[%get3A_534] {strides = array<i32>} : memref<512xf32, #tpu.memory_space<vmem>>, vector<16xf32>,
    %get3A_536 = vector.shape_cast %get3A_535 : vector<16xf32> to vector<16xf32>
    %get3A_537 = arith.constant 0 : index
    %get3A_538 = tpu.vector_load %arg7[%get3A_537] {strides = array<i32>} : memref<512xf32, #tpu.memory_space<vmem>>, vector<16xf32>,
    %get3A_539 = vector.shape_cast %get3A_538 : vector<16xf32> to vector<16xf32>
    %ge3A_540 = arith.cmpf oge, %get3A_539, %get3A_536 : vector<16xf32>
    %select_n3A_541 = arith.select %ge3A_540, %broadcast_in_dim3A_399, %broadcast_in_dim3A_397 : vector<16xi1>, vector<16xf32>
    %add3A_542 = arith.addf %broadcast_in_dim3A_397, %select_n3A_541 : vector<16xf32>
    %get3A_543 = arith.constant 32 : index
    %get3A_544 = tpu.vector_load %arg7[%get3A_543] {strides = array<i32>} : memref<512xf32, #tpu.memory_space<vmem>>, vector<16xf32>,
    %get3A_545 = vector.shape_cast %get3A_544 : vector<16xf32> to vector<16xf32>
    %gt3A_546 = arith.cmpf ogt, %get3A_545, %get3A_536 : vector<16xf32>
    %select_n3A_547 = arith.select %gt3A_546, %broadcast_in_dim3A_399, %broadcast_in_dim3A_397 : vector<16xi1>, vector<16xf32>
    %add3A_548 = arith.addf %add3A_542, %select_n3A_547 : vector<16xf32>
    %get3A_549 = arith.constant 48 : index
    %get3A_550 = tpu.vector_load %arg7[%get3A_549] {strides = array<i32>} : memref<512xf32, #tpu.memory_space<vmem>>, vector<16xf32>,
    %get3A_551 = vector.shape_cast %get3A_550 : vector<16xf32> to vector<16xf32>
    %gt3A_552 = arith.cmpf ogt, %get3A_551, %get3A_536 : vector<16xf32>
    %select_n3A_553 = arith.select %gt3A_552, %broadcast_in_dim3A_399, %broadcast_in_dim3A_397 : vector<16xi1>, vector<16xf32>
    %add3A_554 = arith.addf %add3A_548, %select_n3A_553 : vector<16xf32>
    %get3A_555 = arith.constant 64 : index
    %get3A_556 = tpu.vector_load %arg7[%get3A_555] {strides = array<i32>} : memref<512xf32, #tpu.memory_space<vmem>>, vector<16xf32>,
    %get3A_557 = vector.shape_cast %get3A_556 : vector<16xf32> to vector<16xf32>
    %gt3A_558 = arith.cmpf ogt, %get3A_557, %get3A_536 : vector<16xf32>
    %select_n3A_559 = arith.select %gt3A_558, %broadcast_in_dim3A_399, %broadcast_in_dim3A_397 : vector<16xi1>, vector<16xf32>
    %add3A_560 = arith.addf %add3A_554, %select_n3A_559 : vector<16xf32>
    %get3A_561 = arith.constant 80 : index
    %get3A_562 = tpu.vector_load %arg7[%get3A_561] {strides = array<i32>} : memref<512xf32, #tpu.memory_space<vmem>>, vector<16xf32>,
    %get3A_563 = vector.shape_cast %get3A_562 : vector<16xf32> to vector<16xf32>
    %gt3A_564 = arith.cmpf ogt, %get3A_563, %get3A_536 : vector<16xf32>
    %select_n3A_565 = arith.select %gt3A_564, %broadcast_in_dim3A_399, %broadcast_in_dim3A_397 : vector<16xi1>, vector<16xf32>
    %add3A_566 = arith.addf %add3A_560, %select_n3A_565 : vector<16xf32>
    %get3A_567 = arith.constant 96 : index
    %get3A_568 = tpu.vector_load %arg7[%get3A_567] {strides = array<i32>} : memref<512xf32, #tpu.memory_space<vmem>>, vector<16xf32>,
    %get3A_569 = vector.shape_cast %get3A_568 : vector<16xf32> to vector<16xf32>
    %gt3A_570 = arith.cmpf ogt, %get3A_569, %get3A_536 : vector<16xf32>
    %select_n3A_571 = arith.select %gt3A_570, %broadcast_in_dim3A_399, %broadcast_in_dim3A_397 : vector<16xi1>, vector<16xf32>
    %add3A_572 = arith.addf %add3A_566, %select_n3A_571 : vector<16xf32>
    %get3A_573 = arith.constant 112 : index
    %get3A_574 = tpu.vector_load %arg7[%get3A_573] {strides = array<i32>} : memref<512xf32, #tpu.memory_space<vmem>>, vector<16xf32>,
    %get3A_575 = vector.shape_cast %get3A_574 : vector<16xf32> to vector<16xf32>
    %gt3A_576 = arith.cmpf ogt, %get3A_575, %get3A_536 : vector<16xf32>
    %select_n3A_577 = arith.select %gt3A_576, %broadcast_in_dim3A_399, %broadcast_in_dim3A_397 : vector<16xi1>, vector<16xf32>
    %add3A_578 = arith.addf %add3A_572, %select_n3A_577 : vector<16xf32>
    %get3A_579 = arith.constant 128 : index
    %get3A_580 = tpu.vector_load %arg7[%get3A_579] {strides = array<i32>} : memref<512xf32, #tpu.memory_space<vmem>>, vector<16xf32>,
    %get3A_581 = vector.shape_cast %get3A_580 : vector<16xf32> to vector<16xf32>
    %gt3A_582 = arith.cmpf ogt, %get3A_581, %get3A_536 : vector<16xf32>
    %select_n3A_583 = arith.select %gt3A_582, %broadcast_in_dim3A_399, %broadcast_in_dim3A_397 : vector<16xi1>, vector<16xf32>
    %add3A_584 = arith.addf %add3A_578, %select_n3A_583 : vector<16xf32>
    %get3A_585 = arith.constant 144 : index
    %get3A_586 = tpu.vector_load %arg7[%get3A_585] {strides = array<i32>} : memref<512xf32, #tpu.memory_space<vmem>>, vector<16xf32>,
    %get3A_587 = vector.shape_cast %get3A_586 : vector<16xf32> to vector<16xf32>
    %gt3A_588 = arith.cmpf ogt, %get3A_587, %get3A_536 : vector<16xf32>
    %select_n3A_589 = arith.select %gt3A_588, %broadcast_in_dim3A_399, %broadcast_in_dim3A_397 : vector<16xi1>, vector<16xf32>
    %add3A_590 = arith.addf %add3A_584, %select_n3A_589 : vector<16xf32>
    %get3A_591 = arith.constant 160 : index
    %get3A_592 = tpu.vector_load %arg7[%get3A_591] {strides = array<i32>} : memref<512xf32, #tpu.memory_space<vmem>>, vector<16xf32>,
    %get3A_593 = vector.shape_cast %get3A_592 : vector<16xf32> to vector<16xf32>
    %gt3A_594 = arith.cmpf ogt, %get3A_593, %get3A_536 : vector<16xf32>
    %select_n3A_595 = arith.select %gt3A_594, %broadcast_in_dim3A_399, %broadcast_in_dim3A_397 : vector<16xi1>, vector<16xf32>
    %add3A_596 = arith.addf %add3A_590, %select_n3A_595 : vector<16xf32>
    %get3A_597 = arith.constant 176 : index
    %get3A_598 = tpu.vector_load %arg7[%get3A_597] {strides = array<i32>} : memref<512xf32, #tpu.memory_space<vmem>>, vector<16xf32>,
    %get3A_599 = vector.shape_cast %get3A_598 : vector<16xf32> to vector<16xf32>
    %gt3A_600 = arith.cmpf ogt, %get3A_599, %get3A_536 : vector<16xf32>
    %select_n3A_601 = arith.select %gt3A_600, %broadcast_in_dim3A_399, %broadcast_in_dim3A_397 : vector<16xi1>, vector<16xf32>
    %add3A_602 = arith.addf %add3A_596, %select_n3A_601 : vector<16xf32>
    %get3A_603 = arith.constant 192 : index
    %get3A_604 = tpu.vector_load %arg7[%get3A_603] {strides = array<i32>} : memref<512xf32, #tpu.memory_space<vmem>>, vector<16xf32>,
    %get3A_605 = vector.shape_cast %get3A_604 : vector<16xf32> to vector<16xf32>
    %gt3A_606 = arith.cmpf ogt, %get3A_605, %get3A_536 : vector<16xf32>
    %select_n3A_607 = arith.select %gt3A_606, %broadcast_in_dim3A_399, %broadcast_in_dim3A_397 : vector<16xi1>, vector<16xf32>
    %add3A_608 = arith.addf %add3A_602, %select_n3A_607 : vector<16xf32>
    %get3A_609 = arith.constant 208 : index
    %get3A_610 = tpu.vector_load %arg7[%get3A_609] {strides = array<i32>} : memref<512xf32, #tpu.memory_space<vmem>>, vector<16xf32>,
    %get3A_611 = vector.shape_cast %get3A_610 : vector<16xf32> to vector<16xf32>
    %gt3A_612 = arith.cmpf ogt, %get3A_611, %get3A_536 : vector<16xf32>
    %select_n3A_613 = arith.select %gt3A_612, %broadcast_in_dim3A_399, %broadcast_in_dim3A_397 : vector<16xi1>, vector<16xf32>
    %add3A_614 = arith.addf %add3A_608, %select_n3A_613 : vector<16xf32>
    %get3A_615 = arith.constant 224 : index
    %get3A_616 = tpu.vector_load %arg7[%get3A_615] {strides = array<i32>} : memref<512xf32, #tpu.memory_space<vmem>>, vector<16xf32>,
    %get3A_617 = vector.shape_cast %get3A_616 : vector<16xf32> to vector<16xf32>
    %gt3A_618 = arith.cmpf ogt, %get3A_617, %get3A_536 : vector<16xf32>
    %select_n3A_619 = arith.select %gt3A_618, %broadcast_in_dim3A_399, %broadcast_in_dim3A_397 : vector<16xi1>, vector<16xf32>
    %add3A_620 = arith.addf %add3A_614, %select_n3A_619 : vector<16xf32>
    %get3A_621 = arith.constant 240 : index
    %get3A_622 = tpu.vector_load %arg7[%get3A_621] {strides = array<i32>} : memref<512xf32, #tpu.memory_space<vmem>>, vector<16xf32>,
    %get3A_623 = vector.shape_cast %get3A_622 : vector<16xf32> to vector<16xf32>
    %gt3A_624 = arith.cmpf ogt, %get3A_623, %get3A_536 : vector<16xf32>
    %select_n3A_625 = arith.select %gt3A_624, %broadcast_in_dim3A_399, %broadcast_in_dim3A_397 : vector<16xi1>, vector<16xf32>
    %add3A_626 = arith.addf %add3A_620, %select_n3A_625 : vector<16xf32>
    %get3A_627 = arith.constant 256 : index
    %get3A_628 = tpu.vector_load %arg7[%get3A_627] {strides = array<i32>} : memref<512xf32, #tpu.memory_space<vmem>>, vector<16xf32>,
    %get3A_629 = vector.shape_cast %get3A_628 : vector<16xf32> to vector<16xf32>
    %gt3A_630 = arith.cmpf ogt, %get3A_629, %get3A_536 : vector<16xf32>
    %select_n3A_631 = arith.select %gt3A_630, %broadcast_in_dim3A_399, %broadcast_in_dim3A_397 : vector<16xi1>, vector<16xf32>
    %add3A_632 = arith.addf %add3A_626, %select_n3A_631 : vector<16xf32>
    %get3A_633 = arith.constant 272 : index
    %get3A_634 = tpu.vector_load %arg7[%get3A_633] {strides = array<i32>} : memref<512xf32, #tpu.memory_space<vmem>>, vector<16xf32>,
    %get3A_635 = vector.shape_cast %get3A_634 : vector<16xf32> to vector<16xf32>
    %gt3A_636 = arith.cmpf ogt, %get3A_635, %get3A_536 : vector<16xf32>
    %select_n3A_637 = arith.select %gt3A_636, %broadcast_in_dim3A_399, %broadcast_in_dim3A_397 : vector<16xi1>, vector<16xf32>
    %add3A_638 = arith.addf %add3A_632, %select_n3A_637 : vector<16xf32>
    %get3A_639 = arith.constant 288 : index
    %get3A_640 = tpu.vector_load %arg7[%get3A_639] {strides = array<i32>} : memref<512xf32, #tpu.memory_space<vmem>>, vector<16xf32>,
    %get3A_641 = vector.shape_cast %get3A_640 : vector<16xf32> to vector<16xf32>
    %gt3A_642 = arith.cmpf ogt, %get3A_641, %get3A_536 : vector<16xf32>
    %select_n3A_643 = arith.select %gt3A_642, %broadcast_in_dim3A_399, %broadcast_in_dim3A_397 : vector<16xi1>, vector<16xf32>
    %add3A_644 = arith.addf %add3A_638, %select_n3A_643 : vector<16xf32>
    %get3A_645 = arith.constant 304 : index
    %get3A_646 = tpu.vector_load %arg7[%get3A_645] {strides = array<i32>} : memref<512xf32, #tpu.memory_space<vmem>>, vector<16xf32>,
    %get3A_647 = vector.shape_cast %get3A_646 : vector<16xf32> to vector<16xf32>
    %gt3A_648 = arith.cmpf ogt, %get3A_647, %get3A_536 : vector<16xf32>
    %select_n3A_649 = arith.select %gt3A_648, %broadcast_in_dim3A_399, %broadcast_in_dim3A_397 : vector<16xi1>, vector<16xf32>
    %add3A_650 = arith.addf %add3A_644, %select_n3A_649 : vector<16xf32>
    %get3A_651 = arith.constant 320 : index
    %get3A_652 = tpu.vector_load %arg7[%get3A_651] {strides = array<i32>} : memref<512xf32, #tpu.memory_space<vmem>>, vector<16xf32>,
    %get3A_653 = vector.shape_cast %get3A_652 : vector<16xf32> to vector<16xf32>
    %gt3A_654 = arith.cmpf ogt, %get3A_653, %get3A_536 : vector<16xf32>
    %select_n3A_655 = arith.select %gt3A_654, %broadcast_in_dim3A_399, %broadcast_in_dim3A_397 : vector<16xi1>, vector<16xf32>
    %add3A_656 = arith.addf %add3A_650, %select_n3A_655 : vector<16xf32>
    %get3A_657 = arith.constant 336 : index
    %get3A_658 = tpu.vector_load %arg7[%get3A_657] {strides = array<i32>} : memref<512xf32, #tpu.memory_space<vmem>>, vector<16xf32>,
    %get3A_659 = vector.shape_cast %get3A_658 : vector<16xf32> to vector<16xf32>
    %gt3A_660 = arith.cmpf ogt, %get3A_659, %get3A_536 : vector<16xf32>
    %select_n3A_661 = arith.select %gt3A_660, %broadcast_in_dim3A_399, %broadcast_in_dim3A_397 : vector<16xi1>, vector<16xf32>
    %add3A_662 = arith.addf %add3A_656, %select_n3A_661 : vector<16xf32>
    %ge3A_663 = arith.constant 2.000000e+01 : f32
    %ge3A_664 = vector.broadcast %ge3A_663 : f32 to vector<16xf32>
    %ge3A_665 = arith.cmpf oge, %add3A_662, %ge3A_664 : vector<16xf32>
    %select_n3A_666 = arith.select %ge3A_665, %broadcast_in_dim3A_399, %broadcast_in_dim3A_397 : vector<16xi1>, vector<16xf32>
    %swap3A_667 = arith.constant 16 : index
    %swap3A_668 = tpu.vector_load %arg8[%swap3A_667] {strides = array<i32>} : memref<512xf32, #tpu.memory_space<vmem>>, vector<16xf32>,
    %swap3A_669 = vector.shape_cast %swap3A_668 : vector<16xf32> to vector<16xf32>
    %swap3A_670 = vector.shape_cast %select_n3A_666 : vector<16xf32> to vector<16xf32>
    tpu.vector_store %arg8[%swap3A_667], %swap3A_670 {strides = array<i32>} : memref<512xf32, #tpu.memory_space<vmem>>, vector<16xf32>,
    %get3A_671 = arith.constant 32 : index
    %get3A_672 = tpu.vector_load %arg7[%get3A_671] {strides = array<i32>} : memref<512xf32, #tpu.memory_space<vmem>>, vector<16xf32>,
    %get3A_673 = vector.shape_cast %get3A_672 : vector<16xf32> to vector<16xf32>
    %get3A_674 = arith.constant 0 : index
    %get3A_675 = tpu.vector_load %arg7[%get3A_674] {strides = array<i32>} : memref<512xf32, #tpu.memory_space<vmem>>, vector<16xf32>,
    %get3A_676 = vector.shape_cast %get3A_675 : vector<16xf32> to vector<16xf32>
    %ge3A_677 = arith.cmpf oge, %get3A_676, %get3A_673 : vector<16xf32>
    %select_n3A_678 = arith.select %ge3A_677, %broadcast_in_dim3A_399, %broadcast_in_dim3A_397 : vector<16xi1>, vector<16xf32>
    %add3A_679 = arith.addf %broadcast_in_dim3A_397, %select_n3A_678 : vector<16xf32>
    %get3A_680 = arith.constant 16 : index
    %get3A_681 = tpu.vector_load %arg7[%get3A_680] {strides = array<i32>} : memref<512xf32, #tpu.memory_space<vmem>>, vector<16xf32>,
    %get3A_682 = vector.shape_cast %get3A_681 : vector<16xf32> to vector<16xf32>
    %ge3A_683 = arith.cmpf oge, %get3A_682, %get3A_673 : vector<16xf32>
    %select_n3A_684 = arith.select %ge3A_683, %broadcast_in_dim3A_399, %broadcast_in_dim3A_397 : vector<16xi1>, vector<16xf32>
    %add3A_685 = arith.addf %add3A_679, %select_n3A_684 : vector<16xf32>
    %get3A_686 = arith.constant 48 : index
    %get3A_687 = tpu.vector_load %arg7[%get3A_686] {strides = array<i32>} : memref<512xf32, #tpu.memory_space<vmem>>, vector<16xf32>,
    %get3A_688 = vector.shape_cast %get3A_687 : vector<16xf32> to vector<16xf32>
    %gt3A_689 = arith.cmpf ogt, %get3A_688, %get3A_673 : vector<16xf32>
    %select_n3A_690 = arith.select %gt3A_689, %broadcast_in_dim3A_399, %broadcast_in_dim3A_397 : vector<16xi1>, vector<16xf32>
    %add3A_691 = arith.addf %add3A_685, %select_n3A_690 : vector<16xf32>
    %get3A_692 = arith.constant 64 : index
    %get3A_693 = tpu.vector_load %arg7[%get3A_692] {strides = array<i32>} : memref<512xf32, #tpu.memory_space<vmem>>, vector<16xf32>,
    %get3A_694 = vector.shape_cast %get3A_693 : vector<16xf32> to vector<16xf32>
    %gt3A_695 = arith.cmpf ogt, %get3A_694, %get3A_673 : vector<16xf32>
    %select_n3A_696 = arith.select %gt3A_695, %broadcast_in_dim3A_399, %broadcast_in_dim3A_397 : vector<16xi1>, vector<16xf32>
    %add3A_697 = arith.addf %add3A_691, %select_n3A_696 : vector<16xf32>
    %get3A_698 = arith.constant 80 : index
    %get3A_699 = tpu.vector_load %arg7[%get3A_698] {strides = array<i32>} : memref<512xf32, #tpu.memory_space<vmem>>, vector<16xf32>,
    %get3A_700 = vector.shape_cast %get3A_699 : vector<16xf32> to vector<16xf32>
    %gt3A_701 = arith.cmpf ogt, %get3A_700, %get3A_673 : vector<16xf32>
    %select_n3A_702 = arith.select %gt3A_701, %broadcast_in_dim3A_399, %broadcast_in_dim3A_397 : vector<16xi1>, vector<16xf32>
    %add3A_703 = arith.addf %add3A_697, %select_n3A_702 : vector<16xf32>
    %get3A_704 = arith.constant 96 : index
    %get3A_705 = tpu.vector_load %arg7[%get3A_704] {strides = array<i32>} : memref<512xf32, #tpu.memory_space<vmem>>, vector<16xf32>,
    %get3A_706 = vector.shape_cast %get3A_705 : vector<16xf32> to vector<16xf32>
    %gt3A_707 = arith.cmpf ogt, %get3A_706, %get3A_673 : vector<16xf32>
    %select_n3A_708 = arith.select %gt3A_707, %broadcast_in_dim3A_399, %broadcast_in_dim3A_397 : vector<16xi1>, vector<16xf32>
    %add3A_709 = arith.addf %add3A_703, %select_n3A_708 : vector<16xf32>
    %get3A_710 = arith.constant 112 : index
    %get3A_711 = tpu.vector_load %arg7[%get3A_710] {strides = array<i32>} : memref<512xf32, #tpu.memory_space<vmem>>, vector<16xf32>,
    %get3A_712 = vector.shape_cast %get3A_711 : vector<16xf32> to vector<16xf32>
    %gt3A_713 = arith.cmpf ogt, %get3A_712, %get3A_673 : vector<16xf32>
    %select_n3A_714 = arith.select %gt3A_713, %broadcast_in_dim3A_399, %broadcast_in_dim3A_397 : vector<16xi1>, vector<16xf32>
    %add3A_715 = arith.addf %add3A_709, %select_n3A_714 : vector<16xf32>
    %get3A_716 = arith.constant 128 : index
    %get3A_717 = tpu.vector_load %arg7[%get3A_716] {strides = array<i32>} : memref<512xf32, #tpu.memory_space<vmem>>, vector<16xf32>,
    %get3A_718 = vector.shape_cast %get3A_717 : vector<16xf32> to vector<16xf32>
    %gt3A_719 = arith.cmpf ogt, %get3A_718, %get3A_673 : vector<16xf32>
    %select_n3A_720 = arith.select %gt3A_719, %broadcast_in_dim3A_399, %broadcast_in_dim3A_397 : vector<16xi1>, vector<16xf32>
    %add3A_721 = arith.addf %add3A_715, %select_n3A_720 : vector<16xf32>
    %get3A_722 = arith.constant 144 : index
    %get3A_723 = tpu.vector_load %arg7[%get3A_722] {strides = array<i32>} : memref<512xf32, #tpu.memory_space<vmem>>, vector<16xf32>,
    %get3A_724 = vector.shape_cast %get3A_723 : vector<16xf32> to vector<16xf32>
    %gt3A_725 = arith.cmpf ogt, %get3A_724, %get3A_673 : vector<16xf32>
    %select_n3A_726 = arith.select %gt3A_725, %broadcast_in_dim3A_399, %broadcast_in_dim3A_397 : vector<16xi1>, vector<16xf32>
    %add3A_727 = arith.addf %add3A_721, %select_n3A_726 : vector<16xf32>
    %get3A_728 = arith.constant 160 : index
    %get3A_729 = tpu.vector_load %arg7[%get3A_728] {strides = array<i32>} : memref<512xf32, #tpu.memory_space<vmem>>, vector<16xf32>,
    %get3A_730 = vector.shape_cast %get3A_729 : vector<16xf32> to vector<16xf32>
    %gt3A_731 = arith.cmpf ogt, %get3A_730, %get3A_673 : vector<16xf32>
    %select_n3A_732 = arith.select %gt3A_731, %broadcast_in_dim3A_399, %broadcast_in_dim3A_397 : vector<16xi1>, vector<16xf32>
    %add3A_733 = arith.addf %add3A_727, %select_n3A_732 : vector<16xf32>
    %get3A_734 = arith.constant 176 : index
    %get3A_735 = tpu.vector_load %arg7[%get3A_734] {strides = array<i32>} : memref<512xf32, #tpu.memory_space<vmem>>, vector<16xf32>,
    %get3A_736 = vector.shape_cast %get3A_735 : vector<16xf32> to vector<16xf32>
    %gt3A_737 = arith.cmpf ogt, %get3A_736, %get3A_673 : vector<16xf32>
    %select_n3A_738 = arith.select %gt3A_737, %broadcast_in_dim3A_399, %broadcast_in_dim3A_397 : vector<16xi1>, vector<16xf32>
    %add3A_739 = arith.addf %add3A_733, %select_n3A_738 : vector<16xf32>
    %get3A_740 = arith.constant 192 : index
    %get3A_741 = tpu.vector_load %arg7[%get3A_740] {strides = array<i32>} : memref<512xf32, #tpu.memory_space<vmem>>, vector<16xf32>,
    %get3A_742 = vector.shape_cast %get3A_741 : vector<16xf32> to vector<16xf32>
    %gt3A_743 = arith.cmpf ogt, %get3A_742, %get3A_673 : vector<16xf32>
    %select_n3A_744 = arith.select %gt3A_743, %broadcast_in_dim3A_399, %broadcast_in_dim3A_397 : vector<16xi1>, vector<16xf32>
    %add3A_745 = arith.addf %add3A_739, %select_n3A_744 : vector<16xf32>
    %get3A_746 = arith.constant 208 : index
    %get3A_747 = tpu.vector_load %arg7[%get3A_746] {strides = array<i32>} : memref<512xf32, #tpu.memory_space<vmem>>, vector<16xf32>,
    %get3A_748 = vector.shape_cast %get3A_747 : vector<16xf32> to vector<16xf32>
    %gt3A_749 = arith.cmpf ogt, %get3A_748, %get3A_673 : vector<16xf32>
    %select_n3A_750 = arith.select %gt3A_749, %broadcast_in_dim3A_399, %broadcast_in_dim3A_397 : vector<16xi1>, vector<16xf32>
    %add3A_751 = arith.addf %add3A_745, %select_n3A_750 : vector<16xf32>
    %get3A_752 = arith.constant 224 : index
    %get3A_753 = tpu.vector_load %arg7[%get3A_752] {strides = array<i32>} : memref<512xf32, #tpu.memory_space<vmem>>, vector<16xf32>,
    %get3A_754 = vector.shape_cast %get3A_753 : vector<16xf32> to vector<16xf32>
    %gt3A_755 = arith.cmpf ogt, %get3A_754, %get3A_673 : vector<16xf32>
    %select_n3A_756 = arith.select %gt3A_755, %broadcast_in_dim3A_399, %broadcast_in_dim3A_397 : vector<16xi1>, vector<16xf32>
    %add3A_757 = arith.addf %add3A_751, %select_n3A_756 : vector<16xf32>
    %get3A_758 = arith.constant 240 : index
    %get3A_759 = tpu.vector_load %arg7[%get3A_758] {strides = array<i32>} : memref<512xf32, #tpu.memory_space<vmem>>, vector<16xf32>,
    %get3A_760 = vector.shape_cast %get3A_759 : vector<16xf32> to vector<16xf32>
    %gt3A_761 = arith.cmpf ogt, %get3A_760, %get3A_673 : vector<16xf32>
    %select_n3A_762 = arith.select %gt3A_761, %broadcast_in_dim3A_399, %broadcast_in_dim3A_397 : vector<16xi1>, vector<16xf32>
    %add3A_763 = arith.addf %add3A_757, %select_n3A_762 : vector<16xf32>
    %get3A_764 = arith.constant 256 : index
    %get3A_765 = tpu.vector_load %arg7[%get3A_764] {strides = array<i32>} : memref<512xf32, #tpu.memory_space<vmem>>, vector<16xf32>,
    %get3A_766 = vector.shape_cast %get3A_765 : vector<16xf32> to vector<16xf32>
    %gt3A_767 = arith.cmpf ogt, %get3A_766, %get3A_673 : vector<16xf32>
    %select_n3A_768 = arith.select %gt3A_767, %broadcast_in_dim3A_399, %broadcast_in_dim3A_397 : vector<16xi1>, vector<16xf32>
    %add3A_769 = arith.addf %add3A_763, %select_n3A_768 : vector<16xf32>
    %get3A_770 = arith.constant 272 : index
    %get3A_771 = tpu.vector_load %arg7[%get3A_770] {strides = array<i32>} : memref<512xf32, #tpu.memory_space<vmem>>, vector<16xf32>,
    %get3A_772 = vector.shape_cast %get3A_771 : vector<16xf32> to vector<16xf32>
    %gt3A_773 = arith.cmpf ogt, %get3A_772, %get3A_673 : vector<16xf32>
    %select_n3A_774 = arith.select %gt3A_773, %broadcast_in_dim3A_399, %broadcast_in_dim3A_397 : vector<16xi1>, vector<16xf32>
    %add3A_775 = arith.addf %add3A_769, %select_n3A_774 : vector<16xf32>
    %get3A_776 = arith.constant 288 : index
    %get3A_777 = tpu.vector_load %arg7[%get3A_776] {strides = array<i32>} : memref<512xf32, #tpu.memory_space<vmem>>, vector<16xf32>,
    %get3A_778 = vector.shape_cast %get3A_777 : vector<16xf32> to vector<16xf32>
    %gt3A_779 = arith.cmpf ogt, %get3A_778, %get3A_673 : vector<16xf32>
    %select_n3A_780 = arith.select %gt3A_779, %broadcast_in_dim3A_399, %broadcast_in_dim3A_397 : vector<16xi1>, vector<16xf32>
    %add3A_781 = arith.addf %add3A_775, %select_n3A_780 : vector<16xf32>
    %get3A_782 = arith.constant 304 : index
    %get3A_783 = tpu.vector_load %arg7[%get3A_782] {strides = array<i32>} : memref<512xf32, #tpu.memory_space<vmem>>, vector<16xf32>,
    %get3A_784 = vector.shape_cast %get3A_783 : vector<16xf32> to vector<16xf32>
    %gt3A_785 = arith.cmpf ogt, %get3A_784, %get3A_673 : vector<16xf32>
    %select_n3A_786 = arith.select %gt3A_785, %broadcast_in_dim3A_399, %broadcast_in_dim3A_397 : vector<16xi1>, vector<16xf32>
    %add3A_787 = arith.addf %add3A_781, %select_n3A_786 : vector<16xf32>
    %get3A_788 = arith.constant 320 : index
    %get3A_789 = tpu.vector_load %arg7[%get3A_788] {strides = array<i32>} : memref<512xf32, #tpu.memory_space<vmem>>, vector<16xf32>,
    %get3A_790 = vector.shape_cast %get3A_789 : vector<16xf32> to vector<16xf32>
    %gt3A_791 = arith.cmpf ogt, %get3A_790, %get3A_673 : vector<16xf32>
    %select_n3A_792 = arith.select %gt3A_791, %broadcast_in_dim3A_399, %broadcast_in_dim3A_397 : vector<16xi1>, vector<16xf32>
    %add3A_793 = arith.addf %add3A_787, %select_n3A_792 : vector<16xf32>
    %get3A_794 = arith.constant 336 : index
    %get3A_795 = tpu.vector_load %arg7[%get3A_794] {strides = array<i32>} : memref<512xf32, #tpu.memory_space<vmem>>, vector<16xf32>,
    %get3A_796 = vector.shape_cast %get3A_795 : vector<16xf32> to vector<16xf32>
    %gt3A_797 = arith.cmpf ogt, %get3A_796, %get3A_673 : vector<16xf32>
    %select_n3A_798 = arith.select %gt3A_797, %broadcast_in_dim3A_399, %broadcast_in_dim3A_397 : vector<16xi1>, vector<16xf32>
    %add3A_799 = arith.addf %add3A_793, %select_n3A_798 : vector<16xf32>
    %ge3A_800 = arith.constant 2.000000e+01 : f32
    %ge3A_801 = vector.broadcast %ge3A_800 : f32 to vector<16xf32>
    %ge3A_802 = arith.cmpf oge, %add3A_799, %ge3A_801 : vector<16xf32>
    %select_n3A_803 = arith.select %ge3A_802, %broadcast_in_dim3A_399, %broadcast_in_dim3A_397 : vector<16xi1>, vector<16xf32>
    %swap3A_804 = arith.constant 32 : index
    %swap3A_805 = tpu.vector_load %arg8[%swap3A_804] {strides = array<i32>} : memref<512xf32, #tpu.memory_space<vmem>>, vector<16xf32>,
    %swap3A_806 = vector.shape_cast %swap3A_805 : vector<16xf32> to vector<16xf32>
    %swap3A_807 = vector.shape_cast %select_n3A_803 : vector<16xf32> to vector<16xf32>
    tpu.vector_store %arg8[%swap3A_804], %swap3A_807 {strides = array<i32>} : memref<512xf32, #tpu.memory_space<vmem>>, vector<16xf32>,
    %get3A_808 = arith.constant 48 : index
    %get3A_809 = tpu.vector_load %arg7[%get3A_808] {strides = array<i32>} : memref<512xf32, #tpu.memory_space<vmem>>, vector<16xf32>,
    %get3A_810 = vector.shape_cast %get3A_809 : vector<16xf32> to vector<16xf32>
    %get3A_811 = arith.constant 0 : index
    %get3A_812 = tpu.vector_load %arg7[%get3A_811] {strides = array<i32>} : memref<512xf32, #tpu.memory_space<vmem>>, vector<16xf32>,
    %get3A_813 = vector.shape_cast %get3A_812 : vector<16xf32> to vector<16xf32>
    %ge3A_814 = arith.cmpf oge, %get3A_813, %get3A_810 : vector<16xf32>
    %select_n3A_815 = arith.select %ge3A_814, %broadcast_in_dim3A_399, %broadcast_in_dim3A_397 : vector<16xi1>, vector<16xf32>
    %add3A_816 = arith.addf %broadcast_in_dim3A_397, %select_n3A_815 : vector<16xf32>
    %get3A_817 = arith.constant 16 : index
    %get3A_818 = tpu.vector_load %arg7[%get3A_817] {strides = array<i32>} : memref<512xf32, #tpu.memory_space<vmem>>, vector<16xf32>,
    %get3A_819 = vector.shape_cast %get3A_818 : vector<16xf32> to vector<16xf32>
    %ge3A_820 = arith.cmpf oge, %get3A_819, %get3A_810 : vector<16xf32>
    %select_n3A_821 = arith.select %ge3A_820, %broadcast_in_dim3A_399, %broadcast_in_dim3A_397 : vector<16xi1>, vector<16xf32>
    %add3A_822 = arith.addf %add3A_816, %select_n3A_821 : vector<16xf32>
    %get3A_823 = arith.constant 32 : index
    %get3A_824 = tpu.vector_load %arg7[%get3A_823] {strides = array<i32>} : memref<512xf32, #tpu.memory_space<vmem>>, vector<16xf32>,
    %get3A_825 = vector.shape_cast %get3A_824 : vector<16xf32> to vector<16xf32>
    %ge3A_826 = arith.cmpf oge, %get3A_825, %get3A_810 : vector<16xf32>
    %select_n3A_827 = arith.select %ge3A_826, %broadcast_in_dim3A_399, %broadcast_in_dim3A_397 : vector<16xi1>, vector<16xf32>
    %add3A_828 = arith.addf %add3A_822, %select_n3A_827 : vector<16xf32>
    %get3A_829 = arith.constant 64 : index
    %get3A_830 = tpu.vector_load %arg7[%get3A_829] {strides = array<i32>} : memref<512xf32, #tpu.memory_space<vmem>>, vector<16xf32>,
    %get3A_831 = vector.shape_cast %get3A_830 : vector<16xf32> to vector<16xf32>
    %gt3A_832 = arith.cmpf ogt, %get3A_831, %get3A_810 : vector<16xf32>
    %select_n3A_833 = arith.select %gt3A_832, %broadcast_in_dim3A_399, %broadcast_in_dim3A_397 : vector<16xi1>, vector<16xf32>
    %add3A_834 = arith.addf %add3A_828, %select_n3A_833 : vector<16xf32>
    %get3A_835 = arith.constant 80 : index
    %get3A_836 = tpu.vector_load %arg7[%get3A_835] {strides = array<i32>} : memref<512xf32, #tpu.memory_space<vmem>>, vector<16xf32>,
    %get3A_837 = vector.shape_cast %get3A_836 : vector<16xf32> to vector<16xf32>
    %gt3A_838 = arith.cmpf ogt, %get3A_837, %get3A_810 : vector<16xf32>
    %select_n3A_839 = arith.select %gt3A_838, %broadcast_in_dim3A_399, %broadcast_in_dim3A_397 : vector<16xi1>, vector<16xf32>
    %add3A_840 = arith.addf %add3A_834, %select_n3A_839 : vector<16xf32>
    %get3A_841 = arith.constant 96 : index
    %get3A_842 = tpu.vector_load %arg7[%get3A_841] {strides = array<i32>} : memref<512xf32, #tpu.memory_space<vmem>>, vector<16xf32>,
    %get3A_843 = vector.shape_cast %get3A_842 : vector<16xf32> to vector<16xf32>
    %gt3A_844 = arith.cmpf ogt, %get3A_843, %get3A_810 : vector<16xf32>
    %select_n3A_845 = arith.select %gt3A_844, %broadcast_in_dim3A_399, %broadcast_in_dim3A_397 : vector<16xi1>, vector<16xf32>
    %add3A_846 = arith.addf %add3A_840, %select_n3A_845 : vector<16xf32>
    %get3A_847 = arith.constant 112 : index
    %get3A_848 = tpu.vector_load %arg7[%get3A_847] {strides = array<i32>} : memref<512xf32, #tpu.memory_space<vmem>>, vector<16xf32>,
    %get3A_849 = vector.shape_cast %get3A_848 : vector<16xf32> to vector<16xf32>
    %gt3A_850 = arith.cmpf ogt, %get3A_849, %get3A_810 : vector<16xf32>
    %select_n3A_851 = arith.select %gt3A_850, %broadcast_in_dim3A_399, %broadcast_in_dim3A_397 : vector<16xi1>, vector<16xf32>
    %add3A_852 = arith.addf %add3A_846, %select_n3A_851 : vector<16xf32>
    %get3A_853 = arith.constant 128 : index
    %get3A_854 = tpu.vector_load %arg7[%get3A_853] {strides = array<i32>} : memref<512xf32, #tpu.memory_space<vmem>>, vector<16xf32>,
    %get3A_855 = vector.shape_cast %get3A_854 : vector<16xf32> to vector<16xf32>
    %gt3A_856 = arith.cmpf ogt, %get3A_855, %get3A_810 : vector<16xf32>
    %select_n3A_857 = arith.select %gt3A_856, %broadcast_in_dim3A_399, %broadcast_in_dim3A_397 : vector<16xi1>, vector<16xf32>
    %add3A_858 = arith.addf %add3A_852, %select_n3A_857 : vector<16xf32>
    %get3A_859 = arith.constant 144 : index
    %get3A_860 = tpu.vector_load %arg7[%get3A_859] {strides = array<i32>} : memref<512xf32, #tpu.memory_space<vmem>>, vector<16xf32>,
    %get3A_861 = vector.shape_cast %get3A_860 : vector<16xf32> to vector<16xf32>
    %gt3A_862 = arith.cmpf ogt, %get3A_861, %get3A_810 : vector<16xf32>
    %select_n3A_863 = arith.select %gt3A_862, %broadcast_in_dim3A_399, %broadcast_in_dim3A_397 : vector<16xi1>, vector<16xf32>
    %add3A_864 = arith.addf %add3A_858, %select_n3A_863 : vector<16xf32>
    %get3A_865 = arith.constant 160 : index
    %get3A_866 = tpu.vector_load %arg7[%get3A_865] {strides = array<i32>} : memref<512xf32, #tpu.memory_space<vmem>>, vector<16xf32>,
    %get3A_867 = vector.shape_cast %get3A_866 : vector<16xf32> to vector<16xf32>
    %gt3A_868 = arith.cmpf ogt, %get3A_867, %get3A_810 : vector<16xf32>
    %select_n3A_869 = arith.select %gt3A_868, %broadcast_in_dim3A_399, %broadcast_in_dim3A_397 : vector<16xi1>, vector<16xf32>
    %add3A_870 = arith.addf %add3A_864, %select_n3A_869 : vector<16xf32>
    %get3A_871 = arith.constant 176 : index
    %get3A_872 = tpu.vector_load %arg7[%get3A_871] {strides = array<i32>} : memref<512xf32, #tpu.memory_space<vmem>>, vector<16xf32>,
    %get3A_873 = vector.shape_cast %get3A_872 : vector<16xf32> to vector<16xf32>
    %gt3A_874 = arith.cmpf ogt, %get3A_873, %get3A_810 : vector<16xf32>
    %select_n3A_875 = arith.select %gt3A_874, %broadcast_in_dim3A_399, %broadcast_in_dim3A_397 : vector<16xi1>, vector<16xf32>
    %add3A_876 = arith.addf %add3A_870, %select_n3A_875 : vector<16xf32>
    %get3A_877 = arith.constant 192 : index
    %get3A_878 = tpu.vector_load %arg7[%get3A_877] {strides = array<i32>} : memref<512xf32, #tpu.memory_space<vmem>>, vector<16xf32>,
    %get3A_879 = vector.shape_cast %get3A_878 : vector<16xf32> to vector<16xf32>
    %gt3A_880 = arith.cmpf ogt, %get3A_879, %get3A_810 : vector<16xf32>
    %select_n3A_881 = arith.select %gt3A_880, %broadcast_in_dim3A_399, %broadcast_in_dim3A_397 : vector<16xi1>, vector<16xf32>
    %add3A_882 = arith.addf %add3A_876, %select_n3A_881 : vector<16xf32>
    %get3A_883 = arith.constant 208 : index
    %get3A_884 = tpu.vector_load %arg7[%get3A_883] {strides = array<i32>} : memref<512xf32, #tpu.memory_space<vmem>>, vector<16xf32>,
    %get3A_885 = vector.shape_cast %get3A_884 : vector<16xf32> to vector<16xf32>
    %gt3A_886 = arith.cmpf ogt, %get3A_885, %get3A_810 : vector<16xf32>
    %select_n3A_887 = arith.select %gt3A_886, %broadcast_in_dim3A_399, %broadcast_in_dim3A_397 : vector<16xi1>, vector<16xf32>
    %add3A_888 = arith.addf %add3A_882, %select_n3A_887 : vector<16xf32>
    %get3A_889 = arith.constant 224 : index
    %get3A_890 = tpu.vector_load %arg7[%get3A_889] {strides = array<i32>} : memref<512xf32, #tpu.memory_space<vmem>>, vector<16xf32>,
    %get3A_891 = vector.shape_cast %get3A_890 : vector<16xf32> to vector<16xf32>
    %gt3A_892 = arith.cmpf ogt, %get3A_891, %get3A_810 : vector<16xf32>
    %select_n3A_893 = arith.select %gt3A_892, %broadcast_in_dim3A_399, %broadcast_in_dim3A_397 : vector<16xi1>, vector<16xf32>
    %add3A_894 = arith.addf %add3A_888, %select_n3A_893 : vector<16xf32>
    %get3A_895 = arith.constant 240 : index
    %get3A_896 = tpu.vector_load %arg7[%get3A_895] {strides = array<i32>} : memref<512xf32, #tpu.memory_space<vmem>>, vector<16xf32>,
    %get3A_897 = vector.shape_cast %get3A_896 : vector<16xf32> to vector<16xf32>
    %gt3A_898 = arith.cmpf ogt, %get3A_897, %get3A_810 : vector<16xf32>
    %select_n3A_899 = arith.select %gt3A_898, %broadcast_in_dim3A_399, %broadcast_in_dim3A_397 : vector<16xi1>, vector<16xf32>
    %add3A_900 = arith.addf %add3A_894, %select_n3A_899 : vector<16xf32>
    %get3A_901 = arith.constant 256 : index
    %get3A_902 = tpu.vector_load %arg7[%get3A_901] {strides = array<i32>} : memref<512xf32, #tpu.memory_space<vmem>>, vector<16xf32>,
    %get3A_903 = vector.shape_cast %get3A_902 : vector<16xf32> to vector<16xf32>
    %gt3A_904 = arith.cmpf ogt, %get3A_903, %get3A_810 : vector<16xf32>
    %select_n3A_905 = arith.select %gt3A_904, %broadcast_in_dim3A_399, %broadcast_in_dim3A_397 : vector<16xi1>, vector<16xf32>
    %add3A_906 = arith.addf %add3A_900, %select_n3A_905 : vector<16xf32>
    %get3A_907 = arith.constant 272 : index
    %get3A_908 = tpu.vector_load %arg7[%get3A_907] {strides = array<i32>} : memref<512xf32, #tpu.memory_space<vmem>>, vector<16xf32>,
    %get3A_909 = vector.shape_cast %get3A_908 : vector<16xf32> to vector<16xf32>
    %gt3A_910 = arith.cmpf ogt, %get3A_909, %get3A_810 : vector<16xf32>
    %select_n3A_911 = arith.select %gt3A_910, %broadcast_in_dim3A_399, %broadcast_in_dim3A_397 : vector<16xi1>, vector<16xf32>
    %add3A_912 = arith.addf %add3A_906, %select_n3A_911 : vector<16xf32>
    %get3A_913 = arith.constant 288 : index
    %get3A_914 = tpu.vector_load %arg7[%get3A_913] {strides = array<i32>} : memref<512xf32, #tpu.memory_space<vmem>>, vector<16xf32>,
    %get3A_915 = vector.shape_cast %get3A_914 : vector<16xf32> to vector<16xf32>
    %gt3A_916 = arith.cmpf ogt, %get3A_915, %get3A_810 : vector<16xf32>
    %select_n3A_917 = arith.select %gt3A_916, %broadcast_in_dim3A_399, %broadcast_in_dim3A_397 : vector<16xi1>, vector<16xf32>
    %add3A_918 = arith.addf %add3A_912, %select_n3A_917 : vector<16xf32>
    %get3A_919 = arith.constant 304 : index
    %get3A_920 = tpu.vector_load %arg7[%get3A_919] {strides = array<i32>} : memref<512xf32, #tpu.memory_space<vmem>>, vector<16xf32>,
    %get3A_921 = vector.shape_cast %get3A_920 : vector<16xf32> to vector<16xf32>
    %gt3A_922 = arith.cmpf ogt, %get3A_921, %get3A_810 : vector<16xf32>
    %select_n3A_923 = arith.select %gt3A_922, %broadcast_in_dim3A_399, %broadcast_in_dim3A_397 : vector<16xi1>, vector<16xf32>
    %add3A_924 = arith.addf %add3A_918, %select_n3A_923 : vector<16xf32>
    %get3A_925 = arith.constant 320 : index
    %get3A_926 = tpu.vector_load %arg7[%get3A_925] {strides = array<i32>} : memref<512xf32, #tpu.memory_space<vmem>>, vector<16xf32>,
    %get3A_927 = vector.shape_cast %get3A_926 : vector<16xf32> to vector<16xf32>
    %gt3A_928 = arith.cmpf ogt, %get3A_927, %get3A_810 : vector<16xf32>
    %select_n3A_929 = arith.select %gt3A_928, %broadcast_in_dim3A_399, %broadcast_in_dim3A_397 : vector<16xi1>, vector<16xf32>
    %add3A_930 = arith.addf %add3A_924, %select_n3A_929 : vector<16xf32>
    %get3A_931 = arith.constant 336 : index
    %get3A_932 = tpu.vector_load %arg7[%get3A_931] {strides = array<i32>} : memref<512xf32, #tpu.memory_space<vmem>>, vector<16xf32>,
    %get3A_933 = vector.shape_cast %get3A_932 : vector<16xf32> to vector<16xf32>
    %gt3A_934 = arith.cmpf ogt, %get3A_933, %get3A_810 : vector<16xf32>
    %select_n3A_935 = arith.select %gt3A_934, %broadcast_in_dim3A_399, %broadcast_in_dim3A_397 : vector<16xi1>, vector<16xf32>
    %add3A_936 = arith.addf %add3A_930, %select_n3A_935 : vector<16xf32>
    %ge3A_937 = arith.constant 2.000000e+01 : f32
    %ge3A_938 = vector.broadcast %ge3A_937 : f32 to vector<16xf32>
    %ge3A_939 = arith.cmpf oge, %add3A_936, %ge3A_938 : vector<16xf32>
    %select_n3A_940 = arith.select %ge3A_939, %broadcast_in_dim3A_399, %broadcast_in_dim3A_397 : vector<16xi1>, vector<16xf32>
    %swap3A_941 = arith.constant 48 : index
    %swap3A_942 = tpu.vector_load %arg8[%swap3A_941] {strides = array<i32>} : memref<512xf32, #tpu.memory_space<vmem>>, vector<16xf32>,
    %swap3A_943 = vector.shape_cast %swap3A_942 : vector<16xf32> to vector<16xf32>
    %swap3A_944 = vector.shape_cast %select_n3A_940 : vector<16xf32> to vector<16xf32>
    tpu.vector_store %arg8[%swap3A_941], %swap3A_944 {strides = array<i32>} : memref<512xf32, #tpu.memory_space<vmem>>, vector<16xf32>,
    %get3A_945 = arith.constant 64 : index
    %get3A_946 = tpu.vector_load %arg7[%get3A_945] {strides = array<i32>} : memref<512xf32, #tpu.memory_space<vmem>>, vector<16xf32>,
    %get3A_947 = vector.shape_cast %get3A_946 : vector<16xf32> to vector<16xf32>
    %get3A_948 = arith.constant 0 : index
    %get3A_949 = tpu.vector_load %arg7[%get3A_948] {strides = array<i32>} : memref<512xf32, #tpu.memory_space<vmem>>, vector<16xf32>,
    %get3A_950 = vector.shape_cast %get3A_949 : vector<16xf32> to vector<16xf32>
    %ge3A_951 = arith.cmpf oge, %get3A_950, %get3A_947 : vector<16xf32>
    %select_n3A_952 = arith.select %ge3A_951, %broadcast_in_dim3A_399, %broadcast_in_dim3A_397 : vector<16xi1>, vector<16xf32>
    %add3A_953 = arith.addf %broadcast_in_dim3A_397, %select_n3A_952 : vector<16xf32>
    %get3A_954 = arith.constant 16 : index
    %get3A_955 = tpu.vector_load %arg7[%get3A_954] {strides = array<i32>} : memref<512xf32, #tpu.memory_space<vmem>>, vector<16xf32>,
    %get3A_956 = vector.shape_cast %get3A_955 : vector<16xf32> to vector<16xf32>
    %ge3A_957 = arith.cmpf oge, %get3A_956, %get3A_947 : vector<16xf32>
    %select_n3A_958 = arith.select %ge3A_957, %broadcast_in_dim3A_399, %broadcast_in_dim3A_397 : vector<16xi1>, vector<16xf32>
    %add3A_959 = arith.addf %add3A_953, %select_n3A_958 : vector<16xf32>
    %get3A_960 = arith.constant 32 : index
    %get3A_961 = tpu.vector_load %arg7[%get3A_960] {strides = array<i32>} : memref<512xf32, #tpu.memory_space<vmem>>, vector<16xf32>,
    %get3A_962 = vector.shape_cast %get3A_961 : vector<16xf32> to vector<16xf32>
    %ge3A_963 = arith.cmpf oge, %get3A_962, %get3A_947 : vector<16xf32>
    %select_n3A_964 = arith.select %ge3A_963, %broadcast_in_dim3A_399, %broadcast_in_dim3A_397 : vector<16xi1>, vector<16xf32>
    %add3A_965 = arith.addf %add3A_959, %select_n3A_964 : vector<16xf32>
    %get3A_966 = arith.constant 48 : index
    %get3A_967 = tpu.vector_load %arg7[%get3A_966] {strides = array<i32>} : memref<512xf32, #tpu.memory_space<vmem>>, vector<16xf32>,
    %get3A_968 = vector.shape_cast %get3A_967 : vector<16xf32> to vector<16xf32>
    %ge3A_969 = arith.cmpf oge, %get3A_968, %get3A_947 : vector<16xf32>
    %select_n3A_970 = arith.select %ge3A_969, %broadcast_in_dim3A_399, %broadcast_in_dim3A_397 : vector<16xi1>, vector<16xf32>
    %add3A_971 = arith.addf %add3A_965, %select_n3A_970 : vector<16xf32>
    %get3A_972 = arith.constant 80 : index
    %get3A_973 = tpu.vector_load %arg7[%get3A_972] {strides = array<i32>} : memref<512xf32, #tpu.memory_space<vmem>>, vector<16xf32>,
    %get3A_974 = vector.shape_cast %get3A_973 : vector<16xf32> to vector<16xf32>
    %gt3A_975 = arith.cmpf ogt, %get3A_974, %get3A_947 : vector<16xf32>
    %select_n3A_976 = arith.select %gt3A_975, %broadcast_in_dim3A_399, %broadcast_in_dim3A_397 : vector<16xi1>, vector<16xf32>
    %add3A_977 = arith.addf %add3A_971, %select_n3A_976 : vector<16xf32>
    %get3A_978 = arith.constant 96 : index
    %get3A_979 = tpu.vector_load %arg7[%get3A_978] {strides = array<i32>} : memref<512xf32, #tpu.memory_space<vmem>>, vector<16xf32>,
    %get3A_980 = vector.shape_cast %get3A_979 : vector<16xf32> to vector<16xf32>
    %gt3A_981 = arith.cmpf ogt, %get3A_980, %get3A_947 : vector<16xf32>
    %select_n3A_982 = arith.select %gt3A_981, %broadcast_in_dim3A_399, %broadcast_in_dim3A_397 : vector<16xi1>, vector<16xf32>
    %add3A_983 = arith.addf %add3A_977, %select_n3A_982 : vector<16xf32>
    %get3A_984 = arith.constant 112 : index
    %get3A_985 = tpu.vector_load %arg7[%get3A_984] {strides = array<i32>} : memref<512xf32, #tpu.memory_space<vmem>>, vector<16xf32>,
    %get3A_986 = vector.shape_cast %get3A_985 : vector<16xf32> to vector<16xf32>
    %gt3A_987 = arith.cmpf ogt, %get3A_986, %get3A_947 : vector<16xf32>
    %select_n3A_988 = arith.select %gt3A_987, %broadcast_in_dim3A_399, %broadcast_in_dim3A_397 : vector<16xi1>, vector<16xf32>
    %add3A_989 = arith.addf %add3A_983, %select_n3A_988 : vector<16xf32>
    %get3A_990 = arith.constant 128 : index
    %get3A_991 = tpu.vector_load %arg7[%get3A_990] {strides = array<i32>} : memref<512xf32, #tpu.memory_space<vmem>>, vector<16xf32>,
    %get3A_992 = vector.shape_cast %get3A_991 : vector<16xf32> to vector<16xf32>
    %gt3A_993 = arith.cmpf ogt, %get3A_992, %get3A_947 : vector<16xf32>
    %select_n3A_994 = arith.select %gt3A_993, %broadcast_in_dim3A_399, %broadcast_in_dim3A_397 : vector<16xi1>, vector<16xf32>
    %add3A_995 = arith.addf %add3A_989, %select_n3A_994 : vector<16xf32>
    %get3A_996 = arith.constant 144 : index
    %get3A_997 = tpu.vector_load %arg7[%get3A_996] {strides = array<i32>} : memref<512xf32, #tpu.memory_space<vmem>>, vector<16xf32>,
    %get3A_998 = vector.shape_cast %get3A_997 : vector<16xf32> to vector<16xf32>
    %gt3A_999 = arith.cmpf ogt, %get3A_998, %get3A_947 : vector<16xf32>
    %select_n3A_1000 = arith.select %gt3A_999, %broadcast_in_dim3A_399, %broadcast_in_dim3A_397 : vector<16xi1>, vector<16xf32>
    %add3A_1001 = arith.addf %add3A_995, %select_n3A_1000 : vector<16xf32>
    %get3A_1002 = arith.constant 160 : index
    %get3A_1003 = tpu.vector_load %arg7[%get3A_1002] {strides = array<i32>} : memref<512xf32, #tpu.memory_space<vmem>>, vector<16xf32>,
    %get3A_1004 = vector.shape_cast %get3A_1003 : vector<16xf32> to vector<16xf32>
    %gt3A_1005 = arith.cmpf ogt, %get3A_1004, %get3A_947 : vector<16xf32>
    %select_n3A_1006 = arith.select %gt3A_1005, %broadcast_in_dim3A_399, %broadcast_in_dim3A_397 : vector<16xi1>, vector<16xf32>
    %add3A_1007 = arith.addf %add3A_1001, %select_n3A_1006 : vector<16xf32>
    %get3A_1008 = arith.constant 176 : index
    %get3A_1009 = tpu.vector_load %arg7[%get3A_1008] {strides = array<i32>} : memref<512xf32, #tpu.memory_space<vmem>>, vector<16xf32>,
    %get3A_1010 = vector.shape_cast %get3A_1009 : vector<16xf32> to vector<16xf32>
    %gt3A_1011 = arith.cmpf ogt, %get3A_1010, %get3A_947 : vector<16xf32>
    %select_n3A_1012 = arith.select %gt3A_1011, %broadcast_in_dim3A_399, %broadcast_in_dim3A_397 : vector<16xi1>, vector<16xf32>
    %add3A_1013 = arith.addf %add3A_1007, %select_n3A_1012 : vector<16xf32>
    %get3A_1014 = arith.constant 192 : index
    %get3A_1015 = tpu.vector_load %arg7[%get3A_1014] {strides = array<i32>} : memref<512xf32, #tpu.memory_space<vmem>>, vector<16xf32>,
    %get3A_1016 = vector.shape_cast %get3A_1015 : vector<16xf32> to vector<16xf32>
    %gt3A_1017 = arith.cmpf ogt, %get3A_1016, %get3A_947 : vector<16xf32>
    %select_n3A_1018 = arith.select %gt3A_1017, %broadcast_in_dim3A_399, %broadcast_in_dim3A_397 : vector<16xi1>, vector<16xf32>
    %add3A_1019 = arith.addf %add3A_1013, %select_n3A_1018 : vector<16xf32>
    %get3A_1020 = arith.constant 208 : index
    %get3A_1021 = tpu.vector_load %arg7[%get3A_1020] {strides = array<i32>} : memref<512xf32, #tpu.memory_space<vmem>>, vector<16xf32>,
    %get3A_1022 = vector.shape_cast %get3A_1021 : vector<16xf32> to vector<16xf32>
    %gt3A_1023 = arith.cmpf ogt, %get3A_1022, %get3A_947 : vector<16xf32>
    %select_n3A_1024 = arith.select %gt3A_1023, %broadcast_in_dim3A_399, %broadcast_in_dim3A_397 : vector<16xi1>, vector<16xf32>
    %add3A_1025 = arith.addf %add3A_1019, %select_n3A_1024 : vector<16xf32>
    %get3A_1026 = arith.constant 224 : index
    %get3A_1027 = tpu.vector_load %arg7[%get3A_1026] {strides = array<i32>} : memref<512xf32, #tpu.memory_space<vmem>>, vector<16xf32>,
    %get3A_1028 = vector.shape_cast %get3A_1027 : vector<16xf32> to vector<16xf32>
    %gt3A_1029 = arith.cmpf ogt, %get3A_1028, %get3A_947 : vector<16xf32>
    %select_n3A_1030 = arith.select %gt3A_1029, %broadcast_in_dim3A_399, %broadcast_in_dim3A_397 : vector<16xi1>, vector<16xf32>
    %add3A_1031 = arith.addf %add3A_1025, %select_n3A_1030 : vector<16xf32>
    %get3A_1032 = arith.constant 240 : index
    %get3A_1033 = tpu.vector_load %arg7[%get3A_1032] {strides = array<i32>} : memref<512xf32, #tpu.memory_space<vmem>>, vector<16xf32>,
    %get3A_1034 = vector.shape_cast %get3A_1033 : vector<16xf32> to vector<16xf32>
    %gt3A_1035 = arith.cmpf ogt, %get3A_1034, %get3A_947 : vector<16xf32>
    %select_n3A_1036 = arith.select %gt3A_1035, %broadcast_in_dim3A_399, %broadcast_in_dim3A_397 : vector<16xi1>, vector<16xf32>
    %add3A_1037 = arith.addf %add3A_1031, %select_n3A_1036 : vector<16xf32>
    %get3A_1038 = arith.constant 256 : index
    %get3A_1039 = tpu.vector_load %arg7[%get3A_1038] {strides = array<i32>} : memref<512xf32, #tpu.memory_space<vmem>>, vector<16xf32>,
    %get3A_1040 = vector.shape_cast %get3A_1039 : vector<16xf32> to vector<16xf32>
    %gt3A_1041 = arith.cmpf ogt, %get3A_1040, %get3A_947 : vector<16xf32>
    %select_n3A_1042 = arith.select %gt3A_1041, %broadcast_in_dim3A_399, %broadcast_in_dim3A_397 : vector<16xi1>, vector<16xf32>
    %add3A_1043 = arith.addf %add3A_1037, %select_n3A_1042 : vector<16xf32>
    %get3A_1044 = arith.constant 272 : index
    %get3A_1045 = tpu.vector_load %arg7[%get3A_1044] {strides = array<i32>} : memref<512xf32, #tpu.memory_space<vmem>>, vector<16xf32>,
    %get3A_1046 = vector.shape_cast %get3A_1045 : vector<16xf32> to vector<16xf32>
    %gt3A_1047 = arith.cmpf ogt, %get3A_1046, %get3A_947 : vector<16xf32>
    %select_n3A_1048 = arith.select %gt3A_1047, %broadcast_in_dim3A_399, %broadcast_in_dim3A_397 : vector<16xi1>, vector<16xf32>
    %add3A_1049 = arith.addf %add3A_1043, %select_n3A_1048 : vector<16xf32>
    %get3A_1050 = arith.constant 288 : index
    %get3A_1051 = tpu.vector_load %arg7[%get3A_1050] {strides = array<i32>} : memref<512xf32, #tpu.memory_space<vmem>>, vector<16xf32>,
    %get3A_1052 = vector.shape_cast %get3A_1051 : vector<16xf32> to vector<16xf32>
    %gt3A_1053 = arith.cmpf ogt, %get3A_1052, %get3A_947 : vector<16xf32>
    %select_n3A_1054 = arith.select %gt3A_1053, %broadcast_in_dim3A_399, %broadcast_in_dim3A_397 : vector<16xi1>, vector<16xf32>
    %add3A_1055 = arith.addf %add3A_1049, %select_n3A_1054 : vector<16xf32>
    %get3A_1056 = arith.constant 304 : index
    %get3A_1057 = tpu.vector_load %arg7[%get3A_1056] {strides = array<i32>} : memref<512xf32, #tpu.memory_space<vmem>>, vector<16xf32>,
    %get3A_1058 = vector.shape_cast %get3A_1057 : vector<16xf32> to vector<16xf32>
    %gt3A_1059 = arith.cmpf ogt, %get3A_1058, %get3A_947 : vector<16xf32>
    %select_n3A_1060 = arith.select %gt3A_1059, %broadcast_in_dim3A_399, %broadcast_in_dim3A_397 : vector<16xi1>, vector<16xf32>
    %add3A_1061 = arith.addf %add3A_1055, %select_n3A_1060 : vector<16xf32>
    %get3A_1062 = arith.constant 320 : index
    %get3A_1063 = tpu.vector_load %arg7[%get3A_1062] {strides = array<i32>} : memref<512xf32, #tpu.memory_space<vmem>>, vector<16xf32>,
    %get3A_1064 = vector.shape_cast %get3A_1063 : vector<16xf32> to vector<16xf32>
    %gt3A_1065 = arith.cmpf ogt, %get3A_1064, %get3A_947 : vector<16xf32>
    %select_n3A_1066 = arith.select %gt3A_1065, %broadcast_in_dim3A_399, %broadcast_in_dim3A_397 : vector<16xi1>, vector<16xf32>
    %add3A_1067 = arith.addf %add3A_1061, %select_n3A_1066 : vector<16xf32>
    %get3A_1068 = arith.constant 336 : index
    %get3A_1069 = tpu.vector_load %arg7[%get3A_1068] {strides = array<i32>} : memref<512xf32, #tpu.memory_space<vmem>>, vector<16xf32>,
    %get3A_1070 = vector.shape_cast %get3A_1069 : vector<16xf32> to vector<16xf32>
    %gt3A_1071 = arith.cmpf ogt, %get3A_1070, %get3A_947 : vector<16xf32>
    %select_n3A_1072 = arith.select %gt3A_1071, %broadcast_in_dim3A_399, %broadcast_in_dim3A_397 : vector<16xi1>, vector<16xf32>
    %add3A_1073 = arith.addf %add3A_1067, %select_n3A_1072 : vector<16xf32>
    %ge3A_1074 = arith.constant 2.000000e+01 : f32
    %ge3A_1075 = vector.broadcast %ge3A_1074 : f32 to vector<16xf32>
    %ge3A_1076 = arith.cmpf oge, %add3A_1073, %ge3A_1075 : vector<16xf32>
    %select_n3A_1077 = arith.select %ge3A_1076, %broadcast_in_dim3A_399, %broadcast_in_dim3A_397 : vector<16xi1>, vector<16xf32>
    %swap3A_1078 = arith.constant 64 : index
    %swap3A_1079 = tpu.vector_load %arg8[%swap3A_1078] {strides = array<i32>} : memref<512xf32, #tpu.memory_space<vmem>>, vector<16xf32>,
    %swap3A_1080 = vector.shape_cast %swap3A_1079 : vector<16xf32> to vector<16xf32>
    %swap3A_1081 = vector.shape_cast %select_n3A_1077 : vector<16xf32> to vector<16xf32>
    tpu.vector_store %arg8[%swap3A_1078], %swap3A_1081 {strides = array<i32>} : memref<512xf32, #tpu.memory_space<vmem>>, vector<16xf32>,
    %get3A_1082 = arith.constant 80 : index
    %get3A_1083 = tpu.vector_load %arg7[%get3A_1082] {strides = array<i32>} : memref<512xf32, #tpu.memory_space<vmem>>, vector<16xf32>,
    %get3A_1084 = vector.shape_cast %get3A_1083 : vector<16xf32> to vector<16xf32>
    %get3A_1085 = arith.constant 0 : index
    %get3A_1086 = tpu.vector_load %arg7[%get3A_1085] {strides = array<i32>} : memref<512xf32, #tpu.memory_space<vmem>>, vector<16xf32>,
    %get3A_1087 = vector.shape_cast %get3A_1086 : vector<16xf32> to vector<16xf32>
    %ge3A_1088 = arith.cmpf oge, %get3A_1087, %get3A_1084 : vector<16xf32>
    %select_n3A_1089 = arith.select %ge3A_1088, %broadcast_in_dim3A_399, %broadcast_in_dim3A_397 : vector<16xi1>, vector<16xf32>
    %add3A_1090 = arith.addf %broadcast_in_dim3A_397, %select_n3A_1089 : vector<16xf32>
    %get3A_1091 = arith.constant 16 : index
    %get3A_1092 = tpu.vector_load %arg7[%get3A_1091] {strides = array<i32>} : memref<512xf32, #tpu.memory_space<vmem>>, vector<16xf32>,
    %get3A_1093 = vector.shape_cast %get3A_1092 : vector<16xf32> to vector<16xf32>
    %ge3A_1094 = arith.cmpf oge, %get3A_1093, %get3A_1084 : vector<16xf32>
    %select_n3A_1095 = arith.select %ge3A_1094, %broadcast_in_dim3A_399, %broadcast_in_dim3A_397 : vector<16xi1>, vector<16xf32>
    %add3A_1096 = arith.addf %add3A_1090, %select_n3A_1095 : vector<16xf32>
    %get3A_1097 = arith.constant 32 : index
    %get3A_1098 = tpu.vector_load %arg7[%get3A_1097] {strides = array<i32>} : memref<512xf32, #tpu.memory_space<vmem>>, vector<16xf32>,
    %get3A_1099 = vector.shape_cast %get3A_1098 : vector<16xf32> to vector<16xf32>
    %ge3A_1100 = arith.cmpf oge, %get3A_1099, %get3A_1084 : vector<16xf32>
    %select_n3A_1101 = arith.select %ge3A_1100, %broadcast_in_dim3A_399, %broadcast_in_dim3A_397 : vector<16xi1>, vector<16xf32>
    %add3A_1102 = arith.addf %add3A_1096, %select_n3A_1101 : vector<16xf32>
    %get3A_1103 = arith.constant 48 : index
    %get3A_1104 = tpu.vector_load %arg7[%get3A_1103] {strides = array<i32>} : memref<512xf32, #tpu.memory_space<vmem>>, vector<16xf32>,
    %get3A_1105 = vector.shape_cast %get3A_1104 : vector<16xf32> to vector<16xf32>
    %ge3A_1106 = arith.cmpf oge, %get3A_1105, %get3A_1084 : vector<16xf32>
    %select_n3A_1107 = arith.select %ge3A_1106, %broadcast_in_dim3A_399, %broadcast_in_dim3A_397 : vector<16xi1>, vector<16xf32>
    %add3A_1108 = arith.addf %add3A_1102, %select_n3A_1107 : vector<16xf32>
    %get3A_1109 = arith.constant 64 : index
    %get3A_1110 = tpu.vector_load %arg7[%get3A_1109] {strides = array<i32>} : memref<512xf32, #tpu.memory_space<vmem>>, vector<16xf32>,
    %get3A_1111 = vector.shape_cast %get3A_1110 : vector<16xf32> to vector<16xf32>
    %ge3A_1112 = arith.cmpf oge, %get3A_1111, %get3A_1084 : vector<16xf32>
    %select_n3A_1113 = arith.select %ge3A_1112, %broadcast_in_dim3A_399, %broadcast_in_dim3A_397 : vector<16xi1>, vector<16xf32>
    %add3A_1114 = arith.addf %add3A_1108, %select_n3A_1113 : vector<16xf32>
    %get3A_1115 = arith.constant 96 : index
    %get3A_1116 = tpu.vector_load %arg7[%get3A_1115] {strides = array<i32>} : memref<512xf32, #tpu.memory_space<vmem>>, vector<16xf32>,
    %get3A_1117 = vector.shape_cast %get3A_1116 : vector<16xf32> to vector<16xf32>
    %gt3A_1118 = arith.cmpf ogt, %get3A_1117, %get3A_1084 : vector<16xf32>
    %select_n3A_1119 = arith.select %gt3A_1118, %broadcast_in_dim3A_399, %broadcast_in_dim3A_397 : vector<16xi1>, vector<16xf32>
    %add3A_1120 = arith.addf %add3A_1114, %select_n3A_1119 : vector<16xf32>
    %get3A_1121 = arith.constant 112 : index
    %get3A_1122 = tpu.vector_load %arg7[%get3A_1121] {strides = array<i32>} : memref<512xf32, #tpu.memory_space<vmem>>, vector<16xf32>,
    %get3A_1123 = vector.shape_cast %get3A_1122 : vector<16xf32> to vector<16xf32>
    %gt3A_1124 = arith.cmpf ogt, %get3A_1123, %get3A_1084 : vector<16xf32>
    %select_n3A_1125 = arith.select %gt3A_1124, %broadcast_in_dim3A_399, %broadcast_in_dim3A_397 : vector<16xi1>, vector<16xf32>
    %add3A_1126 = arith.addf %add3A_1120, %select_n3A_1125 : vector<16xf32>
    %get3A_1127 = arith.constant 128 : index
    %get3A_1128 = tpu.vector_load %arg7[%get3A_1127] {strides = array<i32>} : memref<512xf32, #tpu.memory_space<vmem>>, vector<16xf32>,
    %get3A_1129 = vector.shape_cast %get3A_1128 : vector<16xf32> to vector<16xf32>
    %gt3A_1130 = arith.cmpf ogt, %get3A_1129, %get3A_1084 : vector<16xf32>
    %select_n3A_1131 = arith.select %gt3A_1130, %broadcast_in_dim3A_399, %broadcast_in_dim3A_397 : vector<16xi1>, vector<16xf32>
    %add3A_1132 = arith.addf %add3A_1126, %select_n3A_1131 : vector<16xf32>
    %get3A_1133 = arith.constant 144 : index
    %get3A_1134 = tpu.vector_load %arg7[%get3A_1133] {strides = array<i32>} : memref<512xf32, #tpu.memory_space<vmem>>, vector<16xf32>,
    %get3A_1135 = vector.shape_cast %get3A_1134 : vector<16xf32> to vector<16xf32>
    %gt3A_1136 = arith.cmpf ogt, %get3A_1135, %get3A_1084 : vector<16xf32>
    %select_n3A_1137 = arith.select %gt3A_1136, %broadcast_in_dim3A_399, %broadcast_in_dim3A_397 : vector<16xi1>, vector<16xf32>
    %add3A_1138 = arith.addf %add3A_1132, %select_n3A_1137 : vector<16xf32>
    %get3A_1139 = arith.constant 160 : index
    %get3A_1140 = tpu.vector_load %arg7[%get3A_1139] {strides = array<i32>} : memref<512xf32, #tpu.memory_space<vmem>>, vector<16xf32>,
    %get3A_1141 = vector.shape_cast %get3A_1140 : vector<16xf32> to vector<16xf32>
    %gt3A_1142 = arith.cmpf ogt, %get3A_1141, %get3A_1084 : vector<16xf32>
    %select_n3A_1143 = arith.select %gt3A_1142, %broadcast_in_dim3A_399, %broadcast_in_dim3A_397 : vector<16xi1>, vector<16xf32>
    %add3A_1144 = arith.addf %add3A_1138, %select_n3A_1143 : vector<16xf32>
    %get3A_1145 = arith.constant 176 : index
    %get3A_1146 = tpu.vector_load %arg7[%get3A_1145] {strides = array<i32>} : memref<512xf32, #tpu.memory_space<vmem>>, vector<16xf32>,
    %get3A_1147 = vector.shape_cast %get3A_1146 : vector<16xf32> to vector<16xf32>
    %gt3A_1148 = arith.cmpf ogt, %get3A_1147, %get3A_1084 : vector<16xf32>
    %select_n3A_1149 = arith.select %gt3A_1148, %broadcast_in_dim3A_399, %broadcast_in_dim3A_397 : vector<16xi1>, vector<16xf32>
    %add3A_1150 = arith.addf %add3A_1144, %select_n3A_1149 : vector<16xf32>
    %get3A_1151 = arith.constant 192 : index
    %get3A_1152 = tpu.vector_load %arg7[%get3A_1151] {strides = array<i32>} : memref<512xf32, #tpu.memory_space<vmem>>, vector<16xf32>,
    %get3A_1153 = vector.shape_cast %get3A_1152 : vector<16xf32> to vector<16xf32>
    %gt3A_1154 = arith.cmpf ogt, %get3A_1153, %get3A_1084 : vector<16xf32>
    %select_n3A_1155 = arith.select %gt3A_1154, %broadcast_in_dim3A_399, %broadcast_in_dim3A_397 : vector<16xi1>, vector<16xf32>
    %add3A_1156 = arith.addf %add3A_1150, %select_n3A_1155 : vector<16xf32>
    %get3A_1157 = arith.constant 208 : index
    %get3A_1158 = tpu.vector_load %arg7[%get3A_1157] {strides = array<i32>} : memref<512xf32, #tpu.memory_space<vmem>>, vector<16xf32>,
    %get3A_1159 = vector.shape_cast %get3A_1158 : vector<16xf32> to vector<16xf32>
    %gt3A_1160 = arith.cmpf ogt, %get3A_1159, %get3A_1084 : vector<16xf32>
    %select_n3A_1161 = arith.select %gt3A_1160, %broadcast_in_dim3A_399, %broadcast_in_dim3A_397 : vector<16xi1>, vector<16xf32>
    %add3A_1162 = arith.addf %add3A_1156, %select_n3A_1161 : vector<16xf32>
    %get3A_1163 = arith.constant 224 : index
    %get3A_1164 = tpu.vector_load %arg7[%get3A_1163] {strides = array<i32>} : memref<512xf32, #tpu.memory_space<vmem>>, vector<16xf32>,
    %get3A_1165 = vector.shape_cast %get3A_1164 : vector<16xf32> to vector<16xf32>
    %gt3A_1166 = arith.cmpf ogt, %get3A_1165, %get3A_1084 : vector<16xf32>
    %select_n3A_1167 = arith.select %gt3A_1166, %broadcast_in_dim3A_399, %broadcast_in_dim3A_397 : vector<16xi1>, vector<16xf32>
    %add3A_1168 = arith.addf %add3A_1162, %select_n3A_1167 : vector<16xf32>
    %get3A_1169 = arith.constant 240 : index
    %get3A_1170 = tpu.vector_load %arg7[%get3A_1169] {strides = array<i32>} : memref<512xf32, #tpu.memory_space<vmem>>, vector<16xf32>,
    %get3A_1171 = vector.shape_cast %get3A_1170 : vector<16xf32> to vector<16xf32>
    %gt3A_1172 = arith.cmpf ogt, %get3A_1171, %get3A_1084 : vector<16xf32>
    %select_n3A_1173 = arith.select %gt3A_1172, %broadcast_in_dim3A_399, %broadcast_in_dim3A_397 : vector<16xi1>, vector<16xf32>
    %add3A_1174 = arith.addf %add3A_1168, %select_n3A_1173 : vector<16xf32>
    %get3A_1175 = arith.constant 256 : index
    %get3A_1176 = tpu.vector_load %arg7[%get3A_1175] {strides = array<i32>} : memref<512xf32, #tpu.memory_space<vmem>>, vector<16xf32>,
    %get3A_1177 = vector.shape_cast %get3A_1176 : vector<16xf32> to vector<16xf32>
    %gt3A_1178 = arith.cmpf ogt, %get3A_1177, %get3A_1084 : vector<16xf32>
    %select_n3A_1179 = arith.select %gt3A_1178, %broadcast_in_dim3A_399, %broadcast_in_dim3A_397 : vector<16xi1>, vector<16xf32>
    %add3A_1180 = arith.addf %add3A_1174, %select_n3A_1179 : vector<16xf32>
    %get3A_1181 = arith.constant 272 : index
    %get3A_1182 = tpu.vector_load %arg7[%get3A_1181] {strides = array<i32>} : memref<512xf32, #tpu.memory_space<vmem>>, vector<16xf32>,
    %get3A_1183 = vector.shape_cast %get3A_1182 : vector<16xf32> to vector<16xf32>
    %gt3A_1184 = arith.cmpf ogt, %get3A_1183, %get3A_1084 : vector<16xf32>
    %select_n3A_1185 = arith.select %gt3A_1184, %broadcast_in_dim3A_399, %broadcast_in_dim3A_397 : vector<16xi1>, vector<16xf32>
    %add3A_1186 = arith.addf %add3A_1180, %select_n3A_1185 : vector<16xf32>
    %get3A_1187 = arith.constant 288 : index
    %get3A_1188 = tpu.vector_load %arg7[%get3A_1187] {strides = array<i32>} : memref<512xf32, #tpu.memory_space<vmem>>, vector<16xf32>,
    %get3A_1189 = vector.shape_cast %get3A_1188 : vector<16xf32> to vector<16xf32>
    %gt3A_1190 = arith.cmpf ogt, %get3A_1189, %get3A_1084 : vector<16xf32>
    %select_n3A_1191 = arith.select %gt3A_1190, %broadcast_in_dim3A_399, %broadcast_in_dim3A_397 : vector<16xi1>, vector<16xf32>
    %add3A_1192 = arith.addf %add3A_1186, %select_n3A_1191 : vector<16xf32>
    %get3A_1193 = arith.constant 304 : index
    %get3A_1194 = tpu.vector_load %arg7[%get3A_1193] {strides = array<i32>} : memref<512xf32, #tpu.memory_space<vmem>>, vector<16xf32>,
    %get3A_1195 = vector.shape_cast %get3A_1194 : vector<16xf32> to vector<16xf32>
    %gt3A_1196 = arith.cmpf ogt, %get3A_1195, %get3A_1084 : vector<16xf32>
    %select_n3A_1197 = arith.select %gt3A_1196, %broadcast_in_dim3A_399, %broadcast_in_dim3A_397 : vector<16xi1>, vector<16xf32>
    %add3A_1198 = arith.addf %add3A_1192, %select_n3A_1197 : vector<16xf32>
    %get3A_1199 = arith.constant 320 : index
    %get3A_1200 = tpu.vector_load %arg7[%get3A_1199] {strides = array<i32>} : memref<512xf32, #tpu.memory_space<vmem>>, vector<16xf32>,
    %get3A_1201 = vector.shape_cast %get3A_1200 : vector<16xf32> to vector<16xf32>
    %gt3A_1202 = arith.cmpf ogt, %get3A_1201, %get3A_1084 : vector<16xf32>
    %select_n3A_1203 = arith.select %gt3A_1202, %broadcast_in_dim3A_399, %broadcast_in_dim3A_397 : vector<16xi1>, vector<16xf32>
    %add3A_1204 = arith.addf %add3A_1198, %select_n3A_1203 : vector<16xf32>
    %get3A_1205 = arith.constant 336 : index
    %get3A_1206 = tpu.vector_load %arg7[%get3A_1205] {strides = array<i32>} : memref<512xf32, #tpu.memory_space<vmem>>, vector<16xf32>,
    %get3A_1207 = vector.shape_cast %get3A_1206 : vector<16xf32> to vector<16xf32>
    %gt3A_1208 = arith.cmpf ogt, %get3A_1207, %get3A_1084 : vector<16xf32>
    %select_n3A_1209 = arith.select %gt3A_1208, %broadcast_in_dim3A_399, %broadcast_in_dim3A_397 : vector<16xi1>, vector<16xf32>
    %add3A_1210 = arith.addf %add3A_1204, %select_n3A_1209 : vector<16xf32>
    %ge3A_1211 = arith.constant 2.000000e+01 : f32
    %ge3A_1212 = vector.broadcast %ge3A_1211 : f32 to vector<16xf32>
    %ge3A_1213 = arith.cmpf oge, %add3A_1210, %ge3A_1212 : vector<16xf32>
    %select_n3A_1214 = arith.select %ge3A_1213, %broadcast_in_dim3A_399, %broadcast_in_dim3A_397 : vector<16xi1>, vector<16xf32>
    %swap3A_1215 = arith.constant 80 : index
    %swap3A_1216 = tpu.vector_load %arg8[%swap3A_1215] {strides = array<i32>} : memref<512xf32, #tpu.memory_space<vmem>>, vector<16xf32>,
    %swap3A_1217 = vector.shape_cast %swap3A_1216 : vector<16xf32> to vector<16xf32>
    %swap3A_1218 = vector.shape_cast %select_n3A_1214 : vector<16xf32> to vector<16xf32>
    tpu.vector_store %arg8[%swap3A_1215], %swap3A_1218 {strides = array<i32>} : memref<512xf32, #tpu.memory_space<vmem>>, vector<16xf32>,
    %get3A_1219 = arith.constant 96 : index
    %get3A_1220 = tpu.vector_load %arg7[%get3A_1219] {strides = array<i32>} : memref<512xf32, #tpu.memory_space<vmem>>, vector<16xf32>,
    %get3A_1221 = vector.shape_cast %get3A_1220 : vector<16xf32> to vector<16xf32>
    %get3A_1222 = arith.constant 0 : index
    %get3A_1223 = tpu.vector_load %arg7[%get3A_1222] {strides = array<i32>} : memref<512xf32, #tpu.memory_space<vmem>>, vector<16xf32>,
    %get3A_1224 = vector.shape_cast %get3A_1223 : vector<16xf32> to vector<16xf32>
    %ge3A_1225 = arith.cmpf oge, %get3A_1224, %get3A_1221 : vector<16xf32>
    %select_n3A_1226 = arith.select %ge3A_1225, %broadcast_in_dim3A_399, %broadcast_in_dim3A_397 : vector<16xi1>, vector<16xf32>
    %add3A_1227 = arith.addf %broadcast_in_dim3A_397, %select_n3A_1226 : vector<16xf32>
    %get3A_1228 = arith.constant 16 : index
    %get3A_1229 = tpu.vector_load %arg7[%get3A_1228] {strides = array<i32>} : memref<512xf32, #tpu.memory_space<vmem>>, vector<16xf32>,
    %get3A_1230 = vector.shape_cast %get3A_1229 : vector<16xf32> to vector<16xf32>
    %ge3A_1231 = arith.cmpf oge, %get3A_1230, %get3A_1221 : vector<16xf32>
    %select_n3A_1232 = arith.select %ge3A_1231, %broadcast_in_dim3A_399, %broadcast_in_dim3A_397 : vector<16xi1>, vector<16xf32>
    %add3A_1233 = arith.addf %add3A_1227, %select_n3A_1232 : vector<16xf32>
    %get3A_1234 = arith.constant 32 : index
    %get3A_1235 = tpu.vector_load %arg7[%get3A_1234] {strides = array<i32>} : memref<512xf32, #tpu.memory_space<vmem>>, vector<16xf32>,
    %get3A_1236 = vector.shape_cast %get3A_1235 : vector<16xf32> to vector<16xf32>
    %ge3A_1237 = arith.cmpf oge, %get3A_1236, %get3A_1221 : vector<16xf32>
    %select_n3A_1238 = arith.select %ge3A_1237, %broadcast_in_dim3A_399, %broadcast_in_dim3A_397 : vector<16xi1>, vector<16xf32>
    %add3A_1239 = arith.addf %add3A_1233, %select_n3A_1238 : vector<16xf32>
    %get3A_1240 = arith.constant 48 : index
    %get3A_1241 = tpu.vector_load %arg7[%get3A_1240] {strides = array<i32>} : memref<512xf32, #tpu.memory_space<vmem>>, vector<16xf32>,
    %get3A_1242 = vector.shape_cast %get3A_1241 : vector<16xf32> to vector<16xf32>
    %ge3A_1243 = arith.cmpf oge, %get3A_1242, %get3A_1221 : vector<16xf32>
    %select_n3A_1244 = arith.select %ge3A_1243, %broadcast_in_dim3A_399, %broadcast_in_dim3A_397 : vector<16xi1>, vector<16xf32>
    %add3A_1245 = arith.addf %add3A_1239, %select_n3A_1244 : vector<16xf32>
    %get3A_1246 = arith.constant 64 : index
    %get3A_1247 = tpu.vector_load %arg7[%get3A_1246] {strides = array<i32>} : memref<512xf32, #tpu.memory_space<vmem>>, vector<16xf32>,
    %get3A_1248 = vector.shape_cast %get3A_1247 : vector<16xf32> to vector<16xf32>
    %ge3A_1249 = arith.cmpf oge, %get3A_1248, %get3A_1221 : vector<16xf32>
    %select_n3A_1250 = arith.select %ge3A_1249, %broadcast_in_dim3A_399, %broadcast_in_dim3A_397 : vector<16xi1>, vector<16xf32>
    %add3A_1251 = arith.addf %add3A_1245, %select_n3A_1250 : vector<16xf32>
    %get3A_1252 = arith.constant 80 : index
    %get3A_1253 = tpu.vector_load %arg7[%get3A_1252] {strides = array<i32>} : memref<512xf32, #tpu.memory_space<vmem>>, vector<16xf32>,
    %get3A_1254 = vector.shape_cast %get3A_1253 : vector<16xf32> to vector<16xf32>
    %ge3A_1255 = arith.cmpf oge, %get3A_1254, %get3A_1221 : vector<16xf32>
    %select_n3A_1256 = arith.select %ge3A_1255, %broadcast_in_dim3A_399, %broadcast_in_dim3A_397 : vector<16xi1>, vector<16xf32>
    %add3A_1257 = arith.addf %add3A_1251, %select_n3A_1256 : vector<16xf32>
    %get3A_1258 = arith.constant 112 : index
    %get3A_1259 = tpu.vector_load %arg7[%get3A_1258] {strides = array<i32>} : memref<512xf32, #tpu.memory_space<vmem>>, vector<16xf32>,
    %get3A_1260 = vector.shape_cast %get3A_1259 : vector<16xf32> to vector<16xf32>
    %gt3A_1261 = arith.cmpf ogt, %get3A_1260, %get3A_1221 : vector<16xf32>
    %select_n3A_1262 = arith.select %gt3A_1261, %broadcast_in_dim3A_399, %broadcast_in_dim3A_397 : vector<16xi1>, vector<16xf32>
    %add3A_1263 = arith.addf %add3A_1257, %select_n3A_1262 : vector<16xf32>
    %get3A_1264 = arith.constant 128 : index
    %get3A_1265 = tpu.vector_load %arg7[%get3A_1264] {strides = array<i32>} : memref<512xf32, #tpu.memory_space<vmem>>, vector<16xf32>,
    %get3A_1266 = vector.shape_cast %get3A_1265 : vector<16xf32> to vector<16xf32>
    %gt3A_1267 = arith.cmpf ogt, %get3A_1266, %get3A_1221 : vector<16xf32>
    %select_n3A_1268 = arith.select %gt3A_1267, %broadcast_in_dim3A_399, %broadcast_in_dim3A_397 : vector<16xi1>, vector<16xf32>
    %add3A_1269 = arith.addf %add3A_1263, %select_n3A_1268 : vector<16xf32>
    %get3A_1270 = arith.constant 144 : index
    %get3A_1271 = tpu.vector_load %arg7[%get3A_1270] {strides = array<i32>} : memref<512xf32, #tpu.memory_space<vmem>>, vector<16xf32>,
    %get3A_1272 = vector.shape_cast %get3A_1271 : vector<16xf32> to vector<16xf32>
    %gt3A_1273 = arith.cmpf ogt, %get3A_1272, %get3A_1221 : vector<16xf32>
    %select_n3A_1274 = arith.select %gt3A_1273, %broadcast_in_dim3A_399, %broadcast_in_dim3A_397 : vector<16xi1>, vector<16xf32>
    %add3A_1275 = arith.addf %add3A_1269, %select_n3A_1274 : vector<16xf32>
    %get3A_1276 = arith.constant 160 : index
    %get3A_1277 = tpu.vector_load %arg7[%get3A_1276] {strides = array<i32>} : memref<512xf32, #tpu.memory_space<vmem>>, vector<16xf32>,
    %get3A_1278 = vector.shape_cast %get3A_1277 : vector<16xf32> to vector<16xf32>
    %gt3A_1279 = arith.cmpf ogt, %get3A_1278, %get3A_1221 : vector<16xf32>
    %select_n3A_1280 = arith.select %gt3A_1279, %broadcast_in_dim3A_399, %broadcast_in_dim3A_397 : vector<16xi1>, vector<16xf32>
    %add3A_1281 = arith.addf %add3A_1275, %select_n3A_1280 : vector<16xf32>
    %get3A_1282 = arith.constant 176 : index
    %get3A_1283 = tpu.vector_load %arg7[%get3A_1282] {strides = array<i32>} : memref<512xf32, #tpu.memory_space<vmem>>, vector<16xf32>,
    %get3A_1284 = vector.shape_cast %get3A_1283 : vector<16xf32> to vector<16xf32>
    %gt3A_1285 = arith.cmpf ogt, %get3A_1284, %get3A_1221 : vector<16xf32>
    %select_n3A_1286 = arith.select %gt3A_1285, %broadcast_in_dim3A_399, %broadcast_in_dim3A_397 : vector<16xi1>, vector<16xf32>
    %add3A_1287 = arith.addf %add3A_1281, %select_n3A_1286 : vector<16xf32>
    %get3A_1288 = arith.constant 192 : index
    %get3A_1289 = tpu.vector_load %arg7[%get3A_1288] {strides = array<i32>} : memref<512xf32, #tpu.memory_space<vmem>>, vector<16xf32>,
    %get3A_1290 = vector.shape_cast %get3A_1289 : vector<16xf32> to vector<16xf32>
    %gt3A_1291 = arith.cmpf ogt, %get3A_1290, %get3A_1221 : vector<16xf32>
    %select_n3A_1292 = arith.select %gt3A_1291, %broadcast_in_dim3A_399, %broadcast_in_dim3A_397 : vector<16xi1>, vector<16xf32>
    %add3A_1293 = arith.addf %add3A_1287, %select_n3A_1292 : vector<16xf32>
    %get3A_1294 = arith.constant 208 : index
    %get3A_1295 = tpu.vector_load %arg7[%get3A_1294] {strides = array<i32>} : memref<512xf32, #tpu.memory_space<vmem>>, vector<16xf32>,
    %get3A_1296 = vector.shape_cast %get3A_1295 : vector<16xf32> to vector<16xf32>
    %gt3A_1297 = arith.cmpf ogt, %get3A_1296, %get3A_1221 : vector<16xf32>
    %select_n3A_1298 = arith.select %gt3A_1297, %broadcast_in_dim3A_399, %broadcast_in_dim3A_397 : vector<16xi1>, vector<16xf32>
    %add3A_1299 = arith.addf %add3A_1293, %select_n3A_1298 : vector<16xf32>
    %get3A_1300 = arith.constant 224 : index
    %get3A_1301 = tpu.vector_load %arg7[%get3A_1300] {strides = array<i32>} : memref<512xf32, #tpu.memory_space<vmem>>, vector<16xf32>,
    %get3A_1302 = vector.shape_cast %get3A_1301 : vector<16xf32> to vector<16xf32>
    %gt3A_1303 = arith.cmpf ogt, %get3A_1302, %get3A_1221 : vector<16xf32>
    %select_n3A_1304 = arith.select %gt3A_1303, %broadcast_in_dim3A_399, %broadcast_in_dim3A_397 : vector<16xi1>, vector<16xf32>
    %add3A_1305 = arith.addf %add3A_1299, %select_n3A_1304 : vector<16xf32>
    %get3A_1306 = arith.constant 240 : index
    %get3A_1307 = tpu.vector_load %arg7[%get3A_1306] {strides = array<i32>} : memref<512xf32, #tpu.memory_space<vmem>>, vector<16xf32>,
    %get3A_1308 = vector.shape_cast %get3A_1307 : vector<16xf32> to vector<16xf32>
    %gt3A_1309 = arith.cmpf ogt, %get3A_1308, %get3A_1221 : vector<16xf32>
    %select_n3A_1310 = arith.select %gt3A_1309, %broadcast_in_dim3A_399, %broadcast_in_dim3A_397 : vector<16xi1>, vector<16xf32>
    %add3A_1311 = arith.addf %add3A_1305, %select_n3A_1310 : vector<16xf32>
    %get3A_1312 = arith.constant 256 : index
    %get3A_1313 = tpu.vector_load %arg7[%get3A_1312] {strides = array<i32>} : memref<512xf32, #tpu.memory_space<vmem>>, vector<16xf32>,
    %get3A_1314 = vector.shape_cast %get3A_1313 : vector<16xf32> to vector<16xf32>
    %gt3A_1315 = arith.cmpf ogt, %get3A_1314, %get3A_1221 : vector<16xf32>
    %select_n3A_1316 = arith.select %gt3A_1315, %broadcast_in_dim3A_399, %broadcast_in_dim3A_397 : vector<16xi1>, vector<16xf32>
    %add3A_1317 = arith.addf %add3A_1311, %select_n3A_1316 : vector<16xf32>
    %get3A_1318 = arith.constant 272 : index
    %get3A_1319 = tpu.vector_load %arg7[%get3A_1318] {strides = array<i32>} : memref<512xf32, #tpu.memory_space<vmem>>, vector<16xf32>,
    %get3A_1320 = vector.shape_cast %get3A_1319 : vector<16xf32> to vector<16xf32>
    %gt3A_1321 = arith.cmpf ogt, %get3A_1320, %get3A_1221 : vector<16xf32>
    %select_n3A_1322 = arith.select %gt3A_1321, %broadcast_in_dim3A_399, %broadcast_in_dim3A_397 : vector<16xi1>, vector<16xf32>
    %add3A_1323 = arith.addf %add3A_1317, %select_n3A_1322 : vector<16xf32>
    %get3A_1324 = arith.constant 288 : index
    %get3A_1325 = tpu.vector_load %arg7[%get3A_1324] {strides = array<i32>} : memref<512xf32, #tpu.memory_space<vmem>>, vector<16xf32>,
    %get3A_1326 = vector.shape_cast %get3A_1325 : vector<16xf32> to vector<16xf32>
    %gt3A_1327 = arith.cmpf ogt, %get3A_1326, %get3A_1221 : vector<16xf32>
    %select_n3A_1328 = arith.select %gt3A_1327, %broadcast_in_dim3A_399, %broadcast_in_dim3A_397 : vector<16xi1>, vector<16xf32>
    %add3A_1329 = arith.addf %add3A_1323, %select_n3A_1328 : vector<16xf32>
    %get3A_1330 = arith.constant 304 : index
    %get3A_1331 = tpu.vector_load %arg7[%get3A_1330] {strides = array<i32>} : memref<512xf32, #tpu.memory_space<vmem>>, vector<16xf32>,
    %get3A_1332 = vector.shape_cast %get3A_1331 : vector<16xf32> to vector<16xf32>
    %gt3A_1333 = arith.cmpf ogt, %get3A_1332, %get3A_1221 : vector<16xf32>
    %select_n3A_1334 = arith.select %gt3A_1333, %broadcast_in_dim3A_399, %broadcast_in_dim3A_397 : vector<16xi1>, vector<16xf32>
    %add3A_1335 = arith.addf %add3A_1329, %select_n3A_1334 : vector<16xf32>
    %get3A_1336 = arith.constant 320 : index
    %get3A_1337 = tpu.vector_load %arg7[%get3A_1336] {strides = array<i32>} : memref<512xf32, #tpu.memory_space<vmem>>, vector<16xf32>,
    %get3A_1338 = vector.shape_cast %get3A_1337 : vector<16xf32> to vector<16xf32>
    %gt3A_1339 = arith.cmpf ogt, %get3A_1338, %get3A_1221 : vector<16xf32>
    %select_n3A_1340 = arith.select %gt3A_1339, %broadcast_in_dim3A_399, %broadcast_in_dim3A_397 : vector<16xi1>, vector<16xf32>
    %add3A_1341 = arith.addf %add3A_1335, %select_n3A_1340 : vector<16xf32>
    %get3A_1342 = arith.constant 336 : index
    %get3A_1343 = tpu.vector_load %arg7[%get3A_1342] {strides = array<i32>} : memref<512xf32, #tpu.memory_space<vmem>>, vector<16xf32>,
    %get3A_1344 = vector.shape_cast %get3A_1343 : vector<16xf32> to vector<16xf32>
    %gt3A_1345 = arith.cmpf ogt, %get3A_1344, %get3A_1221 : vector<16xf32>
    %select_n3A_1346 = arith.select %gt3A_1345, %broadcast_in_dim3A_399, %broadcast_in_dim3A_397 : vector<16xi1>, vector<16xf32>
    %add3A_1347 = arith.addf %add3A_1341, %select_n3A_1346 : vector<16xf32>
    %ge3A_1348 = arith.constant 2.000000e+01 : f32
    %ge3A_1349 = vector.broadcast %ge3A_1348 : f32 to vector<16xf32>
    %ge3A_1350 = arith.cmpf oge, %add3A_1347, %ge3A_1349 : vector<16xf32>
    %select_n3A_1351 = arith.select %ge3A_1350, %broadcast_in_dim3A_399, %broadcast_in_dim3A_397 : vector<16xi1>, vector<16xf32>
    %swap3A_1352 = arith.constant 96 : index
    %swap3A_1353 = tpu.vector_load %arg8[%swap3A_1352] {strides = array<i32>} : memref<512xf32, #tpu.memory_space<vmem>>, vector<16xf32>,
    %swap3A_1354 = vector.shape_cast %swap3A_1353 : vector<16xf32> to vector<16xf32>
    %swap3A_1355 = vector.shape_cast %select_n3A_1351 : vector<16xf32> to vector<16xf32>
    tpu.vector_store %arg8[%swap3A_1352], %swap3A_1355 {strides = array<i32>} : memref<512xf32, #tpu.memory_space<vmem>>, vector<16xf32>,
    %get3A_1356 = arith.constant 112 : index
    %get3A_1357 = tpu.vector_load %arg7[%get3A_1356] {strides = array<i32>} : memref<512xf32, #tpu.memory_space<vmem>>, vector<16xf32>,
    %get3A_1358 = vector.shape_cast %get3A_1357 : vector<16xf32> to vector<16xf32>
    %get3A_1359 = arith.constant 0 : index
    %get3A_1360 = tpu.vector_load %arg7[%get3A_1359] {strides = array<i32>} : memref<512xf32, #tpu.memory_space<vmem>>, vector<16xf32>,
    %get3A_1361 = vector.shape_cast %get3A_1360 : vector<16xf32> to vector<16xf32>
    %ge3A_1362 = arith.cmpf oge, %get3A_1361, %get3A_1358 : vector<16xf32>
    %select_n3A_1363 = arith.select %ge3A_1362, %broadcast_in_dim3A_399, %broadcast_in_dim3A_397 : vector<16xi1>, vector<16xf32>
    %add3A_1364 = arith.addf %broadcast_in_dim3A_397, %select_n3A_1363 : vector<16xf32>
    %get3A_1365 = arith.constant 16 : index
    %get3A_1366 = tpu.vector_load %arg7[%get3A_1365] {strides = array<i32>} : memref<512xf32, #tpu.memory_space<vmem>>, vector<16xf32>,
    %get3A_1367 = vector.shape_cast %get3A_1366 : vector<16xf32> to vector<16xf32>
    %ge3A_1368 = arith.cmpf oge, %get3A_1367, %get3A_1358 : vector<16xf32>
    %select_n3A_1369 = arith.select %ge3A_1368, %broadcast_in_dim3A_399, %broadcast_in_dim3A_397 : vector<16xi1>, vector<16xf32>
    %add3A_1370 = arith.addf %add3A_1364, %select_n3A_1369 : vector<16xf32>
    %get3A_1371 = arith.constant 32 : index
    %get3A_1372 = tpu.vector_load %arg7[%get3A_1371] {strides = array<i32>} : memref<512xf32, #tpu.memory_space<vmem>>, vector<16xf32>,
    %get3A_1373 = vector.shape_cast %get3A_1372 : vector<16xf32> to vector<16xf32>
    %ge3A_1374 = arith.cmpf oge, %get3A_1373, %get3A_1358 : vector<16xf32>
    %select_n3A_1375 = arith.select %ge3A_1374, %broadcast_in_dim3A_399, %broadcast_in_dim3A_397 : vector<16xi1>, vector<16xf32>
    %add3A_1376 = arith.addf %add3A_1370, %select_n3A_1375 : vector<16xf32>
    %get3A_1377 = arith.constant 48 : index
    %get3A_1378 = tpu.vector_load %arg7[%get3A_1377] {strides = array<i32>} : memref<512xf32, #tpu.memory_space<vmem>>, vector<16xf32>,
    %get3A_1379 = vector.shape_cast %get3A_1378 : vector<16xf32> to vector<16xf32>
    %ge3A_1380 = arith.cmpf oge, %get3A_1379, %get3A_1358 : vector<16xf32>
    %select_n3A_1381 = arith.select %ge3A_1380, %broadcast_in_dim3A_399, %broadcast_in_dim3A_397 : vector<16xi1>, vector<16xf32>
    %add3A_1382 = arith.addf %add3A_1376, %select_n3A_1381 : vector<16xf32>
    %get3A_1383 = arith.constant 64 : index
    %get3A_1384 = tpu.vector_load %arg7[%get3A_1383] {strides = array<i32>} : memref<512xf32, #tpu.memory_space<vmem>>, vector<16xf32>,
    %get3A_1385 = vector.shape_cast %get3A_1384 : vector<16xf32> to vector<16xf32>
    %ge3A_1386 = arith.cmpf oge, %get3A_1385, %get3A_1358 : vector<16xf32>
    %select_n3A_1387 = arith.select %ge3A_1386, %broadcast_in_dim3A_399, %broadcast_in_dim3A_397 : vector<16xi1>, vector<16xf32>
    %add3A_1388 = arith.addf %add3A_1382, %select_n3A_1387 : vector<16xf32>
    %get3A_1389 = arith.constant 80 : index
    %get3A_1390 = tpu.vector_load %arg7[%get3A_1389] {strides = array<i32>} : memref<512xf32, #tpu.memory_space<vmem>>, vector<16xf32>,
    %get3A_1391 = vector.shape_cast %get3A_1390 : vector<16xf32> to vector<16xf32>
    %ge3A_1392 = arith.cmpf oge, %get3A_1391, %get3A_1358 : vector<16xf32>
    %select_n3A_1393 = arith.select %ge3A_1392, %broadcast_in_dim3A_399, %broadcast_in_dim3A_397 : vector<16xi1>, vector<16xf32>
    %add3A_1394 = arith.addf %add3A_1388, %select_n3A_1393 : vector<16xf32>
    %get3A_1395 = arith.constant 96 : index
    %get3A_1396 = tpu.vector_load %arg7[%get3A_1395] {strides = array<i32>} : memref<512xf32, #tpu.memory_space<vmem>>, vector<16xf32>,
    %get3A_1397 = vector.shape_cast %get3A_1396 : vector<16xf32> to vector<16xf32>
    %ge3A_1398 = arith.cmpf oge, %get3A_1397, %get3A_1358 : vector<16xf32>
    %select_n3A_1399 = arith.select %ge3A_1398, %broadcast_in_dim3A_399, %broadcast_in_dim3A_397 : vector<16xi1>, vector<16xf32>
    %add3A_1400 = arith.addf %add3A_1394, %select_n3A_1399 : vector<16xf32>
    %get3A_1401 = arith.constant 128 : index
    %get3A_1402 = tpu.vector_load %arg7[%get3A_1401] {strides = array<i32>} : memref<512xf32, #tpu.memory_space<vmem>>, vector<16xf32>,
    %get3A_1403 = vector.shape_cast %get3A_1402 : vector<16xf32> to vector<16xf32>
    %gt3A_1404 = arith.cmpf ogt, %get3A_1403, %get3A_1358 : vector<16xf32>
    %select_n3A_1405 = arith.select %gt3A_1404, %broadcast_in_dim3A_399, %broadcast_in_dim3A_397 : vector<16xi1>, vector<16xf32>
    %add3A_1406 = arith.addf %add3A_1400, %select_n3A_1405 : vector<16xf32>
    %get3A_1407 = arith.constant 144 : index
    %get3A_1408 = tpu.vector_load %arg7[%get3A_1407] {strides = array<i32>} : memref<512xf32, #tpu.memory_space<vmem>>, vector<16xf32>,
    %get3A_1409 = vector.shape_cast %get3A_1408 : vector<16xf32> to vector<16xf32>
    %gt3A_1410 = arith.cmpf ogt, %get3A_1409, %get3A_1358 : vector<16xf32>
    %select_n3A_1411 = arith.select %gt3A_1410, %broadcast_in_dim3A_399, %broadcast_in_dim3A_397 : vector<16xi1>, vector<16xf32>
    %add3A_1412 = arith.addf %add3A_1406, %select_n3A_1411 : vector<16xf32>
    %get3A_1413 = arith.constant 160 : index
    %get3A_1414 = tpu.vector_load %arg7[%get3A_1413] {strides = array<i32>} : memref<512xf32, #tpu.memory_space<vmem>>, vector<16xf32>,
    %get3A_1415 = vector.shape_cast %get3A_1414 : vector<16xf32> to vector<16xf32>
    %gt3A_1416 = arith.cmpf ogt, %get3A_1415, %get3A_1358 : vector<16xf32>
    %select_n3A_1417 = arith.select %gt3A_1416, %broadcast_in_dim3A_399, %broadcast_in_dim3A_397 : vector<16xi1>, vector<16xf32>
    %add3A_1418 = arith.addf %add3A_1412, %select_n3A_1417 : vector<16xf32>
    %get3A_1419 = arith.constant 176 : index
    %get3A_1420 = tpu.vector_load %arg7[%get3A_1419] {strides = array<i32>} : memref<512xf32, #tpu.memory_space<vmem>>, vector<16xf32>,
    %get3A_1421 = vector.shape_cast %get3A_1420 : vector<16xf32> to vector<16xf32>
    %gt3A_1422 = arith.cmpf ogt, %get3A_1421, %get3A_1358 : vector<16xf32>
    %select_n3A_1423 = arith.select %gt3A_1422, %broadcast_in_dim3A_399, %broadcast_in_dim3A_397 : vector<16xi1>, vector<16xf32>
    %add3A_1424 = arith.addf %add3A_1418, %select_n3A_1423 : vector<16xf32>
    %get3A_1425 = arith.constant 192 : index
    %get3A_1426 = tpu.vector_load %arg7[%get3A_1425] {strides = array<i32>} : memref<512xf32, #tpu.memory_space<vmem>>, vector<16xf32>,
    %get3A_1427 = vector.shape_cast %get3A_1426 : vector<16xf32> to vector<16xf32>
    %gt3A_1428 = arith.cmpf ogt, %get3A_1427, %get3A_1358 : vector<16xf32>
    %select_n3A_1429 = arith.select %gt3A_1428, %broadcast_in_dim3A_399, %broadcast_in_dim3A_397 : vector<16xi1>, vector<16xf32>
    %add3A_1430 = arith.addf %add3A_1424, %select_n3A_1429 : vector<16xf32>
    %get3A_1431 = arith.constant 208 : index
    %get3A_1432 = tpu.vector_load %arg7[%get3A_1431] {strides = array<i32>} : memref<512xf32, #tpu.memory_space<vmem>>, vector<16xf32>,
    %get3A_1433 = vector.shape_cast %get3A_1432 : vector<16xf32> to vector<16xf32>
    %gt3A_1434 = arith.cmpf ogt, %get3A_1433, %get3A_1358 : vector<16xf32>
    %select_n3A_1435 = arith.select %gt3A_1434, %broadcast_in_dim3A_399, %broadcast_in_dim3A_397 : vector<16xi1>, vector<16xf32>
    %add3A_1436 = arith.addf %add3A_1430, %select_n3A_1435 : vector<16xf32>
    %get3A_1437 = arith.constant 224 : index
    %get3A_1438 = tpu.vector_load %arg7[%get3A_1437] {strides = array<i32>} : memref<512xf32, #tpu.memory_space<vmem>>, vector<16xf32>,
    %get3A_1439 = vector.shape_cast %get3A_1438 : vector<16xf32> to vector<16xf32>
    %gt3A_1440 = arith.cmpf ogt, %get3A_1439, %get3A_1358 : vector<16xf32>
    %select_n3A_1441 = arith.select %gt3A_1440, %broadcast_in_dim3A_399, %broadcast_in_dim3A_397 : vector<16xi1>, vector<16xf32>
    %add3A_1442 = arith.addf %add3A_1436, %select_n3A_1441 : vector<16xf32>
    %get3A_1443 = arith.constant 240 : index
    %get3A_1444 = tpu.vector_load %arg7[%get3A_1443] {strides = array<i32>} : memref<512xf32, #tpu.memory_space<vmem>>, vector<16xf32>,
    %get3A_1445 = vector.shape_cast %get3A_1444 : vector<16xf32> to vector<16xf32>
    %gt3A_1446 = arith.cmpf ogt, %get3A_1445, %get3A_1358 : vector<16xf32>
    %select_n3A_1447 = arith.select %gt3A_1446, %broadcast_in_dim3A_399, %broadcast_in_dim3A_397 : vector<16xi1>, vector<16xf32>
    %add3A_1448 = arith.addf %add3A_1442, %select_n3A_1447 : vector<16xf32>
    %get3A_1449 = arith.constant 256 : index
    %get3A_1450 = tpu.vector_load %arg7[%get3A_1449] {strides = array<i32>} : memref<512xf32, #tpu.memory_space<vmem>>, vector<16xf32>,
    %get3A_1451 = vector.shape_cast %get3A_1450 : vector<16xf32> to vector<16xf32>
    %gt3A_1452 = arith.cmpf ogt, %get3A_1451, %get3A_1358 : vector<16xf32>
    %select_n3A_1453 = arith.select %gt3A_1452, %broadcast_in_dim3A_399, %broadcast_in_dim3A_397 : vector<16xi1>, vector<16xf32>
    %add3A_1454 = arith.addf %add3A_1448, %select_n3A_1453 : vector<16xf32>
    %get3A_1455 = arith.constant 272 : index
    %get3A_1456 = tpu.vector_load %arg7[%get3A_1455] {strides = array<i32>} : memref<512xf32, #tpu.memory_space<vmem>>, vector<16xf32>,
    %get3A_1457 = vector.shape_cast %get3A_1456 : vector<16xf32> to vector<16xf32>
    %gt3A_1458 = arith.cmpf ogt, %get3A_1457, %get3A_1358 : vector<16xf32>
    %select_n3A_1459 = arith.select %gt3A_1458, %broadcast_in_dim3A_399, %broadcast_in_dim3A_397 : vector<16xi1>, vector<16xf32>
    %add3A_1460 = arith.addf %add3A_1454, %select_n3A_1459 : vector<16xf32>
    %get3A_1461 = arith.constant 288 : index
    %get3A_1462 = tpu.vector_load %arg7[%get3A_1461] {strides = array<i32>} : memref<512xf32, #tpu.memory_space<vmem>>, vector<16xf32>,
    %get3A_1463 = vector.shape_cast %get3A_1462 : vector<16xf32> to vector<16xf32>
    %gt3A_1464 = arith.cmpf ogt, %get3A_1463, %get3A_1358 : vector<16xf32>
    %select_n3A_1465 = arith.select %gt3A_1464, %broadcast_in_dim3A_399, %broadcast_in_dim3A_397 : vector<16xi1>, vector<16xf32>
    %add3A_1466 = arith.addf %add3A_1460, %select_n3A_1465 : vector<16xf32>
    %get3A_1467 = arith.constant 304 : index
    %get3A_1468 = tpu.vector_load %arg7[%get3A_1467] {strides = array<i32>} : memref<512xf32, #tpu.memory_space<vmem>>, vector<16xf32>,
    %get3A_1469 = vector.shape_cast %get3A_1468 : vector<16xf32> to vector<16xf32>
    %gt3A_1470 = arith.cmpf ogt, %get3A_1469, %get3A_1358 : vector<16xf32>
    %select_n3A_1471 = arith.select %gt3A_1470, %broadcast_in_dim3A_399, %broadcast_in_dim3A_397 : vector<16xi1>, vector<16xf32>
    %add3A_1472 = arith.addf %add3A_1466, %select_n3A_1471 : vector<16xf32>
    %get3A_1473 = arith.constant 320 : index
    %get3A_1474 = tpu.vector_load %arg7[%get3A_1473] {strides = array<i32>} : memref<512xf32, #tpu.memory_space<vmem>>, vector<16xf32>,
    %get3A_1475 = vector.shape_cast %get3A_1474 : vector<16xf32> to vector<16xf32>
    %gt3A_1476 = arith.cmpf ogt, %get3A_1475, %get3A_1358 : vector<16xf32>
    %select_n3A_1477 = arith.select %gt3A_1476, %broadcast_in_dim3A_399, %broadcast_in_dim3A_397 : vector<16xi1>, vector<16xf32>
    %add3A_1478 = arith.addf %add3A_1472, %select_n3A_1477 : vector<16xf32>
    %get3A_1479 = arith.constant 336 : index
    %get3A_1480 = tpu.vector_load %arg7[%get3A_1479] {strides = array<i32>} : memref<512xf32, #tpu.memory_space<vmem>>, vector<16xf32>,
    %get3A_1481 = vector.shape_cast %get3A_1480 : vector<16xf32> to vector<16xf32>
    %gt3A_1482 = arith.cmpf ogt, %get3A_1481, %get3A_1358 : vector<16xf32>
    %select_n3A_1483 = arith.select %gt3A_1482, %broadcast_in_dim3A_399, %broadcast_in_dim3A_397 : vector<16xi1>, vector<16xf32>
    %add3A_1484 = arith.addf %add3A_1478, %select_n3A_1483 : vector<16xf32>
    %ge3A_1485 = arith.constant 2.000000e+01 : f32
    %ge3A_1486 = vector.broadcast %ge3A_1485 : f32 to vector<16xf32>
    %ge3A_1487 = arith.cmpf oge, %add3A_1484, %ge3A_1486 : vector<16xf32>
    %select_n3A_1488 = arith.select %ge3A_1487, %broadcast_in_dim3A_399, %broadcast_in_dim3A_397 : vector<16xi1>, vector<16xf32>
    %swap3A_1489 = arith.constant 112 : index
    %swap3A_1490 = tpu.vector_load %arg8[%swap3A_1489] {strides = array<i32>} : memref<512xf32, #tpu.memory_space<vmem>>, vector<16xf32>,
    %swap3A_1491 = vector.shape_cast %swap3A_1490 : vector<16xf32> to vector<16xf32>
    %swap3A_1492 = vector.shape_cast %select_n3A_1488 : vector<16xf32> to vector<16xf32>
    tpu.vector_store %arg8[%swap3A_1489], %swap3A_1492 {strides = array<i32>} : memref<512xf32, #tpu.memory_space<vmem>>, vector<16xf32>,
    %get3A_1493 = arith.constant 128 : index
    %get3A_1494 = tpu.vector_load %arg7[%get3A_1493] {strides = array<i32>} : memref<512xf32, #tpu.memory_space<vmem>>, vector<16xf32>,
    %get3A_1495 = vector.shape_cast %get3A_1494 : vector<16xf32> to vector<16xf32>
    %get3A_1496 = arith.constant 0 : index
    %get3A_1497 = tpu.vector_load %arg7[%get3A_1496] {strides = array<i32>} : memref<512xf32, #tpu.memory_space<vmem>>, vector<16xf32>,
    %get3A_1498 = vector.shape_cast %get3A_1497 : vector<16xf32> to vector<16xf32>
    %ge3A_1499 = arith.cmpf oge, %get3A_1498, %get3A_1495 : vector<16xf32>
    %select_n3A_1500 = arith.select %ge3A_1499, %broadcast_in_dim3A_399, %broadcast_in_dim3A_397 : vector<16xi1>, vector<16xf32>
    %add3A_1501 = arith.addf %broadcast_in_dim3A_397, %select_n3A_1500 : vector<16xf32>
    %get3A_1502 = arith.constant 16 : index
    %get3A_1503 = tpu.vector_load %arg7[%get3A_1502] {strides = array<i32>} : memref<512xf32, #tpu.memory_space<vmem>>, vector<16xf32>,
    %get3A_1504 = vector.shape_cast %get3A_1503 : vector<16xf32> to vector<16xf32>
    %ge3A_1505 = arith.cmpf oge, %get3A_1504, %get3A_1495 : vector<16xf32>
    %select_n3A_1506 = arith.select %ge3A_1505, %broadcast_in_dim3A_399, %broadcast_in_dim3A_397 : vector<16xi1>, vector<16xf32>
    %add3A_1507 = arith.addf %add3A_1501, %select_n3A_1506 : vector<16xf32>
    %get3A_1508 = arith.constant 32 : index
    %get3A_1509 = tpu.vector_load %arg7[%get3A_1508] {strides = array<i32>} : memref<512xf32, #tpu.memory_space<vmem>>, vector<16xf32>,
    %get3A_1510 = vector.shape_cast %get3A_1509 : vector<16xf32> to vector<16xf32>
    %ge3A_1511 = arith.cmpf oge, %get3A_1510, %get3A_1495 : vector<16xf32>
    %select_n3A_1512 = arith.select %ge3A_1511, %broadcast_in_dim3A_399, %broadcast_in_dim3A_397 : vector<16xi1>, vector<16xf32>
    %add3A_1513 = arith.addf %add3A_1507, %select_n3A_1512 : vector<16xf32>
    %get3A_1514 = arith.constant 48 : index
    %get3A_1515 = tpu.vector_load %arg7[%get3A_1514] {strides = array<i32>} : memref<512xf32, #tpu.memory_space<vmem>>, vector<16xf32>,
    %get3A_1516 = vector.shape_cast %get3A_1515 : vector<16xf32> to vector<16xf32>
    %ge3A_1517 = arith.cmpf oge, %get3A_1516, %get3A_1495 : vector<16xf32>
    %select_n3A_1518 = arith.select %ge3A_1517, %broadcast_in_dim3A_399, %broadcast_in_dim3A_397 : vector<16xi1>, vector<16xf32>
    %add3A_1519 = arith.addf %add3A_1513, %select_n3A_1518 : vector<16xf32>
    %get3A_1520 = arith.constant 64 : index
    %get3A_1521 = tpu.vector_load %arg7[%get3A_1520] {strides = array<i32>} : memref<512xf32, #tpu.memory_space<vmem>>, vector<16xf32>,
    %get3A_1522 = vector.shape_cast %get3A_1521 : vector<16xf32> to vector<16xf32>
    %ge3A_1523 = arith.cmpf oge, %get3A_1522, %get3A_1495 : vector<16xf32>
    %select_n3A_1524 = arith.select %ge3A_1523, %broadcast_in_dim3A_399, %broadcast_in_dim3A_397 : vector<16xi1>, vector<16xf32>
    %add3A_1525 = arith.addf %add3A_1519, %select_n3A_1524 : vector<16xf32>
    %get3A_1526 = arith.constant 80 : index
    %get3A_1527 = tpu.vector_load %arg7[%get3A_1526] {strides = array<i32>} : memref<512xf32, #tpu.memory_space<vmem>>, vector<16xf32>,
    %get3A_1528 = vector.shape_cast %get3A_1527 : vector<16xf32> to vector<16xf32>
    %ge3A_1529 = arith.cmpf oge, %get3A_1528, %get3A_1495 : vector<16xf32>
    %select_n3A_1530 = arith.select %ge3A_1529, %broadcast_in_dim3A_399, %broadcast_in_dim3A_397 : vector<16xi1>, vector<16xf32>
    %add3A_1531 = arith.addf %add3A_1525, %select_n3A_1530 : vector<16xf32>
    %get3A_1532 = arith.constant 96 : index
    %get3A_1533 = tpu.vector_load %arg7[%get3A_1532] {strides = array<i32>} : memref<512xf32, #tpu.memory_space<vmem>>, vector<16xf32>,
    %get3A_1534 = vector.shape_cast %get3A_1533 : vector<16xf32> to vector<16xf32>
    %ge3A_1535 = arith.cmpf oge, %get3A_1534, %get3A_1495 : vector<16xf32>
    %select_n3A_1536 = arith.select %ge3A_1535, %broadcast_in_dim3A_399, %broadcast_in_dim3A_397 : vector<16xi1>, vector<16xf32>
    %add3A_1537 = arith.addf %add3A_1531, %select_n3A_1536 : vector<16xf32>
    %get3A_1538 = arith.constant 112 : index
    %get3A_1539 = tpu.vector_load %arg7[%get3A_1538] {strides = array<i32>} : memref<512xf32, #tpu.memory_space<vmem>>, vector<16xf32>,
    %get3A_1540 = vector.shape_cast %get3A_1539 : vector<16xf32> to vector<16xf32>
    %ge3A_1541 = arith.cmpf oge, %get3A_1540, %get3A_1495 : vector<16xf32>
    %select_n3A_1542 = arith.select %ge3A_1541, %broadcast_in_dim3A_399, %broadcast_in_dim3A_397 : vector<16xi1>, vector<16xf32>
    %add3A_1543 = arith.addf %add3A_1537, %select_n3A_1542 : vector<16xf32>
    %get3A_1544 = arith.constant 144 : index
    %get3A_1545 = tpu.vector_load %arg7[%get3A_1544] {strides = array<i32>} : memref<512xf32, #tpu.memory_space<vmem>>, vector<16xf32>,
    %get3A_1546 = vector.shape_cast %get3A_1545 : vector<16xf32> to vector<16xf32>
    %gt3A_1547 = arith.cmpf ogt, %get3A_1546, %get3A_1495 : vector<16xf32>
    %select_n3A_1548 = arith.select %gt3A_1547, %broadcast_in_dim3A_399, %broadcast_in_dim3A_397 : vector<16xi1>, vector<16xf32>
    %add3A_1549 = arith.addf %add3A_1543, %select_n3A_1548 : vector<16xf32>
    %get3A_1550 = arith.constant 160 : index
    %get3A_1551 = tpu.vector_load %arg7[%get3A_1550] {strides = array<i32>} : memref<512xf32, #tpu.memory_space<vmem>>, vector<16xf32>,
    %get3A_1552 = vector.shape_cast %get3A_1551 : vector<16xf32> to vector<16xf32>
    %gt3A_1553 = arith.cmpf ogt, %get3A_1552, %get3A_1495 : vector<16xf32>
    %select_n3A_1554 = arith.select %gt3A_1553, %broadcast_in_dim3A_399, %broadcast_in_dim3A_397 : vector<16xi1>, vector<16xf32>
    %add3A_1555 = arith.addf %add3A_1549, %select_n3A_1554 : vector<16xf32>
    %get3A_1556 = arith.constant 176 : index
    %get3A_1557 = tpu.vector_load %arg7[%get3A_1556] {strides = array<i32>} : memref<512xf32, #tpu.memory_space<vmem>>, vector<16xf32>,
    %get3A_1558 = vector.shape_cast %get3A_1557 : vector<16xf32> to vector<16xf32>
    %gt3A_1559 = arith.cmpf ogt, %get3A_1558, %get3A_1495 : vector<16xf32>
    %select_n3A_1560 = arith.select %gt3A_1559, %broadcast_in_dim3A_399, %broadcast_in_dim3A_397 : vector<16xi1>, vector<16xf32>
    %add3A_1561 = arith.addf %add3A_1555, %select_n3A_1560 : vector<16xf32>
    %get3A_1562 = arith.constant 192 : index
    %get3A_1563 = tpu.vector_load %arg7[%get3A_1562] {strides = array<i32>} : memref<512xf32, #tpu.memory_space<vmem>>, vector<16xf32>,
    %get3A_1564 = vector.shape_cast %get3A_1563 : vector<16xf32> to vector<16xf32>
    %gt3A_1565 = arith.cmpf ogt, %get3A_1564, %get3A_1495 : vector<16xf32>
    %select_n3A_1566 = arith.select %gt3A_1565, %broadcast_in_dim3A_399, %broadcast_in_dim3A_397 : vector<16xi1>, vector<16xf32>
    %add3A_1567 = arith.addf %add3A_1561, %select_n3A_1566 : vector<16xf32>
    %get3A_1568 = arith.constant 208 : index
    %get3A_1569 = tpu.vector_load %arg7[%get3A_1568] {strides = array<i32>} : memref<512xf32, #tpu.memory_space<vmem>>, vector<16xf32>,
    %get3A_1570 = vector.shape_cast %get3A_1569 : vector<16xf32> to vector<16xf32>
    %gt3A_1571 = arith.cmpf ogt, %get3A_1570, %get3A_1495 : vector<16xf32>
    %select_n3A_1572 = arith.select %gt3A_1571, %broadcast_in_dim3A_399, %broadcast_in_dim3A_397 : vector<16xi1>, vector<16xf32>
    %add3A_1573 = arith.addf %add3A_1567, %select_n3A_1572 : vector<16xf32>
    %get3A_1574 = arith.constant 224 : index
    %get3A_1575 = tpu.vector_load %arg7[%get3A_1574] {strides = array<i32>} : memref<512xf32, #tpu.memory_space<vmem>>, vector<16xf32>,
    %get3A_1576 = vector.shape_cast %get3A_1575 : vector<16xf32> to vector<16xf32>
    %gt3A_1577 = arith.cmpf ogt, %get3A_1576, %get3A_1495 : vector<16xf32>
    %select_n3A_1578 = arith.select %gt3A_1577, %broadcast_in_dim3A_399, %broadcast_in_dim3A_397 : vector<16xi1>, vector<16xf32>
    %add3A_1579 = arith.addf %add3A_1573, %select_n3A_1578 : vector<16xf32>
    %get3A_1580 = arith.constant 240 : index
    %get3A_1581 = tpu.vector_load %arg7[%get3A_1580] {strides = array<i32>} : memref<512xf32, #tpu.memory_space<vmem>>, vector<16xf32>,
    %get3A_1582 = vector.shape_cast %get3A_1581 : vector<16xf32> to vector<16xf32>
    %gt3A_1583 = arith.cmpf ogt, %get3A_1582, %get3A_1495 : vector<16xf32>
    %select_n3A_1584 = arith.select %gt3A_1583, %broadcast_in_dim3A_399, %broadcast_in_dim3A_397 : vector<16xi1>, vector<16xf32>
    %add3A_1585 = arith.addf %add3A_1579, %select_n3A_1584 : vector<16xf32>
    %get3A_1586 = arith.constant 256 : index
    %get3A_1587 = tpu.vector_load %arg7[%get3A_1586] {strides = array<i32>} : memref<512xf32, #tpu.memory_space<vmem>>, vector<16xf32>,
    %get3A_1588 = vector.shape_cast %get3A_1587 : vector<16xf32> to vector<16xf32>
    %gt3A_1589 = arith.cmpf ogt, %get3A_1588, %get3A_1495 : vector<16xf32>
    %select_n3A_1590 = arith.select %gt3A_1589, %broadcast_in_dim3A_399, %broadcast_in_dim3A_397 : vector<16xi1>, vector<16xf32>
    %add3A_1591 = arith.addf %add3A_1585, %select_n3A_1590 : vector<16xf32>
    %get3A_1592 = arith.constant 272 : index
    %get3A_1593 = tpu.vector_load %arg7[%get3A_1592] {strides = array<i32>} : memref<512xf32, #tpu.memory_space<vmem>>, vector<16xf32>,
    %get3A_1594 = vector.shape_cast %get3A_1593 : vector<16xf32> to vector<16xf32>
    %gt3A_1595 = arith.cmpf ogt, %get3A_1594, %get3A_1495 : vector<16xf32>
    %select_n3A_1596 = arith.select %gt3A_1595, %broadcast_in_dim3A_399, %broadcast_in_dim3A_397 : vector<16xi1>, vector<16xf32>
    %add3A_1597 = arith.addf %add3A_1591, %select_n3A_1596 : vector<16xf32>
    %get3A_1598 = arith.constant 288 : index
    %get3A_1599 = tpu.vector_load %arg7[%get3A_1598] {strides = array<i32>} : memref<512xf32, #tpu.memory_space<vmem>>, vector<16xf32>,
    %get3A_1600 = vector.shape_cast %get3A_1599 : vector<16xf32> to vector<16xf32>
    %gt3A_1601 = arith.cmpf ogt, %get3A_1600, %get3A_1495 : vector<16xf32>
    %select_n3A_1602 = arith.select %gt3A_1601, %broadcast_in_dim3A_399, %broadcast_in_dim3A_397 : vector<16xi1>, vector<16xf32>
    %add3A_1603 = arith.addf %add3A_1597, %select_n3A_1602 : vector<16xf32>
    %get3A_1604 = arith.constant 304 : index
    %get3A_1605 = tpu.vector_load %arg7[%get3A_1604] {strides = array<i32>} : memref<512xf32, #tpu.memory_space<vmem>>, vector<16xf32>,
    %get3A_1606 = vector.shape_cast %get3A_1605 : vector<16xf32> to vector<16xf32>
    %gt3A_1607 = arith.cmpf ogt, %get3A_1606, %get3A_1495 : vector<16xf32>
    %select_n3A_1608 = arith.select %gt3A_1607, %broadcast_in_dim3A_399, %broadcast_in_dim3A_397 : vector<16xi1>, vector<16xf32>
    %add3A_1609 = arith.addf %add3A_1603, %select_n3A_1608 : vector<16xf32>
    %get3A_1610 = arith.constant 320 : index
    %get3A_1611 = tpu.vector_load %arg7[%get3A_1610] {strides = array<i32>} : memref<512xf32, #tpu.memory_space<vmem>>, vector<16xf32>,
    %get3A_1612 = vector.shape_cast %get3A_1611 : vector<16xf32> to vector<16xf32>
    %gt3A_1613 = arith.cmpf ogt, %get3A_1612, %get3A_1495 : vector<16xf32>
    %select_n3A_1614 = arith.select %gt3A_1613, %broadcast_in_dim3A_399, %broadcast_in_dim3A_397 : vector<16xi1>, vector<16xf32>
    %add3A_1615 = arith.addf %add3A_1609, %select_n3A_1614 : vector<16xf32>
    %get3A_1616 = arith.constant 336 : index
    %get3A_1617 = tpu.vector_load %arg7[%get3A_1616] {strides = array<i32>} : memref<512xf32, #tpu.memory_space<vmem>>, vector<16xf32>,
    %get3A_1618 = vector.shape_cast %get3A_1617 : vector<16xf32> to vector<16xf32>
    %gt3A_1619 = arith.cmpf ogt, %get3A_1618, %get3A_1495 : vector<16xf32>
    %select_n3A_1620 = arith.select %gt3A_1619, %broadcast_in_dim3A_399, %broadcast_in_dim3A_397 : vector<16xi1>, vector<16xf32>
    %add3A_1621 = arith.addf %add3A_1615, %select_n3A_1620 : vector<16xf32>
    %ge3A_1622 = arith.constant 2.000000e+01 : f32
    %ge3A_1623 = vector.broadcast %ge3A_1622 : f32 to vector<16xf32>
    %ge3A_1624 = arith.cmpf oge, %add3A_1621, %ge3A_1623 : vector<16xf32>
    %select_n3A_1625 = arith.select %ge3A_1624, %broadcast_in_dim3A_399, %broadcast_in_dim3A_397 : vector<16xi1>, vector<16xf32>
    %swap3A_1626 = arith.constant 128 : index
    %swap3A_1627 = tpu.vector_load %arg8[%swap3A_1626] {strides = array<i32>} : memref<512xf32, #tpu.memory_space<vmem>>, vector<16xf32>,
    %swap3A_1628 = vector.shape_cast %swap3A_1627 : vector<16xf32> to vector<16xf32>
    %swap3A_1629 = vector.shape_cast %select_n3A_1625 : vector<16xf32> to vector<16xf32>
    tpu.vector_store %arg8[%swap3A_1626], %swap3A_1629 {strides = array<i32>} : memref<512xf32, #tpu.memory_space<vmem>>, vector<16xf32>,
    %get3A_1630 = arith.constant 144 : index
    %get3A_1631 = tpu.vector_load %arg7[%get3A_1630] {strides = array<i32>} : memref<512xf32, #tpu.memory_space<vmem>>, vector<16xf32>,
    %get3A_1632 = vector.shape_cast %get3A_1631 : vector<16xf32> to vector<16xf32>
    %get3A_1633 = arith.constant 0 : index
    %get3A_1634 = tpu.vector_load %arg7[%get3A_1633] {strides = array<i32>} : memref<512xf32, #tpu.memory_space<vmem>>, vector<16xf32>,
    %get3A_1635 = vector.shape_cast %get3A_1634 : vector<16xf32> to vector<16xf32>
    %ge3A_1636 = arith.cmpf oge, %get3A_1635, %get3A_1632 : vector<16xf32>
    %select_n3A_1637 = arith.select %ge3A_1636, %broadcast_in_dim3A_399, %broadcast_in_dim3A_397 : vector<16xi1>, vector<16xf32>
    %add3A_1638 = arith.addf %broadcast_in_dim3A_397, %select_n3A_1637 : vector<16xf32>
    %get3A_1639 = arith.constant 16 : index
    %get3A_1640 = tpu.vector_load %arg7[%get3A_1639] {strides = array<i32>} : memref<512xf32, #tpu.memory_space<vmem>>, vector<16xf32>,
    %get3A_1641 = vector.shape_cast %get3A_1640 : vector<16xf32> to vector<16xf32>
    %ge3A_1642 = arith.cmpf oge, %get3A_1641, %get3A_1632 : vector<16xf32>
    %select_n3A_1643 = arith.select %ge3A_1642, %broadcast_in_dim3A_399, %broadcast_in_dim3A_397 : vector<16xi1>, vector<16xf32>
    %add3A_1644 = arith.addf %add3A_1638, %select_n3A_1643 : vector<16xf32>
    %get3A_1645 = arith.constant 32 : index
    %get3A_1646 = tpu.vector_load %arg7[%get3A_1645] {strides = array<i32>} : memref<512xf32, #tpu.memory_space<vmem>>, vector<16xf32>,
    %get3A_1647 = vector.shape_cast %get3A_1646 : vector<16xf32> to vector<16xf32>
    %ge3A_1648 = arith.cmpf oge, %get3A_1647, %get3A_1632 : vector<16xf32>
    %select_n3A_1649 = arith.select %ge3A_1648, %broadcast_in_dim3A_399, %broadcast_in_dim3A_397 : vector<16xi1>, vector<16xf32>
    %add3A_1650 = arith.addf %add3A_1644, %select_n3A_1649 : vector<16xf32>
    %get3A_1651 = arith.constant 48 : index
    %get3A_1652 = tpu.vector_load %arg7[%get3A_1651] {strides = array<i32>} : memref<512xf32, #tpu.memory_space<vmem>>, vector<16xf32>,
    %get3A_1653 = vector.shape_cast %get3A_1652 : vector<16xf32> to vector<16xf32>
    %ge3A_1654 = arith.cmpf oge, %get3A_1653, %get3A_1632 : vector<16xf32>
    %select_n3A_1655 = arith.select %ge3A_1654, %broadcast_in_dim3A_399, %broadcast_in_dim3A_397 : vector<16xi1>, vector<16xf32>
    %add3A_1656 = arith.addf %add3A_1650, %select_n3A_1655 : vector<16xf32>
    %get3A_1657 = arith.constant 64 : index
    %get3A_1658 = tpu.vector_load %arg7[%get3A_1657] {strides = array<i32>} : memref<512xf32, #tpu.memory_space<vmem>>, vector<16xf32>,
    %get3A_1659 = vector.shape_cast %get3A_1658 : vector<16xf32> to vector<16xf32>
    %ge3A_1660 = arith.cmpf oge, %get3A_1659, %get3A_1632 : vector<16xf32>
    %select_n3A_1661 = arith.select %ge3A_1660, %broadcast_in_dim3A_399, %broadcast_in_dim3A_397 : vector<16xi1>, vector<16xf32>
    %add3A_1662 = arith.addf %add3A_1656, %select_n3A_1661 : vector<16xf32>
    %get3A_1663 = arith.constant 80 : index
    %get3A_1664 = tpu.vector_load %arg7[%get3A_1663] {strides = array<i32>} : memref<512xf32, #tpu.memory_space<vmem>>, vector<16xf32>,
    %get3A_1665 = vector.shape_cast %get3A_1664 : vector<16xf32> to vector<16xf32>
    %ge3A_1666 = arith.cmpf oge, %get3A_1665, %get3A_1632 : vector<16xf32>
    %select_n3A_1667 = arith.select %ge3A_1666, %broadcast_in_dim3A_399, %broadcast_in_dim3A_397 : vector<16xi1>, vector<16xf32>
    %add3A_1668 = arith.addf %add3A_1662, %select_n3A_1667 : vector<16xf32>
    %get3A_1669 = arith.constant 96 : index
    %get3A_1670 = tpu.vector_load %arg7[%get3A_1669] {strides = array<i32>} : memref<512xf32, #tpu.memory_space<vmem>>, vector<16xf32>,
    %get3A_1671 = vector.shape_cast %get3A_1670 : vector<16xf32> to vector<16xf32>
    %ge3A_1672 = arith.cmpf oge, %get3A_1671, %get3A_1632 : vector<16xf32>
    %select_n3A_1673 = arith.select %ge3A_1672, %broadcast_in_dim3A_399, %broadcast_in_dim3A_397 : vector<16xi1>, vector<16xf32>
    %add3A_1674 = arith.addf %add3A_1668, %select_n3A_1673 : vector<16xf32>
    %get3A_1675 = arith.constant 112 : index
    %get3A_1676 = tpu.vector_load %arg7[%get3A_1675] {strides = array<i32>} : memref<512xf32, #tpu.memory_space<vmem>>, vector<16xf32>,
    %get3A_1677 = vector.shape_cast %get3A_1676 : vector<16xf32> to vector<16xf32>
    %ge3A_1678 = arith.cmpf oge, %get3A_1677, %get3A_1632 : vector<16xf32>
    %select_n3A_1679 = arith.select %ge3A_1678, %broadcast_in_dim3A_399, %broadcast_in_dim3A_397 : vector<16xi1>, vector<16xf32>
    %add3A_1680 = arith.addf %add3A_1674, %select_n3A_1679 : vector<16xf32>
    %get3A_1681 = arith.constant 128 : index
    %get3A_1682 = tpu.vector_load %arg7[%get3A_1681] {strides = array<i32>} : memref<512xf32, #tpu.memory_space<vmem>>, vector<16xf32>,
    %get3A_1683 = vector.shape_cast %get3A_1682 : vector<16xf32> to vector<16xf32>
    %ge3A_1684 = arith.cmpf oge, %get3A_1683, %get3A_1632 : vector<16xf32>
    %select_n3A_1685 = arith.select %ge3A_1684, %broadcast_in_dim3A_399, %broadcast_in_dim3A_397 : vector<16xi1>, vector<16xf32>
    %add3A_1686 = arith.addf %add3A_1680, %select_n3A_1685 : vector<16xf32>
    %get3A_1687 = arith.constant 160 : index
    %get3A_1688 = tpu.vector_load %arg7[%get3A_1687] {strides = array<i32>} : memref<512xf32, #tpu.memory_space<vmem>>, vector<16xf32>,
    %get3A_1689 = vector.shape_cast %get3A_1688 : vector<16xf32> to vector<16xf32>
    %gt3A_1690 = arith.cmpf ogt, %get3A_1689, %get3A_1632 : vector<16xf32>
    %select_n3A_1691 = arith.select %gt3A_1690, %broadcast_in_dim3A_399, %broadcast_in_dim3A_397 : vector<16xi1>, vector<16xf32>
    %add3A_1692 = arith.addf %add3A_1686, %select_n3A_1691 : vector<16xf32>
    %get3A_1693 = arith.constant 176 : index
    %get3A_1694 = tpu.vector_load %arg7[%get3A_1693] {strides = array<i32>} : memref<512xf32, #tpu.memory_space<vmem>>, vector<16xf32>,
    %get3A_1695 = vector.shape_cast %get3A_1694 : vector<16xf32> to vector<16xf32>
    %gt3A_1696 = arith.cmpf ogt, %get3A_1695, %get3A_1632 : vector<16xf32>
    %select_n3A_1697 = arith.select %gt3A_1696, %broadcast_in_dim3A_399, %broadcast_in_dim3A_397 : vector<16xi1>, vector<16xf32>
    %add3A_1698 = arith.addf %add3A_1692, %select_n3A_1697 : vector<16xf32>
    %get3A_1699 = arith.constant 192 : index
    %get3A_1700 = tpu.vector_load %arg7[%get3A_1699] {strides = array<i32>} : memref<512xf32, #tpu.memory_space<vmem>>, vector<16xf32>,
    %get3A_1701 = vector.shape_cast %get3A_1700 : vector<16xf32> to vector<16xf32>
    %gt3A_1702 = arith.cmpf ogt, %get3A_1701, %get3A_1632 : vector<16xf32>
    %select_n3A_1703 = arith.select %gt3A_1702, %broadcast_in_dim3A_399, %broadcast_in_dim3A_397 : vector<16xi1>, vector<16xf32>
    %add3A_1704 = arith.addf %add3A_1698, %select_n3A_1703 : vector<16xf32>
    %get3A_1705 = arith.constant 208 : index
    %get3A_1706 = tpu.vector_load %arg7[%get3A_1705] {strides = array<i32>} : memref<512xf32, #tpu.memory_space<vmem>>, vector<16xf32>,
    %get3A_1707 = vector.shape_cast %get3A_1706 : vector<16xf32> to vector<16xf32>
    %gt3A_1708 = arith.cmpf ogt, %get3A_1707, %get3A_1632 : vector<16xf32>
    %select_n3A_1709 = arith.select %gt3A_1708, %broadcast_in_dim3A_399, %broadcast_in_dim3A_397 : vector<16xi1>, vector<16xf32>
    %add3A_1710 = arith.addf %add3A_1704, %select_n3A_1709 : vector<16xf32>
    %get3A_1711 = arith.constant 224 : index
    %get3A_1712 = tpu.vector_load %arg7[%get3A_1711] {strides = array<i32>} : memref<512xf32, #tpu.memory_space<vmem>>, vector<16xf32>,
    %get3A_1713 = vector.shape_cast %get3A_1712 : vector<16xf32> to vector<16xf32>
    %gt3A_1714 = arith.cmpf ogt, %get3A_1713, %get3A_1632 : vector<16xf32>
    %select_n3A_1715 = arith.select %gt3A_1714, %broadcast_in_dim3A_399, %broadcast_in_dim3A_397 : vector<16xi1>, vector<16xf32>
    %add3A_1716 = arith.addf %add3A_1710, %select_n3A_1715 : vector<16xf32>
    %get3A_1717 = arith.constant 240 : index
    %get3A_1718 = tpu.vector_load %arg7[%get3A_1717] {strides = array<i32>} : memref<512xf32, #tpu.memory_space<vmem>>, vector<16xf32>,
    %get3A_1719 = vector.shape_cast %get3A_1718 : vector<16xf32> to vector<16xf32>
    %gt3A_1720 = arith.cmpf ogt, %get3A_1719, %get3A_1632 : vector<16xf32>
    %select_n3A_1721 = arith.select %gt3A_1720, %broadcast_in_dim3A_399, %broadcast_in_dim3A_397 : vector<16xi1>, vector<16xf32>
    %add3A_1722 = arith.addf %add3A_1716, %select_n3A_1721 : vector<16xf32>
    %get3A_1723 = arith.constant 256 : index
    %get3A_1724 = tpu.vector_load %arg7[%get3A_1723] {strides = array<i32>} : memref<512xf32, #tpu.memory_space<vmem>>, vector<16xf32>,
    %get3A_1725 = vector.shape_cast %get3A_1724 : vector<16xf32> to vector<16xf32>
    %gt3A_1726 = arith.cmpf ogt, %get3A_1725, %get3A_1632 : vector<16xf32>
    %select_n3A_1727 = arith.select %gt3A_1726, %broadcast_in_dim3A_399, %broadcast_in_dim3A_397 : vector<16xi1>, vector<16xf32>
    %add3A_1728 = arith.addf %add3A_1722, %select_n3A_1727 : vector<16xf32>
    %get3A_1729 = arith.constant 272 : index
    %get3A_1730 = tpu.vector_load %arg7[%get3A_1729] {strides = array<i32>} : memref<512xf32, #tpu.memory_space<vmem>>, vector<16xf32>,
    %get3A_1731 = vector.shape_cast %get3A_1730 : vector<16xf32> to vector<16xf32>
    %gt3A_1732 = arith.cmpf ogt, %get3A_1731, %get3A_1632 : vector<16xf32>
    %select_n3A_1733 = arith.select %gt3A_1732, %broadcast_in_dim3A_399, %broadcast_in_dim3A_397 : vector<16xi1>, vector<16xf32>
    %add3A_1734 = arith.addf %add3A_1728, %select_n3A_1733 : vector<16xf32>
    %get3A_1735 = arith.constant 288 : index
    %get3A_1736 = tpu.vector_load %arg7[%get3A_1735] {strides = array<i32>} : memref<512xf32, #tpu.memory_space<vmem>>, vector<16xf32>,
    %get3A_1737 = vector.shape_cast %get3A_1736 : vector<16xf32> to vector<16xf32>
    %gt3A_1738 = arith.cmpf ogt, %get3A_1737, %get3A_1632 : vector<16xf32>
    %select_n3A_1739 = arith.select %gt3A_1738, %broadcast_in_dim3A_399, %broadcast_in_dim3A_397 : vector<16xi1>, vector<16xf32>
    %add3A_1740 = arith.addf %add3A_1734, %select_n3A_1739 : vector<16xf32>
    %get3A_1741 = arith.constant 304 : index
    %get3A_1742 = tpu.vector_load %arg7[%get3A_1741] {strides = array<i32>} : memref<512xf32, #tpu.memory_space<vmem>>, vector<16xf32>,
    %get3A_1743 = vector.shape_cast %get3A_1742 : vector<16xf32> to vector<16xf32>
    %gt3A_1744 = arith.cmpf ogt, %get3A_1743, %get3A_1632 : vector<16xf32>
    %select_n3A_1745 = arith.select %gt3A_1744, %broadcast_in_dim3A_399, %broadcast_in_dim3A_397 : vector<16xi1>, vector<16xf32>
    %add3A_1746 = arith.addf %add3A_1740, %select_n3A_1745 : vector<16xf32>
    %get3A_1747 = arith.constant 320 : index
    %get3A_1748 = tpu.vector_load %arg7[%get3A_1747] {strides = array<i32>} : memref<512xf32, #tpu.memory_space<vmem>>, vector<16xf32>,
    %get3A_1749 = vector.shape_cast %get3A_1748 : vector<16xf32> to vector<16xf32>
    %gt3A_1750 = arith.cmpf ogt, %get3A_1749, %get3A_1632 : vector<16xf32>
    %select_n3A_1751 = arith.select %gt3A_1750, %broadcast_in_dim3A_399, %broadcast_in_dim3A_397 : vector<16xi1>, vector<16xf32>
    %add3A_1752 = arith.addf %add3A_1746, %select_n3A_1751 : vector<16xf32>
    %get3A_1753 = arith.constant 336 : index
    %get3A_1754 = tpu.vector_load %arg7[%get3A_1753] {strides = array<i32>} : memref<512xf32, #tpu.memory_space<vmem>>, vector<16xf32>,
    %get3A_1755 = vector.shape_cast %get3A_1754 : vector<16xf32> to vector<16xf32>
    %gt3A_1756 = arith.cmpf ogt, %get3A_1755, %get3A_1632 : vector<16xf32>
    %select_n3A_1757 = arith.select %gt3A_1756, %broadcast_in_dim3A_399, %broadcast_in_dim3A_397 : vector<16xi1>, vector<16xf32>
    %add3A_1758 = arith.addf %add3A_1752, %select_n3A_1757 : vector<16xf32>
    %ge3A_1759 = arith.constant 2.000000e+01 : f32
    %ge3A_1760 = vector.broadcast %ge3A_1759 : f32 to vector<16xf32>
    %ge3A_1761 = arith.cmpf oge, %add3A_1758, %ge3A_1760 : vector<16xf32>
    %select_n3A_1762 = arith.select %ge3A_1761, %broadcast_in_dim3A_399, %broadcast_in_dim3A_397 : vector<16xi1>, vector<16xf32>
    %swap3A_1763 = arith.constant 144 : index
    %swap3A_1764 = tpu.vector_load %arg8[%swap3A_1763] {strides = array<i32>} : memref<512xf32, #tpu.memory_space<vmem>>, vector<16xf32>,
    %swap3A_1765 = vector.shape_cast %swap3A_1764 : vector<16xf32> to vector<16xf32>
    %swap3A_1766 = vector.shape_cast %select_n3A_1762 : vector<16xf32> to vector<16xf32>
    tpu.vector_store %arg8[%swap3A_1763], %swap3A_1766 {strides = array<i32>} : memref<512xf32, #tpu.memory_space<vmem>>, vector<16xf32>,
    %get3A_1767 = arith.constant 160 : index
    %get3A_1768 = tpu.vector_load %arg7[%get3A_1767] {strides = array<i32>} : memref<512xf32, #tpu.memory_space<vmem>>, vector<16xf32>,
    %get3A_1769 = vector.shape_cast %get3A_1768 : vector<16xf32> to vector<16xf32>
    %get3A_1770 = arith.constant 0 : index
    %get3A_1771 = tpu.vector_load %arg7[%get3A_1770] {strides = array<i32>} : memref<512xf32, #tpu.memory_space<vmem>>, vector<16xf32>,
    %get3A_1772 = vector.shape_cast %get3A_1771 : vector<16xf32> to vector<16xf32>
    %ge3A_1773 = arith.cmpf oge, %get3A_1772, %get3A_1769 : vector<16xf32>
    %select_n3A_1774 = arith.select %ge3A_1773, %broadcast_in_dim3A_399, %broadcast_in_dim3A_397 : vector<16xi1>, vector<16xf32>
    %add3A_1775 = arith.addf %broadcast_in_dim3A_397, %select_n3A_1774 : vector<16xf32>
    %get3A_1776 = arith.constant 16 : index
    %get3A_1777 = tpu.vector_load %arg7[%get3A_1776] {strides = array<i32>} : memref<512xf32, #tpu.memory_space<vmem>>, vector<16xf32>,
    %get3A_1778 = vector.shape_cast %get3A_1777 : vector<16xf32> to vector<16xf32>
    %ge3A_1779 = arith.cmpf oge, %get3A_1778, %get3A_1769 : vector<16xf32>
    %select_n3A_1780 = arith.select %ge3A_1779, %broadcast_in_dim3A_399, %broadcast_in_dim3A_397 : vector<16xi1>, vector<16xf32>
    %add3A_1781 = arith.addf %add3A_1775, %select_n3A_1780 : vector<16xf32>
    %get3A_1782 = arith.constant 32 : index
    %get3A_1783 = tpu.vector_load %arg7[%get3A_1782] {strides = array<i32>} : memref<512xf32, #tpu.memory_space<vmem>>, vector<16xf32>,
    %get3A_1784 = vector.shape_cast %get3A_1783 : vector<16xf32> to vector<16xf32>
    %ge3A_1785 = arith.cmpf oge, %get3A_1784, %get3A_1769 : vector<16xf32>
    %select_n3A_1786 = arith.select %ge3A_1785, %broadcast_in_dim3A_399, %broadcast_in_dim3A_397 : vector<16xi1>, vector<16xf32>
    %add3A_1787 = arith.addf %add3A_1781, %select_n3A_1786 : vector<16xf32>
    %get3A_1788 = arith.constant 48 : index
    %get3A_1789 = tpu.vector_load %arg7[%get3A_1788] {strides = array<i32>} : memref<512xf32, #tpu.memory_space<vmem>>, vector<16xf32>,
    %get3A_1790 = vector.shape_cast %get3A_1789 : vector<16xf32> to vector<16xf32>
    %ge3A_1791 = arith.cmpf oge, %get3A_1790, %get3A_1769 : vector<16xf32>
    %select_n3A_1792 = arith.select %ge3A_1791, %broadcast_in_dim3A_399, %broadcast_in_dim3A_397 : vector<16xi1>, vector<16xf32>
    %add3A_1793 = arith.addf %add3A_1787, %select_n3A_1792 : vector<16xf32>
    %get3A_1794 = arith.constant 64 : index
    %get3A_1795 = tpu.vector_load %arg7[%get3A_1794] {strides = array<i32>} : memref<512xf32, #tpu.memory_space<vmem>>, vector<16xf32>,
    %get3A_1796 = vector.shape_cast %get3A_1795 : vector<16xf32> to vector<16xf32>
    %ge3A_1797 = arith.cmpf oge, %get3A_1796, %get3A_1769 : vector<16xf32>
    %select_n3A_1798 = arith.select %ge3A_1797, %broadcast_in_dim3A_399, %broadcast_in_dim3A_397 : vector<16xi1>, vector<16xf32>
    %add3A_1799 = arith.addf %add3A_1793, %select_n3A_1798 : vector<16xf32>
    %get3A_1800 = arith.constant 80 : index
    %get3A_1801 = tpu.vector_load %arg7[%get3A_1800] {strides = array<i32>} : memref<512xf32, #tpu.memory_space<vmem>>, vector<16xf32>,
    %get3A_1802 = vector.shape_cast %get3A_1801 : vector<16xf32> to vector<16xf32>
    %ge3A_1803 = arith.cmpf oge, %get3A_1802, %get3A_1769 : vector<16xf32>
    %select_n3A_1804 = arith.select %ge3A_1803, %broadcast_in_dim3A_399, %broadcast_in_dim3A_397 : vector<16xi1>, vector<16xf32>
    %add3A_1805 = arith.addf %add3A_1799, %select_n3A_1804 : vector<16xf32>
    %get3A_1806 = arith.constant 96 : index
    %get3A_1807 = tpu.vector_load %arg7[%get3A_1806] {strides = array<i32>} : memref<512xf32, #tpu.memory_space<vmem>>, vector<16xf32>,
    %get3A_1808 = vector.shape_cast %get3A_1807 : vector<16xf32> to vector<16xf32>
    %ge3A_1809 = arith.cmpf oge, %get3A_1808, %get3A_1769 : vector<16xf32>
    %select_n3A_1810 = arith.select %ge3A_1809, %broadcast_in_dim3A_399, %broadcast_in_dim3A_397 : vector<16xi1>, vector<16xf32>
    %add3A_1811 = arith.addf %add3A_1805, %select_n3A_1810 : vector<16xf32>
    %get3A_1812 = arith.constant 112 : index
    %get3A_1813 = tpu.vector_load %arg7[%get3A_1812] {strides = array<i32>} : memref<512xf32, #tpu.memory_space<vmem>>, vector<16xf32>,
    %get3A_1814 = vector.shape_cast %get3A_1813 : vector<16xf32> to vector<16xf32>
    %ge3A_1815 = arith.cmpf oge, %get3A_1814, %get3A_1769 : vector<16xf32>
    %select_n3A_1816 = arith.select %ge3A_1815, %broadcast_in_dim3A_399, %broadcast_in_dim3A_397 : vector<16xi1>, vector<16xf32>
    %add3A_1817 = arith.addf %add3A_1811, %select_n3A_1816 : vector<16xf32>
    %get3A_1818 = arith.constant 128 : index
    %get3A_1819 = tpu.vector_load %arg7[%get3A_1818] {strides = array<i32>} : memref<512xf32, #tpu.memory_space<vmem>>, vector<16xf32>,
    %get3A_1820 = vector.shape_cast %get3A_1819 : vector<16xf32> to vector<16xf32>
    %ge3A_1821 = arith.cmpf oge, %get3A_1820, %get3A_1769 : vector<16xf32>
    %select_n3A_1822 = arith.select %ge3A_1821, %broadcast_in_dim3A_399, %broadcast_in_dim3A_397 : vector<16xi1>, vector<16xf32>
    %add3A_1823 = arith.addf %add3A_1817, %select_n3A_1822 : vector<16xf32>
    %get3A_1824 = arith.constant 144 : index
    %get3A_1825 = tpu.vector_load %arg7[%get3A_1824] {strides = array<i32>} : memref<512xf32, #tpu.memory_space<vmem>>, vector<16xf32>,
    %get3A_1826 = vector.shape_cast %get3A_1825 : vector<16xf32> to vector<16xf32>
    %ge3A_1827 = arith.cmpf oge, %get3A_1826, %get3A_1769 : vector<16xf32>
    %select_n3A_1828 = arith.select %ge3A_1827, %broadcast_in_dim3A_399, %broadcast_in_dim3A_397 : vector<16xi1>, vector<16xf32>
    %add3A_1829 = arith.addf %add3A_1823, %select_n3A_1828 : vector<16xf32>
    %get3A_1830 = arith.constant 176 : index
    %get3A_1831 = tpu.vector_load %arg7[%get3A_1830] {strides = array<i32>} : memref<512xf32, #tpu.memory_space<vmem>>, vector<16xf32>,
    %get3A_1832 = vector.shape_cast %get3A_1831 : vector<16xf32> to vector<16xf32>
    %gt3A_1833 = arith.cmpf ogt, %get3A_1832, %get3A_1769 : vector<16xf32>
    %select_n3A_1834 = arith.select %gt3A_1833, %broadcast_in_dim3A_399, %broadcast_in_dim3A_397 : vector<16xi1>, vector<16xf32>
    %add3A_1835 = arith.addf %add3A_1829, %select_n3A_1834 : vector<16xf32>
    %get3A_1836 = arith.constant 192 : index
    %get3A_1837 = tpu.vector_load %arg7[%get3A_1836] {strides = array<i32>} : memref<512xf32, #tpu.memory_space<vmem>>, vector<16xf32>,
    %get3A_1838 = vector.shape_cast %get3A_1837 : vector<16xf32> to vector<16xf32>
    %gt3A_1839 = arith.cmpf ogt, %get3A_1838, %get3A_1769 : vector<16xf32>
    %select_n3A_1840 = arith.select %gt3A_1839, %broadcast_in_dim3A_399, %broadcast_in_dim3A_397 : vector<16xi1>, vector<16xf32>
    %add3A_1841 = arith.addf %add3A_1835, %select_n3A_1840 : vector<16xf32>
    %get3A_1842 = arith.constant 208 : index
    %get3A_1843 = tpu.vector_load %arg7[%get3A_1842] {strides = array<i32>} : memref<512xf32, #tpu.memory_space<vmem>>, vector<16xf32>,
    %get3A_1844 = vector.shape_cast %get3A_1843 : vector<16xf32> to vector<16xf32>
    %gt3A_1845 = arith.cmpf ogt, %get3A_1844, %get3A_1769 : vector<16xf32>
    %select_n3A_1846 = arith.select %gt3A_1845, %broadcast_in_dim3A_399, %broadcast_in_dim3A_397 : vector<16xi1>, vector<16xf32>
    %add3A_1847 = arith.addf %add3A_1841, %select_n3A_1846 : vector<16xf32>
    %get3A_1848 = arith.constant 224 : index
    %get3A_1849 = tpu.vector_load %arg7[%get3A_1848] {strides = array<i32>} : memref<512xf32, #tpu.memory_space<vmem>>, vector<16xf32>,
    %get3A_1850 = vector.shape_cast %get3A_1849 : vector<16xf32> to vector<16xf32>
    %gt3A_1851 = arith.cmpf ogt, %get3A_1850, %get3A_1769 : vector<16xf32>
    %select_n3A_1852 = arith.select %gt3A_1851, %broadcast_in_dim3A_399, %broadcast_in_dim3A_397 : vector<16xi1>, vector<16xf32>
    %add3A_1853 = arith.addf %add3A_1847, %select_n3A_1852 : vector<16xf32>
    %get3A_1854 = arith.constant 240 : index
    %get3A_1855 = tpu.vector_load %arg7[%get3A_1854] {strides = array<i32>} : memref<512xf32, #tpu.memory_space<vmem>>, vector<16xf32>,
    %get3A_1856 = vector.shape_cast %get3A_1855 : vector<16xf32> to vector<16xf32>
    %gt3A_1857 = arith.cmpf ogt, %get3A_1856, %get3A_1769 : vector<16xf32>
    %select_n3A_1858 = arith.select %gt3A_1857, %broadcast_in_dim3A_399, %broadcast_in_dim3A_397 : vector<16xi1>, vector<16xf32>
    %add3A_1859 = arith.addf %add3A_1853, %select_n3A_1858 : vector<16xf32>
    %get3A_1860 = arith.constant 256 : index
    %get3A_1861 = tpu.vector_load %arg7[%get3A_1860] {strides = array<i32>} : memref<512xf32, #tpu.memory_space<vmem>>, vector<16xf32>,
    %get3A_1862 = vector.shape_cast %get3A_1861 : vector<16xf32> to vector<16xf32>
    %gt3A_1863 = arith.cmpf ogt, %get3A_1862, %get3A_1769 : vector<16xf32>
    %select_n3A_1864 = arith.select %gt3A_1863, %broadcast_in_dim3A_399, %broadcast_in_dim3A_397 : vector<16xi1>, vector<16xf32>
    %add3A_1865 = arith.addf %add3A_1859, %select_n3A_1864 : vector<16xf32>
    %get3A_1866 = arith.constant 272 : index
    %get3A_1867 = tpu.vector_load %arg7[%get3A_1866] {strides = array<i32>} : memref<512xf32, #tpu.memory_space<vmem>>, vector<16xf32>,
    %get3A_1868 = vector.shape_cast %get3A_1867 : vector<16xf32> to vector<16xf32>
    %gt3A_1869 = arith.cmpf ogt, %get3A_1868, %get3A_1769 : vector<16xf32>
    %select_n3A_1870 = arith.select %gt3A_1869, %broadcast_in_dim3A_399, %broadcast_in_dim3A_397 : vector<16xi1>, vector<16xf32>
    %add3A_1871 = arith.addf %add3A_1865, %select_n3A_1870 : vector<16xf32>
    %get3A_1872 = arith.constant 288 : index
    %get3A_1873 = tpu.vector_load %arg7[%get3A_1872] {strides = array<i32>} : memref<512xf32, #tpu.memory_space<vmem>>, vector<16xf32>,
    %get3A_1874 = vector.shape_cast %get3A_1873 : vector<16xf32> to vector<16xf32>
    %gt3A_1875 = arith.cmpf ogt, %get3A_1874, %get3A_1769 : vector<16xf32>
    %select_n3A_1876 = arith.select %gt3A_1875, %broadcast_in_dim3A_399, %broadcast_in_dim3A_397 : vector<16xi1>, vector<16xf32>
    %add3A_1877 = arith.addf %add3A_1871, %select_n3A_1876 : vector<16xf32>
    %get3A_1878 = arith.constant 304 : index
    %get3A_1879 = tpu.vector_load %arg7[%get3A_1878] {strides = array<i32>} : memref<512xf32, #tpu.memory_space<vmem>>, vector<16xf32>,
    %get3A_1880 = vector.shape_cast %get3A_1879 : vector<16xf32> to vector<16xf32>
    %gt3A_1881 = arith.cmpf ogt, %get3A_1880, %get3A_1769 : vector<16xf32>
    %select_n3A_1882 = arith.select %gt3A_1881, %broadcast_in_dim3A_399, %broadcast_in_dim3A_397 : vector<16xi1>, vector<16xf32>
    %add3A_1883 = arith.addf %add3A_1877, %select_n3A_1882 : vector<16xf32>
    %get3A_1884 = arith.constant 320 : index
    %get3A_1885 = tpu.vector_load %arg7[%get3A_1884] {strides = array<i32>} : memref<512xf32, #tpu.memory_space<vmem>>, vector<16xf32>,
    %get3A_1886 = vector.shape_cast %get3A_1885 : vector<16xf32> to vector<16xf32>
    %gt3A_1887 = arith.cmpf ogt, %get3A_1886, %get3A_1769 : vector<16xf32>
    %select_n3A_1888 = arith.select %gt3A_1887, %broadcast_in_dim3A_399, %broadcast_in_dim3A_397 : vector<16xi1>, vector<16xf32>
    %add3A_1889 = arith.addf %add3A_1883, %select_n3A_1888 : vector<16xf32>
    %get3A_1890 = arith.constant 336 : index
    %get3A_1891 = tpu.vector_load %arg7[%get3A_1890] {strides = array<i32>} : memref<512xf32, #tpu.memory_space<vmem>>, vector<16xf32>,
    %get3A_1892 = vector.shape_cast %get3A_1891 : vector<16xf32> to vector<16xf32>
    %gt3A_1893 = arith.cmpf ogt, %get3A_1892, %get3A_1769 : vector<16xf32>
    %select_n3A_1894 = arith.select %gt3A_1893, %broadcast_in_dim3A_399, %broadcast_in_dim3A_397 : vector<16xi1>, vector<16xf32>
    %add3A_1895 = arith.addf %add3A_1889, %select_n3A_1894 : vector<16xf32>
    %ge3A_1896 = arith.constant 2.000000e+01 : f32
    %ge3A_1897 = vector.broadcast %ge3A_1896 : f32 to vector<16xf32>
    %ge3A_1898 = arith.cmpf oge, %add3A_1895, %ge3A_1897 : vector<16xf32>
    %select_n3A_1899 = arith.select %ge3A_1898, %broadcast_in_dim3A_399, %broadcast_in_dim3A_397 : vector<16xi1>, vector<16xf32>
    %swap3A_1900 = arith.constant 160 : index
    %swap3A_1901 = tpu.vector_load %arg8[%swap3A_1900] {strides = array<i32>} : memref<512xf32, #tpu.memory_space<vmem>>, vector<16xf32>,
    %swap3A_1902 = vector.shape_cast %swap3A_1901 : vector<16xf32> to vector<16xf32>
    %swap3A_1903 = vector.shape_cast %select_n3A_1899 : vector<16xf32> to vector<16xf32>
    tpu.vector_store %arg8[%swap3A_1900], %swap3A_1903 {strides = array<i32>} : memref<512xf32, #tpu.memory_space<vmem>>, vector<16xf32>,
    %get3A_1904 = arith.constant 176 : index
    %get3A_1905 = tpu.vector_load %arg7[%get3A_1904] {strides = array<i32>} : memref<512xf32, #tpu.memory_space<vmem>>, vector<16xf32>,
    %get3A_1906 = vector.shape_cast %get3A_1905 : vector<16xf32> to vector<16xf32>
    %get3A_1907 = arith.constant 0 : index
    %get3A_1908 = tpu.vector_load %arg7[%get3A_1907] {strides = array<i32>} : memref<512xf32, #tpu.memory_space<vmem>>, vector<16xf32>,
    %get3A_1909 = vector.shape_cast %get3A_1908 : vector<16xf32> to vector<16xf32>
    %ge3A_1910 = arith.cmpf oge, %get3A_1909, %get3A_1906 : vector<16xf32>
    %select_n3A_1911 = arith.select %ge3A_1910, %broadcast_in_dim3A_399, %broadcast_in_dim3A_397 : vector<16xi1>, vector<16xf32>
    %add3A_1912 = arith.addf %broadcast_in_dim3A_397, %select_n3A_1911 : vector<16xf32>
    %get3A_1913 = arith.constant 16 : index
    %get3A_1914 = tpu.vector_load %arg7[%get3A_1913] {strides = array<i32>} : memref<512xf32, #tpu.memory_space<vmem>>, vector<16xf32>,
    %get3A_1915 = vector.shape_cast %get3A_1914 : vector<16xf32> to vector<16xf32>
    %ge3A_1916 = arith.cmpf oge, %get3A_1915, %get3A_1906 : vector<16xf32>
    %select_n3A_1917 = arith.select %ge3A_1916, %broadcast_in_dim3A_399, %broadcast_in_dim3A_397 : vector<16xi1>, vector<16xf32>
    %add3A_1918 = arith.addf %add3A_1912, %select_n3A_1917 : vector<16xf32>
    %get3A_1919 = arith.constant 32 : index
    %get3A_1920 = tpu.vector_load %arg7[%get3A_1919] {strides = array<i32>} : memref<512xf32, #tpu.memory_space<vmem>>, vector<16xf32>,
    %get3A_1921 = vector.shape_cast %get3A_1920 : vector<16xf32> to vector<16xf32>
    %ge3A_1922 = arith.cmpf oge, %get3A_1921, %get3A_1906 : vector<16xf32>
    %select_n3A_1923 = arith.select %ge3A_1922, %broadcast_in_dim3A_399, %broadcast_in_dim3A_397 : vector<16xi1>, vector<16xf32>
    %add3A_1924 = arith.addf %add3A_1918, %select_n3A_1923 : vector<16xf32>
    %get3A_1925 = arith.constant 48 : index
    %get3A_1926 = tpu.vector_load %arg7[%get3A_1925] {strides = array<i32>} : memref<512xf32, #tpu.memory_space<vmem>>, vector<16xf32>,
    %get3A_1927 = vector.shape_cast %get3A_1926 : vector<16xf32> to vector<16xf32>
    %ge3A_1928 = arith.cmpf oge, %get3A_1927, %get3A_1906 : vector<16xf32>
    %select_n3A_1929 = arith.select %ge3A_1928, %broadcast_in_dim3A_399, %broadcast_in_dim3A_397 : vector<16xi1>, vector<16xf32>
    %add3A_1930 = arith.addf %add3A_1924, %select_n3A_1929 : vector<16xf32>
    %get3A_1931 = arith.constant 64 : index
    %get3A_1932 = tpu.vector_load %arg7[%get3A_1931] {strides = array<i32>} : memref<512xf32, #tpu.memory_space<vmem>>, vector<16xf32>,
    %get3A_1933 = vector.shape_cast %get3A_1932 : vector<16xf32> to vector<16xf32>
    %ge3A_1934 = arith.cmpf oge, %get3A_1933, %get3A_1906 : vector<16xf32>
    %select_n3A_1935 = arith.select %ge3A_1934, %broadcast_in_dim3A_399, %broadcast_in_dim3A_397 : vector<16xi1>, vector<16xf32>
    %add3A_1936 = arith.addf %add3A_1930, %select_n3A_1935 : vector<16xf32>
    %get3A_1937 = arith.constant 80 : index
    %get3A_1938 = tpu.vector_load %arg7[%get3A_1937] {strides = array<i32>} : memref<512xf32, #tpu.memory_space<vmem>>, vector<16xf32>,
    %get3A_1939 = vector.shape_cast %get3A_1938 : vector<16xf32> to vector<16xf32>
    %ge3A_1940 = arith.cmpf oge, %get3A_1939, %get3A_1906 : vector<16xf32>
    %select_n3A_1941 = arith.select %ge3A_1940, %broadcast_in_dim3A_399, %broadcast_in_dim3A_397 : vector<16xi1>, vector<16xf32>
    %add3A_1942 = arith.addf %add3A_1936, %select_n3A_1941 : vector<16xf32>
    %get3A_1943 = arith.constant 96 : index
    %get3A_1944 = tpu.vector_load %arg7[%get3A_1943] {strides = array<i32>} : memref<512xf32, #tpu.memory_space<vmem>>, vector<16xf32>,
    %get3A_1945 = vector.shape_cast %get3A_1944 : vector<16xf32> to vector<16xf32>
    %ge3A_1946 = arith.cmpf oge, %get3A_1945, %get3A_1906 : vector<16xf32>
    %select_n3A_1947 = arith.select %ge3A_1946, %broadcast_in_dim3A_399, %broadcast_in_dim3A_397 : vector<16xi1>, vector<16xf32>
    %add3A_1948 = arith.addf %add3A_1942, %select_n3A_1947 : vector<16xf32>
    %get3A_1949 = arith.constant 112 : index
    %get3A_1950 = tpu.vector_load %arg7[%get3A_1949] {strides = array<i32>} : memref<512xf32, #tpu.memory_space<vmem>>, vector<16xf32>,
    %get3A_1951 = vector.shape_cast %get3A_1950 : vector<16xf32> to vector<16xf32>
    %ge3A_1952 = arith.cmpf oge, %get3A_1951, %get3A_1906 : vector<16xf32>
    %select_n3A_1953 = arith.select %ge3A_1952, %broadcast_in_dim3A_399, %broadcast_in_dim3A_397 : vector<16xi1>, vector<16xf32>
    %add3A_1954 = arith.addf %add3A_1948, %select_n3A_1953 : vector<16xf32>
    %get3A_1955 = arith.constant 128 : index
    %get3A_1956 = tpu.vector_load %arg7[%get3A_1955] {strides = array<i32>} : memref<512xf32, #tpu.memory_space<vmem>>, vector<16xf32>,
    %get3A_1957 = vector.shape_cast %get3A_1956 : vector<16xf32> to vector<16xf32>
    %ge3A_1958 = arith.cmpf oge, %get3A_1957, %get3A_1906 : vector<16xf32>
    %select_n3A_1959 = arith.select %ge3A_1958, %broadcast_in_dim3A_399, %broadcast_in_dim3A_397 : vector<16xi1>, vector<16xf32>
    %add3A_1960 = arith.addf %add3A_1954, %select_n3A_1959 : vector<16xf32>
    %get3A_1961 = arith.constant 144 : index
    %get3A_1962 = tpu.vector_load %arg7[%get3A_1961] {strides = array<i32>} : memref<512xf32, #tpu.memory_space<vmem>>, vector<16xf32>,
    %get3A_1963 = vector.shape_cast %get3A_1962 : vector<16xf32> to vector<16xf32>
    %ge3A_1964 = arith.cmpf oge, %get3A_1963, %get3A_1906 : vector<16xf32>
    %select_n3A_1965 = arith.select %ge3A_1964, %broadcast_in_dim3A_399, %broadcast_in_dim3A_397 : vector<16xi1>, vector<16xf32>
    %add3A_1966 = arith.addf %add3A_1960, %select_n3A_1965 : vector<16xf32>
    %get3A_1967 = arith.constant 160 : index
    %get3A_1968 = tpu.vector_load %arg7[%get3A_1967] {strides = array<i32>} : memref<512xf32, #tpu.memory_space<vmem>>, vector<16xf32>,
    %get3A_1969 = vector.shape_cast %get3A_1968 : vector<16xf32> to vector<16xf32>
    %ge3A_1970 = arith.cmpf oge, %get3A_1969, %get3A_1906 : vector<16xf32>
    %select_n3A_1971 = arith.select %ge3A_1970, %broadcast_in_dim3A_399, %broadcast_in_dim3A_397 : vector<16xi1>, vector<16xf32>
    %add3A_1972 = arith.addf %add3A_1966, %select_n3A_1971 : vector<16xf32>
    %get3A_1973 = arith.constant 192 : index
    %get3A_1974 = tpu.vector_load %arg7[%get3A_1973] {strides = array<i32>} : memref<512xf32, #tpu.memory_space<vmem>>, vector<16xf32>,
    %get3A_1975 = vector.shape_cast %get3A_1974 : vector<16xf32> to vector<16xf32>
    %gt3A_1976 = arith.cmpf ogt, %get3A_1975, %get3A_1906 : vector<16xf32>
    %select_n3A_1977 = arith.select %gt3A_1976, %broadcast_in_dim3A_399, %broadcast_in_dim3A_397 : vector<16xi1>, vector<16xf32>
    %add3A_1978 = arith.addf %add3A_1972, %select_n3A_1977 : vector<16xf32>
    %get3A_1979 = arith.constant 208 : index
    %get3A_1980 = tpu.vector_load %arg7[%get3A_1979] {strides = array<i32>} : memref<512xf32, #tpu.memory_space<vmem>>, vector<16xf32>,
    %get3A_1981 = vector.shape_cast %get3A_1980 : vector<16xf32> to vector<16xf32>
    %gt3A_1982 = arith.cmpf ogt, %get3A_1981, %get3A_1906 : vector<16xf32>
    %select_n3A_1983 = arith.select %gt3A_1982, %broadcast_in_dim3A_399, %broadcast_in_dim3A_397 : vector<16xi1>, vector<16xf32>
    %add3A_1984 = arith.addf %add3A_1978, %select_n3A_1983 : vector<16xf32>
    %get3A_1985 = arith.constant 224 : index
    %get3A_1986 = tpu.vector_load %arg7[%get3A_1985] {strides = array<i32>} : memref<512xf32, #tpu.memory_space<vmem>>, vector<16xf32>,
    %get3A_1987 = vector.shape_cast %get3A_1986 : vector<16xf32> to vector<16xf32>
    %gt3A_1988 = arith.cmpf ogt, %get3A_1987, %get3A_1906 : vector<16xf32>
    %select_n3A_1989 = arith.select %gt3A_1988, %broadcast_in_dim3A_399, %broadcast_in_dim3A_397 : vector<16xi1>, vector<16xf32>
    %add3A_1990 = arith.addf %add3A_1984, %select_n3A_1989 : vector<16xf32>
    %get3A_1991 = arith.constant 240 : index
    %get3A_1992 = tpu.vector_load %arg7[%get3A_1991] {strides = array<i32>} : memref<512xf32, #tpu.memory_space<vmem>>, vector<16xf32>,
    %get3A_1993 = vector.shape_cast %get3A_1992 : vector<16xf32> to vector<16xf32>
    %gt3A_1994 = arith.cmpf ogt, %get3A_1993, %get3A_1906 : vector<16xf32>
    %select_n3A_1995 = arith.select %gt3A_1994, %broadcast_in_dim3A_399, %broadcast_in_dim3A_397 : vector<16xi1>, vector<16xf32>
    %add3A_1996 = arith.addf %add3A_1990, %select_n3A_1995 : vector<16xf32>
    %get3A_1997 = arith.constant 256 : index
    %get3A_1998 = tpu.vector_load %arg7[%get3A_1997] {strides = array<i32>} : memref<512xf32, #tpu.memory_space<vmem>>, vector<16xf32>,
    %get3A_1999 = vector.shape_cast %get3A_1998 : vector<16xf32> to vector<16xf32>
    %gt3A_2000 = arith.cmpf ogt, %get3A_1999, %get3A_1906 : vector<16xf32>
    %select_n3A_2001 = arith.select %gt3A_2000, %broadcast_in_dim3A_399, %broadcast_in_dim3A_397 : vector<16xi1>, vector<16xf32>
    %add3A_2002 = arith.addf %add3A_1996, %select_n3A_2001 : vector<16xf32>
    %get3A_2003 = arith.constant 272 : index
    %get3A_2004 = tpu.vector_load %arg7[%get3A_2003] {strides = array<i32>} : memref<512xf32, #tpu.memory_space<vmem>>, vector<16xf32>,
    %get3A_2005 = vector.shape_cast %get3A_2004 : vector<16xf32> to vector<16xf32>
    %gt3A_2006 = arith.cmpf ogt, %get3A_2005, %get3A_1906 : vector<16xf32>
    %select_n3A_2007 = arith.select %gt3A_2006, %broadcast_in_dim3A_399, %broadcast_in_dim3A_397 : vector<16xi1>, vector<16xf32>
    %add3A_2008 = arith.addf %add3A_2002, %select_n3A_2007 : vector<16xf32>
    %get3A_2009 = arith.constant 288 : index
    %get3A_2010 = tpu.vector_load %arg7[%get3A_2009] {strides = array<i32>} : memref<512xf32, #tpu.memory_space<vmem>>, vector<16xf32>,
    %get3A_2011 = vector.shape_cast %get3A_2010 : vector<16xf32> to vector<16xf32>
    %gt3A_2012 = arith.cmpf ogt, %get3A_2011, %get3A_1906 : vector<16xf32>
    %select_n3A_2013 = arith.select %gt3A_2012, %broadcast_in_dim3A_399, %broadcast_in_dim3A_397 : vector<16xi1>, vector<16xf32>
    %add3A_2014 = arith.addf %add3A_2008, %select_n3A_2013 : vector<16xf32>
    %get3A_2015 = arith.constant 304 : index
    %get3A_2016 = tpu.vector_load %arg7[%get3A_2015] {strides = array<i32>} : memref<512xf32, #tpu.memory_space<vmem>>, vector<16xf32>,
    %get3A_2017 = vector.shape_cast %get3A_2016 : vector<16xf32> to vector<16xf32>
    %gt3A_2018 = arith.cmpf ogt, %get3A_2017, %get3A_1906 : vector<16xf32>
    %select_n3A_2019 = arith.select %gt3A_2018, %broadcast_in_dim3A_399, %broadcast_in_dim3A_397 : vector<16xi1>, vector<16xf32>
    %add3A_2020 = arith.addf %add3A_2014, %select_n3A_2019 : vector<16xf32>
    %get3A_2021 = arith.constant 320 : index
    %get3A_2022 = tpu.vector_load %arg7[%get3A_2021] {strides = array<i32>} : memref<512xf32, #tpu.memory_space<vmem>>, vector<16xf32>,
    %get3A_2023 = vector.shape_cast %get3A_2022 : vector<16xf32> to vector<16xf32>
    %gt3A_2024 = arith.cmpf ogt, %get3A_2023, %get3A_1906 : vector<16xf32>
    %select_n3A_2025 = arith.select %gt3A_2024, %broadcast_in_dim3A_399, %broadcast_in_dim3A_397 : vector<16xi1>, vector<16xf32>
    %add3A_2026 = arith.addf %add3A_2020, %select_n3A_2025 : vector<16xf32>
    %get3A_2027 = arith.constant 336 : index
    %get3A_2028 = tpu.vector_load %arg7[%get3A_2027] {strides = array<i32>} : memref<512xf32, #tpu.memory_space<vmem>>, vector<16xf32>,
    %get3A_2029 = vector.shape_cast %get3A_2028 : vector<16xf32> to vector<16xf32>
    %gt3A_2030 = arith.cmpf ogt, %get3A_2029, %get3A_1906 : vector<16xf32>
    %select_n3A_2031 = arith.select %gt3A_2030, %broadcast_in_dim3A_399, %broadcast_in_dim3A_397 : vector<16xi1>, vector<16xf32>
    %add3A_2032 = arith.addf %add3A_2026, %select_n3A_2031 : vector<16xf32>
    %ge3A_2033 = arith.constant 2.000000e+01 : f32
    %ge3A_2034 = vector.broadcast %ge3A_2033 : f32 to vector<16xf32>
    %ge3A_2035 = arith.cmpf oge, %add3A_2032, %ge3A_2034 : vector<16xf32>
    %select_n3A_2036 = arith.select %ge3A_2035, %broadcast_in_dim3A_399, %broadcast_in_dim3A_397 : vector<16xi1>, vector<16xf32>
    %swap3A_2037 = arith.constant 176 : index
    %swap3A_2038 = tpu.vector_load %arg8[%swap3A_2037] {strides = array<i32>} : memref<512xf32, #tpu.memory_space<vmem>>, vector<16xf32>,
    %swap3A_2039 = vector.shape_cast %swap3A_2038 : vector<16xf32> to vector<16xf32>
    %swap3A_2040 = vector.shape_cast %select_n3A_2036 : vector<16xf32> to vector<16xf32>
    tpu.vector_store %arg8[%swap3A_2037], %swap3A_2040 {strides = array<i32>} : memref<512xf32, #tpu.memory_space<vmem>>, vector<16xf32>,
    %get3A_2041 = arith.constant 192 : index
    %get3A_2042 = tpu.vector_load %arg7[%get3A_2041] {strides = array<i32>} : memref<512xf32, #tpu.memory_space<vmem>>, vector<16xf32>,
    %get3A_2043 = vector.shape_cast %get3A_2042 : vector<16xf32> to vector<16xf32>
    %get3A_2044 = arith.constant 0 : index
    %get3A_2045 = tpu.vector_load %arg7[%get3A_2044] {strides = array<i32>} : memref<512xf32, #tpu.memory_space<vmem>>, vector<16xf32>,
    %get3A_2046 = vector.shape_cast %get3A_2045 : vector<16xf32> to vector<16xf32>
    %ge3A_2047 = arith.cmpf oge, %get3A_2046, %get3A_2043 : vector<16xf32>
    %select_n3A_2048 = arith.select %ge3A_2047, %broadcast_in_dim3A_399, %broadcast_in_dim3A_397 : vector<16xi1>, vector<16xf32>
    %add3A_2049 = arith.addf %broadcast_in_dim3A_397, %select_n3A_2048 : vector<16xf32>
    %get3A_2050 = arith.constant 16 : index
    %get3A_2051 = tpu.vector_load %arg7[%get3A_2050] {strides = array<i32>} : memref<512xf32, #tpu.memory_space<vmem>>, vector<16xf32>,
    %get3A_2052 = vector.shape_cast %get3A_2051 : vector<16xf32> to vector<16xf32>
    %ge3A_2053 = arith.cmpf oge, %get3A_2052, %get3A_2043 : vector<16xf32>
    %select_n3A_2054 = arith.select %ge3A_2053, %broadcast_in_dim3A_399, %broadcast_in_dim3A_397 : vector<16xi1>, vector<16xf32>
    %add3A_2055 = arith.addf %add3A_2049, %select_n3A_2054 : vector<16xf32>
    %get3A_2056 = arith.constant 32 : index
    %get3A_2057 = tpu.vector_load %arg7[%get3A_2056] {strides = array<i32>} : memref<512xf32, #tpu.memory_space<vmem>>, vector<16xf32>,
    %get3A_2058 = vector.shape_cast %get3A_2057 : vector<16xf32> to vector<16xf32>
    %ge3A_2059 = arith.cmpf oge, %get3A_2058, %get3A_2043 : vector<16xf32>
    %select_n3A_2060 = arith.select %ge3A_2059, %broadcast_in_dim3A_399, %broadcast_in_dim3A_397 : vector<16xi1>, vector<16xf32>
    %add3A_2061 = arith.addf %add3A_2055, %select_n3A_2060 : vector<16xf32>
    %get3A_2062 = arith.constant 48 : index
    %get3A_2063 = tpu.vector_load %arg7[%get3A_2062] {strides = array<i32>} : memref<512xf32, #tpu.memory_space<vmem>>, vector<16xf32>,
    %get3A_2064 = vector.shape_cast %get3A_2063 : vector<16xf32> to vector<16xf32>
    %ge3A_2065 = arith.cmpf oge, %get3A_2064, %get3A_2043 : vector<16xf32>
    %select_n3A_2066 = arith.select %ge3A_2065, %broadcast_in_dim3A_399, %broadcast_in_dim3A_397 : vector<16xi1>, vector<16xf32>
    %add3A_2067 = arith.addf %add3A_2061, %select_n3A_2066 : vector<16xf32>
    %get3A_2068 = arith.constant 64 : index
    %get3A_2069 = tpu.vector_load %arg7[%get3A_2068] {strides = array<i32>} : memref<512xf32, #tpu.memory_space<vmem>>, vector<16xf32>,
    %get3A_2070 = vector.shape_cast %get3A_2069 : vector<16xf32> to vector<16xf32>
    %ge3A_2071 = arith.cmpf oge, %get3A_2070, %get3A_2043 : vector<16xf32>
    %select_n3A_2072 = arith.select %ge3A_2071, %broadcast_in_dim3A_399, %broadcast_in_dim3A_397 : vector<16xi1>, vector<16xf32>
    %add3A_2073 = arith.addf %add3A_2067, %select_n3A_2072 : vector<16xf32>
    %get3A_2074 = arith.constant 80 : index
    %get3A_2075 = tpu.vector_load %arg7[%get3A_2074] {strides = array<i32>} : memref<512xf32, #tpu.memory_space<vmem>>, vector<16xf32>,
    %get3A_2076 = vector.shape_cast %get3A_2075 : vector<16xf32> to vector<16xf32>
    %ge3A_2077 = arith.cmpf oge, %get3A_2076, %get3A_2043 : vector<16xf32>
    %select_n3A_2078 = arith.select %ge3A_2077, %broadcast_in_dim3A_399, %broadcast_in_dim3A_397 : vector<16xi1>, vector<16xf32>
    %add3A_2079 = arith.addf %add3A_2073, %select_n3A_2078 : vector<16xf32>
    %get3A_2080 = arith.constant 96 : index
    %get3A_2081 = tpu.vector_load %arg7[%get3A_2080] {strides = array<i32>} : memref<512xf32, #tpu.memory_space<vmem>>, vector<16xf32>,
    %get3A_2082 = vector.shape_cast %get3A_2081 : vector<16xf32> to vector<16xf32>
    %ge3A_2083 = arith.cmpf oge, %get3A_2082, %get3A_2043 : vector<16xf32>
    %select_n3A_2084 = arith.select %ge3A_2083, %broadcast_in_dim3A_399, %broadcast_in_dim3A_397 : vector<16xi1>, vector<16xf32>
    %add3A_2085 = arith.addf %add3A_2079, %select_n3A_2084 : vector<16xf32>
    %get3A_2086 = arith.constant 112 : index
    %get3A_2087 = tpu.vector_load %arg7[%get3A_2086] {strides = array<i32>} : memref<512xf32, #tpu.memory_space<vmem>>, vector<16xf32>,
    %get3A_2088 = vector.shape_cast %get3A_2087 : vector<16xf32> to vector<16xf32>
    %ge3A_2089 = arith.cmpf oge, %get3A_2088, %get3A_2043 : vector<16xf32>
    %select_n3A_2090 = arith.select %ge3A_2089, %broadcast_in_dim3A_399, %broadcast_in_dim3A_397 : vector<16xi1>, vector<16xf32>
    %add3A_2091 = arith.addf %add3A_2085, %select_n3A_2090 : vector<16xf32>
    %get3A_2092 = arith.constant 128 : index
    %get3A_2093 = tpu.vector_load %arg7[%get3A_2092] {strides = array<i32>} : memref<512xf32, #tpu.memory_space<vmem>>, vector<16xf32>,
    %get3A_2094 = vector.shape_cast %get3A_2093 : vector<16xf32> to vector<16xf32>
    %ge3A_2095 = arith.cmpf oge, %get3A_2094, %get3A_2043 : vector<16xf32>
    %select_n3A_2096 = arith.select %ge3A_2095, %broadcast_in_dim3A_399, %broadcast_in_dim3A_397 : vector<16xi1>, vector<16xf32>
    %add3A_2097 = arith.addf %add3A_2091, %select_n3A_2096 : vector<16xf32>
    %get3A_2098 = arith.constant 144 : index
    %get3A_2099 = tpu.vector_load %arg7[%get3A_2098] {strides = array<i32>} : memref<512xf32, #tpu.memory_space<vmem>>, vector<16xf32>,
    %get3A_2100 = vector.shape_cast %get3A_2099 : vector<16xf32> to vector<16xf32>
    %ge3A_2101 = arith.cmpf oge, %get3A_2100, %get3A_2043 : vector<16xf32>
    %select_n3A_2102 = arith.select %ge3A_2101, %broadcast_in_dim3A_399, %broadcast_in_dim3A_397 : vector<16xi1>, vector<16xf32>
    %add3A_2103 = arith.addf %add3A_2097, %select_n3A_2102 : vector<16xf32>
    %get3A_2104 = arith.constant 160 : index
    %get3A_2105 = tpu.vector_load %arg7[%get3A_2104] {strides = array<i32>} : memref<512xf32, #tpu.memory_space<vmem>>, vector<16xf32>,
    %get3A_2106 = vector.shape_cast %get3A_2105 : vector<16xf32> to vector<16xf32>
    %ge3A_2107 = arith.cmpf oge, %get3A_2106, %get3A_2043 : vector<16xf32>
    %select_n3A_2108 = arith.select %ge3A_2107, %broadcast_in_dim3A_399, %broadcast_in_dim3A_397 : vector<16xi1>, vector<16xf32>
    %add3A_2109 = arith.addf %add3A_2103, %select_n3A_2108 : vector<16xf32>
    %get3A_2110 = arith.constant 176 : index
    %get3A_2111 = tpu.vector_load %arg7[%get3A_2110] {strides = array<i32>} : memref<512xf32, #tpu.memory_space<vmem>>, vector<16xf32>,
    %get3A_2112 = vector.shape_cast %get3A_2111 : vector<16xf32> to vector<16xf32>
    %ge3A_2113 = arith.cmpf oge, %get3A_2112, %get3A_2043 : vector<16xf32>
    %select_n3A_2114 = arith.select %ge3A_2113, %broadcast_in_dim3A_399, %broadcast_in_dim3A_397 : vector<16xi1>, vector<16xf32>
    %add3A_2115 = arith.addf %add3A_2109, %select_n3A_2114 : vector<16xf32>
    %get3A_2116 = arith.constant 208 : index
    %get3A_2117 = tpu.vector_load %arg7[%get3A_2116] {strides = array<i32>} : memref<512xf32, #tpu.memory_space<vmem>>, vector<16xf32>,
    %get3A_2118 = vector.shape_cast %get3A_2117 : vector<16xf32> to vector<16xf32>
    %gt3A_2119 = arith.cmpf ogt, %get3A_2118, %get3A_2043 : vector<16xf32>
    %select_n3A_2120 = arith.select %gt3A_2119, %broadcast_in_dim3A_399, %broadcast_in_dim3A_397 : vector<16xi1>, vector<16xf32>
    %add3A_2121 = arith.addf %add3A_2115, %select_n3A_2120 : vector<16xf32>
    %get3A_2122 = arith.constant 224 : index
    %get3A_2123 = tpu.vector_load %arg7[%get3A_2122] {strides = array<i32>} : memref<512xf32, #tpu.memory_space<vmem>>, vector<16xf32>,
    %get3A_2124 = vector.shape_cast %get3A_2123 : vector<16xf32> to vector<16xf32>
    %gt3A_2125 = arith.cmpf ogt, %get3A_2124, %get3A_2043 : vector<16xf32>
    %select_n3A_2126 = arith.select %gt3A_2125, %broadcast_in_dim3A_399, %broadcast_in_dim3A_397 : vector<16xi1>, vector<16xf32>
    %add3A_2127 = arith.addf %add3A_2121, %select_n3A_2126 : vector<16xf32>
    %get3A_2128 = arith.constant 240 : index
    %get3A_2129 = tpu.vector_load %arg7[%get3A_2128] {strides = array<i32>} : memref<512xf32, #tpu.memory_space<vmem>>, vector<16xf32>,
    %get3A_2130 = vector.shape_cast %get3A_2129 : vector<16xf32> to vector<16xf32>
    %gt3A_2131 = arith.cmpf ogt, %get3A_2130, %get3A_2043 : vector<16xf32>
    %select_n3A_2132 = arith.select %gt3A_2131, %broadcast_in_dim3A_399, %broadcast_in_dim3A_397 : vector<16xi1>, vector<16xf32>
    %add3A_2133 = arith.addf %add3A_2127, %select_n3A_2132 : vector<16xf32>
    %get3A_2134 = arith.constant 256 : index
    %get3A_2135 = tpu.vector_load %arg7[%get3A_2134] {strides = array<i32>} : memref<512xf32, #tpu.memory_space<vmem>>, vector<16xf32>,
    %get3A_2136 = vector.shape_cast %get3A_2135 : vector<16xf32> to vector<16xf32>
    %gt3A_2137 = arith.cmpf ogt, %get3A_2136, %get3A_2043 : vector<16xf32>
    %select_n3A_2138 = arith.select %gt3A_2137, %broadcast_in_dim3A_399, %broadcast_in_dim3A_397 : vector<16xi1>, vector<16xf32>
    %add3A_2139 = arith.addf %add3A_2133, %select_n3A_2138 : vector<16xf32>
    %get3A_2140 = arith.constant 272 : index
    %get3A_2141 = tpu.vector_load %arg7[%get3A_2140] {strides = array<i32>} : memref<512xf32, #tpu.memory_space<vmem>>, vector<16xf32>,
    %get3A_2142 = vector.shape_cast %get3A_2141 : vector<16xf32> to vector<16xf32>
    %gt3A_2143 = arith.cmpf ogt, %get3A_2142, %get3A_2043 : vector<16xf32>
    %select_n3A_2144 = arith.select %gt3A_2143, %broadcast_in_dim3A_399, %broadcast_in_dim3A_397 : vector<16xi1>, vector<16xf32>
    %add3A_2145 = arith.addf %add3A_2139, %select_n3A_2144 : vector<16xf32>
    %get3A_2146 = arith.constant 288 : index
    %get3A_2147 = tpu.vector_load %arg7[%get3A_2146] {strides = array<i32>} : memref<512xf32, #tpu.memory_space<vmem>>, vector<16xf32>,
    %get3A_2148 = vector.shape_cast %get3A_2147 : vector<16xf32> to vector<16xf32>
    %gt3A_2149 = arith.cmpf ogt, %get3A_2148, %get3A_2043 : vector<16xf32>
    %select_n3A_2150 = arith.select %gt3A_2149, %broadcast_in_dim3A_399, %broadcast_in_dim3A_397 : vector<16xi1>, vector<16xf32>
    %add3A_2151 = arith.addf %add3A_2145, %select_n3A_2150 : vector<16xf32>
    %get3A_2152 = arith.constant 304 : index
    %get3A_2153 = tpu.vector_load %arg7[%get3A_2152] {strides = array<i32>} : memref<512xf32, #tpu.memory_space<vmem>>, vector<16xf32>,
    %get3A_2154 = vector.shape_cast %get3A_2153 : vector<16xf32> to vector<16xf32>
    %gt3A_2155 = arith.cmpf ogt, %get3A_2154, %get3A_2043 : vector<16xf32>
    %select_n3A_2156 = arith.select %gt3A_2155, %broadcast_in_dim3A_399, %broadcast_in_dim3A_397 : vector<16xi1>, vector<16xf32>
    %add3A_2157 = arith.addf %add3A_2151, %select_n3A_2156 : vector<16xf32>
    %get3A_2158 = arith.constant 320 : index
    %get3A_2159 = tpu.vector_load %arg7[%get3A_2158] {strides = array<i32>} : memref<512xf32, #tpu.memory_space<vmem>>, vector<16xf32>,
    %get3A_2160 = vector.shape_cast %get3A_2159 : vector<16xf32> to vector<16xf32>
    %gt3A_2161 = arith.cmpf ogt, %get3A_2160, %get3A_2043 : vector<16xf32>
    %select_n3A_2162 = arith.select %gt3A_2161, %broadcast_in_dim3A_399, %broadcast_in_dim3A_397 : vector<16xi1>, vector<16xf32>
    %add3A_2163 = arith.addf %add3A_2157, %select_n3A_2162 : vector<16xf32>
    %get3A_2164 = arith.constant 336 : index
    %get3A_2165 = tpu.vector_load %arg7[%get3A_2164] {strides = array<i32>} : memref<512xf32, #tpu.memory_space<vmem>>, vector<16xf32>,
    %get3A_2166 = vector.shape_cast %get3A_2165 : vector<16xf32> to vector<16xf32>
    %gt3A_2167 = arith.cmpf ogt, %get3A_2166, %get3A_2043 : vector<16xf32>
    %select_n3A_2168 = arith.select %gt3A_2167, %broadcast_in_dim3A_399, %broadcast_in_dim3A_397 : vector<16xi1>, vector<16xf32>
    %add3A_2169 = arith.addf %add3A_2163, %select_n3A_2168 : vector<16xf32>
    %ge3A_2170 = arith.constant 2.000000e+01 : f32
    %ge3A_2171 = vector.broadcast %ge3A_2170 : f32 to vector<16xf32>
    %ge3A_2172 = arith.cmpf oge, %add3A_2169, %ge3A_2171 : vector<16xf32>
    %select_n3A_2173 = arith.select %ge3A_2172, %broadcast_in_dim3A_399, %broadcast_in_dim3A_397 : vector<16xi1>, vector<16xf32>
    %swap3A_2174 = arith.constant 192 : index
    %swap3A_2175 = tpu.vector_load %arg8[%swap3A_2174] {strides = array<i32>} : memref<512xf32, #tpu.memory_space<vmem>>, vector<16xf32>,
    %swap3A_2176 = vector.shape_cast %swap3A_2175 : vector<16xf32> to vector<16xf32>
    %swap3A_2177 = vector.shape_cast %select_n3A_2173 : vector<16xf32> to vector<16xf32>
    tpu.vector_store %arg8[%swap3A_2174], %swap3A_2177 {strides = array<i32>} : memref<512xf32, #tpu.memory_space<vmem>>, vector<16xf32>,
    %get3A_2178 = arith.constant 208 : index
    %get3A_2179 = tpu.vector_load %arg7[%get3A_2178] {strides = array<i32>} : memref<512xf32, #tpu.memory_space<vmem>>, vector<16xf32>,
    %get3A_2180 = vector.shape_cast %get3A_2179 : vector<16xf32> to vector<16xf32>
    %get3A_2181 = arith.constant 0 : index
    %get3A_2182 = tpu.vector_load %arg7[%get3A_2181] {strides = array<i32>} : memref<512xf32, #tpu.memory_space<vmem>>, vector<16xf32>,
    %get3A_2183 = vector.shape_cast %get3A_2182 : vector<16xf32> to vector<16xf32>
    %ge3A_2184 = arith.cmpf oge, %get3A_2183, %get3A_2180 : vector<16xf32>
    %select_n3A_2185 = arith.select %ge3A_2184, %broadcast_in_dim3A_399, %broadcast_in_dim3A_397 : vector<16xi1>, vector<16xf32>
    %add3A_2186 = arith.addf %broadcast_in_dim3A_397, %select_n3A_2185 : vector<16xf32>
    %get3A_2187 = arith.constant 16 : index
    %get3A_2188 = tpu.vector_load %arg7[%get3A_2187] {strides = array<i32>} : memref<512xf32, #tpu.memory_space<vmem>>, vector<16xf32>,
    %get3A_2189 = vector.shape_cast %get3A_2188 : vector<16xf32> to vector<16xf32>
    %ge3A_2190 = arith.cmpf oge, %get3A_2189, %get3A_2180 : vector<16xf32>
    %select_n3A_2191 = arith.select %ge3A_2190, %broadcast_in_dim3A_399, %broadcast_in_dim3A_397 : vector<16xi1>, vector<16xf32>
    %add3A_2192 = arith.addf %add3A_2186, %select_n3A_2191 : vector<16xf32>
    %get3A_2193 = arith.constant 32 : index
    %get3A_2194 = tpu.vector_load %arg7[%get3A_2193] {strides = array<i32>} : memref<512xf32, #tpu.memory_space<vmem>>, vector<16xf32>,
    %get3A_2195 = vector.shape_cast %get3A_2194 : vector<16xf32> to vector<16xf32>
    %ge3A_2196 = arith.cmpf oge, %get3A_2195, %get3A_2180 : vector<16xf32>
    %select_n3A_2197 = arith.select %ge3A_2196, %broadcast_in_dim3A_399, %broadcast_in_dim3A_397 : vector<16xi1>, vector<16xf32>
    %add3A_2198 = arith.addf %add3A_2192, %select_n3A_2197 : vector<16xf32>
    %get3A_2199 = arith.constant 48 : index
    %get3A_2200 = tpu.vector_load %arg7[%get3A_2199] {strides = array<i32>} : memref<512xf32, #tpu.memory_space<vmem>>, vector<16xf32>,
    %get3A_2201 = vector.shape_cast %get3A_2200 : vector<16xf32> to vector<16xf32>
    %ge3A_2202 = arith.cmpf oge, %get3A_2201, %get3A_2180 : vector<16xf32>
    %select_n3A_2203 = arith.select %ge3A_2202, %broadcast_in_dim3A_399, %broadcast_in_dim3A_397 : vector<16xi1>, vector<16xf32>
    %add3A_2204 = arith.addf %add3A_2198, %select_n3A_2203 : vector<16xf32>
    %get3A_2205 = arith.constant 64 : index
    %get3A_2206 = tpu.vector_load %arg7[%get3A_2205] {strides = array<i32>} : memref<512xf32, #tpu.memory_space<vmem>>, vector<16xf32>,
    %get3A_2207 = vector.shape_cast %get3A_2206 : vector<16xf32> to vector<16xf32>
    %ge3A_2208 = arith.cmpf oge, %get3A_2207, %get3A_2180 : vector<16xf32>
    %select_n3A_2209 = arith.select %ge3A_2208, %broadcast_in_dim3A_399, %broadcast_in_dim3A_397 : vector<16xi1>, vector<16xf32>
    %add3A_2210 = arith.addf %add3A_2204, %select_n3A_2209 : vector<16xf32>
    %get3A_2211 = arith.constant 80 : index
    %get3A_2212 = tpu.vector_load %arg7[%get3A_2211] {strides = array<i32>} : memref<512xf32, #tpu.memory_space<vmem>>, vector<16xf32>,
    %get3A_2213 = vector.shape_cast %get3A_2212 : vector<16xf32> to vector<16xf32>
    %ge3A_2214 = arith.cmpf oge, %get3A_2213, %get3A_2180 : vector<16xf32>
    %select_n3A_2215 = arith.select %ge3A_2214, %broadcast_in_dim3A_399, %broadcast_in_dim3A_397 : vector<16xi1>, vector<16xf32>
    %add3A_2216 = arith.addf %add3A_2210, %select_n3A_2215 : vector<16xf32>
    %get3A_2217 = arith.constant 96 : index
    %get3A_2218 = tpu.vector_load %arg7[%get3A_2217] {strides = array<i32>} : memref<512xf32, #tpu.memory_space<vmem>>, vector<16xf32>,
    %get3A_2219 = vector.shape_cast %get3A_2218 : vector<16xf32> to vector<16xf32>
    %ge3A_2220 = arith.cmpf oge, %get3A_2219, %get3A_2180 : vector<16xf32>
    %select_n3A_2221 = arith.select %ge3A_2220, %broadcast_in_dim3A_399, %broadcast_in_dim3A_397 : vector<16xi1>, vector<16xf32>
    %add3A_2222 = arith.addf %add3A_2216, %select_n3A_2221 : vector<16xf32>
    %get3A_2223 = arith.constant 112 : index
    %get3A_2224 = tpu.vector_load %arg7[%get3A_2223] {strides = array<i32>} : memref<512xf32, #tpu.memory_space<vmem>>, vector<16xf32>,
    %get3A_2225 = vector.shape_cast %get3A_2224 : vector<16xf32> to vector<16xf32>
    %ge3A_2226 = arith.cmpf oge, %get3A_2225, %get3A_2180 : vector<16xf32>
    %select_n3A_2227 = arith.select %ge3A_2226, %broadcast_in_dim3A_399, %broadcast_in_dim3A_397 : vector<16xi1>, vector<16xf32>
    %add3A_2228 = arith.addf %add3A_2222, %select_n3A_2227 : vector<16xf32>
    %get3A_2229 = arith.constant 128 : index
    %get3A_2230 = tpu.vector_load %arg7[%get3A_2229] {strides = array<i32>} : memref<512xf32, #tpu.memory_space<vmem>>, vector<16xf32>,
    %get3A_2231 = vector.shape_cast %get3A_2230 : vector<16xf32> to vector<16xf32>
    %ge3A_2232 = arith.cmpf oge, %get3A_2231, %get3A_2180 : vector<16xf32>
    %select_n3A_2233 = arith.select %ge3A_2232, %broadcast_in_dim3A_399, %broadcast_in_dim3A_397 : vector<16xi1>, vector<16xf32>
    %add3A_2234 = arith.addf %add3A_2228, %select_n3A_2233 : vector<16xf32>
    %get3A_2235 = arith.constant 144 : index
    %get3A_2236 = tpu.vector_load %arg7[%get3A_2235] {strides = array<i32>} : memref<512xf32, #tpu.memory_space<vmem>>, vector<16xf32>,
    %get3A_2237 = vector.shape_cast %get3A_2236 : vector<16xf32> to vector<16xf32>
    %ge3A_2238 = arith.cmpf oge, %get3A_2237, %get3A_2180 : vector<16xf32>
    %select_n3A_2239 = arith.select %ge3A_2238, %broadcast_in_dim3A_399, %broadcast_in_dim3A_397 : vector<16xi1>, vector<16xf32>
    %add3A_2240 = arith.addf %add3A_2234, %select_n3A_2239 : vector<16xf32>
    %get3A_2241 = arith.constant 160 : index
    %get3A_2242 = tpu.vector_load %arg7[%get3A_2241] {strides = array<i32>} : memref<512xf32, #tpu.memory_space<vmem>>, vector<16xf32>,
    %get3A_2243 = vector.shape_cast %get3A_2242 : vector<16xf32> to vector<16xf32>
    %ge3A_2244 = arith.cmpf oge, %get3A_2243, %get3A_2180 : vector<16xf32>
    %select_n3A_2245 = arith.select %ge3A_2244, %broadcast_in_dim3A_399, %broadcast_in_dim3A_397 : vector<16xi1>, vector<16xf32>
    %add3A_2246 = arith.addf %add3A_2240, %select_n3A_2245 : vector<16xf32>
    %get3A_2247 = arith.constant 176 : index
    %get3A_2248 = tpu.vector_load %arg7[%get3A_2247] {strides = array<i32>} : memref<512xf32, #tpu.memory_space<vmem>>, vector<16xf32>,
    %get3A_2249 = vector.shape_cast %get3A_2248 : vector<16xf32> to vector<16xf32>
    %ge3A_2250 = arith.cmpf oge, %get3A_2249, %get3A_2180 : vector<16xf32>
    %select_n3A_2251 = arith.select %ge3A_2250, %broadcast_in_dim3A_399, %broadcast_in_dim3A_397 : vector<16xi1>, vector<16xf32>
    %add3A_2252 = arith.addf %add3A_2246, %select_n3A_2251 : vector<16xf32>
    %get3A_2253 = arith.constant 192 : index
    %get3A_2254 = tpu.vector_load %arg7[%get3A_2253] {strides = array<i32>} : memref<512xf32, #tpu.memory_space<vmem>>, vector<16xf32>,
    %get3A_2255 = vector.shape_cast %get3A_2254 : vector<16xf32> to vector<16xf32>
    %ge3A_2256 = arith.cmpf oge, %get3A_2255, %get3A_2180 : vector<16xf32>
    %select_n3A_2257 = arith.select %ge3A_2256, %broadcast_in_dim3A_399, %broadcast_in_dim3A_397 : vector<16xi1>, vector<16xf32>
    %add3A_2258 = arith.addf %add3A_2252, %select_n3A_2257 : vector<16xf32>
    %get3A_2259 = arith.constant 224 : index
    %get3A_2260 = tpu.vector_load %arg7[%get3A_2259] {strides = array<i32>} : memref<512xf32, #tpu.memory_space<vmem>>, vector<16xf32>,
    %get3A_2261 = vector.shape_cast %get3A_2260 : vector<16xf32> to vector<16xf32>
    %gt3A_2262 = arith.cmpf ogt, %get3A_2261, %get3A_2180 : vector<16xf32>
    %select_n3A_2263 = arith.select %gt3A_2262, %broadcast_in_dim3A_399, %broadcast_in_dim3A_397 : vector<16xi1>, vector<16xf32>
    %add3A_2264 = arith.addf %add3A_2258, %select_n3A_2263 : vector<16xf32>
    %get3A_2265 = arith.constant 240 : index
    %get3A_2266 = tpu.vector_load %arg7[%get3A_2265] {strides = array<i32>} : memref<512xf32, #tpu.memory_space<vmem>>, vector<16xf32>,
    %get3A_2267 = vector.shape_cast %get3A_2266 : vector<16xf32> to vector<16xf32>
    %gt3A_2268 = arith.cmpf ogt, %get3A_2267, %get3A_2180 : vector<16xf32>
    %select_n3A_2269 = arith.select %gt3A_2268, %broadcast_in_dim3A_399, %broadcast_in_dim3A_397 : vector<16xi1>, vector<16xf32>
    %add3A_2270 = arith.addf %add3A_2264, %select_n3A_2269 : vector<16xf32>
    %get3A_2271 = arith.constant 256 : index
    %get3A_2272 = tpu.vector_load %arg7[%get3A_2271] {strides = array<i32>} : memref<512xf32, #tpu.memory_space<vmem>>, vector<16xf32>,
    %get3A_2273 = vector.shape_cast %get3A_2272 : vector<16xf32> to vector<16xf32>
    %gt3A_2274 = arith.cmpf ogt, %get3A_2273, %get3A_2180 : vector<16xf32>
    %select_n3A_2275 = arith.select %gt3A_2274, %broadcast_in_dim3A_399, %broadcast_in_dim3A_397 : vector<16xi1>, vector<16xf32>
    %add3A_2276 = arith.addf %add3A_2270, %select_n3A_2275 : vector<16xf32>
    %get3A_2277 = arith.constant 272 : index
    %get3A_2278 = tpu.vector_load %arg7[%get3A_2277] {strides = array<i32>} : memref<512xf32, #tpu.memory_space<vmem>>, vector<16xf32>,
    %get3A_2279 = vector.shape_cast %get3A_2278 : vector<16xf32> to vector<16xf32>
    %gt3A_2280 = arith.cmpf ogt, %get3A_2279, %get3A_2180 : vector<16xf32>
    %select_n3A_2281 = arith.select %gt3A_2280, %broadcast_in_dim3A_399, %broadcast_in_dim3A_397 : vector<16xi1>, vector<16xf32>
    %add3A_2282 = arith.addf %add3A_2276, %select_n3A_2281 : vector<16xf32>
    %get3A_2283 = arith.constant 288 : index
    %get3A_2284 = tpu.vector_load %arg7[%get3A_2283] {strides = array<i32>} : memref<512xf32, #tpu.memory_space<vmem>>, vector<16xf32>,
    %get3A_2285 = vector.shape_cast %get3A_2284 : vector<16xf32> to vector<16xf32>
    %gt3A_2286 = arith.cmpf ogt, %get3A_2285, %get3A_2180 : vector<16xf32>
    %select_n3A_2287 = arith.select %gt3A_2286, %broadcast_in_dim3A_399, %broadcast_in_dim3A_397 : vector<16xi1>, vector<16xf32>
    %add3A_2288 = arith.addf %add3A_2282, %select_n3A_2287 : vector<16xf32>
    %get3A_2289 = arith.constant 304 : index
    %get3A_2290 = tpu.vector_load %arg7[%get3A_2289] {strides = array<i32>} : memref<512xf32, #tpu.memory_space<vmem>>, vector<16xf32>,
    %get3A_2291 = vector.shape_cast %get3A_2290 : vector<16xf32> to vector<16xf32>
    %gt3A_2292 = arith.cmpf ogt, %get3A_2291, %get3A_2180 : vector<16xf32>
    %select_n3A_2293 = arith.select %gt3A_2292, %broadcast_in_dim3A_399, %broadcast_in_dim3A_397 : vector<16xi1>, vector<16xf32>
    %add3A_2294 = arith.addf %add3A_2288, %select_n3A_2293 : vector<16xf32>
    %get3A_2295 = arith.constant 320 : index
    %get3A_2296 = tpu.vector_load %arg7[%get3A_2295] {strides = array<i32>} : memref<512xf32, #tpu.memory_space<vmem>>, vector<16xf32>,
    %get3A_2297 = vector.shape_cast %get3A_2296 : vector<16xf32> to vector<16xf32>
    %gt3A_2298 = arith.cmpf ogt, %get3A_2297, %get3A_2180 : vector<16xf32>
    %select_n3A_2299 = arith.select %gt3A_2298, %broadcast_in_dim3A_399, %broadcast_in_dim3A_397 : vector<16xi1>, vector<16xf32>
    %add3A_2300 = arith.addf %add3A_2294, %select_n3A_2299 : vector<16xf32>
    %get3A_2301 = arith.constant 336 : index
    %get3A_2302 = tpu.vector_load %arg7[%get3A_2301] {strides = array<i32>} : memref<512xf32, #tpu.memory_space<vmem>>, vector<16xf32>,
    %get3A_2303 = vector.shape_cast %get3A_2302 : vector<16xf32> to vector<16xf32>
    %gt3A_2304 = arith.cmpf ogt, %get3A_2303, %get3A_2180 : vector<16xf32>
    %select_n3A_2305 = arith.select %gt3A_2304, %broadcast_in_dim3A_399, %broadcast_in_dim3A_397 : vector<16xi1>, vector<16xf32>
    %add3A_2306 = arith.addf %add3A_2300, %select_n3A_2305 : vector<16xf32>
    %ge3A_2307 = arith.constant 2.000000e+01 : f32
    %ge3A_2308 = vector.broadcast %ge3A_2307 : f32 to vector<16xf32>
    %ge3A_2309 = arith.cmpf oge, %add3A_2306, %ge3A_2308 : vector<16xf32>
    %select_n3A_2310 = arith.select %ge3A_2309, %broadcast_in_dim3A_399, %broadcast_in_dim3A_397 : vector<16xi1>, vector<16xf32>
    %swap3A_2311 = arith.constant 208 : index
    %swap3A_2312 = tpu.vector_load %arg8[%swap3A_2311] {strides = array<i32>} : memref<512xf32, #tpu.memory_space<vmem>>, vector<16xf32>,
    %swap3A_2313 = vector.shape_cast %swap3A_2312 : vector<16xf32> to vector<16xf32>
    %swap3A_2314 = vector.shape_cast %select_n3A_2310 : vector<16xf32> to vector<16xf32>
    tpu.vector_store %arg8[%swap3A_2311], %swap3A_2314 {strides = array<i32>} : memref<512xf32, #tpu.memory_space<vmem>>, vector<16xf32>,
    %get3A_2315 = arith.constant 224 : index
    %get3A_2316 = tpu.vector_load %arg7[%get3A_2315] {strides = array<i32>} : memref<512xf32, #tpu.memory_space<vmem>>, vector<16xf32>,
    %get3A_2317 = vector.shape_cast %get3A_2316 : vector<16xf32> to vector<16xf32>
    %get3A_2318 = arith.constant 0 : index
    %get3A_2319 = tpu.vector_load %arg7[%get3A_2318] {strides = array<i32>} : memref<512xf32, #tpu.memory_space<vmem>>, vector<16xf32>,
    %get3A_2320 = vector.shape_cast %get3A_2319 : vector<16xf32> to vector<16xf32>
    %ge3A_2321 = arith.cmpf oge, %get3A_2320, %get3A_2317 : vector<16xf32>
    %select_n3A_2322 = arith.select %ge3A_2321, %broadcast_in_dim3A_399, %broadcast_in_dim3A_397 : vector<16xi1>, vector<16xf32>
    %add3A_2323 = arith.addf %broadcast_in_dim3A_397, %select_n3A_2322 : vector<16xf32>
    %get3A_2324 = arith.constant 16 : index
    %get3A_2325 = tpu.vector_load %arg7[%get3A_2324] {strides = array<i32>} : memref<512xf32, #tpu.memory_space<vmem>>, vector<16xf32>,
    %get3A_2326 = vector.shape_cast %get3A_2325 : vector<16xf32> to vector<16xf32>
    %ge3A_2327 = arith.cmpf oge, %get3A_2326, %get3A_2317 : vector<16xf32>
    %select_n3A_2328 = arith.select %ge3A_2327, %broadcast_in_dim3A_399, %broadcast_in_dim3A_397 : vector<16xi1>, vector<16xf32>
    %add3A_2329 = arith.addf %add3A_2323, %select_n3A_2328 : vector<16xf32>
    %get3A_2330 = arith.constant 32 : index
    %get3A_2331 = tpu.vector_load %arg7[%get3A_2330] {strides = array<i32>} : memref<512xf32, #tpu.memory_space<vmem>>, vector<16xf32>,
    %get3A_2332 = vector.shape_cast %get3A_2331 : vector<16xf32> to vector<16xf32>
    %ge3A_2333 = arith.cmpf oge, %get3A_2332, %get3A_2317 : vector<16xf32>
    %select_n3A_2334 = arith.select %ge3A_2333, %broadcast_in_dim3A_399, %broadcast_in_dim3A_397 : vector<16xi1>, vector<16xf32>
    %add3A_2335 = arith.addf %add3A_2329, %select_n3A_2334 : vector<16xf32>
    %get3A_2336 = arith.constant 48 : index
    %get3A_2337 = tpu.vector_load %arg7[%get3A_2336] {strides = array<i32>} : memref<512xf32, #tpu.memory_space<vmem>>, vector<16xf32>,
    %get3A_2338 = vector.shape_cast %get3A_2337 : vector<16xf32> to vector<16xf32>
    %ge3A_2339 = arith.cmpf oge, %get3A_2338, %get3A_2317 : vector<16xf32>
    %select_n3A_2340 = arith.select %ge3A_2339, %broadcast_in_dim3A_399, %broadcast_in_dim3A_397 : vector<16xi1>, vector<16xf32>
    %add3A_2341 = arith.addf %add3A_2335, %select_n3A_2340 : vector<16xf32>
    %get3A_2342 = arith.constant 64 : index
    %get3A_2343 = tpu.vector_load %arg7[%get3A_2342] {strides = array<i32>} : memref<512xf32, #tpu.memory_space<vmem>>, vector<16xf32>,
    %get3A_2344 = vector.shape_cast %get3A_2343 : vector<16xf32> to vector<16xf32>
    %ge3A_2345 = arith.cmpf oge, %get3A_2344, %get3A_2317 : vector<16xf32>
    %select_n3A_2346 = arith.select %ge3A_2345, %broadcast_in_dim3A_399, %broadcast_in_dim3A_397 : vector<16xi1>, vector<16xf32>
    %add3A_2347 = arith.addf %add3A_2341, %select_n3A_2346 : vector<16xf32>
    %get3A_2348 = arith.constant 80 : index
    %get3A_2349 = tpu.vector_load %arg7[%get3A_2348] {strides = array<i32>} : memref<512xf32, #tpu.memory_space<vmem>>, vector<16xf32>,
    %get3A_2350 = vector.shape_cast %get3A_2349 : vector<16xf32> to vector<16xf32>
    %ge3A_2351 = arith.cmpf oge, %get3A_2350, %get3A_2317 : vector<16xf32>
    %select_n3A_2352 = arith.select %ge3A_2351, %broadcast_in_dim3A_399, %broadcast_in_dim3A_397 : vector<16xi1>, vector<16xf32>
    %add3A_2353 = arith.addf %add3A_2347, %select_n3A_2352 : vector<16xf32>
    %get3A_2354 = arith.constant 96 : index
    %get3A_2355 = tpu.vector_load %arg7[%get3A_2354] {strides = array<i32>} : memref<512xf32, #tpu.memory_space<vmem>>, vector<16xf32>,
    %get3A_2356 = vector.shape_cast %get3A_2355 : vector<16xf32> to vector<16xf32>
    %ge3A_2357 = arith.cmpf oge, %get3A_2356, %get3A_2317 : vector<16xf32>
    %select_n3A_2358 = arith.select %ge3A_2357, %broadcast_in_dim3A_399, %broadcast_in_dim3A_397 : vector<16xi1>, vector<16xf32>
    %add3A_2359 = arith.addf %add3A_2353, %select_n3A_2358 : vector<16xf32>
    %get3A_2360 = arith.constant 112 : index
    %get3A_2361 = tpu.vector_load %arg7[%get3A_2360] {strides = array<i32>} : memref<512xf32, #tpu.memory_space<vmem>>, vector<16xf32>,
    %get3A_2362 = vector.shape_cast %get3A_2361 : vector<16xf32> to vector<16xf32>
    %ge3A_2363 = arith.cmpf oge, %get3A_2362, %get3A_2317 : vector<16xf32>
    %select_n3A_2364 = arith.select %ge3A_2363, %broadcast_in_dim3A_399, %broadcast_in_dim3A_397 : vector<16xi1>, vector<16xf32>
    %add3A_2365 = arith.addf %add3A_2359, %select_n3A_2364 : vector<16xf32>
    %get3A_2366 = arith.constant 128 : index
    %get3A_2367 = tpu.vector_load %arg7[%get3A_2366] {strides = array<i32>} : memref<512xf32, #tpu.memory_space<vmem>>, vector<16xf32>,
    %get3A_2368 = vector.shape_cast %get3A_2367 : vector<16xf32> to vector<16xf32>
    %ge3A_2369 = arith.cmpf oge, %get3A_2368, %get3A_2317 : vector<16xf32>
    %select_n3A_2370 = arith.select %ge3A_2369, %broadcast_in_dim3A_399, %broadcast_in_dim3A_397 : vector<16xi1>, vector<16xf32>
    %add3A_2371 = arith.addf %add3A_2365, %select_n3A_2370 : vector<16xf32>
    %get3A_2372 = arith.constant 144 : index
    %get3A_2373 = tpu.vector_load %arg7[%get3A_2372] {strides = array<i32>} : memref<512xf32, #tpu.memory_space<vmem>>, vector<16xf32>,
    %get3A_2374 = vector.shape_cast %get3A_2373 : vector<16xf32> to vector<16xf32>
    %ge3A_2375 = arith.cmpf oge, %get3A_2374, %get3A_2317 : vector<16xf32>
    %select_n3A_2376 = arith.select %ge3A_2375, %broadcast_in_dim3A_399, %broadcast_in_dim3A_397 : vector<16xi1>, vector<16xf32>
    %add3A_2377 = arith.addf %add3A_2371, %select_n3A_2376 : vector<16xf32>
    %get3A_2378 = arith.constant 160 : index
    %get3A_2379 = tpu.vector_load %arg7[%get3A_2378] {strides = array<i32>} : memref<512xf32, #tpu.memory_space<vmem>>, vector<16xf32>,
    %get3A_2380 = vector.shape_cast %get3A_2379 : vector<16xf32> to vector<16xf32>
    %ge3A_2381 = arith.cmpf oge, %get3A_2380, %get3A_2317 : vector<16xf32>
    %select_n3A_2382 = arith.select %ge3A_2381, %broadcast_in_dim3A_399, %broadcast_in_dim3A_397 : vector<16xi1>, vector<16xf32>
    %add3A_2383 = arith.addf %add3A_2377, %select_n3A_2382 : vector<16xf32>
    %get3A_2384 = arith.constant 176 : index
    %get3A_2385 = tpu.vector_load %arg7[%get3A_2384] {strides = array<i32>} : memref<512xf32, #tpu.memory_space<vmem>>, vector<16xf32>,
    %get3A_2386 = vector.shape_cast %get3A_2385 : vector<16xf32> to vector<16xf32>
    %ge3A_2387 = arith.cmpf oge, %get3A_2386, %get3A_2317 : vector<16xf32>
    %select_n3A_2388 = arith.select %ge3A_2387, %broadcast_in_dim3A_399, %broadcast_in_dim3A_397 : vector<16xi1>, vector<16xf32>
    %add3A_2389 = arith.addf %add3A_2383, %select_n3A_2388 : vector<16xf32>
    %get3A_2390 = arith.constant 192 : index
    %get3A_2391 = tpu.vector_load %arg7[%get3A_2390] {strides = array<i32>} : memref<512xf32, #tpu.memory_space<vmem>>, vector<16xf32>,
    %get3A_2392 = vector.shape_cast %get3A_2391 : vector<16xf32> to vector<16xf32>
    %ge3A_2393 = arith.cmpf oge, %get3A_2392, %get3A_2317 : vector<16xf32>
    %select_n3A_2394 = arith.select %ge3A_2393, %broadcast_in_dim3A_399, %broadcast_in_dim3A_397 : vector<16xi1>, vector<16xf32>
    %add3A_2395 = arith.addf %add3A_2389, %select_n3A_2394 : vector<16xf32>
    %get3A_2396 = arith.constant 208 : index
    %get3A_2397 = tpu.vector_load %arg7[%get3A_2396] {strides = array<i32>} : memref<512xf32, #tpu.memory_space<vmem>>, vector<16xf32>,
    %get3A_2398 = vector.shape_cast %get3A_2397 : vector<16xf32> to vector<16xf32>
    %ge3A_2399 = arith.cmpf oge, %get3A_2398, %get3A_2317 : vector<16xf32>
    %select_n3A_2400 = arith.select %ge3A_2399, %broadcast_in_dim3A_399, %broadcast_in_dim3A_397 : vector<16xi1>, vector<16xf32>
    %add3A_2401 = arith.addf %add3A_2395, %select_n3A_2400 : vector<16xf32>
    %get3A_2402 = arith.constant 240 : index
    %get3A_2403 = tpu.vector_load %arg7[%get3A_2402] {strides = array<i32>} : memref<512xf32, #tpu.memory_space<vmem>>, vector<16xf32>,
    %get3A_2404 = vector.shape_cast %get3A_2403 : vector<16xf32> to vector<16xf32>
    %gt3A_2405 = arith.cmpf ogt, %get3A_2404, %get3A_2317 : vector<16xf32>
    %select_n3A_2406 = arith.select %gt3A_2405, %broadcast_in_dim3A_399, %broadcast_in_dim3A_397 : vector<16xi1>, vector<16xf32>
    %add3A_2407 = arith.addf %add3A_2401, %select_n3A_2406 : vector<16xf32>
    %get3A_2408 = arith.constant 256 : index
    %get3A_2409 = tpu.vector_load %arg7[%get3A_2408] {strides = array<i32>} : memref<512xf32, #tpu.memory_space<vmem>>, vector<16xf32>,
    %get3A_2410 = vector.shape_cast %get3A_2409 : vector<16xf32> to vector<16xf32>
    %gt3A_2411 = arith.cmpf ogt, %get3A_2410, %get3A_2317 : vector<16xf32>
    %select_n3A_2412 = arith.select %gt3A_2411, %broadcast_in_dim3A_399, %broadcast_in_dim3A_397 : vector<16xi1>, vector<16xf32>
    %add3A_2413 = arith.addf %add3A_2407, %select_n3A_2412 : vector<16xf32>
    %get3A_2414 = arith.constant 272 : index
    %get3A_2415 = tpu.vector_load %arg7[%get3A_2414] {strides = array<i32>} : memref<512xf32, #tpu.memory_space<vmem>>, vector<16xf32>,
    %get3A_2416 = vector.shape_cast %get3A_2415 : vector<16xf32> to vector<16xf32>
    %gt3A_2417 = arith.cmpf ogt, %get3A_2416, %get3A_2317 : vector<16xf32>
    %select_n3A_2418 = arith.select %gt3A_2417, %broadcast_in_dim3A_399, %broadcast_in_dim3A_397 : vector<16xi1>, vector<16xf32>
    %add3A_2419 = arith.addf %add3A_2413, %select_n3A_2418 : vector<16xf32>
    %get3A_2420 = arith.constant 288 : index
    %get3A_2421 = tpu.vector_load %arg7[%get3A_2420] {strides = array<i32>} : memref<512xf32, #tpu.memory_space<vmem>>, vector<16xf32>,
    %get3A_2422 = vector.shape_cast %get3A_2421 : vector<16xf32> to vector<16xf32>
    %gt3A_2423 = arith.cmpf ogt, %get3A_2422, %get3A_2317 : vector<16xf32>
    %select_n3A_2424 = arith.select %gt3A_2423, %broadcast_in_dim3A_399, %broadcast_in_dim3A_397 : vector<16xi1>, vector<16xf32>
    %add3A_2425 = arith.addf %add3A_2419, %select_n3A_2424 : vector<16xf32>
    %get3A_2426 = arith.constant 304 : index
    %get3A_2427 = tpu.vector_load %arg7[%get3A_2426] {strides = array<i32>} : memref<512xf32, #tpu.memory_space<vmem>>, vector<16xf32>,
    %get3A_2428 = vector.shape_cast %get3A_2427 : vector<16xf32> to vector<16xf32>
    %gt3A_2429 = arith.cmpf ogt, %get3A_2428, %get3A_2317 : vector<16xf32>
    %select_n3A_2430 = arith.select %gt3A_2429, %broadcast_in_dim3A_399, %broadcast_in_dim3A_397 : vector<16xi1>, vector<16xf32>
    %add3A_2431 = arith.addf %add3A_2425, %select_n3A_2430 : vector<16xf32>
    %get3A_2432 = arith.constant 320 : index
    %get3A_2433 = tpu.vector_load %arg7[%get3A_2432] {strides = array<i32>} : memref<512xf32, #tpu.memory_space<vmem>>, vector<16xf32>,
    %get3A_2434 = vector.shape_cast %get3A_2433 : vector<16xf32> to vector<16xf32>
    %gt3A_2435 = arith.cmpf ogt, %get3A_2434, %get3A_2317 : vector<16xf32>
    %select_n3A_2436 = arith.select %gt3A_2435, %broadcast_in_dim3A_399, %broadcast_in_dim3A_397 : vector<16xi1>, vector<16xf32>
    %add3A_2437 = arith.addf %add3A_2431, %select_n3A_2436 : vector<16xf32>
    %get3A_2438 = arith.constant 336 : index
    %get3A_2439 = tpu.vector_load %arg7[%get3A_2438] {strides = array<i32>} : memref<512xf32, #tpu.memory_space<vmem>>, vector<16xf32>,
    %get3A_2440 = vector.shape_cast %get3A_2439 : vector<16xf32> to vector<16xf32>
    %gt3A_2441 = arith.cmpf ogt, %get3A_2440, %get3A_2317 : vector<16xf32>
    %select_n3A_2442 = arith.select %gt3A_2441, %broadcast_in_dim3A_399, %broadcast_in_dim3A_397 : vector<16xi1>, vector<16xf32>
    %add3A_2443 = arith.addf %add3A_2437, %select_n3A_2442 : vector<16xf32>
    %ge3A_2444 = arith.constant 2.000000e+01 : f32
    %ge3A_2445 = vector.broadcast %ge3A_2444 : f32 to vector<16xf32>
    %ge3A_2446 = arith.cmpf oge, %add3A_2443, %ge3A_2445 : vector<16xf32>
    %select_n3A_2447 = arith.select %ge3A_2446, %broadcast_in_dim3A_399, %broadcast_in_dim3A_397 : vector<16xi1>, vector<16xf32>
    %swap3A_2448 = arith.constant 224 : index
    %swap3A_2449 = tpu.vector_load %arg8[%swap3A_2448] {strides = array<i32>} : memref<512xf32, #tpu.memory_space<vmem>>, vector<16xf32>,
    %swap3A_2450 = vector.shape_cast %swap3A_2449 : vector<16xf32> to vector<16xf32>
    %swap3A_2451 = vector.shape_cast %select_n3A_2447 : vector<16xf32> to vector<16xf32>
    tpu.vector_store %arg8[%swap3A_2448], %swap3A_2451 {strides = array<i32>} : memref<512xf32, #tpu.memory_space<vmem>>, vector<16xf32>,
    %get3A_2452 = arith.constant 240 : index
    %get3A_2453 = tpu.vector_load %arg7[%get3A_2452] {strides = array<i32>} : memref<512xf32, #tpu.memory_space<vmem>>, vector<16xf32>,
    %get3A_2454 = vector.shape_cast %get3A_2453 : vector<16xf32> to vector<16xf32>
    %get3A_2455 = arith.constant 0 : index
    %get3A_2456 = tpu.vector_load %arg7[%get3A_2455] {strides = array<i32>} : memref<512xf32, #tpu.memory_space<vmem>>, vector<16xf32>,
    %get3A_2457 = vector.shape_cast %get3A_2456 : vector<16xf32> to vector<16xf32>
    %ge3A_2458 = arith.cmpf oge, %get3A_2457, %get3A_2454 : vector<16xf32>
    %select_n3A_2459 = arith.select %ge3A_2458, %broadcast_in_dim3A_399, %broadcast_in_dim3A_397 : vector<16xi1>, vector<16xf32>
    %add3A_2460 = arith.addf %broadcast_in_dim3A_397, %select_n3A_2459 : vector<16xf32>
    %get3A_2461 = arith.constant 16 : index
    %get3A_2462 = tpu.vector_load %arg7[%get3A_2461] {strides = array<i32>} : memref<512xf32, #tpu.memory_space<vmem>>, vector<16xf32>,
    %get3A_2463 = vector.shape_cast %get3A_2462 : vector<16xf32> to vector<16xf32>
    %ge3A_2464 = arith.cmpf oge, %get3A_2463, %get3A_2454 : vector<16xf32>
    %select_n3A_2465 = arith.select %ge3A_2464, %broadcast_in_dim3A_399, %broadcast_in_dim3A_397 : vector<16xi1>, vector<16xf32>
    %add3A_2466 = arith.addf %add3A_2460, %select_n3A_2465 : vector<16xf32>
    %get3A_2467 = arith.constant 32 : index
    %get3A_2468 = tpu.vector_load %arg7[%get3A_2467] {strides = array<i32>} : memref<512xf32, #tpu.memory_space<vmem>>, vector<16xf32>,
    %get3A_2469 = vector.shape_cast %get3A_2468 : vector<16xf32> to vector<16xf32>
    %ge3A_2470 = arith.cmpf oge, %get3A_2469, %get3A_2454 : vector<16xf32>
    %select_n3A_2471 = arith.select %ge3A_2470, %broadcast_in_dim3A_399, %broadcast_in_dim3A_397 : vector<16xi1>, vector<16xf32>
    %add3A_2472 = arith.addf %add3A_2466, %select_n3A_2471 : vector<16xf32>
    %get3A_2473 = arith.constant 48 : index
    %get3A_2474 = tpu.vector_load %arg7[%get3A_2473] {strides = array<i32>} : memref<512xf32, #tpu.memory_space<vmem>>, vector<16xf32>,
    %get3A_2475 = vector.shape_cast %get3A_2474 : vector<16xf32> to vector<16xf32>
    %ge3A_2476 = arith.cmpf oge, %get3A_2475, %get3A_2454 : vector<16xf32>
    %select_n3A_2477 = arith.select %ge3A_2476, %broadcast_in_dim3A_399, %broadcast_in_dim3A_397 : vector<16xi1>, vector<16xf32>
    %add3A_2478 = arith.addf %add3A_2472, %select_n3A_2477 : vector<16xf32>
    %get3A_2479 = arith.constant 64 : index
    %get3A_2480 = tpu.vector_load %arg7[%get3A_2479] {strides = array<i32>} : memref<512xf32, #tpu.memory_space<vmem>>, vector<16xf32>,
    %get3A_2481 = vector.shape_cast %get3A_2480 : vector<16xf32> to vector<16xf32>
    %ge3A_2482 = arith.cmpf oge, %get3A_2481, %get3A_2454 : vector<16xf32>
    %select_n3A_2483 = arith.select %ge3A_2482, %broadcast_in_dim3A_399, %broadcast_in_dim3A_397 : vector<16xi1>, vector<16xf32>
    %add3A_2484 = arith.addf %add3A_2478, %select_n3A_2483 : vector<16xf32>
    %get3A_2485 = arith.constant 80 : index
    %get3A_2486 = tpu.vector_load %arg7[%get3A_2485] {strides = array<i32>} : memref<512xf32, #tpu.memory_space<vmem>>, vector<16xf32>,
    %get3A_2487 = vector.shape_cast %get3A_2486 : vector<16xf32> to vector<16xf32>
    %ge3A_2488 = arith.cmpf oge, %get3A_2487, %get3A_2454 : vector<16xf32>
    %select_n3A_2489 = arith.select %ge3A_2488, %broadcast_in_dim3A_399, %broadcast_in_dim3A_397 : vector<16xi1>, vector<16xf32>
    %add3A_2490 = arith.addf %add3A_2484, %select_n3A_2489 : vector<16xf32>
    %get3A_2491 = arith.constant 96 : index
    %get3A_2492 = tpu.vector_load %arg7[%get3A_2491] {strides = array<i32>} : memref<512xf32, #tpu.memory_space<vmem>>, vector<16xf32>,
    %get3A_2493 = vector.shape_cast %get3A_2492 : vector<16xf32> to vector<16xf32>
    %ge3A_2494 = arith.cmpf oge, %get3A_2493, %get3A_2454 : vector<16xf32>
    %select_n3A_2495 = arith.select %ge3A_2494, %broadcast_in_dim3A_399, %broadcast_in_dim3A_397 : vector<16xi1>, vector<16xf32>
    %add3A_2496 = arith.addf %add3A_2490, %select_n3A_2495 : vector<16xf32>
    %get3A_2497 = arith.constant 112 : index
    %get3A_2498 = tpu.vector_load %arg7[%get3A_2497] {strides = array<i32>} : memref<512xf32, #tpu.memory_space<vmem>>, vector<16xf32>,
    %get3A_2499 = vector.shape_cast %get3A_2498 : vector<16xf32> to vector<16xf32>
    %ge3A_2500 = arith.cmpf oge, %get3A_2499, %get3A_2454 : vector<16xf32>
    %select_n3A_2501 = arith.select %ge3A_2500, %broadcast_in_dim3A_399, %broadcast_in_dim3A_397 : vector<16xi1>, vector<16xf32>
    %add3A_2502 = arith.addf %add3A_2496, %select_n3A_2501 : vector<16xf32>
    %get3A_2503 = arith.constant 128 : index
    %get3A_2504 = tpu.vector_load %arg7[%get3A_2503] {strides = array<i32>} : memref<512xf32, #tpu.memory_space<vmem>>, vector<16xf32>,
    %get3A_2505 = vector.shape_cast %get3A_2504 : vector<16xf32> to vector<16xf32>
    %ge3A_2506 = arith.cmpf oge, %get3A_2505, %get3A_2454 : vector<16xf32>
    %select_n3A_2507 = arith.select %ge3A_2506, %broadcast_in_dim3A_399, %broadcast_in_dim3A_397 : vector<16xi1>, vector<16xf32>
    %add3A_2508 = arith.addf %add3A_2502, %select_n3A_2507 : vector<16xf32>
    %get3A_2509 = arith.constant 144 : index
    %get3A_2510 = tpu.vector_load %arg7[%get3A_2509] {strides = array<i32>} : memref<512xf32, #tpu.memory_space<vmem>>, vector<16xf32>,
    %get3A_2511 = vector.shape_cast %get3A_2510 : vector<16xf32> to vector<16xf32>
    %ge3A_2512 = arith.cmpf oge, %get3A_2511, %get3A_2454 : vector<16xf32>
    %select_n3A_2513 = arith.select %ge3A_2512, %broadcast_in_dim3A_399, %broadcast_in_dim3A_397 : vector<16xi1>, vector<16xf32>
    %add3A_2514 = arith.addf %add3A_2508, %select_n3A_2513 : vector<16xf32>
    %get3A_2515 = arith.constant 160 : index
    %get3A_2516 = tpu.vector_load %arg7[%get3A_2515] {strides = array<i32>} : memref<512xf32, #tpu.memory_space<vmem>>, vector<16xf32>,
    %get3A_2517 = vector.shape_cast %get3A_2516 : vector<16xf32> to vector<16xf32>
    %ge3A_2518 = arith.cmpf oge, %get3A_2517, %get3A_2454 : vector<16xf32>
    %select_n3A_2519 = arith.select %ge3A_2518, %broadcast_in_dim3A_399, %broadcast_in_dim3A_397 : vector<16xi1>, vector<16xf32>
    %add3A_2520 = arith.addf %add3A_2514, %select_n3A_2519 : vector<16xf32>
    %get3A_2521 = arith.constant 176 : index
    %get3A_2522 = tpu.vector_load %arg7[%get3A_2521] {strides = array<i32>} : memref<512xf32, #tpu.memory_space<vmem>>, vector<16xf32>,
    %get3A_2523 = vector.shape_cast %get3A_2522 : vector<16xf32> to vector<16xf32>
    %ge3A_2524 = arith.cmpf oge, %get3A_2523, %get3A_2454 : vector<16xf32>
    %select_n3A_2525 = arith.select %ge3A_2524, %broadcast_in_dim3A_399, %broadcast_in_dim3A_397 : vector<16xi1>, vector<16xf32>
    %add3A_2526 = arith.addf %add3A_2520, %select_n3A_2525 : vector<16xf32>
    %get3A_2527 = arith.constant 192 : index
    %get3A_2528 = tpu.vector_load %arg7[%get3A_2527] {strides = array<i32>} : memref<512xf32, #tpu.memory_space<vmem>>, vector<16xf32>,
    %get3A_2529 = vector.shape_cast %get3A_2528 : vector<16xf32> to vector<16xf32>
    %ge3A_2530 = arith.cmpf oge, %get3A_2529, %get3A_2454 : vector<16xf32>
    %select_n3A_2531 = arith.select %ge3A_2530, %broadcast_in_dim3A_399, %broadcast_in_dim3A_397 : vector<16xi1>, vector<16xf32>
    %add3A_2532 = arith.addf %add3A_2526, %select_n3A_2531 : vector<16xf32>
    %get3A_2533 = arith.constant 208 : index
    %get3A_2534 = tpu.vector_load %arg7[%get3A_2533] {strides = array<i32>} : memref<512xf32, #tpu.memory_space<vmem>>, vector<16xf32>,
    %get3A_2535 = vector.shape_cast %get3A_2534 : vector<16xf32> to vector<16xf32>
    %ge3A_2536 = arith.cmpf oge, %get3A_2535, %get3A_2454 : vector<16xf32>
    %select_n3A_2537 = arith.select %ge3A_2536, %broadcast_in_dim3A_399, %broadcast_in_dim3A_397 : vector<16xi1>, vector<16xf32>
    %add3A_2538 = arith.addf %add3A_2532, %select_n3A_2537 : vector<16xf32>
    %get3A_2539 = arith.constant 224 : index
    %get3A_2540 = tpu.vector_load %arg7[%get3A_2539] {strides = array<i32>} : memref<512xf32, #tpu.memory_space<vmem>>, vector<16xf32>,
    %get3A_2541 = vector.shape_cast %get3A_2540 : vector<16xf32> to vector<16xf32>
    %ge3A_2542 = arith.cmpf oge, %get3A_2541, %get3A_2454 : vector<16xf32>
    %select_n3A_2543 = arith.select %ge3A_2542, %broadcast_in_dim3A_399, %broadcast_in_dim3A_397 : vector<16xi1>, vector<16xf32>
    %add3A_2544 = arith.addf %add3A_2538, %select_n3A_2543 : vector<16xf32>
    %get3A_2545 = arith.constant 256 : index
    %get3A_2546 = tpu.vector_load %arg7[%get3A_2545] {strides = array<i32>} : memref<512xf32, #tpu.memory_space<vmem>>, vector<16xf32>,
    %get3A_2547 = vector.shape_cast %get3A_2546 : vector<16xf32> to vector<16xf32>
    %gt3A_2548 = arith.cmpf ogt, %get3A_2547, %get3A_2454 : vector<16xf32>
    %select_n3A_2549 = arith.select %gt3A_2548, %broadcast_in_dim3A_399, %broadcast_in_dim3A_397 : vector<16xi1>, vector<16xf32>
    %add3A_2550 = arith.addf %add3A_2544, %select_n3A_2549 : vector<16xf32>
    %get3A_2551 = arith.constant 272 : index
    %get3A_2552 = tpu.vector_load %arg7[%get3A_2551] {strides = array<i32>} : memref<512xf32, #tpu.memory_space<vmem>>, vector<16xf32>,
    %get3A_2553 = vector.shape_cast %get3A_2552 : vector<16xf32> to vector<16xf32>
    %gt3A_2554 = arith.cmpf ogt, %get3A_2553, %get3A_2454 : vector<16xf32>
    %select_n3A_2555 = arith.select %gt3A_2554, %broadcast_in_dim3A_399, %broadcast_in_dim3A_397 : vector<16xi1>, vector<16xf32>
    %add3A_2556 = arith.addf %add3A_2550, %select_n3A_2555 : vector<16xf32>
    %get3A_2557 = arith.constant 288 : index
    %get3A_2558 = tpu.vector_load %arg7[%get3A_2557] {strides = array<i32>} : memref<512xf32, #tpu.memory_space<vmem>>, vector<16xf32>,
    %get3A_2559 = vector.shape_cast %get3A_2558 : vector<16xf32> to vector<16xf32>
    %gt3A_2560 = arith.cmpf ogt, %get3A_2559, %get3A_2454 : vector<16xf32>
    %select_n3A_2561 = arith.select %gt3A_2560, %broadcast_in_dim3A_399, %broadcast_in_dim3A_397 : vector<16xi1>, vector<16xf32>
    %add3A_2562 = arith.addf %add3A_2556, %select_n3A_2561 : vector<16xf32>
    %get3A_2563 = arith.constant 304 : index
    %get3A_2564 = tpu.vector_load %arg7[%get3A_2563] {strides = array<i32>} : memref<512xf32, #tpu.memory_space<vmem>>, vector<16xf32>,
    %get3A_2565 = vector.shape_cast %get3A_2564 : vector<16xf32> to vector<16xf32>
    %gt3A_2566 = arith.cmpf ogt, %get3A_2565, %get3A_2454 : vector<16xf32>
    %select_n3A_2567 = arith.select %gt3A_2566, %broadcast_in_dim3A_399, %broadcast_in_dim3A_397 : vector<16xi1>, vector<16xf32>
    %add3A_2568 = arith.addf %add3A_2562, %select_n3A_2567 : vector<16xf32>
    %get3A_2569 = arith.constant 320 : index
    %get3A_2570 = tpu.vector_load %arg7[%get3A_2569] {strides = array<i32>} : memref<512xf32, #tpu.memory_space<vmem>>, vector<16xf32>,
    %get3A_2571 = vector.shape_cast %get3A_2570 : vector<16xf32> to vector<16xf32>
    %gt3A_2572 = arith.cmpf ogt, %get3A_2571, %get3A_2454 : vector<16xf32>
    %select_n3A_2573 = arith.select %gt3A_2572, %broadcast_in_dim3A_399, %broadcast_in_dim3A_397 : vector<16xi1>, vector<16xf32>
    %add3A_2574 = arith.addf %add3A_2568, %select_n3A_2573 : vector<16xf32>
    %get3A_2575 = arith.constant 336 : index
    %get3A_2576 = tpu.vector_load %arg7[%get3A_2575] {strides = array<i32>} : memref<512xf32, #tpu.memory_space<vmem>>, vector<16xf32>,
    %get3A_2577 = vector.shape_cast %get3A_2576 : vector<16xf32> to vector<16xf32>
    %gt3A_2578 = arith.cmpf ogt, %get3A_2577, %get3A_2454 : vector<16xf32>
    %select_n3A_2579 = arith.select %gt3A_2578, %broadcast_in_dim3A_399, %broadcast_in_dim3A_397 : vector<16xi1>, vector<16xf32>
    %add3A_2580 = arith.addf %add3A_2574, %select_n3A_2579 : vector<16xf32>
    %ge3A_2581 = arith.constant 2.000000e+01 : f32
    %ge3A_2582 = vector.broadcast %ge3A_2581 : f32 to vector<16xf32>
    %ge3A_2583 = arith.cmpf oge, %add3A_2580, %ge3A_2582 : vector<16xf32>
    %select_n3A_2584 = arith.select %ge3A_2583, %broadcast_in_dim3A_399, %broadcast_in_dim3A_397 : vector<16xi1>, vector<16xf32>
    %swap3A_2585 = arith.constant 240 : index
    %swap3A_2586 = tpu.vector_load %arg8[%swap3A_2585] {strides = array<i32>} : memref<512xf32, #tpu.memory_space<vmem>>, vector<16xf32>,
    %swap3A_2587 = vector.shape_cast %swap3A_2586 : vector<16xf32> to vector<16xf32>
    %swap3A_2588 = vector.shape_cast %select_n3A_2584 : vector<16xf32> to vector<16xf32>
    tpu.vector_store %arg8[%swap3A_2585], %swap3A_2588 {strides = array<i32>} : memref<512xf32, #tpu.memory_space<vmem>>, vector<16xf32>,
    %get3A_2589 = arith.constant 256 : index
    %get3A_2590 = tpu.vector_load %arg7[%get3A_2589] {strides = array<i32>} : memref<512xf32, #tpu.memory_space<vmem>>, vector<16xf32>,
    %get3A_2591 = vector.shape_cast %get3A_2590 : vector<16xf32> to vector<16xf32>
    %get3A_2592 = arith.constant 0 : index
    %get3A_2593 = tpu.vector_load %arg7[%get3A_2592] {strides = array<i32>} : memref<512xf32, #tpu.memory_space<vmem>>, vector<16xf32>,
    %get3A_2594 = vector.shape_cast %get3A_2593 : vector<16xf32> to vector<16xf32>
    %ge3A_2595 = arith.cmpf oge, %get3A_2594, %get3A_2591 : vector<16xf32>
    %select_n3A_2596 = arith.select %ge3A_2595, %broadcast_in_dim3A_399, %broadcast_in_dim3A_397 : vector<16xi1>, vector<16xf32>
    %add3A_2597 = arith.addf %broadcast_in_dim3A_397, %select_n3A_2596 : vector<16xf32>
    %get3A_2598 = arith.constant 16 : index
    %get3A_2599 = tpu.vector_load %arg7[%get3A_2598] {strides = array<i32>} : memref<512xf32, #tpu.memory_space<vmem>>, vector<16xf32>,
    %get3A_2600 = vector.shape_cast %get3A_2599 : vector<16xf32> to vector<16xf32>
    %ge3A_2601 = arith.cmpf oge, %get3A_2600, %get3A_2591 : vector<16xf32>
    %select_n3A_2602 = arith.select %ge3A_2601, %broadcast_in_dim3A_399, %broadcast_in_dim3A_397 : vector<16xi1>, vector<16xf32>
    %add3A_2603 = arith.addf %add3A_2597, %select_n3A_2602 : vector<16xf32>
    %get3A_2604 = arith.constant 32 : index
    %get3A_2605 = tpu.vector_load %arg7[%get3A_2604] {strides = array<i32>} : memref<512xf32, #tpu.memory_space<vmem>>, vector<16xf32>,
    %get3A_2606 = vector.shape_cast %get3A_2605 : vector<16xf32> to vector<16xf32>
    %ge3A_2607 = arith.cmpf oge, %get3A_2606, %get3A_2591 : vector<16xf32>
    %select_n3A_2608 = arith.select %ge3A_2607, %broadcast_in_dim3A_399, %broadcast_in_dim3A_397 : vector<16xi1>, vector<16xf32>
    %add3A_2609 = arith.addf %add3A_2603, %select_n3A_2608 : vector<16xf32>
    %get3A_2610 = arith.constant 48 : index
    %get3A_2611 = tpu.vector_load %arg7[%get3A_2610] {strides = array<i32>} : memref<512xf32, #tpu.memory_space<vmem>>, vector<16xf32>,
    %get3A_2612 = vector.shape_cast %get3A_2611 : vector<16xf32> to vector<16xf32>
    %ge3A_2613 = arith.cmpf oge, %get3A_2612, %get3A_2591 : vector<16xf32>
    %select_n3A_2614 = arith.select %ge3A_2613, %broadcast_in_dim3A_399, %broadcast_in_dim3A_397 : vector<16xi1>, vector<16xf32>
    %add3A_2615 = arith.addf %add3A_2609, %select_n3A_2614 : vector<16xf32>
    %get3A_2616 = arith.constant 64 : index
    %get3A_2617 = tpu.vector_load %arg7[%get3A_2616] {strides = array<i32>} : memref<512xf32, #tpu.memory_space<vmem>>, vector<16xf32>,
    %get3A_2618 = vector.shape_cast %get3A_2617 : vector<16xf32> to vector<16xf32>
    %ge3A_2619 = arith.cmpf oge, %get3A_2618, %get3A_2591 : vector<16xf32>
    %select_n3A_2620 = arith.select %ge3A_2619, %broadcast_in_dim3A_399, %broadcast_in_dim3A_397 : vector<16xi1>, vector<16xf32>
    %add3A_2621 = arith.addf %add3A_2615, %select_n3A_2620 : vector<16xf32>
    %get3A_2622 = arith.constant 80 : index
    %get3A_2623 = tpu.vector_load %arg7[%get3A_2622] {strides = array<i32>} : memref<512xf32, #tpu.memory_space<vmem>>, vector<16xf32>,
    %get3A_2624 = vector.shape_cast %get3A_2623 : vector<16xf32> to vector<16xf32>
    %ge3A_2625 = arith.cmpf oge, %get3A_2624, %get3A_2591 : vector<16xf32>
    %select_n3A_2626 = arith.select %ge3A_2625, %broadcast_in_dim3A_399, %broadcast_in_dim3A_397 : vector<16xi1>, vector<16xf32>
    %add3A_2627 = arith.addf %add3A_2621, %select_n3A_2626 : vector<16xf32>
    %get3A_2628 = arith.constant 96 : index
    %get3A_2629 = tpu.vector_load %arg7[%get3A_2628] {strides = array<i32>} : memref<512xf32, #tpu.memory_space<vmem>>, vector<16xf32>,
    %get3A_2630 = vector.shape_cast %get3A_2629 : vector<16xf32> to vector<16xf32>
    %ge3A_2631 = arith.cmpf oge, %get3A_2630, %get3A_2591 : vector<16xf32>
    %select_n3A_2632 = arith.select %ge3A_2631, %broadcast_in_dim3A_399, %broadcast_in_dim3A_397 : vector<16xi1>, vector<16xf32>
    %add3A_2633 = arith.addf %add3A_2627, %select_n3A_2632 : vector<16xf32>
    %get3A_2634 = arith.constant 112 : index
    %get3A_2635 = tpu.vector_load %arg7[%get3A_2634] {strides = array<i32>} : memref<512xf32, #tpu.memory_space<vmem>>, vector<16xf32>,
    %get3A_2636 = vector.shape_cast %get3A_2635 : vector<16xf32> to vector<16xf32>
    %ge3A_2637 = arith.cmpf oge, %get3A_2636, %get3A_2591 : vector<16xf32>
    %select_n3A_2638 = arith.select %ge3A_2637, %broadcast_in_dim3A_399, %broadcast_in_dim3A_397 : vector<16xi1>, vector<16xf32>
    %add3A_2639 = arith.addf %add3A_2633, %select_n3A_2638 : vector<16xf32>
    %get3A_2640 = arith.constant 128 : index
    %get3A_2641 = tpu.vector_load %arg7[%get3A_2640] {strides = array<i32>} : memref<512xf32, #tpu.memory_space<vmem>>, vector<16xf32>,
    %get3A_2642 = vector.shape_cast %get3A_2641 : vector<16xf32> to vector<16xf32>
    %ge3A_2643 = arith.cmpf oge, %get3A_2642, %get3A_2591 : vector<16xf32>
    %select_n3A_2644 = arith.select %ge3A_2643, %broadcast_in_dim3A_399, %broadcast_in_dim3A_397 : vector<16xi1>, vector<16xf32>
    %add3A_2645 = arith.addf %add3A_2639, %select_n3A_2644 : vector<16xf32>
    %get3A_2646 = arith.constant 144 : index
    %get3A_2647 = tpu.vector_load %arg7[%get3A_2646] {strides = array<i32>} : memref<512xf32, #tpu.memory_space<vmem>>, vector<16xf32>,
    %get3A_2648 = vector.shape_cast %get3A_2647 : vector<16xf32> to vector<16xf32>
    %ge3A_2649 = arith.cmpf oge, %get3A_2648, %get3A_2591 : vector<16xf32>
    %select_n3A_2650 = arith.select %ge3A_2649, %broadcast_in_dim3A_399, %broadcast_in_dim3A_397 : vector<16xi1>, vector<16xf32>
    %add3A_2651 = arith.addf %add3A_2645, %select_n3A_2650 : vector<16xf32>
    %get3A_2652 = arith.constant 160 : index
    %get3A_2653 = tpu.vector_load %arg7[%get3A_2652] {strides = array<i32>} : memref<512xf32, #tpu.memory_space<vmem>>, vector<16xf32>,
    %get3A_2654 = vector.shape_cast %get3A_2653 : vector<16xf32> to vector<16xf32>
    %ge3A_2655 = arith.cmpf oge, %get3A_2654, %get3A_2591 : vector<16xf32>
    %select_n3A_2656 = arith.select %ge3A_2655, %broadcast_in_dim3A_399, %broadcast_in_dim3A_397 : vector<16xi1>, vector<16xf32>
    %add3A_2657 = arith.addf %add3A_2651, %select_n3A_2656 : vector<16xf32>
    %get3A_2658 = arith.constant 176 : index
    %get3A_2659 = tpu.vector_load %arg7[%get3A_2658] {strides = array<i32>} : memref<512xf32, #tpu.memory_space<vmem>>, vector<16xf32>,
    %get3A_2660 = vector.shape_cast %get3A_2659 : vector<16xf32> to vector<16xf32>
    %ge3A_2661 = arith.cmpf oge, %get3A_2660, %get3A_2591 : vector<16xf32>
    %select_n3A_2662 = arith.select %ge3A_2661, %broadcast_in_dim3A_399, %broadcast_in_dim3A_397 : vector<16xi1>, vector<16xf32>
    %add3A_2663 = arith.addf %add3A_2657, %select_n3A_2662 : vector<16xf32>
    %get3A_2664 = arith.constant 192 : index
    %get3A_2665 = tpu.vector_load %arg7[%get3A_2664] {strides = array<i32>} : memref<512xf32, #tpu.memory_space<vmem>>, vector<16xf32>,
    %get3A_2666 = vector.shape_cast %get3A_2665 : vector<16xf32> to vector<16xf32>
    %ge3A_2667 = arith.cmpf oge, %get3A_2666, %get3A_2591 : vector<16xf32>
    %select_n3A_2668 = arith.select %ge3A_2667, %broadcast_in_dim3A_399, %broadcast_in_dim3A_397 : vector<16xi1>, vector<16xf32>
    %add3A_2669 = arith.addf %add3A_2663, %select_n3A_2668 : vector<16xf32>
    %get3A_2670 = arith.constant 208 : index
    %get3A_2671 = tpu.vector_load %arg7[%get3A_2670] {strides = array<i32>} : memref<512xf32, #tpu.memory_space<vmem>>, vector<16xf32>,
    %get3A_2672 = vector.shape_cast %get3A_2671 : vector<16xf32> to vector<16xf32>
    %ge3A_2673 = arith.cmpf oge, %get3A_2672, %get3A_2591 : vector<16xf32>
    %select_n3A_2674 = arith.select %ge3A_2673, %broadcast_in_dim3A_399, %broadcast_in_dim3A_397 : vector<16xi1>, vector<16xf32>
    %add3A_2675 = arith.addf %add3A_2669, %select_n3A_2674 : vector<16xf32>
    %get3A_2676 = arith.constant 224 : index
    %get3A_2677 = tpu.vector_load %arg7[%get3A_2676] {strides = array<i32>} : memref<512xf32, #tpu.memory_space<vmem>>, vector<16xf32>,
    %get3A_2678 = vector.shape_cast %get3A_2677 : vector<16xf32> to vector<16xf32>
    %ge3A_2679 = arith.cmpf oge, %get3A_2678, %get3A_2591 : vector<16xf32>
    %select_n3A_2680 = arith.select %ge3A_2679, %broadcast_in_dim3A_399, %broadcast_in_dim3A_397 : vector<16xi1>, vector<16xf32>
    %add3A_2681 = arith.addf %add3A_2675, %select_n3A_2680 : vector<16xf32>
    %get3A_2682 = arith.constant 240 : index
    %get3A_2683 = tpu.vector_load %arg7[%get3A_2682] {strides = array<i32>} : memref<512xf32, #tpu.memory_space<vmem>>, vector<16xf32>,
    %get3A_2684 = vector.shape_cast %get3A_2683 : vector<16xf32> to vector<16xf32>
    %ge3A_2685 = arith.cmpf oge, %get3A_2684, %get3A_2591 : vector<16xf32>
    %select_n3A_2686 = arith.select %ge3A_2685, %broadcast_in_dim3A_399, %broadcast_in_dim3A_397 : vector<16xi1>, vector<16xf32>
    %add3A_2687 = arith.addf %add3A_2681, %select_n3A_2686 : vector<16xf32>
    %get3A_2688 = arith.constant 272 : index
    %get3A_2689 = tpu.vector_load %arg7[%get3A_2688] {strides = array<i32>} : memref<512xf32, #tpu.memory_space<vmem>>, vector<16xf32>,
    %get3A_2690 = vector.shape_cast %get3A_2689 : vector<16xf32> to vector<16xf32>
    %gt3A_2691 = arith.cmpf ogt, %get3A_2690, %get3A_2591 : vector<16xf32>
    %select_n3A_2692 = arith.select %gt3A_2691, %broadcast_in_dim3A_399, %broadcast_in_dim3A_397 : vector<16xi1>, vector<16xf32>
    %add3A_2693 = arith.addf %add3A_2687, %select_n3A_2692 : vector<16xf32>
    %get3A_2694 = arith.constant 288 : index
    %get3A_2695 = tpu.vector_load %arg7[%get3A_2694] {strides = array<i32>} : memref<512xf32, #tpu.memory_space<vmem>>, vector<16xf32>,
    %get3A_2696 = vector.shape_cast %get3A_2695 : vector<16xf32> to vector<16xf32>
    %gt3A_2697 = arith.cmpf ogt, %get3A_2696, %get3A_2591 : vector<16xf32>
    %select_n3A_2698 = arith.select %gt3A_2697, %broadcast_in_dim3A_399, %broadcast_in_dim3A_397 : vector<16xi1>, vector<16xf32>
    %add3A_2699 = arith.addf %add3A_2693, %select_n3A_2698 : vector<16xf32>
    %get3A_2700 = arith.constant 304 : index
    %get3A_2701 = tpu.vector_load %arg7[%get3A_2700] {strides = array<i32>} : memref<512xf32, #tpu.memory_space<vmem>>, vector<16xf32>,
    %get3A_2702 = vector.shape_cast %get3A_2701 : vector<16xf32> to vector<16xf32>
    %gt3A_2703 = arith.cmpf ogt, %get3A_2702, %get3A_2591 : vector<16xf32>
    %select_n3A_2704 = arith.select %gt3A_2703, %broadcast_in_dim3A_399, %broadcast_in_dim3A_397 : vector<16xi1>, vector<16xf32>
    %add3A_2705 = arith.addf %add3A_2699, %select_n3A_2704 : vector<16xf32>
    %get3A_2706 = arith.constant 320 : index
    %get3A_2707 = tpu.vector_load %arg7[%get3A_2706] {strides = array<i32>} : memref<512xf32, #tpu.memory_space<vmem>>, vector<16xf32>,
    %get3A_2708 = vector.shape_cast %get3A_2707 : vector<16xf32> to vector<16xf32>
    %gt3A_2709 = arith.cmpf ogt, %get3A_2708, %get3A_2591 : vector<16xf32>
    %select_n3A_2710 = arith.select %gt3A_2709, %broadcast_in_dim3A_399, %broadcast_in_dim3A_397 : vector<16xi1>, vector<16xf32>
    %add3A_2711 = arith.addf %add3A_2705, %select_n3A_2710 : vector<16xf32>
    %get3A_2712 = arith.constant 336 : index
    %get3A_2713 = tpu.vector_load %arg7[%get3A_2712] {strides = array<i32>} : memref<512xf32, #tpu.memory_space<vmem>>, vector<16xf32>,
    %get3A_2714 = vector.shape_cast %get3A_2713 : vector<16xf32> to vector<16xf32>
    %gt3A_2715 = arith.cmpf ogt, %get3A_2714, %get3A_2591 : vector<16xf32>
    %select_n3A_2716 = arith.select %gt3A_2715, %broadcast_in_dim3A_399, %broadcast_in_dim3A_397 : vector<16xi1>, vector<16xf32>
    %add3A_2717 = arith.addf %add3A_2711, %select_n3A_2716 : vector<16xf32>
    %ge3A_2718 = arith.constant 2.000000e+01 : f32
    %ge3A_2719 = vector.broadcast %ge3A_2718 : f32 to vector<16xf32>
    %ge3A_2720 = arith.cmpf oge, %add3A_2717, %ge3A_2719 : vector<16xf32>
    %select_n3A_2721 = arith.select %ge3A_2720, %broadcast_in_dim3A_399, %broadcast_in_dim3A_397 : vector<16xi1>, vector<16xf32>
    %swap3A_2722 = arith.constant 256 : index
    %swap3A_2723 = tpu.vector_load %arg8[%swap3A_2722] {strides = array<i32>} : memref<512xf32, #tpu.memory_space<vmem>>, vector<16xf32>,
    %swap3A_2724 = vector.shape_cast %swap3A_2723 : vector<16xf32> to vector<16xf32>
    %swap3A_2725 = vector.shape_cast %select_n3A_2721 : vector<16xf32> to vector<16xf32>
    tpu.vector_store %arg8[%swap3A_2722], %swap3A_2725 {strides = array<i32>} : memref<512xf32, #tpu.memory_space<vmem>>, vector<16xf32>,
    %get3A_2726 = arith.constant 272 : index
    %get3A_2727 = tpu.vector_load %arg7[%get3A_2726] {strides = array<i32>} : memref<512xf32, #tpu.memory_space<vmem>>, vector<16xf32>,
    %get3A_2728 = vector.shape_cast %get3A_2727 : vector<16xf32> to vector<16xf32>
    %get3A_2729 = arith.constant 0 : index
    %get3A_2730 = tpu.vector_load %arg7[%get3A_2729] {strides = array<i32>} : memref<512xf32, #tpu.memory_space<vmem>>, vector<16xf32>,
    %get3A_2731 = vector.shape_cast %get3A_2730 : vector<16xf32> to vector<16xf32>
    %ge3A_2732 = arith.cmpf oge, %get3A_2731, %get3A_2728 : vector<16xf32>
    %select_n3A_2733 = arith.select %ge3A_2732, %broadcast_in_dim3A_399, %broadcast_in_dim3A_397 : vector<16xi1>, vector<16xf32>
    %add3A_2734 = arith.addf %broadcast_in_dim3A_397, %select_n3A_2733 : vector<16xf32>
    %get3A_2735 = arith.constant 16 : index
    %get3A_2736 = tpu.vector_load %arg7[%get3A_2735] {strides = array<i32>} : memref<512xf32, #tpu.memory_space<vmem>>, vector<16xf32>,
    %get3A_2737 = vector.shape_cast %get3A_2736 : vector<16xf32> to vector<16xf32>
    %ge3A_2738 = arith.cmpf oge, %get3A_2737, %get3A_2728 : vector<16xf32>
    %select_n3A_2739 = arith.select %ge3A_2738, %broadcast_in_dim3A_399, %broadcast_in_dim3A_397 : vector<16xi1>, vector<16xf32>
    %add3A_2740 = arith.addf %add3A_2734, %select_n3A_2739 : vector<16xf32>
    %get3A_2741 = arith.constant 32 : index
    %get3A_2742 = tpu.vector_load %arg7[%get3A_2741] {strides = array<i32>} : memref<512xf32, #tpu.memory_space<vmem>>, vector<16xf32>,
    %get3A_2743 = vector.shape_cast %get3A_2742 : vector<16xf32> to vector<16xf32>
    %ge3A_2744 = arith.cmpf oge, %get3A_2743, %get3A_2728 : vector<16xf32>
    %select_n3A_2745 = arith.select %ge3A_2744, %broadcast_in_dim3A_399, %broadcast_in_dim3A_397 : vector<16xi1>, vector<16xf32>
    %add3A_2746 = arith.addf %add3A_2740, %select_n3A_2745 : vector<16xf32>
    %get3A_2747 = arith.constant 48 : index
    %get3A_2748 = tpu.vector_load %arg7[%get3A_2747] {strides = array<i32>} : memref<512xf32, #tpu.memory_space<vmem>>, vector<16xf32>,
    %get3A_2749 = vector.shape_cast %get3A_2748 : vector<16xf32> to vector<16xf32>
    %ge3A_2750 = arith.cmpf oge, %get3A_2749, %get3A_2728 : vector<16xf32>
    %select_n3A_2751 = arith.select %ge3A_2750, %broadcast_in_dim3A_399, %broadcast_in_dim3A_397 : vector<16xi1>, vector<16xf32>
    %add3A_2752 = arith.addf %add3A_2746, %select_n3A_2751 : vector<16xf32>
    %get3A_2753 = arith.constant 64 : index
    %get3A_2754 = tpu.vector_load %arg7[%get3A_2753] {strides = array<i32>} : memref<512xf32, #tpu.memory_space<vmem>>, vector<16xf32>,
    %get3A_2755 = vector.shape_cast %get3A_2754 : vector<16xf32> to vector<16xf32>
    %ge3A_2756 = arith.cmpf oge, %get3A_2755, %get3A_2728 : vector<16xf32>
    %select_n3A_2757 = arith.select %ge3A_2756, %broadcast_in_dim3A_399, %broadcast_in_dim3A_397 : vector<16xi1>, vector<16xf32>
    %add3A_2758 = arith.addf %add3A_2752, %select_n3A_2757 : vector<16xf32>
    %get3A_2759 = arith.constant 80 : index
    %get3A_2760 = tpu.vector_load %arg7[%get3A_2759] {strides = array<i32>} : memref<512xf32, #tpu.memory_space<vmem>>, vector<16xf32>,
    %get3A_2761 = vector.shape_cast %get3A_2760 : vector<16xf32> to vector<16xf32>
    %ge3A_2762 = arith.cmpf oge, %get3A_2761, %get3A_2728 : vector<16xf32>
    %select_n3A_2763 = arith.select %ge3A_2762, %broadcast_in_dim3A_399, %broadcast_in_dim3A_397 : vector<16xi1>, vector<16xf32>
    %add3A_2764 = arith.addf %add3A_2758, %select_n3A_2763 : vector<16xf32>
    %get3A_2765 = arith.constant 96 : index
    %get3A_2766 = tpu.vector_load %arg7[%get3A_2765] {strides = array<i32>} : memref<512xf32, #tpu.memory_space<vmem>>, vector<16xf32>,
    %get3A_2767 = vector.shape_cast %get3A_2766 : vector<16xf32> to vector<16xf32>
    %ge3A_2768 = arith.cmpf oge, %get3A_2767, %get3A_2728 : vector<16xf32>
    %select_n3A_2769 = arith.select %ge3A_2768, %broadcast_in_dim3A_399, %broadcast_in_dim3A_397 : vector<16xi1>, vector<16xf32>
    %add3A_2770 = arith.addf %add3A_2764, %select_n3A_2769 : vector<16xf32>
    %get3A_2771 = arith.constant 112 : index
    %get3A_2772 = tpu.vector_load %arg7[%get3A_2771] {strides = array<i32>} : memref<512xf32, #tpu.memory_space<vmem>>, vector<16xf32>,
    %get3A_2773 = vector.shape_cast %get3A_2772 : vector<16xf32> to vector<16xf32>
    %ge3A_2774 = arith.cmpf oge, %get3A_2773, %get3A_2728 : vector<16xf32>
    %select_n3A_2775 = arith.select %ge3A_2774, %broadcast_in_dim3A_399, %broadcast_in_dim3A_397 : vector<16xi1>, vector<16xf32>
    %add3A_2776 = arith.addf %add3A_2770, %select_n3A_2775 : vector<16xf32>
    %get3A_2777 = arith.constant 128 : index
    %get3A_2778 = tpu.vector_load %arg7[%get3A_2777] {strides = array<i32>} : memref<512xf32, #tpu.memory_space<vmem>>, vector<16xf32>,
    %get3A_2779 = vector.shape_cast %get3A_2778 : vector<16xf32> to vector<16xf32>
    %ge3A_2780 = arith.cmpf oge, %get3A_2779, %get3A_2728 : vector<16xf32>
    %select_n3A_2781 = arith.select %ge3A_2780, %broadcast_in_dim3A_399, %broadcast_in_dim3A_397 : vector<16xi1>, vector<16xf32>
    %add3A_2782 = arith.addf %add3A_2776, %select_n3A_2781 : vector<16xf32>
    %get3A_2783 = arith.constant 144 : index
    %get3A_2784 = tpu.vector_load %arg7[%get3A_2783] {strides = array<i32>} : memref<512xf32, #tpu.memory_space<vmem>>, vector<16xf32>,
    %get3A_2785 = vector.shape_cast %get3A_2784 : vector<16xf32> to vector<16xf32>
    %ge3A_2786 = arith.cmpf oge, %get3A_2785, %get3A_2728 : vector<16xf32>
    %select_n3A_2787 = arith.select %ge3A_2786, %broadcast_in_dim3A_399, %broadcast_in_dim3A_397 : vector<16xi1>, vector<16xf32>
    %add3A_2788 = arith.addf %add3A_2782, %select_n3A_2787 : vector<16xf32>
    %get3A_2789 = arith.constant 160 : index
    %get3A_2790 = tpu.vector_load %arg7[%get3A_2789] {strides = array<i32>} : memref<512xf32, #tpu.memory_space<vmem>>, vector<16xf32>,
    %get3A_2791 = vector.shape_cast %get3A_2790 : vector<16xf32> to vector<16xf32>
    %ge3A_2792 = arith.cmpf oge, %get3A_2791, %get3A_2728 : vector<16xf32>
    %select_n3A_2793 = arith.select %ge3A_2792, %broadcast_in_dim3A_399, %broadcast_in_dim3A_397 : vector<16xi1>, vector<16xf32>
    %add3A_2794 = arith.addf %add3A_2788, %select_n3A_2793 : vector<16xf32>
    %get3A_2795 = arith.constant 176 : index
    %get3A_2796 = tpu.vector_load %arg7[%get3A_2795] {strides = array<i32>} : memref<512xf32, #tpu.memory_space<vmem>>, vector<16xf32>,
    %get3A_2797 = vector.shape_cast %get3A_2796 : vector<16xf32> to vector<16xf32>
    %ge3A_2798 = arith.cmpf oge, %get3A_2797, %get3A_2728 : vector<16xf32>
    %select_n3A_2799 = arith.select %ge3A_2798, %broadcast_in_dim3A_399, %broadcast_in_dim3A_397 : vector<16xi1>, vector<16xf32>
    %add3A_2800 = arith.addf %add3A_2794, %select_n3A_2799 : vector<16xf32>
    %get3A_2801 = arith.constant 192 : index
    %get3A_2802 = tpu.vector_load %arg7[%get3A_2801] {strides = array<i32>} : memref<512xf32, #tpu.memory_space<vmem>>, vector<16xf32>,
    %get3A_2803 = vector.shape_cast %get3A_2802 : vector<16xf32> to vector<16xf32>
    %ge3A_2804 = arith.cmpf oge, %get3A_2803, %get3A_2728 : vector<16xf32>
    %select_n3A_2805 = arith.select %ge3A_2804, %broadcast_in_dim3A_399, %broadcast_in_dim3A_397 : vector<16xi1>, vector<16xf32>
    %add3A_2806 = arith.addf %add3A_2800, %select_n3A_2805 : vector<16xf32>
    %get3A_2807 = arith.constant 208 : index
    %get3A_2808 = tpu.vector_load %arg7[%get3A_2807] {strides = array<i32>} : memref<512xf32, #tpu.memory_space<vmem>>, vector<16xf32>,
    %get3A_2809 = vector.shape_cast %get3A_2808 : vector<16xf32> to vector<16xf32>
    %ge3A_2810 = arith.cmpf oge, %get3A_2809, %get3A_2728 : vector<16xf32>
    %select_n3A_2811 = arith.select %ge3A_2810, %broadcast_in_dim3A_399, %broadcast_in_dim3A_397 : vector<16xi1>, vector<16xf32>
    %add3A_2812 = arith.addf %add3A_2806, %select_n3A_2811 : vector<16xf32>
    %get3A_2813 = arith.constant 224 : index
    %get3A_2814 = tpu.vector_load %arg7[%get3A_2813] {strides = array<i32>} : memref<512xf32, #tpu.memory_space<vmem>>, vector<16xf32>,
    %get3A_2815 = vector.shape_cast %get3A_2814 : vector<16xf32> to vector<16xf32>
    %ge3A_2816 = arith.cmpf oge, %get3A_2815, %get3A_2728 : vector<16xf32>
    %select_n3A_2817 = arith.select %ge3A_2816, %broadcast_in_dim3A_399, %broadcast_in_dim3A_397 : vector<16xi1>, vector<16xf32>
    %add3A_2818 = arith.addf %add3A_2812, %select_n3A_2817 : vector<16xf32>
    %get3A_2819 = arith.constant 240 : index
    %get3A_2820 = tpu.vector_load %arg7[%get3A_2819] {strides = array<i32>} : memref<512xf32, #tpu.memory_space<vmem>>, vector<16xf32>,
    %get3A_2821 = vector.shape_cast %get3A_2820 : vector<16xf32> to vector<16xf32>
    %ge3A_2822 = arith.cmpf oge, %get3A_2821, %get3A_2728 : vector<16xf32>
    %select_n3A_2823 = arith.select %ge3A_2822, %broadcast_in_dim3A_399, %broadcast_in_dim3A_397 : vector<16xi1>, vector<16xf32>
    %add3A_2824 = arith.addf %add3A_2818, %select_n3A_2823 : vector<16xf32>
    %get3A_2825 = arith.constant 256 : index
    %get3A_2826 = tpu.vector_load %arg7[%get3A_2825] {strides = array<i32>} : memref<512xf32, #tpu.memory_space<vmem>>, vector<16xf32>,
    %get3A_2827 = vector.shape_cast %get3A_2826 : vector<16xf32> to vector<16xf32>
    %ge3A_2828 = arith.cmpf oge, %get3A_2827, %get3A_2728 : vector<16xf32>
    %select_n3A_2829 = arith.select %ge3A_2828, %broadcast_in_dim3A_399, %broadcast_in_dim3A_397 : vector<16xi1>, vector<16xf32>
    %add3A_2830 = arith.addf %add3A_2824, %select_n3A_2829 : vector<16xf32>
    %get3A_2831 = arith.constant 288 : index
    %get3A_2832 = tpu.vector_load %arg7[%get3A_2831] {strides = array<i32>} : memref<512xf32, #tpu.memory_space<vmem>>, vector<16xf32>,
    %get3A_2833 = vector.shape_cast %get3A_2832 : vector<16xf32> to vector<16xf32>
    %gt3A_2834 = arith.cmpf ogt, %get3A_2833, %get3A_2728 : vector<16xf32>
    %select_n3A_2835 = arith.select %gt3A_2834, %broadcast_in_dim3A_399, %broadcast_in_dim3A_397 : vector<16xi1>, vector<16xf32>
    %add3A_2836 = arith.addf %add3A_2830, %select_n3A_2835 : vector<16xf32>
    %get3A_2837 = arith.constant 304 : index
    %get3A_2838 = tpu.vector_load %arg7[%get3A_2837] {strides = array<i32>} : memref<512xf32, #tpu.memory_space<vmem>>, vector<16xf32>,
    %get3A_2839 = vector.shape_cast %get3A_2838 : vector<16xf32> to vector<16xf32>
    %gt3A_2840 = arith.cmpf ogt, %get3A_2839, %get3A_2728 : vector<16xf32>
    %select_n3A_2841 = arith.select %gt3A_2840, %broadcast_in_dim3A_399, %broadcast_in_dim3A_397 : vector<16xi1>, vector<16xf32>
    %add3A_2842 = arith.addf %add3A_2836, %select_n3A_2841 : vector<16xf32>
    %get3A_2843 = arith.constant 320 : index
    %get3A_2844 = tpu.vector_load %arg7[%get3A_2843] {strides = array<i32>} : memref<512xf32, #tpu.memory_space<vmem>>, vector<16xf32>,
    %get3A_2845 = vector.shape_cast %get3A_2844 : vector<16xf32> to vector<16xf32>
    %gt3A_2846 = arith.cmpf ogt, %get3A_2845, %get3A_2728 : vector<16xf32>
    %select_n3A_2847 = arith.select %gt3A_2846, %broadcast_in_dim3A_399, %broadcast_in_dim3A_397 : vector<16xi1>, vector<16xf32>
    %add3A_2848 = arith.addf %add3A_2842, %select_n3A_2847 : vector<16xf32>
    %get3A_2849 = arith.constant 336 : index
    %get3A_2850 = tpu.vector_load %arg7[%get3A_2849] {strides = array<i32>} : memref<512xf32, #tpu.memory_space<vmem>>, vector<16xf32>,
    %get3A_2851 = vector.shape_cast %get3A_2850 : vector<16xf32> to vector<16xf32>
    %gt3A_2852 = arith.cmpf ogt, %get3A_2851, %get3A_2728 : vector<16xf32>
    %select_n3A_2853 = arith.select %gt3A_2852, %broadcast_in_dim3A_399, %broadcast_in_dim3A_397 : vector<16xi1>, vector<16xf32>
    %add3A_2854 = arith.addf %add3A_2848, %select_n3A_2853 : vector<16xf32>
    %ge3A_2855 = arith.constant 2.000000e+01 : f32
    %ge3A_2856 = vector.broadcast %ge3A_2855 : f32 to vector<16xf32>
    %ge3A_2857 = arith.cmpf oge, %add3A_2854, %ge3A_2856 : vector<16xf32>
    %select_n3A_2858 = arith.select %ge3A_2857, %broadcast_in_dim3A_399, %broadcast_in_dim3A_397 : vector<16xi1>, vector<16xf32>
    %swap3A_2859 = arith.constant 272 : index
    %swap3A_2860 = tpu.vector_load %arg8[%swap3A_2859] {strides = array<i32>} : memref<512xf32, #tpu.memory_space<vmem>>, vector<16xf32>,
    %swap3A_2861 = vector.shape_cast %swap3A_2860 : vector<16xf32> to vector<16xf32>
    %swap3A_2862 = vector.shape_cast %select_n3A_2858 : vector<16xf32> to vector<16xf32>
    tpu.vector_store %arg8[%swap3A_2859], %swap3A_2862 {strides = array<i32>} : memref<512xf32, #tpu.memory_space<vmem>>, vector<16xf32>,
    %get3A_2863 = arith.constant 288 : index
    %get3A_2864 = tpu.vector_load %arg7[%get3A_2863] {strides = array<i32>} : memref<512xf32, #tpu.memory_space<vmem>>, vector<16xf32>,
    %get3A_2865 = vector.shape_cast %get3A_2864 : vector<16xf32> to vector<16xf32>
    %get3A_2866 = arith.constant 0 : index
    %get3A_2867 = tpu.vector_load %arg7[%get3A_2866] {strides = array<i32>} : memref<512xf32, #tpu.memory_space<vmem>>, vector<16xf32>,
    %get3A_2868 = vector.shape_cast %get3A_2867 : vector<16xf32> to vector<16xf32>
    %ge3A_2869 = arith.cmpf oge, %get3A_2868, %get3A_2865 : vector<16xf32>
    %select_n3A_2870 = arith.select %ge3A_2869, %broadcast_in_dim3A_399, %broadcast_in_dim3A_397 : vector<16xi1>, vector<16xf32>
    %add3A_2871 = arith.addf %broadcast_in_dim3A_397, %select_n3A_2870 : vector<16xf32>
    %get3A_2872 = arith.constant 16 : index
    %get3A_2873 = tpu.vector_load %arg7[%get3A_2872] {strides = array<i32>} : memref<512xf32, #tpu.memory_space<vmem>>, vector<16xf32>,
    %get3A_2874 = vector.shape_cast %get3A_2873 : vector<16xf32> to vector<16xf32>
    %ge3A_2875 = arith.cmpf oge, %get3A_2874, %get3A_2865 : vector<16xf32>
    %select_n3A_2876 = arith.select %ge3A_2875, %broadcast_in_dim3A_399, %broadcast_in_dim3A_397 : vector<16xi1>, vector<16xf32>
    %add3A_2877 = arith.addf %add3A_2871, %select_n3A_2876 : vector<16xf32>
    %get3A_2878 = arith.constant 32 : index
    %get3A_2879 = tpu.vector_load %arg7[%get3A_2878] {strides = array<i32>} : memref<512xf32, #tpu.memory_space<vmem>>, vector<16xf32>,
    %get3A_2880 = vector.shape_cast %get3A_2879 : vector<16xf32> to vector<16xf32>
    %ge3A_2881 = arith.cmpf oge, %get3A_2880, %get3A_2865 : vector<16xf32>
    %select_n3A_2882 = arith.select %ge3A_2881, %broadcast_in_dim3A_399, %broadcast_in_dim3A_397 : vector<16xi1>, vector<16xf32>
    %add3A_2883 = arith.addf %add3A_2877, %select_n3A_2882 : vector<16xf32>
    %get3A_2884 = arith.constant 48 : index
    %get3A_2885 = tpu.vector_load %arg7[%get3A_2884] {strides = array<i32>} : memref<512xf32, #tpu.memory_space<vmem>>, vector<16xf32>,
    %get3A_2886 = vector.shape_cast %get3A_2885 : vector<16xf32> to vector<16xf32>
    %ge3A_2887 = arith.cmpf oge, %get3A_2886, %get3A_2865 : vector<16xf32>
    %select_n3A_2888 = arith.select %ge3A_2887, %broadcast_in_dim3A_399, %broadcast_in_dim3A_397 : vector<16xi1>, vector<16xf32>
    %add3A_2889 = arith.addf %add3A_2883, %select_n3A_2888 : vector<16xf32>
    %get3A_2890 = arith.constant 64 : index
    %get3A_2891 = tpu.vector_load %arg7[%get3A_2890] {strides = array<i32>} : memref<512xf32, #tpu.memory_space<vmem>>, vector<16xf32>,
    %get3A_2892 = vector.shape_cast %get3A_2891 : vector<16xf32> to vector<16xf32>
    %ge3A_2893 = arith.cmpf oge, %get3A_2892, %get3A_2865 : vector<16xf32>
    %select_n3A_2894 = arith.select %ge3A_2893, %broadcast_in_dim3A_399, %broadcast_in_dim3A_397 : vector<16xi1>, vector<16xf32>
    %add3A_2895 = arith.addf %add3A_2889, %select_n3A_2894 : vector<16xf32>
    %get3A_2896 = arith.constant 80 : index
    %get3A_2897 = tpu.vector_load %arg7[%get3A_2896] {strides = array<i32>} : memref<512xf32, #tpu.memory_space<vmem>>, vector<16xf32>,
    %get3A_2898 = vector.shape_cast %get3A_2897 : vector<16xf32> to vector<16xf32>
    %ge3A_2899 = arith.cmpf oge, %get3A_2898, %get3A_2865 : vector<16xf32>
    %select_n3A_2900 = arith.select %ge3A_2899, %broadcast_in_dim3A_399, %broadcast_in_dim3A_397 : vector<16xi1>, vector<16xf32>
    %add3A_2901 = arith.addf %add3A_2895, %select_n3A_2900 : vector<16xf32>
    %get3A_2902 = arith.constant 96 : index
    %get3A_2903 = tpu.vector_load %arg7[%get3A_2902] {strides = array<i32>} : memref<512xf32, #tpu.memory_space<vmem>>, vector<16xf32>,
    %get3A_2904 = vector.shape_cast %get3A_2903 : vector<16xf32> to vector<16xf32>
    %ge3A_2905 = arith.cmpf oge, %get3A_2904, %get3A_2865 : vector<16xf32>
    %select_n3A_2906 = arith.select %ge3A_2905, %broadcast_in_dim3A_399, %broadcast_in_dim3A_397 : vector<16xi1>, vector<16xf32>
    %add3A_2907 = arith.addf %add3A_2901, %select_n3A_2906 : vector<16xf32>
    %get3A_2908 = arith.constant 112 : index
    %get3A_2909 = tpu.vector_load %arg7[%get3A_2908] {strides = array<i32>} : memref<512xf32, #tpu.memory_space<vmem>>, vector<16xf32>,
    %get3A_2910 = vector.shape_cast %get3A_2909 : vector<16xf32> to vector<16xf32>
    %ge3A_2911 = arith.cmpf oge, %get3A_2910, %get3A_2865 : vector<16xf32>
    %select_n3A_2912 = arith.select %ge3A_2911, %broadcast_in_dim3A_399, %broadcast_in_dim3A_397 : vector<16xi1>, vector<16xf32>
    %add3A_2913 = arith.addf %add3A_2907, %select_n3A_2912 : vector<16xf32>
    %get3A_2914 = arith.constant 128 : index
    %get3A_2915 = tpu.vector_load %arg7[%get3A_2914] {strides = array<i32>} : memref<512xf32, #tpu.memory_space<vmem>>, vector<16xf32>,
    %get3A_2916 = vector.shape_cast %get3A_2915 : vector<16xf32> to vector<16xf32>
    %ge3A_2917 = arith.cmpf oge, %get3A_2916, %get3A_2865 : vector<16xf32>
    %select_n3A_2918 = arith.select %ge3A_2917, %broadcast_in_dim3A_399, %broadcast_in_dim3A_397 : vector<16xi1>, vector<16xf32>
    %add3A_2919 = arith.addf %add3A_2913, %select_n3A_2918 : vector<16xf32>
    %get3A_2920 = arith.constant 144 : index
    %get3A_2921 = tpu.vector_load %arg7[%get3A_2920] {strides = array<i32>} : memref<512xf32, #tpu.memory_space<vmem>>, vector<16xf32>,
    %get3A_2922 = vector.shape_cast %get3A_2921 : vector<16xf32> to vector<16xf32>
    %ge3A_2923 = arith.cmpf oge, %get3A_2922, %get3A_2865 : vector<16xf32>
    %select_n3A_2924 = arith.select %ge3A_2923, %broadcast_in_dim3A_399, %broadcast_in_dim3A_397 : vector<16xi1>, vector<16xf32>
    %add3A_2925 = arith.addf %add3A_2919, %select_n3A_2924 : vector<16xf32>
    %get3A_2926 = arith.constant 160 : index
    %get3A_2927 = tpu.vector_load %arg7[%get3A_2926] {strides = array<i32>} : memref<512xf32, #tpu.memory_space<vmem>>, vector<16xf32>,
    %get3A_2928 = vector.shape_cast %get3A_2927 : vector<16xf32> to vector<16xf32>
    %ge3A_2929 = arith.cmpf oge, %get3A_2928, %get3A_2865 : vector<16xf32>
    %select_n3A_2930 = arith.select %ge3A_2929, %broadcast_in_dim3A_399, %broadcast_in_dim3A_397 : vector<16xi1>, vector<16xf32>
    %add3A_2931 = arith.addf %add3A_2925, %select_n3A_2930 : vector<16xf32>
    %get3A_2932 = arith.constant 176 : index
    %get3A_2933 = tpu.vector_load %arg7[%get3A_2932] {strides = array<i32>} : memref<512xf32, #tpu.memory_space<vmem>>, vector<16xf32>,
    %get3A_2934 = vector.shape_cast %get3A_2933 : vector<16xf32> to vector<16xf32>
    %ge3A_2935 = arith.cmpf oge, %get3A_2934, %get3A_2865 : vector<16xf32>
    %select_n3A_2936 = arith.select %ge3A_2935, %broadcast_in_dim3A_399, %broadcast_in_dim3A_397 : vector<16xi1>, vector<16xf32>
    %add3A_2937 = arith.addf %add3A_2931, %select_n3A_2936 : vector<16xf32>
    %get3A_2938 = arith.constant 192 : index
    %get3A_2939 = tpu.vector_load %arg7[%get3A_2938] {strides = array<i32>} : memref<512xf32, #tpu.memory_space<vmem>>, vector<16xf32>,
    %get3A_2940 = vector.shape_cast %get3A_2939 : vector<16xf32> to vector<16xf32>
    %ge3A_2941 = arith.cmpf oge, %get3A_2940, %get3A_2865 : vector<16xf32>
    %select_n3A_2942 = arith.select %ge3A_2941, %broadcast_in_dim3A_399, %broadcast_in_dim3A_397 : vector<16xi1>, vector<16xf32>
    %add3A_2943 = arith.addf %add3A_2937, %select_n3A_2942 : vector<16xf32>
    %get3A_2944 = arith.constant 208 : index
    %get3A_2945 = tpu.vector_load %arg7[%get3A_2944] {strides = array<i32>} : memref<512xf32, #tpu.memory_space<vmem>>, vector<16xf32>,
    %get3A_2946 = vector.shape_cast %get3A_2945 : vector<16xf32> to vector<16xf32>
    %ge3A_2947 = arith.cmpf oge, %get3A_2946, %get3A_2865 : vector<16xf32>
    %select_n3A_2948 = arith.select %ge3A_2947, %broadcast_in_dim3A_399, %broadcast_in_dim3A_397 : vector<16xi1>, vector<16xf32>
    %add3A_2949 = arith.addf %add3A_2943, %select_n3A_2948 : vector<16xf32>
    %get3A_2950 = arith.constant 224 : index
    %get3A_2951 = tpu.vector_load %arg7[%get3A_2950] {strides = array<i32>} : memref<512xf32, #tpu.memory_space<vmem>>, vector<16xf32>,
    %get3A_2952 = vector.shape_cast %get3A_2951 : vector<16xf32> to vector<16xf32>
    %ge3A_2953 = arith.cmpf oge, %get3A_2952, %get3A_2865 : vector<16xf32>
    %select_n3A_2954 = arith.select %ge3A_2953, %broadcast_in_dim3A_399, %broadcast_in_dim3A_397 : vector<16xi1>, vector<16xf32>
    %add3A_2955 = arith.addf %add3A_2949, %select_n3A_2954 : vector<16xf32>
    %get3A_2956 = arith.constant 240 : index
    %get3A_2957 = tpu.vector_load %arg7[%get3A_2956] {strides = array<i32>} : memref<512xf32, #tpu.memory_space<vmem>>, vector<16xf32>,
    %get3A_2958 = vector.shape_cast %get3A_2957 : vector<16xf32> to vector<16xf32>
    %ge3A_2959 = arith.cmpf oge, %get3A_2958, %get3A_2865 : vector<16xf32>
    %select_n3A_2960 = arith.select %ge3A_2959, %broadcast_in_dim3A_399, %broadcast_in_dim3A_397 : vector<16xi1>, vector<16xf32>
    %add3A_2961 = arith.addf %add3A_2955, %select_n3A_2960 : vector<16xf32>
    %get3A_2962 = arith.constant 256 : index
    %get3A_2963 = tpu.vector_load %arg7[%get3A_2962] {strides = array<i32>} : memref<512xf32, #tpu.memory_space<vmem>>, vector<16xf32>,
    %get3A_2964 = vector.shape_cast %get3A_2963 : vector<16xf32> to vector<16xf32>
    %ge3A_2965 = arith.cmpf oge, %get3A_2964, %get3A_2865 : vector<16xf32>
    %select_n3A_2966 = arith.select %ge3A_2965, %broadcast_in_dim3A_399, %broadcast_in_dim3A_397 : vector<16xi1>, vector<16xf32>
    %add3A_2967 = arith.addf %add3A_2961, %select_n3A_2966 : vector<16xf32>
    %get3A_2968 = arith.constant 272 : index
    %get3A_2969 = tpu.vector_load %arg7[%get3A_2968] {strides = array<i32>} : memref<512xf32, #tpu.memory_space<vmem>>, vector<16xf32>,
    %get3A_2970 = vector.shape_cast %get3A_2969 : vector<16xf32> to vector<16xf32>
    %ge3A_2971 = arith.cmpf oge, %get3A_2970, %get3A_2865 : vector<16xf32>
    %select_n3A_2972 = arith.select %ge3A_2971, %broadcast_in_dim3A_399, %broadcast_in_dim3A_397 : vector<16xi1>, vector<16xf32>
    %add3A_2973 = arith.addf %add3A_2967, %select_n3A_2972 : vector<16xf32>
    %get3A_2974 = arith.constant 304 : index
    %get3A_2975 = tpu.vector_load %arg7[%get3A_2974] {strides = array<i32>} : memref<512xf32, #tpu.memory_space<vmem>>, vector<16xf32>,
    %get3A_2976 = vector.shape_cast %get3A_2975 : vector<16xf32> to vector<16xf32>
    %gt3A_2977 = arith.cmpf ogt, %get3A_2976, %get3A_2865 : vector<16xf32>
    %select_n3A_2978 = arith.select %gt3A_2977, %broadcast_in_dim3A_399, %broadcast_in_dim3A_397 : vector<16xi1>, vector<16xf32>
    %add3A_2979 = arith.addf %add3A_2973, %select_n3A_2978 : vector<16xf32>
    %get3A_2980 = arith.constant 320 : index
    %get3A_2981 = tpu.vector_load %arg7[%get3A_2980] {strides = array<i32>} : memref<512xf32, #tpu.memory_space<vmem>>, vector<16xf32>,
    %get3A_2982 = vector.shape_cast %get3A_2981 : vector<16xf32> to vector<16xf32>
    %gt3A_2983 = arith.cmpf ogt, %get3A_2982, %get3A_2865 : vector<16xf32>
    %select_n3A_2984 = arith.select %gt3A_2983, %broadcast_in_dim3A_399, %broadcast_in_dim3A_397 : vector<16xi1>, vector<16xf32>
    %add3A_2985 = arith.addf %add3A_2979, %select_n3A_2984 : vector<16xf32>
    %get3A_2986 = arith.constant 336 : index
    %get3A_2987 = tpu.vector_load %arg7[%get3A_2986] {strides = array<i32>} : memref<512xf32, #tpu.memory_space<vmem>>, vector<16xf32>,
    %get3A_2988 = vector.shape_cast %get3A_2987 : vector<16xf32> to vector<16xf32>
    %gt3A_2989 = arith.cmpf ogt, %get3A_2988, %get3A_2865 : vector<16xf32>
    %select_n3A_2990 = arith.select %gt3A_2989, %broadcast_in_dim3A_399, %broadcast_in_dim3A_397 : vector<16xi1>, vector<16xf32>
    %add3A_2991 = arith.addf %add3A_2985, %select_n3A_2990 : vector<16xf32>
    %ge3A_2992 = arith.constant 2.000000e+01 : f32
    %ge3A_2993 = vector.broadcast %ge3A_2992 : f32 to vector<16xf32>
    %ge3A_2994 = arith.cmpf oge, %add3A_2991, %ge3A_2993 : vector<16xf32>
    %select_n3A_2995 = arith.select %ge3A_2994, %broadcast_in_dim3A_399, %broadcast_in_dim3A_397 : vector<16xi1>, vector<16xf32>
    %swap3A_2996 = arith.constant 288 : index
    %swap3A_2997 = tpu.vector_load %arg8[%swap3A_2996] {strides = array<i32>} : memref<512xf32, #tpu.memory_space<vmem>>, vector<16xf32>,
    %swap3A_2998 = vector.shape_cast %swap3A_2997 : vector<16xf32> to vector<16xf32>
    %swap3A_2999 = vector.shape_cast %select_n3A_2995 : vector<16xf32> to vector<16xf32>
    tpu.vector_store %arg8[%swap3A_2996], %swap3A_2999 {strides = array<i32>} : memref<512xf32, #tpu.memory_space<vmem>>, vector<16xf32>,
    %get3A_3000 = arith.constant 304 : index
    %get3A_3001 = tpu.vector_load %arg7[%get3A_3000] {strides = array<i32>} : memref<512xf32, #tpu.memory_space<vmem>>, vector<16xf32>,
    %get3A_3002 = vector.shape_cast %get3A_3001 : vector<16xf32> to vector<16xf32>
    %get3A_3003 = arith.constant 0 : index
    %get3A_3004 = tpu.vector_load %arg7[%get3A_3003] {strides = array<i32>} : memref<512xf32, #tpu.memory_space<vmem>>, vector<16xf32>,
    %get3A_3005 = vector.shape_cast %get3A_3004 : vector<16xf32> to vector<16xf32>
    %ge3A_3006 = arith.cmpf oge, %get3A_3005, %get3A_3002 : vector<16xf32>
    %select_n3A_3007 = arith.select %ge3A_3006, %broadcast_in_dim3A_399, %broadcast_in_dim3A_397 : vector<16xi1>, vector<16xf32>
    %add3A_3008 = arith.addf %broadcast_in_dim3A_397, %select_n3A_3007 : vector<16xf32>
    %get3A_3009 = arith.constant 16 : index
    %get3A_3010 = tpu.vector_load %arg7[%get3A_3009] {strides = array<i32>} : memref<512xf32, #tpu.memory_space<vmem>>, vector<16xf32>,
    %get3A_3011 = vector.shape_cast %get3A_3010 : vector<16xf32> to vector<16xf32>
    %ge3A_3012 = arith.cmpf oge, %get3A_3011, %get3A_3002 : vector<16xf32>
    %select_n3A_3013 = arith.select %ge3A_3012, %broadcast_in_dim3A_399, %broadcast_in_dim3A_397 : vector<16xi1>, vector<16xf32>
    %add3A_3014 = arith.addf %add3A_3008, %select_n3A_3013 : vector<16xf32>
    %get3A_3015 = arith.constant 32 : index
    %get3A_3016 = tpu.vector_load %arg7[%get3A_3015] {strides = array<i32>} : memref<512xf32, #tpu.memory_space<vmem>>, vector<16xf32>,
    %get3A_3017 = vector.shape_cast %get3A_3016 : vector<16xf32> to vector<16xf32>
    %ge3A_3018 = arith.cmpf oge, %get3A_3017, %get3A_3002 : vector<16xf32>
    %select_n3A_3019 = arith.select %ge3A_3018, %broadcast_in_dim3A_399, %broadcast_in_dim3A_397 : vector<16xi1>, vector<16xf32>
    %add3A_3020 = arith.addf %add3A_3014, %select_n3A_3019 : vector<16xf32>
    %get3A_3021 = arith.constant 48 : index
    %get3A_3022 = tpu.vector_load %arg7[%get3A_3021] {strides = array<i32>} : memref<512xf32, #tpu.memory_space<vmem>>, vector<16xf32>,
    %get3A_3023 = vector.shape_cast %get3A_3022 : vector<16xf32> to vector<16xf32>
    %ge3A_3024 = arith.cmpf oge, %get3A_3023, %get3A_3002 : vector<16xf32>
    %select_n3A_3025 = arith.select %ge3A_3024, %broadcast_in_dim3A_399, %broadcast_in_dim3A_397 : vector<16xi1>, vector<16xf32>
    %add3A_3026 = arith.addf %add3A_3020, %select_n3A_3025 : vector<16xf32>
    %get3A_3027 = arith.constant 64 : index
    %get3A_3028 = tpu.vector_load %arg7[%get3A_3027] {strides = array<i32>} : memref<512xf32, #tpu.memory_space<vmem>>, vector<16xf32>,
    %get3A_3029 = vector.shape_cast %get3A_3028 : vector<16xf32> to vector<16xf32>
    %ge3A_3030 = arith.cmpf oge, %get3A_3029, %get3A_3002 : vector<16xf32>
    %select_n3A_3031 = arith.select %ge3A_3030, %broadcast_in_dim3A_399, %broadcast_in_dim3A_397 : vector<16xi1>, vector<16xf32>
    %add3A_3032 = arith.addf %add3A_3026, %select_n3A_3031 : vector<16xf32>
    %get3A_3033 = arith.constant 80 : index
    %get3A_3034 = tpu.vector_load %arg7[%get3A_3033] {strides = array<i32>} : memref<512xf32, #tpu.memory_space<vmem>>, vector<16xf32>,
    %get3A_3035 = vector.shape_cast %get3A_3034 : vector<16xf32> to vector<16xf32>
    %ge3A_3036 = arith.cmpf oge, %get3A_3035, %get3A_3002 : vector<16xf32>
    %select_n3A_3037 = arith.select %ge3A_3036, %broadcast_in_dim3A_399, %broadcast_in_dim3A_397 : vector<16xi1>, vector<16xf32>
    %add3A_3038 = arith.addf %add3A_3032, %select_n3A_3037 : vector<16xf32>
    %get3A_3039 = arith.constant 96 : index
    %get3A_3040 = tpu.vector_load %arg7[%get3A_3039] {strides = array<i32>} : memref<512xf32, #tpu.memory_space<vmem>>, vector<16xf32>,
    %get3A_3041 = vector.shape_cast %get3A_3040 : vector<16xf32> to vector<16xf32>
    %ge3A_3042 = arith.cmpf oge, %get3A_3041, %get3A_3002 : vector<16xf32>
    %select_n3A_3043 = arith.select %ge3A_3042, %broadcast_in_dim3A_399, %broadcast_in_dim3A_397 : vector<16xi1>, vector<16xf32>
    %add3A_3044 = arith.addf %add3A_3038, %select_n3A_3043 : vector<16xf32>
    %get3A_3045 = arith.constant 112 : index
    %get3A_3046 = tpu.vector_load %arg7[%get3A_3045] {strides = array<i32>} : memref<512xf32, #tpu.memory_space<vmem>>, vector<16xf32>,
    %get3A_3047 = vector.shape_cast %get3A_3046 : vector<16xf32> to vector<16xf32>
    %ge3A_3048 = arith.cmpf oge, %get3A_3047, %get3A_3002 : vector<16xf32>
    %select_n3A_3049 = arith.select %ge3A_3048, %broadcast_in_dim3A_399, %broadcast_in_dim3A_397 : vector<16xi1>, vector<16xf32>
    %add3A_3050 = arith.addf %add3A_3044, %select_n3A_3049 : vector<16xf32>
    %get3A_3051 = arith.constant 128 : index
    %get3A_3052 = tpu.vector_load %arg7[%get3A_3051] {strides = array<i32>} : memref<512xf32, #tpu.memory_space<vmem>>, vector<16xf32>,
    %get3A_3053 = vector.shape_cast %get3A_3052 : vector<16xf32> to vector<16xf32>
    %ge3A_3054 = arith.cmpf oge, %get3A_3053, %get3A_3002 : vector<16xf32>
    %select_n3A_3055 = arith.select %ge3A_3054, %broadcast_in_dim3A_399, %broadcast_in_dim3A_397 : vector<16xi1>, vector<16xf32>
    %add3A_3056 = arith.addf %add3A_3050, %select_n3A_3055 : vector<16xf32>
    %get3A_3057 = arith.constant 144 : index
    %get3A_3058 = tpu.vector_load %arg7[%get3A_3057] {strides = array<i32>} : memref<512xf32, #tpu.memory_space<vmem>>, vector<16xf32>,
    %get3A_3059 = vector.shape_cast %get3A_3058 : vector<16xf32> to vector<16xf32>
    %ge3A_3060 = arith.cmpf oge, %get3A_3059, %get3A_3002 : vector<16xf32>
    %select_n3A_3061 = arith.select %ge3A_3060, %broadcast_in_dim3A_399, %broadcast_in_dim3A_397 : vector<16xi1>, vector<16xf32>
    %add3A_3062 = arith.addf %add3A_3056, %select_n3A_3061 : vector<16xf32>
    %get3A_3063 = arith.constant 160 : index
    %get3A_3064 = tpu.vector_load %arg7[%get3A_3063] {strides = array<i32>} : memref<512xf32, #tpu.memory_space<vmem>>, vector<16xf32>,
    %get3A_3065 = vector.shape_cast %get3A_3064 : vector<16xf32> to vector<16xf32>
    %ge3A_3066 = arith.cmpf oge, %get3A_3065, %get3A_3002 : vector<16xf32>
    %select_n3A_3067 = arith.select %ge3A_3066, %broadcast_in_dim3A_399, %broadcast_in_dim3A_397 : vector<16xi1>, vector<16xf32>
    %add3A_3068 = arith.addf %add3A_3062, %select_n3A_3067 : vector<16xf32>
    %get3A_3069 = arith.constant 176 : index
    %get3A_3070 = tpu.vector_load %arg7[%get3A_3069] {strides = array<i32>} : memref<512xf32, #tpu.memory_space<vmem>>, vector<16xf32>,
    %get3A_3071 = vector.shape_cast %get3A_3070 : vector<16xf32> to vector<16xf32>
    %ge3A_3072 = arith.cmpf oge, %get3A_3071, %get3A_3002 : vector<16xf32>
    %select_n3A_3073 = arith.select %ge3A_3072, %broadcast_in_dim3A_399, %broadcast_in_dim3A_397 : vector<16xi1>, vector<16xf32>
    %add3A_3074 = arith.addf %add3A_3068, %select_n3A_3073 : vector<16xf32>
    %get3A_3075 = arith.constant 192 : index
    %get3A_3076 = tpu.vector_load %arg7[%get3A_3075] {strides = array<i32>} : memref<512xf32, #tpu.memory_space<vmem>>, vector<16xf32>,
    %get3A_3077 = vector.shape_cast %get3A_3076 : vector<16xf32> to vector<16xf32>
    %ge3A_3078 = arith.cmpf oge, %get3A_3077, %get3A_3002 : vector<16xf32>
    %select_n3A_3079 = arith.select %ge3A_3078, %broadcast_in_dim3A_399, %broadcast_in_dim3A_397 : vector<16xi1>, vector<16xf32>
    %add3A_3080 = arith.addf %add3A_3074, %select_n3A_3079 : vector<16xf32>
    %get3A_3081 = arith.constant 208 : index
    %get3A_3082 = tpu.vector_load %arg7[%get3A_3081] {strides = array<i32>} : memref<512xf32, #tpu.memory_space<vmem>>, vector<16xf32>,
    %get3A_3083 = vector.shape_cast %get3A_3082 : vector<16xf32> to vector<16xf32>
    %ge3A_3084 = arith.cmpf oge, %get3A_3083, %get3A_3002 : vector<16xf32>
    %select_n3A_3085 = arith.select %ge3A_3084, %broadcast_in_dim3A_399, %broadcast_in_dim3A_397 : vector<16xi1>, vector<16xf32>
    %add3A_3086 = arith.addf %add3A_3080, %select_n3A_3085 : vector<16xf32>
    %get3A_3087 = arith.constant 224 : index
    %get3A_3088 = tpu.vector_load %arg7[%get3A_3087] {strides = array<i32>} : memref<512xf32, #tpu.memory_space<vmem>>, vector<16xf32>,
    %get3A_3089 = vector.shape_cast %get3A_3088 : vector<16xf32> to vector<16xf32>
    %ge3A_3090 = arith.cmpf oge, %get3A_3089, %get3A_3002 : vector<16xf32>
    %select_n3A_3091 = arith.select %ge3A_3090, %broadcast_in_dim3A_399, %broadcast_in_dim3A_397 : vector<16xi1>, vector<16xf32>
    %add3A_3092 = arith.addf %add3A_3086, %select_n3A_3091 : vector<16xf32>
    %get3A_3093 = arith.constant 240 : index
    %get3A_3094 = tpu.vector_load %arg7[%get3A_3093] {strides = array<i32>} : memref<512xf32, #tpu.memory_space<vmem>>, vector<16xf32>,
    %get3A_3095 = vector.shape_cast %get3A_3094 : vector<16xf32> to vector<16xf32>
    %ge3A_3096 = arith.cmpf oge, %get3A_3095, %get3A_3002 : vector<16xf32>
    %select_n3A_3097 = arith.select %ge3A_3096, %broadcast_in_dim3A_399, %broadcast_in_dim3A_397 : vector<16xi1>, vector<16xf32>
    %add3A_3098 = arith.addf %add3A_3092, %select_n3A_3097 : vector<16xf32>
    %get3A_3099 = arith.constant 256 : index
    %get3A_3100 = tpu.vector_load %arg7[%get3A_3099] {strides = array<i32>} : memref<512xf32, #tpu.memory_space<vmem>>, vector<16xf32>,
    %get3A_3101 = vector.shape_cast %get3A_3100 : vector<16xf32> to vector<16xf32>
    %ge3A_3102 = arith.cmpf oge, %get3A_3101, %get3A_3002 : vector<16xf32>
    %select_n3A_3103 = arith.select %ge3A_3102, %broadcast_in_dim3A_399, %broadcast_in_dim3A_397 : vector<16xi1>, vector<16xf32>
    %add3A_3104 = arith.addf %add3A_3098, %select_n3A_3103 : vector<16xf32>
    %get3A_3105 = arith.constant 272 : index
    %get3A_3106 = tpu.vector_load %arg7[%get3A_3105] {strides = array<i32>} : memref<512xf32, #tpu.memory_space<vmem>>, vector<16xf32>,
    %get3A_3107 = vector.shape_cast %get3A_3106 : vector<16xf32> to vector<16xf32>
    %ge3A_3108 = arith.cmpf oge, %get3A_3107, %get3A_3002 : vector<16xf32>
    %select_n3A_3109 = arith.select %ge3A_3108, %broadcast_in_dim3A_399, %broadcast_in_dim3A_397 : vector<16xi1>, vector<16xf32>
    %add3A_3110 = arith.addf %add3A_3104, %select_n3A_3109 : vector<16xf32>
    %get3A_3111 = arith.constant 288 : index
    %get3A_3112 = tpu.vector_load %arg7[%get3A_3111] {strides = array<i32>} : memref<512xf32, #tpu.memory_space<vmem>>, vector<16xf32>,
    %get3A_3113 = vector.shape_cast %get3A_3112 : vector<16xf32> to vector<16xf32>
    %ge3A_3114 = arith.cmpf oge, %get3A_3113, %get3A_3002 : vector<16xf32>
    %select_n3A_3115 = arith.select %ge3A_3114, %broadcast_in_dim3A_399, %broadcast_in_dim3A_397 : vector<16xi1>, vector<16xf32>
    %add3A_3116 = arith.addf %add3A_3110, %select_n3A_3115 : vector<16xf32>
    %get3A_3117 = arith.constant 320 : index
    %get3A_3118 = tpu.vector_load %arg7[%get3A_3117] {strides = array<i32>} : memref<512xf32, #tpu.memory_space<vmem>>, vector<16xf32>,
    %get3A_3119 = vector.shape_cast %get3A_3118 : vector<16xf32> to vector<16xf32>
    %gt3A_3120 = arith.cmpf ogt, %get3A_3119, %get3A_3002 : vector<16xf32>
    %select_n3A_3121 = arith.select %gt3A_3120, %broadcast_in_dim3A_399, %broadcast_in_dim3A_397 : vector<16xi1>, vector<16xf32>
    %add3A_3122 = arith.addf %add3A_3116, %select_n3A_3121 : vector<16xf32>
    %get3A_3123 = arith.constant 336 : index
    %get3A_3124 = tpu.vector_load %arg7[%get3A_3123] {strides = array<i32>} : memref<512xf32, #tpu.memory_space<vmem>>, vector<16xf32>,
    %get3A_3125 = vector.shape_cast %get3A_3124 : vector<16xf32> to vector<16xf32>
    %gt3A_3126 = arith.cmpf ogt, %get3A_3125, %get3A_3002 : vector<16xf32>
    %select_n3A_3127 = arith.select %gt3A_3126, %broadcast_in_dim3A_399, %broadcast_in_dim3A_397 : vector<16xi1>, vector<16xf32>
    %add3A_3128 = arith.addf %add3A_3122, %select_n3A_3127 : vector<16xf32>
    %ge3A_3129 = arith.constant 2.000000e+01 : f32
    %ge3A_3130 = vector.broadcast %ge3A_3129 : f32 to vector<16xf32>
    %ge3A_3131 = arith.cmpf oge, %add3A_3128, %ge3A_3130 : vector<16xf32>
    %select_n3A_3132 = arith.select %ge3A_3131, %broadcast_in_dim3A_399, %broadcast_in_dim3A_397 : vector<16xi1>, vector<16xf32>
    %swap3A_3133 = arith.constant 304 : index
    %swap3A_3134 = tpu.vector_load %arg8[%swap3A_3133] {strides = array<i32>} : memref<512xf32, #tpu.memory_space<vmem>>, vector<16xf32>,
    %swap3A_3135 = vector.shape_cast %swap3A_3134 : vector<16xf32> to vector<16xf32>
    %swap3A_3136 = vector.shape_cast %select_n3A_3132 : vector<16xf32> to vector<16xf32>
    tpu.vector_store %arg8[%swap3A_3133], %swap3A_3136 {strides = array<i32>} : memref<512xf32, #tpu.memory_space<vmem>>, vector<16xf32>,
    %get3A_3137 = arith.constant 320 : index
    %get3A_3138 = tpu.vector_load %arg7[%get3A_3137] {strides = array<i32>} : memref<512xf32, #tpu.memory_space<vmem>>, vector<16xf32>,
    %get3A_3139 = vector.shape_cast %get3A_3138 : vector<16xf32> to vector<16xf32>
    %get3A_3140 = arith.constant 0 : index
    %get3A_3141 = tpu.vector_load %arg7[%get3A_3140] {strides = array<i32>} : memref<512xf32, #tpu.memory_space<vmem>>, vector<16xf32>,
    %get3A_3142 = vector.shape_cast %get3A_3141 : vector<16xf32> to vector<16xf32>
    %ge3A_3143 = arith.cmpf oge, %get3A_3142, %get3A_3139 : vector<16xf32>
    %select_n3A_3144 = arith.select %ge3A_3143, %broadcast_in_dim3A_399, %broadcast_in_dim3A_397 : vector<16xi1>, vector<16xf32>
    %add3A_3145 = arith.addf %broadcast_in_dim3A_397, %select_n3A_3144 : vector<16xf32>
    %get3A_3146 = arith.constant 16 : index
    %get3A_3147 = tpu.vector_load %arg7[%get3A_3146] {strides = array<i32>} : memref<512xf32, #tpu.memory_space<vmem>>, vector<16xf32>,
    %get3A_3148 = vector.shape_cast %get3A_3147 : vector<16xf32> to vector<16xf32>
    %ge3A_3149 = arith.cmpf oge, %get3A_3148, %get3A_3139 : vector<16xf32>
    %select_n3A_3150 = arith.select %ge3A_3149, %broadcast_in_dim3A_399, %broadcast_in_dim3A_397 : vector<16xi1>, vector<16xf32>
    %add3A_3151 = arith.addf %add3A_3145, %select_n3A_3150 : vector<16xf32>
    %get3A_3152 = arith.constant 32 : index
    %get3A_3153 = tpu.vector_load %arg7[%get3A_3152] {strides = array<i32>} : memref<512xf32, #tpu.memory_space<vmem>>, vector<16xf32>,
    %get3A_3154 = vector.shape_cast %get3A_3153 : vector<16xf32> to vector<16xf32>
    %ge3A_3155 = arith.cmpf oge, %get3A_3154, %get3A_3139 : vector<16xf32>
    %select_n3A_3156 = arith.select %ge3A_3155, %broadcast_in_dim3A_399, %broadcast_in_dim3A_397 : vector<16xi1>, vector<16xf32>
    %add3A_3157 = arith.addf %add3A_3151, %select_n3A_3156 : vector<16xf32>
    %get3A_3158 = arith.constant 48 : index
    %get3A_3159 = tpu.vector_load %arg7[%get3A_3158] {strides = array<i32>} : memref<512xf32, #tpu.memory_space<vmem>>, vector<16xf32>,
    %get3A_3160 = vector.shape_cast %get3A_3159 : vector<16xf32> to vector<16xf32>
    %ge3A_3161 = arith.cmpf oge, %get3A_3160, %get3A_3139 : vector<16xf32>
    %select_n3A_3162 = arith.select %ge3A_3161, %broadcast_in_dim3A_399, %broadcast_in_dim3A_397 : vector<16xi1>, vector<16xf32>
    %add3A_3163 = arith.addf %add3A_3157, %select_n3A_3162 : vector<16xf32>
    %get3A_3164 = arith.constant 64 : index
    %get3A_3165 = tpu.vector_load %arg7[%get3A_3164] {strides = array<i32>} : memref<512xf32, #tpu.memory_space<vmem>>, vector<16xf32>,
    %get3A_3166 = vector.shape_cast %get3A_3165 : vector<16xf32> to vector<16xf32>
    %ge3A_3167 = arith.cmpf oge, %get3A_3166, %get3A_3139 : vector<16xf32>
    %select_n3A_3168 = arith.select %ge3A_3167, %broadcast_in_dim3A_399, %broadcast_in_dim3A_397 : vector<16xi1>, vector<16xf32>
    %add3A_3169 = arith.addf %add3A_3163, %select_n3A_3168 : vector<16xf32>
    %get3A_3170 = arith.constant 80 : index
    %get3A_3171 = tpu.vector_load %arg7[%get3A_3170] {strides = array<i32>} : memref<512xf32, #tpu.memory_space<vmem>>, vector<16xf32>,
    %get3A_3172 = vector.shape_cast %get3A_3171 : vector<16xf32> to vector<16xf32>
    %ge3A_3173 = arith.cmpf oge, %get3A_3172, %get3A_3139 : vector<16xf32>
    %select_n3A_3174 = arith.select %ge3A_3173, %broadcast_in_dim3A_399, %broadcast_in_dim3A_397 : vector<16xi1>, vector<16xf32>
    %add3A_3175 = arith.addf %add3A_3169, %select_n3A_3174 : vector<16xf32>
    %get3A_3176 = arith.constant 96 : index
    %get3A_3177 = tpu.vector_load %arg7[%get3A_3176] {strides = array<i32>} : memref<512xf32, #tpu.memory_space<vmem>>, vector<16xf32>,
    %get3A_3178 = vector.shape_cast %get3A_3177 : vector<16xf32> to vector<16xf32>
    %ge3A_3179 = arith.cmpf oge, %get3A_3178, %get3A_3139 : vector<16xf32>
    %select_n3A_3180 = arith.select %ge3A_3179, %broadcast_in_dim3A_399, %broadcast_in_dim3A_397 : vector<16xi1>, vector<16xf32>
    %add3A_3181 = arith.addf %add3A_3175, %select_n3A_3180 : vector<16xf32>
    %get3A_3182 = arith.constant 112 : index
    %get3A_3183 = tpu.vector_load %arg7[%get3A_3182] {strides = array<i32>} : memref<512xf32, #tpu.memory_space<vmem>>, vector<16xf32>,
    %get3A_3184 = vector.shape_cast %get3A_3183 : vector<16xf32> to vector<16xf32>
    %ge3A_3185 = arith.cmpf oge, %get3A_3184, %get3A_3139 : vector<16xf32>
    %select_n3A_3186 = arith.select %ge3A_3185, %broadcast_in_dim3A_399, %broadcast_in_dim3A_397 : vector<16xi1>, vector<16xf32>
    %add3A_3187 = arith.addf %add3A_3181, %select_n3A_3186 : vector<16xf32>
    %get3A_3188 = arith.constant 128 : index
    %get3A_3189 = tpu.vector_load %arg7[%get3A_3188] {strides = array<i32>} : memref<512xf32, #tpu.memory_space<vmem>>, vector<16xf32>,
    %get3A_3190 = vector.shape_cast %get3A_3189 : vector<16xf32> to vector<16xf32>
    %ge3A_3191 = arith.cmpf oge, %get3A_3190, %get3A_3139 : vector<16xf32>
    %select_n3A_3192 = arith.select %ge3A_3191, %broadcast_in_dim3A_399, %broadcast_in_dim3A_397 : vector<16xi1>, vector<16xf32>
    %add3A_3193 = arith.addf %add3A_3187, %select_n3A_3192 : vector<16xf32>
    %get3A_3194 = arith.constant 144 : index
    %get3A_3195 = tpu.vector_load %arg7[%get3A_3194] {strides = array<i32>} : memref<512xf32, #tpu.memory_space<vmem>>, vector<16xf32>,
    %get3A_3196 = vector.shape_cast %get3A_3195 : vector<16xf32> to vector<16xf32>
    %ge3A_3197 = arith.cmpf oge, %get3A_3196, %get3A_3139 : vector<16xf32>
    %select_n3A_3198 = arith.select %ge3A_3197, %broadcast_in_dim3A_399, %broadcast_in_dim3A_397 : vector<16xi1>, vector<16xf32>
    %add3A_3199 = arith.addf %add3A_3193, %select_n3A_3198 : vector<16xf32>
    %get3A_3200 = arith.constant 160 : index
    %get3A_3201 = tpu.vector_load %arg7[%get3A_3200] {strides = array<i32>} : memref<512xf32, #tpu.memory_space<vmem>>, vector<16xf32>,
    %get3A_3202 = vector.shape_cast %get3A_3201 : vector<16xf32> to vector<16xf32>
    %ge3A_3203 = arith.cmpf oge, %get3A_3202, %get3A_3139 : vector<16xf32>
    %select_n3A_3204 = arith.select %ge3A_3203, %broadcast_in_dim3A_399, %broadcast_in_dim3A_397 : vector<16xi1>, vector<16xf32>
    %add3A_3205 = arith.addf %add3A_3199, %select_n3A_3204 : vector<16xf32>
    %get3A_3206 = arith.constant 176 : index
    %get3A_3207 = tpu.vector_load %arg7[%get3A_3206] {strides = array<i32>} : memref<512xf32, #tpu.memory_space<vmem>>, vector<16xf32>,
    %get3A_3208 = vector.shape_cast %get3A_3207 : vector<16xf32> to vector<16xf32>
    %ge3A_3209 = arith.cmpf oge, %get3A_3208, %get3A_3139 : vector<16xf32>
    %select_n3A_3210 = arith.select %ge3A_3209, %broadcast_in_dim3A_399, %broadcast_in_dim3A_397 : vector<16xi1>, vector<16xf32>
    %add3A_3211 = arith.addf %add3A_3205, %select_n3A_3210 : vector<16xf32>
    %get3A_3212 = arith.constant 192 : index
    %get3A_3213 = tpu.vector_load %arg7[%get3A_3212] {strides = array<i32>} : memref<512xf32, #tpu.memory_space<vmem>>, vector<16xf32>,
    %get3A_3214 = vector.shape_cast %get3A_3213 : vector<16xf32> to vector<16xf32>
    %ge3A_3215 = arith.cmpf oge, %get3A_3214, %get3A_3139 : vector<16xf32>
    %select_n3A_3216 = arith.select %ge3A_3215, %broadcast_in_dim3A_399, %broadcast_in_dim3A_397 : vector<16xi1>, vector<16xf32>
    %add3A_3217 = arith.addf %add3A_3211, %select_n3A_3216 : vector<16xf32>
    %get3A_3218 = arith.constant 208 : index
    %get3A_3219 = tpu.vector_load %arg7[%get3A_3218] {strides = array<i32>} : memref<512xf32, #tpu.memory_space<vmem>>, vector<16xf32>,
    %get3A_3220 = vector.shape_cast %get3A_3219 : vector<16xf32> to vector<16xf32>
    %ge3A_3221 = arith.cmpf oge, %get3A_3220, %get3A_3139 : vector<16xf32>
    %select_n3A_3222 = arith.select %ge3A_3221, %broadcast_in_dim3A_399, %broadcast_in_dim3A_397 : vector<16xi1>, vector<16xf32>
    %add3A_3223 = arith.addf %add3A_3217, %select_n3A_3222 : vector<16xf32>
    %get3A_3224 = arith.constant 224 : index
    %get3A_3225 = tpu.vector_load %arg7[%get3A_3224] {strides = array<i32>} : memref<512xf32, #tpu.memory_space<vmem>>, vector<16xf32>,
    %get3A_3226 = vector.shape_cast %get3A_3225 : vector<16xf32> to vector<16xf32>
    %ge3A_3227 = arith.cmpf oge, %get3A_3226, %get3A_3139 : vector<16xf32>
    %select_n3A_3228 = arith.select %ge3A_3227, %broadcast_in_dim3A_399, %broadcast_in_dim3A_397 : vector<16xi1>, vector<16xf32>
    %add3A_3229 = arith.addf %add3A_3223, %select_n3A_3228 : vector<16xf32>
    %get3A_3230 = arith.constant 240 : index
    %get3A_3231 = tpu.vector_load %arg7[%get3A_3230] {strides = array<i32>} : memref<512xf32, #tpu.memory_space<vmem>>, vector<16xf32>,
    %get3A_3232 = vector.shape_cast %get3A_3231 : vector<16xf32> to vector<16xf32>
    %ge3A_3233 = arith.cmpf oge, %get3A_3232, %get3A_3139 : vector<16xf32>
    %select_n3A_3234 = arith.select %ge3A_3233, %broadcast_in_dim3A_399, %broadcast_in_dim3A_397 : vector<16xi1>, vector<16xf32>
    %add3A_3235 = arith.addf %add3A_3229, %select_n3A_3234 : vector<16xf32>
    %get3A_3236 = arith.constant 256 : index
    %get3A_3237 = tpu.vector_load %arg7[%get3A_3236] {strides = array<i32>} : memref<512xf32, #tpu.memory_space<vmem>>, vector<16xf32>,
    %get3A_3238 = vector.shape_cast %get3A_3237 : vector<16xf32> to vector<16xf32>
    %ge3A_3239 = arith.cmpf oge, %get3A_3238, %get3A_3139 : vector<16xf32>
    %select_n3A_3240 = arith.select %ge3A_3239, %broadcast_in_dim3A_399, %broadcast_in_dim3A_397 : vector<16xi1>, vector<16xf32>
    %add3A_3241 = arith.addf %add3A_3235, %select_n3A_3240 : vector<16xf32>
    %get3A_3242 = arith.constant 272 : index
    %get3A_3243 = tpu.vector_load %arg7[%get3A_3242] {strides = array<i32>} : memref<512xf32, #tpu.memory_space<vmem>>, vector<16xf32>,
    %get3A_3244 = vector.shape_cast %get3A_3243 : vector<16xf32> to vector<16xf32>
    %ge3A_3245 = arith.cmpf oge, %get3A_3244, %get3A_3139 : vector<16xf32>
    %select_n3A_3246 = arith.select %ge3A_3245, %broadcast_in_dim3A_399, %broadcast_in_dim3A_397 : vector<16xi1>, vector<16xf32>
    %add3A_3247 = arith.addf %add3A_3241, %select_n3A_3246 : vector<16xf32>
    %get3A_3248 = arith.constant 288 : index
    %get3A_3249 = tpu.vector_load %arg7[%get3A_3248] {strides = array<i32>} : memref<512xf32, #tpu.memory_space<vmem>>, vector<16xf32>,
    %get3A_3250 = vector.shape_cast %get3A_3249 : vector<16xf32> to vector<16xf32>
    %ge3A_3251 = arith.cmpf oge, %get3A_3250, %get3A_3139 : vector<16xf32>
    %select_n3A_3252 = arith.select %ge3A_3251, %broadcast_in_dim3A_399, %broadcast_in_dim3A_397 : vector<16xi1>, vector<16xf32>
    %add3A_3253 = arith.addf %add3A_3247, %select_n3A_3252 : vector<16xf32>
    %get3A_3254 = arith.constant 304 : index
    %get3A_3255 = tpu.vector_load %arg7[%get3A_3254] {strides = array<i32>} : memref<512xf32, #tpu.memory_space<vmem>>, vector<16xf32>,
    %get3A_3256 = vector.shape_cast %get3A_3255 : vector<16xf32> to vector<16xf32>
    %ge3A_3257 = arith.cmpf oge, %get3A_3256, %get3A_3139 : vector<16xf32>
    %select_n3A_3258 = arith.select %ge3A_3257, %broadcast_in_dim3A_399, %broadcast_in_dim3A_397 : vector<16xi1>, vector<16xf32>
    %add3A_3259 = arith.addf %add3A_3253, %select_n3A_3258 : vector<16xf32>
    %get3A_3260 = arith.constant 336 : index
    %get3A_3261 = tpu.vector_load %arg7[%get3A_3260] {strides = array<i32>} : memref<512xf32, #tpu.memory_space<vmem>>, vector<16xf32>,
    %get3A_3262 = vector.shape_cast %get3A_3261 : vector<16xf32> to vector<16xf32>
    %gt3A_3263 = arith.cmpf ogt, %get3A_3262, %get3A_3139 : vector<16xf32>
    %select_n3A_3264 = arith.select %gt3A_3263, %broadcast_in_dim3A_399, %broadcast_in_dim3A_397 : vector<16xi1>, vector<16xf32>
    %add3A_3265 = arith.addf %add3A_3259, %select_n3A_3264 : vector<16xf32>
    %ge3A_3266 = arith.constant 2.000000e+01 : f32
    %ge3A_3267 = vector.broadcast %ge3A_3266 : f32 to vector<16xf32>
    %ge3A_3268 = arith.cmpf oge, %add3A_3265, %ge3A_3267 : vector<16xf32>
    %select_n3A_3269 = arith.select %ge3A_3268, %broadcast_in_dim3A_399, %broadcast_in_dim3A_397 : vector<16xi1>, vector<16xf32>
    %swap3A_3270 = arith.constant 320 : index
    %swap3A_3271 = tpu.vector_load %arg8[%swap3A_3270] {strides = array<i32>} : memref<512xf32, #tpu.memory_space<vmem>>, vector<16xf32>,
    %swap3A_3272 = vector.shape_cast %swap3A_3271 : vector<16xf32> to vector<16xf32>
    %swap3A_3273 = vector.shape_cast %select_n3A_3269 : vector<16xf32> to vector<16xf32>
    tpu.vector_store %arg8[%swap3A_3270], %swap3A_3273 {strides = array<i32>} : memref<512xf32, #tpu.memory_space<vmem>>, vector<16xf32>,
    %get3A_3274 = arith.constant 336 : index
    %get3A_3275 = tpu.vector_load %arg7[%get3A_3274] {strides = array<i32>} : memref<512xf32, #tpu.memory_space<vmem>>, vector<16xf32>,
    %get3A_3276 = vector.shape_cast %get3A_3275 : vector<16xf32> to vector<16xf32>
    %get3A_3277 = arith.constant 0 : index
    %get3A_3278 = tpu.vector_load %arg7[%get3A_3277] {strides = array<i32>} : memref<512xf32, #tpu.memory_space<vmem>>, vector<16xf32>,
    %get3A_3279 = vector.shape_cast %get3A_3278 : vector<16xf32> to vector<16xf32>
    %ge3A_3280 = arith.cmpf oge, %get3A_3279, %get3A_3276 : vector<16xf32>
    %select_n3A_3281 = arith.select %ge3A_3280, %broadcast_in_dim3A_399, %broadcast_in_dim3A_397 : vector<16xi1>, vector<16xf32>
    %add3A_3282 = arith.addf %broadcast_in_dim3A_397, %select_n3A_3281 : vector<16xf32>
    %get3A_3283 = arith.constant 16 : index
    %get3A_3284 = tpu.vector_load %arg7[%get3A_3283] {strides = array<i32>} : memref<512xf32, #tpu.memory_space<vmem>>, vector<16xf32>,
    %get3A_3285 = vector.shape_cast %get3A_3284 : vector<16xf32> to vector<16xf32>
    %ge3A_3286 = arith.cmpf oge, %get3A_3285, %get3A_3276 : vector<16xf32>
    %select_n3A_3287 = arith.select %ge3A_3286, %broadcast_in_dim3A_399, %broadcast_in_dim3A_397 : vector<16xi1>, vector<16xf32>
    %add3A_3288 = arith.addf %add3A_3282, %select_n3A_3287 : vector<16xf32>
    %get3A_3289 = arith.constant 32 : index
    %get3A_3290 = tpu.vector_load %arg7[%get3A_3289] {strides = array<i32>} : memref<512xf32, #tpu.memory_space<vmem>>, vector<16xf32>,
    %get3A_3291 = vector.shape_cast %get3A_3290 : vector<16xf32> to vector<16xf32>
    %ge3A_3292 = arith.cmpf oge, %get3A_3291, %get3A_3276 : vector<16xf32>
    %select_n3A_3293 = arith.select %ge3A_3292, %broadcast_in_dim3A_399, %broadcast_in_dim3A_397 : vector<16xi1>, vector<16xf32>
    %add3A_3294 = arith.addf %add3A_3288, %select_n3A_3293 : vector<16xf32>
    %get3A_3295 = arith.constant 48 : index
    %get3A_3296 = tpu.vector_load %arg7[%get3A_3295] {strides = array<i32>} : memref<512xf32, #tpu.memory_space<vmem>>, vector<16xf32>,
    %get3A_3297 = vector.shape_cast %get3A_3296 : vector<16xf32> to vector<16xf32>
    %ge3A_3298 = arith.cmpf oge, %get3A_3297, %get3A_3276 : vector<16xf32>
    %select_n3A_3299 = arith.select %ge3A_3298, %broadcast_in_dim3A_399, %broadcast_in_dim3A_397 : vector<16xi1>, vector<16xf32>
    %add3A_3300 = arith.addf %add3A_3294, %select_n3A_3299 : vector<16xf32>
    %get3A_3301 = arith.constant 64 : index
    %get3A_3302 = tpu.vector_load %arg7[%get3A_3301] {strides = array<i32>} : memref<512xf32, #tpu.memory_space<vmem>>, vector<16xf32>,
    %get3A_3303 = vector.shape_cast %get3A_3302 : vector<16xf32> to vector<16xf32>
    %ge3A_3304 = arith.cmpf oge, %get3A_3303, %get3A_3276 : vector<16xf32>
    %select_n3A_3305 = arith.select %ge3A_3304, %broadcast_in_dim3A_399, %broadcast_in_dim3A_397 : vector<16xi1>, vector<16xf32>
    %add3A_3306 = arith.addf %add3A_3300, %select_n3A_3305 : vector<16xf32>
    %get3A_3307 = arith.constant 80 : index
    %get3A_3308 = tpu.vector_load %arg7[%get3A_3307] {strides = array<i32>} : memref<512xf32, #tpu.memory_space<vmem>>, vector<16xf32>,
    %get3A_3309 = vector.shape_cast %get3A_3308 : vector<16xf32> to vector<16xf32>
    %ge3A_3310 = arith.cmpf oge, %get3A_3309, %get3A_3276 : vector<16xf32>
    %select_n3A_3311 = arith.select %ge3A_3310, %broadcast_in_dim3A_399, %broadcast_in_dim3A_397 : vector<16xi1>, vector<16xf32>
    %add3A_3312 = arith.addf %add3A_3306, %select_n3A_3311 : vector<16xf32>
    %get3A_3313 = arith.constant 96 : index
    %get3A_3314 = tpu.vector_load %arg7[%get3A_3313] {strides = array<i32>} : memref<512xf32, #tpu.memory_space<vmem>>, vector<16xf32>,
    %get3A_3315 = vector.shape_cast %get3A_3314 : vector<16xf32> to vector<16xf32>
    %ge3A_3316 = arith.cmpf oge, %get3A_3315, %get3A_3276 : vector<16xf32>
    %select_n3A_3317 = arith.select %ge3A_3316, %broadcast_in_dim3A_399, %broadcast_in_dim3A_397 : vector<16xi1>, vector<16xf32>
    %add3A_3318 = arith.addf %add3A_3312, %select_n3A_3317 : vector<16xf32>
    %get3A_3319 = arith.constant 112 : index
    %get3A_3320 = tpu.vector_load %arg7[%get3A_3319] {strides = array<i32>} : memref<512xf32, #tpu.memory_space<vmem>>, vector<16xf32>,
    %get3A_3321 = vector.shape_cast %get3A_3320 : vector<16xf32> to vector<16xf32>
    %ge3A_3322 = arith.cmpf oge, %get3A_3321, %get3A_3276 : vector<16xf32>
    %select_n3A_3323 = arith.select %ge3A_3322, %broadcast_in_dim3A_399, %broadcast_in_dim3A_397 : vector<16xi1>, vector<16xf32>
    %add3A_3324 = arith.addf %add3A_3318, %select_n3A_3323 : vector<16xf32>
    %get3A_3325 = arith.constant 128 : index
    %get3A_3326 = tpu.vector_load %arg7[%get3A_3325] {strides = array<i32>} : memref<512xf32, #tpu.memory_space<vmem>>, vector<16xf32>,
    %get3A_3327 = vector.shape_cast %get3A_3326 : vector<16xf32> to vector<16xf32>
    %ge3A_3328 = arith.cmpf oge, %get3A_3327, %get3A_3276 : vector<16xf32>
    %select_n3A_3329 = arith.select %ge3A_3328, %broadcast_in_dim3A_399, %broadcast_in_dim3A_397 : vector<16xi1>, vector<16xf32>
    %add3A_3330 = arith.addf %add3A_3324, %select_n3A_3329 : vector<16xf32>
    %get3A_3331 = arith.constant 144 : index
    %get3A_3332 = tpu.vector_load %arg7[%get3A_3331] {strides = array<i32>} : memref<512xf32, #tpu.memory_space<vmem>>, vector<16xf32>,
    %get3A_3333 = vector.shape_cast %get3A_3332 : vector<16xf32> to vector<16xf32>
    %ge3A_3334 = arith.cmpf oge, %get3A_3333, %get3A_3276 : vector<16xf32>
    %select_n3A_3335 = arith.select %ge3A_3334, %broadcast_in_dim3A_399, %broadcast_in_dim3A_397 : vector<16xi1>, vector<16xf32>
    %add3A_3336 = arith.addf %add3A_3330, %select_n3A_3335 : vector<16xf32>
    %get3A_3337 = arith.constant 160 : index
    %get3A_3338 = tpu.vector_load %arg7[%get3A_3337] {strides = array<i32>} : memref<512xf32, #tpu.memory_space<vmem>>, vector<16xf32>,
    %get3A_3339 = vector.shape_cast %get3A_3338 : vector<16xf32> to vector<16xf32>
    %ge3A_3340 = arith.cmpf oge, %get3A_3339, %get3A_3276 : vector<16xf32>
    %select_n3A_3341 = arith.select %ge3A_3340, %broadcast_in_dim3A_399, %broadcast_in_dim3A_397 : vector<16xi1>, vector<16xf32>
    %add3A_3342 = arith.addf %add3A_3336, %select_n3A_3341 : vector<16xf32>
    %get3A_3343 = arith.constant 176 : index
    %get3A_3344 = tpu.vector_load %arg7[%get3A_3343] {strides = array<i32>} : memref<512xf32, #tpu.memory_space<vmem>>, vector<16xf32>,
    %get3A_3345 = vector.shape_cast %get3A_3344 : vector<16xf32> to vector<16xf32>
    %ge3A_3346 = arith.cmpf oge, %get3A_3345, %get3A_3276 : vector<16xf32>
    %select_n3A_3347 = arith.select %ge3A_3346, %broadcast_in_dim3A_399, %broadcast_in_dim3A_397 : vector<16xi1>, vector<16xf32>
    %add3A_3348 = arith.addf %add3A_3342, %select_n3A_3347 : vector<16xf32>
    %get3A_3349 = arith.constant 192 : index
    %get3A_3350 = tpu.vector_load %arg7[%get3A_3349] {strides = array<i32>} : memref<512xf32, #tpu.memory_space<vmem>>, vector<16xf32>,
    %get3A_3351 = vector.shape_cast %get3A_3350 : vector<16xf32> to vector<16xf32>
    %ge3A_3352 = arith.cmpf oge, %get3A_3351, %get3A_3276 : vector<16xf32>
    %select_n3A_3353 = arith.select %ge3A_3352, %broadcast_in_dim3A_399, %broadcast_in_dim3A_397 : vector<16xi1>, vector<16xf32>
    %add3A_3354 = arith.addf %add3A_3348, %select_n3A_3353 : vector<16xf32>
    %get3A_3355 = arith.constant 208 : index
    %get3A_3356 = tpu.vector_load %arg7[%get3A_3355] {strides = array<i32>} : memref<512xf32, #tpu.memory_space<vmem>>, vector<16xf32>,
    %get3A_3357 = vector.shape_cast %get3A_3356 : vector<16xf32> to vector<16xf32>
    %ge3A_3358 = arith.cmpf oge, %get3A_3357, %get3A_3276 : vector<16xf32>
    %select_n3A_3359 = arith.select %ge3A_3358, %broadcast_in_dim3A_399, %broadcast_in_dim3A_397 : vector<16xi1>, vector<16xf32>
    %add3A_3360 = arith.addf %add3A_3354, %select_n3A_3359 : vector<16xf32>
    %get3A_3361 = arith.constant 224 : index
    %get3A_3362 = tpu.vector_load %arg7[%get3A_3361] {strides = array<i32>} : memref<512xf32, #tpu.memory_space<vmem>>, vector<16xf32>,
    %get3A_3363 = vector.shape_cast %get3A_3362 : vector<16xf32> to vector<16xf32>
    %ge3A_3364 = arith.cmpf oge, %get3A_3363, %get3A_3276 : vector<16xf32>
    %select_n3A_3365 = arith.select %ge3A_3364, %broadcast_in_dim3A_399, %broadcast_in_dim3A_397 : vector<16xi1>, vector<16xf32>
    %add3A_3366 = arith.addf %add3A_3360, %select_n3A_3365 : vector<16xf32>
    %get3A_3367 = arith.constant 240 : index
    %get3A_3368 = tpu.vector_load %arg7[%get3A_3367] {strides = array<i32>} : memref<512xf32, #tpu.memory_space<vmem>>, vector<16xf32>,
    %get3A_3369 = vector.shape_cast %get3A_3368 : vector<16xf32> to vector<16xf32>
    %ge3A_3370 = arith.cmpf oge, %get3A_3369, %get3A_3276 : vector<16xf32>
    %select_n3A_3371 = arith.select %ge3A_3370, %broadcast_in_dim3A_399, %broadcast_in_dim3A_397 : vector<16xi1>, vector<16xf32>
    %add3A_3372 = arith.addf %add3A_3366, %select_n3A_3371 : vector<16xf32>
    %get3A_3373 = arith.constant 256 : index
    %get3A_3374 = tpu.vector_load %arg7[%get3A_3373] {strides = array<i32>} : memref<512xf32, #tpu.memory_space<vmem>>, vector<16xf32>,
    %get3A_3375 = vector.shape_cast %get3A_3374 : vector<16xf32> to vector<16xf32>
    %ge3A_3376 = arith.cmpf oge, %get3A_3375, %get3A_3276 : vector<16xf32>
    %select_n3A_3377 = arith.select %ge3A_3376, %broadcast_in_dim3A_399, %broadcast_in_dim3A_397 : vector<16xi1>, vector<16xf32>
    %add3A_3378 = arith.addf %add3A_3372, %select_n3A_3377 : vector<16xf32>
    %get3A_3379 = arith.constant 272 : index
    %get3A_3380 = tpu.vector_load %arg7[%get3A_3379] {strides = array<i32>} : memref<512xf32, #tpu.memory_space<vmem>>, vector<16xf32>,
    %get3A_3381 = vector.shape_cast %get3A_3380 : vector<16xf32> to vector<16xf32>
    %ge3A_3382 = arith.cmpf oge, %get3A_3381, %get3A_3276 : vector<16xf32>
    %select_n3A_3383 = arith.select %ge3A_3382, %broadcast_in_dim3A_399, %broadcast_in_dim3A_397 : vector<16xi1>, vector<16xf32>
    %add3A_3384 = arith.addf %add3A_3378, %select_n3A_3383 : vector<16xf32>
    %get3A_3385 = arith.constant 288 : index
    %get3A_3386 = tpu.vector_load %arg7[%get3A_3385] {strides = array<i32>} : memref<512xf32, #tpu.memory_space<vmem>>, vector<16xf32>,
    %get3A_3387 = vector.shape_cast %get3A_3386 : vector<16xf32> to vector<16xf32>
    %ge3A_3388 = arith.cmpf oge, %get3A_3387, %get3A_3276 : vector<16xf32>
    %select_n3A_3389 = arith.select %ge3A_3388, %broadcast_in_dim3A_399, %broadcast_in_dim3A_397 : vector<16xi1>, vector<16xf32>
    %add3A_3390 = arith.addf %add3A_3384, %select_n3A_3389 : vector<16xf32>
    %get3A_3391 = arith.constant 304 : index
    %get3A_3392 = tpu.vector_load %arg7[%get3A_3391] {strides = array<i32>} : memref<512xf32, #tpu.memory_space<vmem>>, vector<16xf32>,
    %get3A_3393 = vector.shape_cast %get3A_3392 : vector<16xf32> to vector<16xf32>
    %ge3A_3394 = arith.cmpf oge, %get3A_3393, %get3A_3276 : vector<16xf32>
    %select_n3A_3395 = arith.select %ge3A_3394, %broadcast_in_dim3A_399, %broadcast_in_dim3A_397 : vector<16xi1>, vector<16xf32>
    %add3A_3396 = arith.addf %add3A_3390, %select_n3A_3395 : vector<16xf32>
    %get3A_3397 = arith.constant 320 : index
    %get3A_3398 = tpu.vector_load %arg7[%get3A_3397] {strides = array<i32>} : memref<512xf32, #tpu.memory_space<vmem>>, vector<16xf32>,
    %get3A_3399 = vector.shape_cast %get3A_3398 : vector<16xf32> to vector<16xf32>
    %ge3A_3400 = arith.cmpf oge, %get3A_3399, %get3A_3276 : vector<16xf32>
    %select_n3A_3401 = arith.select %ge3A_3400, %broadcast_in_dim3A_399, %broadcast_in_dim3A_397 : vector<16xi1>, vector<16xf32>
    %add3A_3402 = arith.addf %add3A_3396, %select_n3A_3401 : vector<16xf32>
    %ge3A_3403 = arith.constant 2.000000e+01 : f32
    %ge3A_3404 = vector.broadcast %ge3A_3403 : f32 to vector<16xf32>
    %ge3A_3405 = arith.cmpf oge, %add3A_3402, %ge3A_3404 : vector<16xf32>
    %select_n3A_3406 = arith.select %ge3A_3405, %broadcast_in_dim3A_399, %broadcast_in_dim3A_397 : vector<16xi1>, vector<16xf32>
    %swap3A_3407 = arith.constant 336 : index
    %swap3A_3408 = tpu.vector_load %arg8[%swap3A_3407] {strides = array<i32>} : memref<512xf32, #tpu.memory_space<vmem>>, vector<16xf32>,
    %swap3A_3409 = vector.shape_cast %swap3A_3408 : vector<16xf32> to vector<16xf32>
    %swap3A_3410 = vector.shape_cast %select_n3A_3406 : vector<16xf32> to vector<16xf32>
    tpu.vector_store %arg8[%swap3A_3407], %swap3A_3410 {strides = array<i32>} : memref<512xf32, #tpu.memory_space<vmem>>, vector<16xf32>,
    %swap3A_3411 = arith.constant 352 : index
    %swap3A_3412 = tpu.vector_load %arg8[%swap3A_3411] {strides = array<i32>} : memref<512xf32, #tpu.memory_space<vmem>>, vector<16xf32>,
    %swap3A_3413 = vector.shape_cast %swap3A_3412 : vector<16xf32> to vector<16xf32>
    %swap3A_3414 = vector.shape_cast %broadcast_in_dim3A_397 : vector<16xf32> to vector<16xf32>
    tpu.vector_store %arg8[%swap3A_3411], %swap3A_3414 {strides = array<i32>} : memref<512xf32, #tpu.memory_space<vmem>>, vector<16xf32>,
    %swap3A_3415 = arith.constant 368 : index
    %swap3A_3416 = tpu.vector_load %arg8[%swap3A_3415] {strides = array<i32>} : memref<512xf32, #tpu.memory_space<vmem>>, vector<16xf32>,
    %swap3A_3417 = vector.shape_cast %swap3A_3416 : vector<16xf32> to vector<16xf32>
    %swap3A_3418 = vector.shape_cast %broadcast_in_dim3A_397 : vector<16xf32> to vector<16xf32>
    tpu.vector_store %arg8[%swap3A_3415], %swap3A_3418 {strides = array<i32>} : memref<512xf32, #tpu.memory_space<vmem>>, vector<16xf32>,
    %swap3A_3419 = arith.constant 384 : index
    %swap3A_3420 = tpu.vector_load %arg8[%swap3A_3419] {strides = array<i32>} : memref<512xf32, #tpu.memory_space<vmem>>, vector<16xf32>,
    %swap3A_3421 = vector.shape_cast %swap3A_3420 : vector<16xf32> to vector<16xf32>
    %swap3A_3422 = vector.shape_cast %broadcast_in_dim3A_397 : vector<16xf32> to vector<16xf32>
    tpu.vector_store %arg8[%swap3A_3419], %swap3A_3422 {strides = array<i32>} : memref<512xf32, #tpu.memory_space<vmem>>, vector<16xf32>,
    %swap3A_3423 = arith.constant 400 : index
    %swap3A_3424 = tpu.vector_load %arg8[%swap3A_3423] {strides = array<i32>} : memref<512xf32, #tpu.memory_space<vmem>>, vector<16xf32>,
    %swap3A_3425 = vector.shape_cast %swap3A_3424 : vector<16xf32> to vector<16xf32>
    %swap3A_3426 = vector.shape_cast %broadcast_in_dim3A_397 : vector<16xf32> to vector<16xf32>
    tpu.vector_store %arg8[%swap3A_3423], %swap3A_3426 {strides = array<i32>} : memref<512xf32, #tpu.memory_space<vmem>>, vector<16xf32>,
    %swap3A_3427 = arith.constant 416 : index
    %swap3A_3428 = tpu.vector_load %arg8[%swap3A_3427] {strides = array<i32>} : memref<512xf32, #tpu.memory_space<vmem>>, vector<16xf32>,
    %swap3A_3429 = vector.shape_cast %swap3A_3428 : vector<16xf32> to vector<16xf32>
    %swap3A_3430 = vector.shape_cast %broadcast_in_dim3A_397 : vector<16xf32> to vector<16xf32>
    tpu.vector_store %arg8[%swap3A_3427], %swap3A_3430 {strides = array<i32>} : memref<512xf32, #tpu.memory_space<vmem>>, vector<16xf32>,
    %swap3A_3431 = arith.constant 432 : index
    %swap3A_3432 = tpu.vector_load %arg8[%swap3A_3431] {strides = array<i32>} : memref<512xf32, #tpu.memory_space<vmem>>, vector<16xf32>,
    %swap3A_3433 = vector.shape_cast %swap3A_3432 : vector<16xf32> to vector<16xf32>
    %swap3A_3434 = vector.shape_cast %broadcast_in_dim3A_397 : vector<16xf32> to vector<16xf32>
    tpu.vector_store %arg8[%swap3A_3431], %swap3A_3434 {strides = array<i32>} : memref<512xf32, #tpu.memory_space<vmem>>, vector<16xf32>,
    %swap3A_3435 = arith.constant 448 : index
    %swap3A_3436 = tpu.vector_load %arg8[%swap3A_3435] {strides = array<i32>} : memref<512xf32, #tpu.memory_space<vmem>>, vector<16xf32>,
    %swap3A_3437 = vector.shape_cast %swap3A_3436 : vector<16xf32> to vector<16xf32>
    %swap3A_3438 = vector.shape_cast %broadcast_in_dim3A_397 : vector<16xf32> to vector<16xf32>
    tpu.vector_store %arg8[%swap3A_3435], %swap3A_3438 {strides = array<i32>} : memref<512xf32, #tpu.memory_space<vmem>>, vector<16xf32>,
    %swap3A_3439 = arith.constant 464 : index
    %swap3A_3440 = tpu.vector_load %arg8[%swap3A_3439] {strides = array<i32>} : memref<512xf32, #tpu.memory_space<vmem>>, vector<16xf32>,
    %swap3A_3441 = vector.shape_cast %swap3A_3440 : vector<16xf32> to vector<16xf32>
    %swap3A_3442 = vector.shape_cast %broadcast_in_dim3A_397 : vector<16xf32> to vector<16xf32>
    tpu.vector_store %arg8[%swap3A_3439], %swap3A_3442 {strides = array<i32>} : memref<512xf32, #tpu.memory_space<vmem>>, vector<16xf32>,
    %swap3A_3443 = arith.constant 480 : index
    %swap3A_3444 = tpu.vector_load %arg8[%swap3A_3443] {strides = array<i32>} : memref<512xf32, #tpu.memory_space<vmem>>, vector<16xf32>,
    %swap3A_3445 = vector.shape_cast %swap3A_3444 : vector<16xf32> to vector<16xf32>
    %swap3A_3446 = vector.shape_cast %broadcast_in_dim3A_397 : vector<16xf32> to vector<16xf32>
    tpu.vector_store %arg8[%swap3A_3443], %swap3A_3446 {strides = array<i32>} : memref<512xf32, #tpu.memory_space<vmem>>, vector<16xf32>,
    %swap3A_3447 = arith.constant 496 : index
    %swap3A_3448 = tpu.vector_load %arg8[%swap3A_3447] {strides = array<i32>} : memref<512xf32, #tpu.memory_space<vmem>>, vector<16xf32>,
    %swap3A_3449 = vector.shape_cast %swap3A_3448 : vector<16xf32> to vector<16xf32>
    %swap3A_3450 = vector.shape_cast %broadcast_in_dim3A_397 : vector<16xf32> to vector<16xf32>
    tpu.vector_store %arg8[%swap3A_3447], %swap3A_3450 {strides = array<i32>} : memref<512xf32, #tpu.memory_space<vmem>>, vector<16xf32>,
    %mul3A_3451 = arith.constant 512 : i32
    %mul3A_3452 = arith.muli %add3A, %mul3A_3451 : i32
    "tpu.region"() ({
      %run_scoped3A = tpu.sem_alloc : memref<!tpu.dma_semaphore, #tpu.memory_space<semaphore_mem>>
      %dma_start3A = tpu.memref_slice %arg4[%mul3A_3452] : memref<16384xf32, #tpu.memory_space<hbm>> -> memref<512xf32, #tpu.memory_space<hbm>>
      %dma_start3A_3453 = tpu.memref_slice %arg4[%mul3A_3452] : memref<16384xf32, #tpu.memory_space<hbm>> -> memref<512xf32, #tpu.memory_space<hbm>>
      tpu.enqueue_dma source(%arg8 : memref<512xf32, #tpu.memory_space<vmem>>) target(%dma_start3A_3453 : memref<512xf32, #tpu.memory_space<hbm>>) target_semaphore(%run_scoped3A : memref<!tpu.dma_semaphore, #tpu.memory_space<semaphore_mem>>)
      %dma_wait3A = tpu.memref_slice %arg4[%mul3A_3452] : memref<16384xf32, #tpu.memory_space<hbm>> -> memref<512xf32, #tpu.memory_space<hbm>>
      %dma_wait3A_3454 = tpu.memref_slice %arg4[%mul3A_3452] : memref<16384xf32, #tpu.memory_space<hbm>> -> memref<512xf32, #tpu.memory_space<hbm>>
      tpu.wait_dma2 semaphore(%run_scoped3A : memref<!tpu.dma_semaphore, #tpu.memory_space<semaphore_mem>>) src(%arg8 : memref<512xf32, #tpu.memory_space<vmem>>) dst(%dma_wait3A_3454 : memref<512xf32, #tpu.memory_space<hbm>>)
      tpu.yield
    }) : () -> ()
    return
  }
}

module attributes {stable_mosaic.version = 14 : i64} {
  func.func @_score_body(%arg0: i32, %arg1: i32, %arg2: memref<24x768xf32, #tpu.memory_space<vmem>>, %arg3: memref<768x768xf32, #tpu.memory_space<vmem>>, %arg4: memref<768xf32, #tpu.memory_space<vmem>>, %arg5: memref<1x2048x768xf32, #tpu.memory_space<vmem>>, %arg6: memref<768x768xf32, #tpu.memory_space<vmem>>, %arg7: memref<1x2048x288xf32, #tpu.memory_space<vmem>>, %arg8: memref<1x1x288xf32, #tpu.memory_space<vmem>>, %arg9: memref<1x1x288xf32, #tpu.memory_space<vmem>>, %arg10: memref<1x1x288xf32, #tpu.memory_space<vmem>>, %arg11: memref<288x768xf32, #tpu.memory_space<vmem>>) attributes {dimension_semantics = [#tpu.dimension_semantics<arbitrary>, #tpu.dimension_semantics<arbitrary>], iteration_bounds = array<i64: 4, 4>, scalar_prefetch = 0 : i64, scratch_operands = 1 : i64, tpu.core_type = #tpu.core_type<tc>, window_params = [{pipeline_mode = #tpu.pipeline_mode<synchronous>, transform_indices = @transform_0, window_bounds = array<i64: 24, 768>}, {pipeline_mode = #tpu.pipeline_mode<synchronous>, transform_indices = @transform_1, window_bounds = array<i64: 768, 768>}, {pipeline_mode = #tpu.pipeline_mode<synchronous>, transform_indices = @transform_2, window_bounds = array<i64: 768>}, {transform_indices = @transform_3, window_bounds = array<i64: 1, 2048, 768>}, {pipeline_mode = #tpu.pipeline_mode<synchronous>, transform_indices = @transform_4, window_bounds = array<i64: 768, 768>}, {transform_indices = @transform_5, window_bounds = array<i64: 1, 2048, 288>}, {transform_indices = @transform_6, window_bounds = array<i64: 1, 1, 288>}, {transform_indices = @transform_7, window_bounds = array<i64: 1, 1, 288>}, {transform_indices = @transform_8, window_bounds = array<i64: 1, 1, 288>}]} {
    %eq3A = arith.constant 0 : i32
    %eq3A_0 = arith.cmpi eq, %arg0, %eq3A : i32
    %eq3A_1 = arith.constant 0 : i32
    %eq3A_2 = arith.cmpi eq, %arg1, %eq3A_1 : i32
    %and3A = arith.andi %eq3A_0, %eq3A_2 : i1
    %convert_element_type3A = arith.extui %and3A : i1 to i32
    %cond3A = arith.constant 0 : i32
    %cond3A_3 = arith.cmpi ne, %convert_element_type3A, %cond3A : i32
    scf.if %cond3A_3 {
      %get3A_34 = arith.constant 0 : index
      %get3A_35 = arith.constant 0 : index
      %get3A_36 = vector.load %arg2[%get3A_34, %get3A_35] : memref<24x768xf32, #tpu.memory_space<vmem>>, vector<24x768xf32>
      %get3A_37 = arith.constant 0 : index
      %get3A_38 = arith.constant 0 : index
      %get3A_39 = vector.load %arg3[%get3A_37, %get3A_38] : memref<768x768xf32, #tpu.memory_space<vmem>>, vector<768x768xf32>
      %dot_general3A_40 = arith.constant dense<0.000000e+00> : vector<24x768xf32>
      %dot_general3A_41 = tpu.matmul %get3A_36, %get3A_39, %dot_general3A_40 {dimension_numbers = #tpu.dot_dimension_numbers<[1], [1], [0], [0], [0, 0, 1, 0], [], []>, transpose_lhs_hint = false} : vector<24x768xf32>, vector<768x768xf32>, vector<24x768xf32> -> vector<24x768xf32>
      %get3A_42 = arith.constant 0 : index
      %get3A_43 = vector.load %arg4[%get3A_42] : memref<768xf32, #tpu.memory_space<vmem>>, vector<768xf32>
      %broadcast_in_dim3A_44 = vector.shape_cast %get3A_43 : vector<768xf32> to vector<1x768xf32>
      %add3A = vector.broadcast %broadcast_in_dim3A_44 : vector<1x768xf32> to vector<24x768xf32>
      %add3A_45 = arith.addf %dot_general3A_41, %add3A : vector<24x768xf32>
      %iota3A = tpu.iota {dimensions = array<i32: 1>} : vector<1x768xi32>
      %ge3A = arith.constant 0 : i32
      %ge3A_46 = vector.broadcast %ge3A : i32 to vector<1x768xi32>
      %ge3A_47 = arith.cmpi sge, %iota3A, %ge3A_46 : vector<1x768xi32>
      %lt3A = arith.constant 64 : i32
      %lt3A_48 = vector.broadcast %lt3A : i32 to vector<1x768xi32>
      %lt3A_49 = arith.cmpi slt, %iota3A, %lt3A_48 : vector<1x768xi32>
      %and3A_50 = arith.andi %ge3A_47, %lt3A_49 : vector<1x768xi1>
      %convert_element_type3A_51 = arith.extui %and3A_50 : vector<1x768xi1> to vector<1x768xi32>
      %convert_element_type3A_52 = arith.sitofp %convert_element_type3A_51 : vector<1x768xi32> to vector<1x768xf32>
      %mul3A = vector.broadcast %convert_element_type3A_52 : vector<1x768xf32> to vector<24x768xf32>
      %mul3A_53 = arith.mulf %add3A_45, %mul3A : vector<24x768xf32>
      %ge3A_54 = arith.constant 64 : i32
      %ge3A_55 = vector.broadcast %ge3A_54 : i32 to vector<1x768xi32>
      %ge3A_56 = arith.cmpi sge, %iota3A, %ge3A_55 : vector<1x768xi32>
      %lt3A_57 = arith.constant 128 : i32
      %lt3A_58 = vector.broadcast %lt3A_57 : i32 to vector<1x768xi32>
      %lt3A_59 = arith.cmpi slt, %iota3A, %lt3A_58 : vector<1x768xi32>
      %and3A_60 = arith.andi %ge3A_56, %lt3A_59 : vector<1x768xi1>
      %convert_element_type3A_61 = arith.extui %and3A_60 : vector<1x768xi1> to vector<1x768xi32>
      %convert_element_type3A_62 = arith.sitofp %convert_element_type3A_61 : vector<1x768xi32> to vector<1x768xf32>
      %mul3A_63 = vector.broadcast %convert_element_type3A_62 : vector<1x768xf32> to vector<24x768xf32>
      %mul3A_64 = arith.mulf %add3A_45, %mul3A_63 : vector<24x768xf32>
      %ge3A_65 = arith.constant 128 : i32
      %ge3A_66 = vector.broadcast %ge3A_65 : i32 to vector<1x768xi32>
      %ge3A_67 = arith.cmpi sge, %iota3A, %ge3A_66 : vector<1x768xi32>
      %lt3A_68 = arith.constant 192 : i32
      %lt3A_69 = vector.broadcast %lt3A_68 : i32 to vector<1x768xi32>
      %lt3A_70 = arith.cmpi slt, %iota3A, %lt3A_69 : vector<1x768xi32>
      %and3A_71 = arith.andi %ge3A_67, %lt3A_70 : vector<1x768xi1>
      %convert_element_type3A_72 = arith.extui %and3A_71 : vector<1x768xi1> to vector<1x768xi32>
      %convert_element_type3A_73 = arith.sitofp %convert_element_type3A_72 : vector<1x768xi32> to vector<1x768xf32>
      %mul3A_74 = vector.broadcast %convert_element_type3A_73 : vector<1x768xf32> to vector<24x768xf32>
      %mul3A_75 = arith.mulf %add3A_45, %mul3A_74 : vector<24x768xf32>
      %ge3A_76 = arith.constant 192 : i32
      %ge3A_77 = vector.broadcast %ge3A_76 : i32 to vector<1x768xi32>
      %ge3A_78 = arith.cmpi sge, %iota3A, %ge3A_77 : vector<1x768xi32>
      %lt3A_79 = arith.constant 256 : i32
      %lt3A_80 = vector.broadcast %lt3A_79 : i32 to vector<1x768xi32>
      %lt3A_81 = arith.cmpi slt, %iota3A, %lt3A_80 : vector<1x768xi32>
      %and3A_82 = arith.andi %ge3A_78, %lt3A_81 : vector<1x768xi1>
      %convert_element_type3A_83 = arith.extui %and3A_82 : vector<1x768xi1> to vector<1x768xi32>
      %convert_element_type3A_84 = arith.sitofp %convert_element_type3A_83 : vector<1x768xi32> to vector<1x768xf32>
      %mul3A_85 = vector.broadcast %convert_element_type3A_84 : vector<1x768xf32> to vector<24x768xf32>
      %mul3A_86 = arith.mulf %add3A_45, %mul3A_85 : vector<24x768xf32>
      %ge3A_87 = arith.constant 256 : i32
      %ge3A_88 = vector.broadcast %ge3A_87 : i32 to vector<1x768xi32>
      %ge3A_89 = arith.cmpi sge, %iota3A, %ge3A_88 : vector<1x768xi32>
      %lt3A_90 = arith.constant 320 : i32
      %lt3A_91 = vector.broadcast %lt3A_90 : i32 to vector<1x768xi32>
      %lt3A_92 = arith.cmpi slt, %iota3A, %lt3A_91 : vector<1x768xi32>
      %and3A_93 = arith.andi %ge3A_89, %lt3A_92 : vector<1x768xi1>
      %convert_element_type3A_94 = arith.extui %and3A_93 : vector<1x768xi1> to vector<1x768xi32>
      %convert_element_type3A_95 = arith.sitofp %convert_element_type3A_94 : vector<1x768xi32> to vector<1x768xf32>
      %mul3A_96 = vector.broadcast %convert_element_type3A_95 : vector<1x768xf32> to vector<24x768xf32>
      %mul3A_97 = arith.mulf %add3A_45, %mul3A_96 : vector<24x768xf32>
      %ge3A_98 = arith.constant 320 : i32
      %ge3A_99 = vector.broadcast %ge3A_98 : i32 to vector<1x768xi32>
      %ge3A_100 = arith.cmpi sge, %iota3A, %ge3A_99 : vector<1x768xi32>
      %lt3A_101 = arith.constant 384 : i32
      %lt3A_102 = vector.broadcast %lt3A_101 : i32 to vector<1x768xi32>
      %lt3A_103 = arith.cmpi slt, %iota3A, %lt3A_102 : vector<1x768xi32>
      %and3A_104 = arith.andi %ge3A_100, %lt3A_103 : vector<1x768xi1>
      %convert_element_type3A_105 = arith.extui %and3A_104 : vector<1x768xi1> to vector<1x768xi32>
      %convert_element_type3A_106 = arith.sitofp %convert_element_type3A_105 : vector<1x768xi32> to vector<1x768xf32>
      %mul3A_107 = vector.broadcast %convert_element_type3A_106 : vector<1x768xf32> to vector<24x768xf32>
      %mul3A_108 = arith.mulf %add3A_45, %mul3A_107 : vector<24x768xf32>
      %ge3A_109 = arith.constant 384 : i32
      %ge3A_110 = vector.broadcast %ge3A_109 : i32 to vector<1x768xi32>
      %ge3A_111 = arith.cmpi sge, %iota3A, %ge3A_110 : vector<1x768xi32>
      %lt3A_112 = arith.constant 448 : i32
      %lt3A_113 = vector.broadcast %lt3A_112 : i32 to vector<1x768xi32>
      %lt3A_114 = arith.cmpi slt, %iota3A, %lt3A_113 : vector<1x768xi32>
      %and3A_115 = arith.andi %ge3A_111, %lt3A_114 : vector<1x768xi1>
      %convert_element_type3A_116 = arith.extui %and3A_115 : vector<1x768xi1> to vector<1x768xi32>
      %convert_element_type3A_117 = arith.sitofp %convert_element_type3A_116 : vector<1x768xi32> to vector<1x768xf32>
      %mul3A_118 = vector.broadcast %convert_element_type3A_117 : vector<1x768xf32> to vector<24x768xf32>
      %mul3A_119 = arith.mulf %add3A_45, %mul3A_118 : vector<24x768xf32>
      %ge3A_120 = arith.constant 448 : i32
      %ge3A_121 = vector.broadcast %ge3A_120 : i32 to vector<1x768xi32>
      %ge3A_122 = arith.cmpi sge, %iota3A, %ge3A_121 : vector<1x768xi32>
      %lt3A_123 = arith.constant 512 : i32
      %lt3A_124 = vector.broadcast %lt3A_123 : i32 to vector<1x768xi32>
      %lt3A_125 = arith.cmpi slt, %iota3A, %lt3A_124 : vector<1x768xi32>
      %and3A_126 = arith.andi %ge3A_122, %lt3A_125 : vector<1x768xi1>
      %convert_element_type3A_127 = arith.extui %and3A_126 : vector<1x768xi1> to vector<1x768xi32>
      %convert_element_type3A_128 = arith.sitofp %convert_element_type3A_127 : vector<1x768xi32> to vector<1x768xf32>
      %mul3A_129 = vector.broadcast %convert_element_type3A_128 : vector<1x768xf32> to vector<24x768xf32>
      %mul3A_130 = arith.mulf %add3A_45, %mul3A_129 : vector<24x768xf32>
      %ge3A_131 = arith.constant 512 : i32
      %ge3A_132 = vector.broadcast %ge3A_131 : i32 to vector<1x768xi32>
      %ge3A_133 = arith.cmpi sge, %iota3A, %ge3A_132 : vector<1x768xi32>
      %lt3A_134 = arith.constant 576 : i32
      %lt3A_135 = vector.broadcast %lt3A_134 : i32 to vector<1x768xi32>
      %lt3A_136 = arith.cmpi slt, %iota3A, %lt3A_135 : vector<1x768xi32>
      %and3A_137 = arith.andi %ge3A_133, %lt3A_136 : vector<1x768xi1>
      %convert_element_type3A_138 = arith.extui %and3A_137 : vector<1x768xi1> to vector<1x768xi32>
      %convert_element_type3A_139 = arith.sitofp %convert_element_type3A_138 : vector<1x768xi32> to vector<1x768xf32>
      %mul3A_140 = vector.broadcast %convert_element_type3A_139 : vector<1x768xf32> to vector<24x768xf32>
      %mul3A_141 = arith.mulf %add3A_45, %mul3A_140 : vector<24x768xf32>
      %ge3A_142 = arith.constant 576 : i32
      %ge3A_143 = vector.broadcast %ge3A_142 : i32 to vector<1x768xi32>
      %ge3A_144 = arith.cmpi sge, %iota3A, %ge3A_143 : vector<1x768xi32>
      %lt3A_145 = arith.constant 640 : i32
      %lt3A_146 = vector.broadcast %lt3A_145 : i32 to vector<1x768xi32>
      %lt3A_147 = arith.cmpi slt, %iota3A, %lt3A_146 : vector<1x768xi32>
      %and3A_148 = arith.andi %ge3A_144, %lt3A_147 : vector<1x768xi1>
      %convert_element_type3A_149 = arith.extui %and3A_148 : vector<1x768xi1> to vector<1x768xi32>
      %convert_element_type3A_150 = arith.sitofp %convert_element_type3A_149 : vector<1x768xi32> to vector<1x768xf32>
      %mul3A_151 = vector.broadcast %convert_element_type3A_150 : vector<1x768xf32> to vector<24x768xf32>
      %mul3A_152 = arith.mulf %add3A_45, %mul3A_151 : vector<24x768xf32>
      %ge3A_153 = arith.constant 640 : i32
      %ge3A_154 = vector.broadcast %ge3A_153 : i32 to vector<1x768xi32>
      %ge3A_155 = arith.cmpi sge, %iota3A, %ge3A_154 : vector<1x768xi32>
      %lt3A_156 = arith.constant 704 : i32
      %lt3A_157 = vector.broadcast %lt3A_156 : i32 to vector<1x768xi32>
      %lt3A_158 = arith.cmpi slt, %iota3A, %lt3A_157 : vector<1x768xi32>
      %and3A_159 = arith.andi %ge3A_155, %lt3A_158 : vector<1x768xi1>
      %convert_element_type3A_160 = arith.extui %and3A_159 : vector<1x768xi1> to vector<1x768xi32>
      %convert_element_type3A_161 = arith.sitofp %convert_element_type3A_160 : vector<1x768xi32> to vector<1x768xf32>
      %mul3A_162 = vector.broadcast %convert_element_type3A_161 : vector<1x768xf32> to vector<24x768xf32>
      %mul3A_163 = arith.mulf %add3A_45, %mul3A_162 : vector<24x768xf32>
      %ge3A_164 = arith.constant 704 : i32
      %ge3A_165 = vector.broadcast %ge3A_164 : i32 to vector<1x768xi32>
      %ge3A_166 = arith.cmpi sge, %iota3A, %ge3A_165 : vector<1x768xi32>
      %lt3A_167 = arith.constant 768 : i32
      %lt3A_168 = vector.broadcast %lt3A_167 : i32 to vector<1x768xi32>
      %lt3A_169 = arith.cmpi slt, %iota3A, %lt3A_168 : vector<1x768xi32>
      %and3A_170 = arith.andi %ge3A_166, %lt3A_169 : vector<1x768xi1>
      %convert_element_type3A_171 = arith.extui %and3A_170 : vector<1x768xi1> to vector<1x768xi32>
      %convert_element_type3A_172 = arith.sitofp %convert_element_type3A_171 : vector<1x768xi32> to vector<1x768xf32>
      %mul3A_173 = vector.broadcast %convert_element_type3A_172 : vector<1x768xf32> to vector<24x768xf32>
      %mul3A_174 = arith.mulf %add3A_45, %mul3A_173 : vector<24x768xf32>
      %concatenate3A = tpu.concatenate %mul3A_53, %mul3A_64, %mul3A_75, %mul3A_86, %mul3A_97, %mul3A_108, %mul3A_119, %mul3A_130, %mul3A_141, %mul3A_152, %mul3A_163, %mul3A_174 in 0 : vector<24x768xf32>, vector<24x768xf32>, vector<24x768xf32>, vector<24x768xf32>, vector<24x768xf32>, vector<24x768xf32>, vector<24x768xf32>, vector<24x768xf32>, vector<24x768xf32>, vector<24x768xf32>, vector<24x768xf32>, vector<24x768xf32> -> vector<288x768xf32>
      %swap3A_175 = arith.constant 0 : index
      %swap3A_176 = arith.constant 0 : index
      %swap3A_177 = vector.load %arg11[%swap3A_175, %swap3A_176] : memref<288x768xf32, #tpu.memory_space<vmem>>, vector<288x768xf32>
      tpu.vector_store %arg11[%swap3A_175, %swap3A_176], %concatenate3A {strides = array<i32>} : memref<288x768xf32, #tpu.memory_space<vmem>>, vector<288x768xf32>,
    } else {
    }
    %get3A = arith.constant 0 : index
    %get3A_4 = arith.constant 0 : index
    %get3A_5 = arith.constant 0 : index
    %get3A_6 = vector.load %arg5[%get3A, %get3A_4, %get3A_5] : memref<1x2048x768xf32, #tpu.memory_space<vmem>>, vector<1x2048x768xf32>
    %get3A_7 = vector.shape_cast %get3A_6 : vector<1x2048x768xf32> to vector<2048x768xf32>
    %get3A_8 = arith.constant 0 : index
    %get3A_9 = arith.constant 0 : index
    %get3A_10 = vector.load %arg6[%get3A_8, %get3A_9] : memref<768x768xf32, #tpu.memory_space<vmem>>, vector<768x768xf32>
    %dot_general3A = arith.constant dense<0.000000e+00> : vector<2048x768xf32>
    %dot_general3A_11 = tpu.matmul %get3A_7, %get3A_10, %dot_general3A {dimension_numbers = #tpu.dot_dimension_numbers<[1], [1], [0], [0], [0, 0, 1, 0], [], []>, transpose_lhs_hint = false} : vector<2048x768xf32>, vector<768x768xf32>, vector<2048x768xf32> -> vector<2048x768xf32>
    %get3A_12 = arith.constant 0 : index
    %get3A_13 = arith.constant 0 : index
    %get3A_14 = vector.load %arg11[%get3A_12, %get3A_13] : memref<288x768xf32, #tpu.memory_space<vmem>>, vector<288x768xf32>
    %dot_general3A_15 = arith.constant dense<0.000000e+00> : vector<2048x288xf32>
    %dot_general3A_16 = tpu.matmul %dot_general3A_11, %get3A_14, %dot_general3A_15 {dimension_numbers = #tpu.dot_dimension_numbers<[1], [1], [0], [0], [0, 0, 1, 0], [], []>, transpose_lhs_hint = false} : vector<2048x768xf32>, vector<288x768xf32>, vector<2048x288xf32> -> vector<2048x288xf32>
    %swap3A = arith.constant 0 : index
    %swap3A_17 = arith.constant 0 : index
    %swap3A_18 = arith.constant 0 : index
    %swap3A_19 = vector.load %arg7[%swap3A, %swap3A_17, %swap3A_18] : memref<1x2048x288xf32, #tpu.memory_space<vmem>>, vector<1x2048x288xf32>
    %swap3A_20 = vector.shape_cast %swap3A_19 : vector<1x2048x288xf32> to vector<2048x288xf32>
    %swap3A_21 = vector.shape_cast %dot_general3A_16 : vector<2048x288xf32> to vector<1x2048x288xf32>
    tpu.vector_store %arg7[%swap3A, %swap3A_17, %swap3A_18], %swap3A_21 {strides = array<i32>} : memref<1x2048x288xf32, #tpu.memory_space<vmem>>, vector<1x2048x288xf32>,
    %reduce_max3A = arith.constant dense<0xFF800000> : vector<288xf32>
    %reduce_max3A_22 = vector.multi_reduction <maximumf>, %dot_general3A_16, %reduce_max3A [0] : vector<2048x288xf32> to vector<288xf32>
    %broadcast_in_dim3A = vector.shape_cast %reduce_max3A_22 : vector<288xf32> to vector<1x288xf32>
    %reduce_sum3A = arith.constant dense<0.000000e+00> : vector<288xf32>
    %reduce_sum3A_23 = vector.multi_reduction <add>, %dot_general3A_16, %reduce_sum3A [0] : vector<2048x288xf32> to vector<288xf32>
    %broadcast_in_dim3A_24 = vector.shape_cast %reduce_sum3A_23 : vector<288xf32> to vector<1x288xf32>
    %eq3A_25 = arith.constant 0 : i32
    %eq3A_26 = arith.cmpi eq, %arg1, %eq3A_25 : i32
    %convert_element_type3A_27 = arith.extui %eq3A_26 : i1 to i32
    %cond3A_28 = arith.constant 0 : i32
    %cond3A_29 = arith.cmpi ne, %convert_element_type3A_27, %cond3A_28 : i32
    scf.if %cond3A_29 {
      %swap3A_34 = arith.constant 0 : index
      %swap3A_35 = arith.constant 0 : index
      %swap3A_36 = arith.constant 0 : index
      %swap3A_37 = vector.load %arg8[%swap3A_34, %swap3A_35, %swap3A_36] : memref<1x1x288xf32, #tpu.memory_space<vmem>>, vector<1x1x288xf32>
      %swap3A_38 = vector.shape_cast %swap3A_37 : vector<1x1x288xf32> to vector<1x288xf32>
      %swap3A_39 = vector.shape_cast %broadcast_in_dim3A : vector<1x288xf32> to vector<1x1x288xf32>
      tpu.vector_store %arg8[%swap3A_34, %swap3A_35, %swap3A_36], %swap3A_39 {strides = array<i32>} : memref<1x1x288xf32, #tpu.memory_space<vmem>>, vector<1x1x288xf32>,
      %sub3A = vector.broadcast %broadcast_in_dim3A : vector<1x288xf32> to vector<2048x288xf32>
      %sub3A_40 = arith.subf %dot_general3A_16, %sub3A : vector<2048x288xf32>
      %mul3A = arith.constant 1.250000e-01 : f32
      %mul3A_41 = vector.broadcast %mul3A : f32 to vector<2048x288xf32>
      %mul3A_42 = arith.mulf %sub3A_40, %mul3A_41 : vector<2048x288xf32>
      %exp3A = math.exp %mul3A_42 : vector<2048x288xf32>
      %reduce_sum3A_43 = arith.constant dense<0.000000e+00> : vector<288xf32>
      %reduce_sum3A_44 = vector.multi_reduction <add>, %exp3A, %reduce_sum3A_43 [0] : vector<2048x288xf32> to vector<288xf32>
      %broadcast_in_dim3A_45 = vector.shape_cast %reduce_sum3A_44 : vector<288xf32> to vector<1x288xf32>
      %swap3A_46 = arith.constant 0 : index
      %swap3A_47 = arith.constant 0 : index
      %swap3A_48 = arith.constant 0 : index
      %swap3A_49 = vector.load %arg9[%swap3A_46, %swap3A_47, %swap3A_48] : memref<1x1x288xf32, #tpu.memory_space<vmem>>, vector<1x1x288xf32>
      %swap3A_50 = vector.shape_cast %swap3A_49 : vector<1x1x288xf32> to vector<1x288xf32>
      %swap3A_51 = vector.shape_cast %broadcast_in_dim3A_45 : vector<1x288xf32> to vector<1x1x288xf32>
      tpu.vector_store %arg9[%swap3A_46, %swap3A_47, %swap3A_48], %swap3A_51 {strides = array<i32>} : memref<1x1x288xf32, #tpu.memory_space<vmem>>, vector<1x1x288xf32>,
      %swap3A_52 = arith.constant 0 : index
      %swap3A_53 = arith.constant 0 : index
      %swap3A_54 = arith.constant 0 : index
      %swap3A_55 = vector.load %arg10[%swap3A_52, %swap3A_53, %swap3A_54] : memref<1x1x288xf32, #tpu.memory_space<vmem>>, vector<1x1x288xf32>
      %swap3A_56 = vector.shape_cast %swap3A_55 : vector<1x1x288xf32> to vector<1x288xf32>
      %swap3A_57 = vector.shape_cast %broadcast_in_dim3A_24 : vector<1x288xf32> to vector<1x1x288xf32>
      tpu.vector_store %arg10[%swap3A_52, %swap3A_53, %swap3A_54], %swap3A_57 {strides = array<i32>} : memref<1x1x288xf32, #tpu.memory_space<vmem>>, vector<1x1x288xf32>,
    } else {
    }
    %ne3A = arith.constant 0 : i32
    %ne3A_30 = arith.cmpi ne, %arg1, %ne3A : i32
    %convert_element_type3A_31 = arith.extui %ne3A_30 : i1 to i32
    %cond3A_32 = arith.constant 0 : i32
    %cond3A_33 = arith.cmpi ne, %convert_element_type3A_31, %cond3A_32 : i32
    scf.if %cond3A_33 {
      %get3A_34 = arith.constant 0 : index
      %get3A_35 = arith.constant 0 : index
      %get3A_36 = arith.constant 0 : index
      %get3A_37 = vector.load %arg8[%get3A_34, %get3A_35, %get3A_36] : memref<1x1x288xf32, #tpu.memory_space<vmem>>, vector<1x1x288xf32>
      %get3A_38 = vector.shape_cast %get3A_37 : vector<1x1x288xf32> to vector<1x288xf32>
      %max3A = arith.maximumf %get3A_38, %broadcast_in_dim3A : vector<1x288xf32>
      %sub3A = arith.subf %get3A_38, %max3A : vector<1x288xf32>
      %mul3A = arith.constant 1.250000e-01 : f32
      %mul3A_39 = vector.broadcast %mul3A : f32 to vector<1x288xf32>
      %mul3A_40 = arith.mulf %sub3A, %mul3A_39 : vector<1x288xf32>
      %exp3A = math.exp %mul3A_40 : vector<1x288xf32>
      %sub3A_41 = vector.broadcast %max3A : vector<1x288xf32> to vector<2048x288xf32>
      %sub3A_42 = arith.subf %dot_general3A_16, %sub3A_41 : vector<2048x288xf32>
      %mul3A_43 = arith.constant 1.250000e-01 : f32
      %mul3A_44 = vector.broadcast %mul3A_43 : f32 to vector<2048x288xf32>
      %mul3A_45 = arith.mulf %sub3A_42, %mul3A_44 : vector<2048x288xf32>
      %exp3A_46 = math.exp %mul3A_45 : vector<2048x288xf32>
      %swap3A_47 = arith.constant 0 : index
      %swap3A_48 = arith.constant 0 : index
      %swap3A_49 = arith.constant 0 : index
      %swap3A_50 = vector.load %arg8[%swap3A_47, %swap3A_48, %swap3A_49] : memref<1x1x288xf32, #tpu.memory_space<vmem>>, vector<1x1x288xf32>
      %swap3A_51 = vector.shape_cast %swap3A_50 : vector<1x1x288xf32> to vector<1x288xf32>
      %swap3A_52 = vector.shape_cast %max3A : vector<1x288xf32> to vector<1x1x288xf32>
      tpu.vector_store %arg8[%swap3A_47, %swap3A_48, %swap3A_49], %swap3A_52 {strides = array<i32>} : memref<1x1x288xf32, #tpu.memory_space<vmem>>, vector<1x1x288xf32>,
      %get3A_53 = arith.constant 0 : index
      %get3A_54 = arith.constant 0 : index
      %get3A_55 = arith.constant 0 : index
      %get3A_56 = vector.load %arg9[%get3A_53, %get3A_54, %get3A_55] : memref<1x1x288xf32, #tpu.memory_space<vmem>>, vector<1x1x288xf32>
      %get3A_57 = vector.shape_cast %get3A_56 : vector<1x1x288xf32> to vector<1x288xf32>
      %mul3A_58 = arith.mulf %get3A_57, %exp3A : vector<1x288xf32>
      %reduce_sum3A_59 = arith.constant dense<0.000000e+00> : vector<288xf32>
      %reduce_sum3A_60 = vector.multi_reduction <add>, %exp3A_46, %reduce_sum3A_59 [0] : vector<2048x288xf32> to vector<288xf32>
      %broadcast_in_dim3A_61 = vector.shape_cast %reduce_sum3A_60 : vector<288xf32> to vector<1x288xf32>
      %add3A = arith.addf %mul3A_58, %broadcast_in_dim3A_61 : vector<1x288xf32>
      %swap3A_62 = arith.constant 0 : index
      %swap3A_63 = arith.constant 0 : index
      %swap3A_64 = arith.constant 0 : index
      %swap3A_65 = vector.load %arg9[%swap3A_62, %swap3A_63, %swap3A_64] : memref<1x1x288xf32, #tpu.memory_space<vmem>>, vector<1x1x288xf32>
      %swap3A_66 = vector.shape_cast %swap3A_65 : vector<1x1x288xf32> to vector<1x288xf32>
      %swap3A_67 = vector.shape_cast %add3A : vector<1x288xf32> to vector<1x1x288xf32>
      tpu.vector_store %arg9[%swap3A_62, %swap3A_63, %swap3A_64], %swap3A_67 {strides = array<i32>} : memref<1x1x288xf32, #tpu.memory_space<vmem>>, vector<1x1x288xf32>,
      %get3A_68 = arith.constant 0 : index
      %get3A_69 = arith.constant 0 : index
      %get3A_70 = arith.constant 0 : index
      %get3A_71 = vector.load %arg10[%get3A_68, %get3A_69, %get3A_70] : memref<1x1x288xf32, #tpu.memory_space<vmem>>, vector<1x1x288xf32>
      %get3A_72 = vector.shape_cast %get3A_71 : vector<1x1x288xf32> to vector<1x288xf32>
      %add3A_73 = arith.addf %get3A_72, %broadcast_in_dim3A_24 : vector<1x288xf32>
      %swap3A_74 = arith.constant 0 : index
      %swap3A_75 = arith.constant 0 : index
      %swap3A_76 = arith.constant 0 : index
      %swap3A_77 = vector.load %arg10[%swap3A_74, %swap3A_75, %swap3A_76] : memref<1x1x288xf32, #tpu.memory_space<vmem>>, vector<1x1x288xf32>
      %swap3A_78 = vector.shape_cast %swap3A_77 : vector<1x1x288xf32> to vector<1x288xf32>
      %swap3A_79 = vector.shape_cast %add3A_73 : vector<1x288xf32> to vector<1x1x288xf32>
      tpu.vector_store %arg10[%swap3A_74, %swap3A_75, %swap3A_76], %swap3A_79 {strides = array<i32>} : memref<1x1x288xf32, #tpu.memory_space<vmem>>, vector<1x1x288xf32>,
    } else {
    }
    return
  }
  func.func @transform_0(%arg0: i32, %arg1: i32) -> (i32, i32) {
    %c0_i32 = arith.constant 0 : i32
    %c0_i32_0 = arith.constant 0 : i32
    %c0_i32_1 = arith.constant 0 : i32
    return %c0_i32, %c0_i32_0 : i32, i32
  }
  func.func @transform_1(%arg0: i32, %arg1: i32) -> (i32, i32) {
    %c0_i32 = arith.constant 0 : i32
    %c0_i32_0 = arith.constant 0 : i32
    %c0_i32_1 = arith.constant 0 : i32
    return %c0_i32, %c0_i32_0 : i32, i32
  }
  func.func @transform_2(%arg0: i32, %arg1: i32) -> i32 {
    %c0_i32 = arith.constant 0 : i32
    %c0_i32_0 = arith.constant 0 : i32
    return %c0_i32 : i32
  }
  func.func @transform_3(%arg0: i32, %arg1: i32) -> (i32, i32, i32) {
    %c0_i32 = arith.constant 0 : i32
    %c0_i32_0 = arith.constant 0 : i32
    return %arg0, %arg1, %c0_i32 : i32, i32, i32
  }
  func.func @transform_4(%arg0: i32, %arg1: i32) -> (i32, i32) {
    %c0_i32 = arith.constant 0 : i32
    %c0_i32_0 = arith.constant 0 : i32
    %c0_i32_1 = arith.constant 0 : i32
    return %c0_i32, %c0_i32_0 : i32, i32
  }
  func.func @transform_5(%arg0: i32, %arg1: i32) -> (i32, i32, i32) {
    %c0_i32 = arith.constant 0 : i32
    %c0_i32_0 = arith.constant 0 : i32
    return %arg0, %arg1, %c0_i32 : i32, i32, i32
  }
  func.func @transform_6(%arg0: i32, %arg1: i32) -> (i32, i32, i32) {
    %c0_i32 = arith.constant 0 : i32
    %c0_i32_0 = arith.constant 0 : i32
    %c0_i32_1 = arith.constant 0 : i32
    return %arg0, %c0_i32, %c0_i32_0 : i32, i32, i32
  }
  func.func @transform_7(%arg0: i32, %arg1: i32) -> (i32, i32, i32) {
    %c0_i32 = arith.constant 0 : i32
    %c0_i32_0 = arith.constant 0 : i32
    %c0_i32_1 = arith.constant 0 : i32
    return %arg0, %c0_i32, %c0_i32_0 : i32, i32, i32
  }
  func.func @transform_8(%arg0: i32, %arg1: i32) -> (i32, i32, i32) {
    %c0_i32 = arith.constant 0 : i32
    %c0_i32_0 = arith.constant 0 : i32
    %c0_i32_1 = arith.constant 0 : i32
    return %arg0, %c0_i32, %c0_i32_0 : i32, i32, i32
  }
}

module attributes {stable_mosaic.version = 14 : i64} {
  func.func @_attn_body(%arg0: i32, %arg1: i32, %arg2: memref<1x2048x768xf32, #tpu.memory_space<vmem>>, %arg3: memref<1x2048x288xf32, #tpu.memory_space<vmem>>, %arg4: memref<1x1x288xf32, #tpu.memory_space<vmem>>, %arg5: memref<1x1x288xf32, #tpu.memory_space<vmem>>, %arg6: memref<768x768xf32, #tpu.memory_space<vmem>>, %arg7: memref<768xf32, #tpu.memory_space<vmem>>, %arg8: memref<1x1x768xf32, #tpu.memory_space<vmem>>, %arg9: memref<1x288x768xf32, #tpu.memory_space<vmem>>) attributes {dimension_semantics = [#tpu.dimension_semantics<arbitrary>, #tpu.dimension_semantics<arbitrary>], iteration_bounds = array<i64: 4, 4>, scalar_prefetch = 0 : i64, scratch_operands = 0 : i64, tpu.core_type = #tpu.core_type<tc>, window_params = [{transform_indices = @transform_0, window_bounds = array<i64: 1, 2048, 768>}, {transform_indices = @transform_1, window_bounds = array<i64: 1, 2048, 288>}, {transform_indices = @transform_2, window_bounds = array<i64: 1, 1, 288>}, {transform_indices = @transform_3, window_bounds = array<i64: 1, 1, 288>}, {pipeline_mode = #tpu.pipeline_mode<synchronous>, transform_indices = @transform_4, window_bounds = array<i64: 768, 768>}, {pipeline_mode = #tpu.pipeline_mode<synchronous>, transform_indices = @transform_5, window_bounds = array<i64: 768>}, {transform_indices = @transform_6, window_bounds = array<i64: 1, 1, 768>}, {transform_indices = @transform_7, window_bounds = array<i64: 1, 288, 768>}]} {
    %get3A = arith.constant 0 : index
    %get3A_0 = arith.constant 0 : index
    %get3A_1 = arith.constant 0 : index
    %get3A_2 = vector.load %arg2[%get3A, %get3A_0, %get3A_1] : memref<1x2048x768xf32, #tpu.memory_space<vmem>>, vector<1x2048x768xf32>
    %get3A_3 = vector.shape_cast %get3A_2 : vector<1x2048x768xf32> to vector<2048x768xf32>
    %get3A_4 = arith.constant 0 : index
    %get3A_5 = arith.constant 0 : index
    %get3A_6 = vector.load %arg6[%get3A_4, %get3A_5] : memref<768x768xf32, #tpu.memory_space<vmem>>, vector<768x768xf32>
    %dot_general3A = arith.constant dense<0.000000e+00> : vector<2048x768xf32>
    %dot_general3A_7 = tpu.matmul %get3A_3, %get3A_6, %dot_general3A {dimension_numbers = #tpu.dot_dimension_numbers<[1], [1], [0], [0], [0, 0, 1, 0], [], []>, transpose_lhs_hint = false} : vector<2048x768xf32>, vector<768x768xf32>, vector<2048x768xf32> -> vector<2048x768xf32>
    %get3A_8 = arith.constant 0 : index
    %get3A_9 = vector.load %arg7[%get3A_8] : memref<768xf32, #tpu.memory_space<vmem>>, vector<768xf32>
    %broadcast_in_dim3A = vector.shape_cast %get3A_9 : vector<768xf32> to vector<1x768xf32>
    %add3A = vector.broadcast %broadcast_in_dim3A : vector<1x768xf32> to vector<2048x768xf32>
    %add3A_10 = arith.addf %dot_general3A_7, %add3A : vector<2048x768xf32>
    %get3A_11 = arith.constant 0 : index
    %get3A_12 = arith.constant 0 : index
    %get3A_13 = arith.constant 0 : index
    %get3A_14 = vector.load %arg3[%get3A_11, %get3A_12, %get3A_13] : memref<1x2048x288xf32, #tpu.memory_space<vmem>>, vector<1x2048x288xf32>
    %get3A_15 = vector.shape_cast %get3A_14 : vector<1x2048x288xf32> to vector<2048x288xf32>
    %get3A_16 = arith.constant 0 : index
    %get3A_17 = arith.constant 0 : index
    %get3A_18 = arith.constant 0 : index
    %get3A_19 = vector.load %arg4[%get3A_16, %get3A_17, %get3A_18] : memref<1x1x288xf32, #tpu.memory_space<vmem>>, vector<1x1x288xf32>
    %get3A_20 = vector.shape_cast %get3A_19 : vector<1x1x288xf32> to vector<1x288xf32>
    %sub3A = vector.broadcast %get3A_20 : vector<1x288xf32> to vector<2048x288xf32>
    %sub3A_21 = arith.subf %get3A_15, %sub3A : vector<2048x288xf32>
    %mul3A = arith.constant 1.250000e-01 : f32
    %mul3A_22 = vector.broadcast %mul3A : f32 to vector<2048x288xf32>
    %mul3A_23 = arith.mulf %sub3A_21, %mul3A_22 : vector<2048x288xf32>
    %exp3A = math.exp %mul3A_23 : vector<2048x288xf32>
    %get3A_24 = arith.constant 0 : index
    %get3A_25 = arith.constant 0 : index
    %get3A_26 = arith.constant 0 : index
    %get3A_27 = vector.load %arg5[%get3A_24, %get3A_25, %get3A_26] : memref<1x1x288xf32, #tpu.memory_space<vmem>>, vector<1x1x288xf32>
    %get3A_28 = vector.shape_cast %get3A_27 : vector<1x1x288xf32> to vector<1x288xf32>
    %div3A = vector.broadcast %get3A_28 : vector<1x288xf32> to vector<2048x288xf32>
    %div3A_29 = arith.divf %exp3A, %div3A : vector<2048x288xf32>
    %reduce_sum3A = arith.constant dense<0.000000e+00> : vector<768xf32>
    %reduce_sum3A_30 = vector.multi_reduction <add>, %add3A_10, %reduce_sum3A [0] : vector<2048x768xf32> to vector<768xf32>
    %broadcast_in_dim3A_31 = vector.shape_cast %reduce_sum3A_30 : vector<768xf32> to vector<1x768xf32>
    %dot_general3A_32 = arith.constant dense<0.000000e+00> : vector<288x768xf32>
    %dot_general3A_33 = tpu.matmul %div3A_29, %add3A_10, %dot_general3A_32 {dimension_numbers = #tpu.dot_dimension_numbers<[0], [0], [1], [1], [0, 1, 1, 1], [], []>, transpose_lhs_hint = false} : vector<2048x288xf32>, vector<2048x768xf32>, vector<288x768xf32> -> vector<288x768xf32>
    %eq3A = arith.constant 0 : i32
    %eq3A_34 = arith.cmpi eq, %arg1, %eq3A : i32
    %convert_element_type3A = arith.extui %eq3A_34 : i1 to i32
    %cond3A = arith.constant 0 : i32
    %cond3A_35 = arith.cmpi ne, %convert_element_type3A, %cond3A : i32
    scf.if %cond3A_35 {
      %swap3A = arith.constant 0 : index
      %swap3A_40 = arith.constant 0 : index
      %swap3A_41 = arith.constant 0 : index
      %swap3A_42 = vector.load %arg8[%swap3A, %swap3A_40, %swap3A_41] : memref<1x1x768xf32, #tpu.memory_space<vmem>>, vector<1x1x768xf32>
      %swap3A_43 = vector.shape_cast %swap3A_42 : vector<1x1x768xf32> to vector<1x768xf32>
      %swap3A_44 = vector.shape_cast %broadcast_in_dim3A_31 : vector<1x768xf32> to vector<1x1x768xf32>
      tpu.vector_store %arg8[%swap3A, %swap3A_40, %swap3A_41], %swap3A_44 {strides = array<i32>} : memref<1x1x768xf32, #tpu.memory_space<vmem>>, vector<1x1x768xf32>,
      %swap3A_45 = arith.constant 0 : index
      %swap3A_46 = arith.constant 0 : index
      %swap3A_47 = arith.constant 0 : index
      %swap3A_48 = vector.load %arg9[%swap3A_45, %swap3A_46, %swap3A_47] : memref<1x288x768xf32, #tpu.memory_space<vmem>>, vector<1x288x768xf32>
      %swap3A_49 = vector.shape_cast %swap3A_48 : vector<1x288x768xf32> to vector<288x768xf32>
      %swap3A_50 = vector.shape_cast %dot_general3A_33 : vector<288x768xf32> to vector<1x288x768xf32>
      tpu.vector_store %arg9[%swap3A_45, %swap3A_46, %swap3A_47], %swap3A_50 {strides = array<i32>} : memref<1x288x768xf32, #tpu.memory_space<vmem>>, vector<1x288x768xf32>,
    } else {
    }
    %ne3A = arith.constant 0 : i32
    %ne3A_36 = arith.cmpi ne, %arg1, %ne3A : i32
    %convert_element_type3A_37 = arith.extui %ne3A_36 : i1 to i32
    %cond3A_38 = arith.constant 0 : i32
    %cond3A_39 = arith.cmpi ne, %convert_element_type3A_37, %cond3A_38 : i32
    scf.if %cond3A_39 {
      %get3A_40 = arith.constant 0 : index
      %get3A_41 = arith.constant 0 : index
      %get3A_42 = arith.constant 0 : index
      %get3A_43 = vector.load %arg8[%get3A_40, %get3A_41, %get3A_42] : memref<1x1x768xf32, #tpu.memory_space<vmem>>, vector<1x1x768xf32>
      %get3A_44 = vector.shape_cast %get3A_43 : vector<1x1x768xf32> to vector<1x768xf32>
      %add3A_45 = arith.addf %get3A_44, %broadcast_in_dim3A_31 : vector<1x768xf32>
      %swap3A = arith.constant 0 : index
      %swap3A_46 = arith.constant 0 : index
      %swap3A_47 = arith.constant 0 : index
      %swap3A_48 = vector.load %arg8[%swap3A, %swap3A_46, %swap3A_47] : memref<1x1x768xf32, #tpu.memory_space<vmem>>, vector<1x1x768xf32>
      %swap3A_49 = vector.shape_cast %swap3A_48 : vector<1x1x768xf32> to vector<1x768xf32>
      %swap3A_50 = vector.shape_cast %add3A_45 : vector<1x768xf32> to vector<1x1x768xf32>
      tpu.vector_store %arg8[%swap3A, %swap3A_46, %swap3A_47], %swap3A_50 {strides = array<i32>} : memref<1x1x768xf32, #tpu.memory_space<vmem>>, vector<1x1x768xf32>,
      %get3A_51 = arith.constant 0 : index
      %get3A_52 = arith.constant 0 : index
      %get3A_53 = arith.constant 0 : index
      %get3A_54 = vector.load %arg9[%get3A_51, %get3A_52, %get3A_53] : memref<1x288x768xf32, #tpu.memory_space<vmem>>, vector<1x288x768xf32>
      %get3A_55 = vector.shape_cast %get3A_54 : vector<1x288x768xf32> to vector<288x768xf32>
      %add3A_56 = arith.addf %get3A_55, %dot_general3A_33 : vector<288x768xf32>
      %swap3A_57 = arith.constant 0 : index
      %swap3A_58 = arith.constant 0 : index
      %swap3A_59 = arith.constant 0 : index
      %swap3A_60 = vector.load %arg9[%swap3A_57, %swap3A_58, %swap3A_59] : memref<1x288x768xf32, #tpu.memory_space<vmem>>, vector<1x288x768xf32>
      %swap3A_61 = vector.shape_cast %swap3A_60 : vector<1x288x768xf32> to vector<288x768xf32>
      %swap3A_62 = vector.shape_cast %add3A_56 : vector<288x768xf32> to vector<1x288x768xf32>
      tpu.vector_store %arg9[%swap3A_57, %swap3A_58, %swap3A_59], %swap3A_62 {strides = array<i32>} : memref<1x288x768xf32, #tpu.memory_space<vmem>>, vector<1x288x768xf32>,
    } else {
    }
    return
  }
  func.func @transform_0(%arg0: i32, %arg1: i32) -> (i32, i32, i32) {
    %c0_i32 = arith.constant 0 : i32
    %c0_i32_0 = arith.constant 0 : i32
    return %arg0, %arg1, %c0_i32 : i32, i32, i32
  }
  func.func @transform_1(%arg0: i32, %arg1: i32) -> (i32, i32, i32) {
    %c0_i32 = arith.constant 0 : i32
    %c0_i32_0 = arith.constant 0 : i32
    return %arg0, %arg1, %c0_i32 : i32, i32, i32
  }
  func.func @transform_2(%arg0: i32, %arg1: i32) -> (i32, i32, i32) {
    %c0_i32 = arith.constant 0 : i32
    %c0_i32_0 = arith.constant 0 : i32
    %c0_i32_1 = arith.constant 0 : i32
    return %arg0, %c0_i32, %c0_i32_0 : i32, i32, i32
  }
  func.func @transform_3(%arg0: i32, %arg1: i32) -> (i32, i32, i32) {
    %c0_i32 = arith.constant 0 : i32
    %c0_i32_0 = arith.constant 0 : i32
    %c0_i32_1 = arith.constant 0 : i32
    return %arg0, %c0_i32, %c0_i32_0 : i32, i32, i32
  }
  func.func @transform_4(%arg0: i32, %arg1: i32) -> (i32, i32) {
    %c0_i32 = arith.constant 0 : i32
    %c0_i32_0 = arith.constant 0 : i32
    %c0_i32_1 = arith.constant 0 : i32
    return %c0_i32, %c0_i32_0 : i32, i32
  }
  func.func @transform_5(%arg0: i32, %arg1: i32) -> i32 {
    %c0_i32 = arith.constant 0 : i32
    %c0_i32_0 = arith.constant 0 : i32
    return %c0_i32 : i32
  }
  func.func @transform_6(%arg0: i32, %arg1: i32) -> (i32, i32, i32) {
    %c0_i32 = arith.constant 0 : i32
    %c0_i32_0 = arith.constant 0 : i32
    %c0_i32_1 = arith.constant 0 : i32
    return %arg0, %c0_i32, %c0_i32_0 : i32, i32, i32
  }
  func.func @transform_7(%arg0: i32, %arg1: i32) -> (i32, i32, i32) {
    %c0_i32 = arith.constant 0 : i32
    %c0_i32_0 = arith.constant 0 : i32
    %c0_i32_1 = arith.constant 0 : i32
    return %arg0, %c0_i32, %c0_i32_0 : i32, i32, i32
  }
}

module attributes {stable_mosaic.version = 14 : i64} {
  func.func @_tail_body(%arg0: memref<4x1x288xf32, #tpu.memory_space<vmem>>, %arg1: memref<4x1x288xf32, #tpu.memory_space<vmem>>, %arg2: memref<4x1x288xf32, #tpu.memory_space<vmem>>, %arg3: memref<4x1x768xf32, #tpu.memory_space<vmem>>, %arg4: memref<4x288x768xf32, #tpu.memory_space<vmem>>, %arg5: memref<768x768xf32, #tpu.memory_space<vmem>>, %arg6: memref<768xf32, #tpu.memory_space<vmem>>, %arg7: memref<3072x768xf32, #tpu.memory_space<vmem>>, %arg8: memref<3072xf32, #tpu.memory_space<vmem>>, %arg9: memref<768x3072xf32, #tpu.memory_space<vmem>>, %arg10: memref<768xf32, #tpu.memory_space<vmem>>, %arg11: memref<768xf32, #tpu.memory_space<vmem>>, %arg12: memref<768xf32, #tpu.memory_space<vmem>>, %arg13: memref<768xf32, #tpu.memory_space<vmem>>, %arg14: memref<768xf32, #tpu.memory_space<vmem>>, %arg15: memref<8x768xf32, #tpu.memory_space<vmem>>, %arg16: memref<96x8xf32, #tpu.memory_space<vmem>>, %arg17: memref<96x768xf32, #tpu.memory_space<vmem>>) attributes {dimension_semantics = [], scalar_prefetch = 0 : i64, scratch_operands = 0 : i64, tpu.core_type = #tpu.core_type<tc>} {
    %get3A = arith.constant 0 : index
    %get3A_0 = arith.constant 0 : index
    %get3A_1 = arith.constant 0 : index
    %get3A_2 = vector.load %arg0[%get3A, %get3A_0, %get3A_1] : memref<4x1x288xf32, #tpu.memory_space<vmem>>, vector<1x1x288xf32>
    %get3A_3 = vector.shape_cast %get3A_2 : vector<1x1x288xf32> to vector<1x288xf32>
    %iota3A = tpu.iota {dimensions = array<i32: 0>} : vector<288x288xi32>
    %iota3A_4 = tpu.iota {dimensions = array<i32: 1>} : vector<288x288xi32>
    %eq3A = arith.cmpi eq, %iota3A, %iota3A_4 : vector<288x288xi32>
    %convert_element_type3A = arith.extui %eq3A : vector<288x288xi1> to vector<288x288xi32>
    %convert_element_type3A_5 = arith.sitofp %convert_element_type3A : vector<288x288xi32> to vector<288x288xf32>
    %dot_general3A = arith.constant dense<0.000000e+00> : vector<288x1xf32>
    %dot_general3A_6 = tpu.matmul %convert_element_type3A_5, %get3A_3, %dot_general3A {dimension_numbers = #tpu.dot_dimension_numbers<[1], [1], [0], [0], [0, 0, 1, 0], [], []>, precision = #tpu.contract_precision<fp32>, transpose_lhs_hint = false} : vector<288x288xf32>, vector<1x288xf32>, vector<288x1xf32> -> vector<288x1xf32>
    %broadcast_in_dim3A = vector.shape_cast %dot_general3A_6 : vector<288x1xf32> to vector<1x288x1xf32>
    %get3A_7 = arith.constant 1 : index
    %get3A_8 = arith.constant 0 : index
    %get3A_9 = arith.constant 0 : index
    %get3A_10 = vector.load %arg0[%get3A_7, %get3A_8, %get3A_9] : memref<4x1x288xf32, #tpu.memory_space<vmem>>, vector<1x1x288xf32>
    %get3A_11 = vector.shape_cast %get3A_10 : vector<1x1x288xf32> to vector<1x288xf32>
    %iota3A_12 = tpu.iota {dimensions = array<i32: 0>} : vector<288x288xi32>
    %iota3A_13 = tpu.iota {dimensions = array<i32: 1>} : vector<288x288xi32>
    %eq3A_14 = arith.cmpi eq, %iota3A_12, %iota3A_13 : vector<288x288xi32>
    %convert_element_type3A_15 = arith.extui %eq3A_14 : vector<288x288xi1> to vector<288x288xi32>
    %convert_element_type3A_16 = arith.sitofp %convert_element_type3A_15 : vector<288x288xi32> to vector<288x288xf32>
    %dot_general3A_17 = arith.constant dense<0.000000e+00> : vector<288x1xf32>
    %dot_general3A_18 = tpu.matmul %convert_element_type3A_16, %get3A_11, %dot_general3A_17 {dimension_numbers = #tpu.dot_dimension_numbers<[1], [1], [0], [0], [0, 0, 1, 0], [], []>, precision = #tpu.contract_precision<fp32>, transpose_lhs_hint = false} : vector<288x288xf32>, vector<1x288xf32>, vector<288x1xf32> -> vector<288x1xf32>
    %broadcast_in_dim3A_19 = vector.shape_cast %dot_general3A_18 : vector<288x1xf32> to vector<1x288x1xf32>
    %get3A_20 = arith.constant 2 : index
    %get3A_21 = arith.constant 0 : index
    %get3A_22 = arith.constant 0 : index
    %get3A_23 = vector.load %arg0[%get3A_20, %get3A_21, %get3A_22] : memref<4x1x288xf32, #tpu.memory_space<vmem>>, vector<1x1x288xf32>
    %get3A_24 = vector.shape_cast %get3A_23 : vector<1x1x288xf32> to vector<1x288xf32>
    %iota3A_25 = tpu.iota {dimensions = array<i32: 0>} : vector<288x288xi32>
    %iota3A_26 = tpu.iota {dimensions = array<i32: 1>} : vector<288x288xi32>
    %eq3A_27 = arith.cmpi eq, %iota3A_25, %iota3A_26 : vector<288x288xi32>
    %convert_element_type3A_28 = arith.extui %eq3A_27 : vector<288x288xi1> to vector<288x288xi32>
    %convert_element_type3A_29 = arith.sitofp %convert_element_type3A_28 : vector<288x288xi32> to vector<288x288xf32>
    %dot_general3A_30 = arith.constant dense<0.000000e+00> : vector<288x1xf32>
    %dot_general3A_31 = tpu.matmul %convert_element_type3A_29, %get3A_24, %dot_general3A_30 {dimension_numbers = #tpu.dot_dimension_numbers<[1], [1], [0], [0], [0, 0, 1, 0], [], []>, precision = #tpu.contract_precision<fp32>, transpose_lhs_hint = false} : vector<288x288xf32>, vector<1x288xf32>, vector<288x1xf32> -> vector<288x1xf32>
    %broadcast_in_dim3A_32 = vector.shape_cast %dot_general3A_31 : vector<288x1xf32> to vector<1x288x1xf32>
    %get3A_33 = arith.constant 3 : index
    %get3A_34 = arith.constant 0 : index
    %get3A_35 = arith.constant 0 : index
    %get3A_36 = vector.load %arg0[%get3A_33, %get3A_34, %get3A_35] : memref<4x1x288xf32, #tpu.memory_space<vmem>>, vector<1x1x288xf32>
    %get3A_37 = vector.shape_cast %get3A_36 : vector<1x1x288xf32> to vector<1x288xf32>
    %iota3A_38 = tpu.iota {dimensions = array<i32: 0>} : vector<288x288xi32>
    %iota3A_39 = tpu.iota {dimensions = array<i32: 1>} : vector<288x288xi32>
    %eq3A_40 = arith.cmpi eq, %iota3A_38, %iota3A_39 : vector<288x288xi32>
    %convert_element_type3A_41 = arith.extui %eq3A_40 : vector<288x288xi1> to vector<288x288xi32>
    %convert_element_type3A_42 = arith.sitofp %convert_element_type3A_41 : vector<288x288xi32> to vector<288x288xf32>
    %dot_general3A_43 = arith.constant dense<0.000000e+00> : vector<288x1xf32>
    %dot_general3A_44 = tpu.matmul %convert_element_type3A_42, %get3A_37, %dot_general3A_43 {dimension_numbers = #tpu.dot_dimension_numbers<[1], [1], [0], [0], [0, 0, 1, 0], [], []>, precision = #tpu.contract_precision<fp32>, transpose_lhs_hint = false} : vector<288x288xf32>, vector<1x288xf32>, vector<288x1xf32> -> vector<288x1xf32>
    %broadcast_in_dim3A_45 = vector.shape_cast %dot_general3A_44 : vector<288x1xf32> to vector<1x288x1xf32>
    %concatenate3A = tpu.concatenate %broadcast_in_dim3A, %broadcast_in_dim3A_19, %broadcast_in_dim3A_32, %broadcast_in_dim3A_45 in 0 : vector<1x288x1xf32>, vector<1x288x1xf32>, vector<1x288x1xf32>, vector<1x288x1xf32> -> vector<4x288x1xf32>
    %get3A_46 = arith.constant 0 : index
    %get3A_47 = arith.constant 0 : index
    %get3A_48 = arith.constant 0 : index
    %get3A_49 = vector.load %arg4[%get3A_46, %get3A_47, %get3A_48] : memref<4x288x768xf32, #tpu.memory_space<vmem>>, vector<4x288x768xf32>
    %get3A_50 = arith.constant 0 : index
    %get3A_51 = arith.constant 0 : index
    %get3A_52 = arith.constant 0 : index
    %get3A_53 = vector.load %arg3[%get3A_50, %get3A_51, %get3A_52] : memref<4x1x768xf32, #tpu.memory_space<vmem>>, vector<1x1x768xf32>
    %get3A_54 = vector.shape_cast %get3A_53 : vector<1x1x768xf32> to vector<1x768xf32>
    %broadcast_in_dim3A_55 = vector.shape_cast %get3A_54 : vector<1x768xf32> to vector<1x1x768xf32>
    %get3A_56 = arith.constant 1 : index
    %get3A_57 = arith.constant 0 : index
    %get3A_58 = arith.constant 0 : index
    %get3A_59 = vector.load %arg3[%get3A_56, %get3A_57, %get3A_58] : memref<4x1x768xf32, #tpu.memory_space<vmem>>, vector<1x1x768xf32>
    %get3A_60 = vector.shape_cast %get3A_59 : vector<1x1x768xf32> to vector<1x768xf32>
    %broadcast_in_dim3A_61 = vector.shape_cast %get3A_60 : vector<1x768xf32> to vector<1x1x768xf32>
    %get3A_62 = arith.constant 2 : index
    %get3A_63 = arith.constant 0 : index
    %get3A_64 = arith.constant 0 : index
    %get3A_65 = vector.load %arg3[%get3A_62, %get3A_63, %get3A_64] : memref<4x1x768xf32, #tpu.memory_space<vmem>>, vector<1x1x768xf32>
    %get3A_66 = vector.shape_cast %get3A_65 : vector<1x1x768xf32> to vector<1x768xf32>
    %broadcast_in_dim3A_67 = vector.shape_cast %get3A_66 : vector<1x768xf32> to vector<1x1x768xf32>
    %get3A_68 = arith.constant 3 : index
    %get3A_69 = arith.constant 0 : index
    %get3A_70 = arith.constant 0 : index
    %get3A_71 = vector.load %arg3[%get3A_68, %get3A_69, %get3A_70] : memref<4x1x768xf32, #tpu.memory_space<vmem>>, vector<1x1x768xf32>
    %get3A_72 = vector.shape_cast %get3A_71 : vector<1x1x768xf32> to vector<1x768xf32>
    %broadcast_in_dim3A_73 = vector.shape_cast %get3A_72 : vector<1x768xf32> to vector<1x1x768xf32>
    %concatenate3A_74 = tpu.concatenate %broadcast_in_dim3A_55, %broadcast_in_dim3A_61, %broadcast_in_dim3A_67, %broadcast_in_dim3A_73 in 0 : vector<1x1x768xf32>, vector<1x1x768xf32>, vector<1x1x768xf32>, vector<1x1x768xf32> -> vector<4x1x768xf32>
    %div3A = arith.constant 8.192000e+03 : f32
    %div3A_75 = vector.broadcast %div3A : f32 to vector<4x1x768xf32>
    %div3A_76 = arith.divf %concatenate3A_74, %div3A_75 : vector<4x1x768xf32>
    %iota3A_77 = tpu.iota {dimensions = array<i32: 2>} : vector<1x1x768xi32>
    %broadcast_in_dim3A_78 = arith.constant 0.000000e+00 : f32
    %broadcast_in_dim3A_79 = vector.broadcast %broadcast_in_dim3A_78 : f32 to vector<4x24x768xf32>
    %ge3A = arith.constant 0 : i32
    %ge3A_80 = vector.broadcast %ge3A : i32 to vector<1x1x768xi32>
    %ge3A_81 = arith.cmpi sge, %iota3A_77, %ge3A_80 : vector<1x1x768xi32>
    %lt3A = arith.constant 64 : i32
    %lt3A_82 = vector.broadcast %lt3A : i32 to vector<1x1x768xi32>
    %lt3A_83 = arith.cmpi slt, %iota3A_77, %lt3A_82 : vector<1x1x768xi32>
    %and3A = arith.andi %ge3A_81, %lt3A_83 : vector<1x1x768xi1>
    %convert_element_type3A_84 = arith.extui %and3A : vector<1x1x768xi1> to vector<1x1x768xi32>
    %convert_element_type3A_85 = arith.sitofp %convert_element_type3A_84 : vector<1x1x768xi32> to vector<1x1x768xf32>
    %slice3A = vector.extract_strided_slice %get3A_49 {offsets = [0, 0, 0], sizes = [4, 24, 768], strides = [1, 1, 1]} : vector<4x288x768xf32> to vector<4x24x768xf32>
    %slice3A_86 = vector.extract_strided_slice %concatenate3A {offsets = [0, 0, 0], sizes = [4, 24, 1], strides = [1, 1, 1]} : vector<4x288x1xf32> to vector<4x24x1xf32>
    %sub3A = arith.constant 1.000000e+00 : f32
    %sub3A_87 = vector.broadcast %sub3A : f32 to vector<4x24x1xf32>
    %sub3A_88 = arith.subf %sub3A_87, %slice3A_86 : vector<4x24x1xf32>
    %mul3A = vector.broadcast %sub3A_88 : vector<4x24x1xf32> to vector<4x24x768xf32>
    %mul3A_89 = arith.mulf %slice3A, %mul3A : vector<4x24x768xf32>
    %mul3A_90 = vector.broadcast %div3A_76 : vector<4x1x768xf32> to vector<4x24x768xf32>
    %mul3A_91 = vector.broadcast %slice3A_86 : vector<4x24x1xf32> to vector<4x24x768xf32>
    %mul3A_92 = arith.mulf %mul3A_90, %mul3A_91 : vector<4x24x768xf32>
    %add3A = arith.addf %mul3A_89, %mul3A_92 : vector<4x24x768xf32>
    %mul3A_93 = vector.broadcast %convert_element_type3A_85 : vector<1x1x768xf32> to vector<4x24x768xf32>
    %mul3A_94 = arith.mulf %add3A, %mul3A_93 : vector<4x24x768xf32>
    %add3A_95 = arith.addf %broadcast_in_dim3A_79, %mul3A_94 : vector<4x24x768xf32>
    %ge3A_96 = arith.constant 64 : i32
    %ge3A_97 = vector.broadcast %ge3A_96 : i32 to vector<1x1x768xi32>
    %ge3A_98 = arith.cmpi sge, %iota3A_77, %ge3A_97 : vector<1x1x768xi32>
    %lt3A_99 = arith.constant 128 : i32
    %lt3A_100 = vector.broadcast %lt3A_99 : i32 to vector<1x1x768xi32>
    %lt3A_101 = arith.cmpi slt, %iota3A_77, %lt3A_100 : vector<1x1x768xi32>
    %and3A_102 = arith.andi %ge3A_98, %lt3A_101 : vector<1x1x768xi1>
    %convert_element_type3A_103 = arith.extui %and3A_102 : vector<1x1x768xi1> to vector<1x1x768xi32>
    %convert_element_type3A_104 = arith.sitofp %convert_element_type3A_103 : vector<1x1x768xi32> to vector<1x1x768xf32>
    %slice3A_105 = vector.extract_strided_slice %get3A_49 {offsets = [0, 24, 0], sizes = [4, 24, 768], strides = [1, 1, 1]} : vector<4x288x768xf32> to vector<4x24x768xf32>
    %slice3A_106 = vector.extract_strided_slice %concatenate3A {offsets = [0, 24, 0], sizes = [4, 24, 1], strides = [1, 1, 1]} : vector<4x288x1xf32> to vector<4x24x1xf32>
    %sub3A_107 = arith.constant 1.000000e+00 : f32
    %sub3A_108 = vector.broadcast %sub3A_107 : f32 to vector<4x24x1xf32>
    %sub3A_109 = arith.subf %sub3A_108, %slice3A_106 : vector<4x24x1xf32>
    %mul3A_110 = vector.broadcast %sub3A_109 : vector<4x24x1xf32> to vector<4x24x768xf32>
    %mul3A_111 = arith.mulf %slice3A_105, %mul3A_110 : vector<4x24x768xf32>
    %mul3A_112 = vector.broadcast %div3A_76 : vector<4x1x768xf32> to vector<4x24x768xf32>
    %mul3A_113 = vector.broadcast %slice3A_106 : vector<4x24x1xf32> to vector<4x24x768xf32>
    %mul3A_114 = arith.mulf %mul3A_112, %mul3A_113 : vector<4x24x768xf32>
    %add3A_115 = arith.addf %mul3A_111, %mul3A_114 : vector<4x24x768xf32>
    %mul3A_116 = vector.broadcast %convert_element_type3A_104 : vector<1x1x768xf32> to vector<4x24x768xf32>
    %mul3A_117 = arith.mulf %add3A_115, %mul3A_116 : vector<4x24x768xf32>
    %add3A_118 = arith.addf %add3A_95, %mul3A_117 : vector<4x24x768xf32>
    %ge3A_119 = arith.constant 128 : i32
    %ge3A_120 = vector.broadcast %ge3A_119 : i32 to vector<1x1x768xi32>
    %ge3A_121 = arith.cmpi sge, %iota3A_77, %ge3A_120 : vector<1x1x768xi32>
    %lt3A_122 = arith.constant 192 : i32
    %lt3A_123 = vector.broadcast %lt3A_122 : i32 to vector<1x1x768xi32>
    %lt3A_124 = arith.cmpi slt, %iota3A_77, %lt3A_123 : vector<1x1x768xi32>
    %and3A_125 = arith.andi %ge3A_121, %lt3A_124 : vector<1x1x768xi1>
    %convert_element_type3A_126 = arith.extui %and3A_125 : vector<1x1x768xi1> to vector<1x1x768xi32>
    %convert_element_type3A_127 = arith.sitofp %convert_element_type3A_126 : vector<1x1x768xi32> to vector<1x1x768xf32>
    %slice3A_128 = vector.extract_strided_slice %get3A_49 {offsets = [0, 48, 0], sizes = [4, 24, 768], strides = [1, 1, 1]} : vector<4x288x768xf32> to vector<4x24x768xf32>
    %slice3A_129 = vector.extract_strided_slice %concatenate3A {offsets = [0, 48, 0], sizes = [4, 24, 1], strides = [1, 1, 1]} : vector<4x288x1xf32> to vector<4x24x1xf32>
    %sub3A_130 = arith.constant 1.000000e+00 : f32
    %sub3A_131 = vector.broadcast %sub3A_130 : f32 to vector<4x24x1xf32>
    %sub3A_132 = arith.subf %sub3A_131, %slice3A_129 : vector<4x24x1xf32>
    %mul3A_133 = vector.broadcast %sub3A_132 : vector<4x24x1xf32> to vector<4x24x768xf32>
    %mul3A_134 = arith.mulf %slice3A_128, %mul3A_133 : vector<4x24x768xf32>
    %mul3A_135 = vector.broadcast %div3A_76 : vector<4x1x768xf32> to vector<4x24x768xf32>
    %mul3A_136 = vector.broadcast %slice3A_129 : vector<4x24x1xf32> to vector<4x24x768xf32>
    %mul3A_137 = arith.mulf %mul3A_135, %mul3A_136 : vector<4x24x768xf32>
    %add3A_138 = arith.addf %mul3A_134, %mul3A_137 : vector<4x24x768xf32>
    %mul3A_139 = vector.broadcast %convert_element_type3A_127 : vector<1x1x768xf32> to vector<4x24x768xf32>
    %mul3A_140 = arith.mulf %add3A_138, %mul3A_139 : vector<4x24x768xf32>
    %add3A_141 = arith.addf %add3A_118, %mul3A_140 : vector<4x24x768xf32>
    %ge3A_142 = arith.constant 192 : i32
    %ge3A_143 = vector.broadcast %ge3A_142 : i32 to vector<1x1x768xi32>
    %ge3A_144 = arith.cmpi sge, %iota3A_77, %ge3A_143 : vector<1x1x768xi32>
    %lt3A_145 = arith.constant 256 : i32
    %lt3A_146 = vector.broadcast %lt3A_145 : i32 to vector<1x1x768xi32>
    %lt3A_147 = arith.cmpi slt, %iota3A_77, %lt3A_146 : vector<1x1x768xi32>
    %and3A_148 = arith.andi %ge3A_144, %lt3A_147 : vector<1x1x768xi1>
    %convert_element_type3A_149 = arith.extui %and3A_148 : vector<1x1x768xi1> to vector<1x1x768xi32>
    %convert_element_type3A_150 = arith.sitofp %convert_element_type3A_149 : vector<1x1x768xi32> to vector<1x1x768xf32>
    %slice3A_151 = vector.extract_strided_slice %get3A_49 {offsets = [0, 72, 0], sizes = [4, 24, 768], strides = [1, 1, 1]} : vector<4x288x768xf32> to vector<4x24x768xf32>
    %slice3A_152 = vector.extract_strided_slice %concatenate3A {offsets = [0, 72, 0], sizes = [4, 24, 1], strides = [1, 1, 1]} : vector<4x288x1xf32> to vector<4x24x1xf32>
    %sub3A_153 = arith.constant 1.000000e+00 : f32
    %sub3A_154 = vector.broadcast %sub3A_153 : f32 to vector<4x24x1xf32>
    %sub3A_155 = arith.subf %sub3A_154, %slice3A_152 : vector<4x24x1xf32>
    %mul3A_156 = vector.broadcast %sub3A_155 : vector<4x24x1xf32> to vector<4x24x768xf32>
    %mul3A_157 = arith.mulf %slice3A_151, %mul3A_156 : vector<4x24x768xf32>
    %mul3A_158 = vector.broadcast %div3A_76 : vector<4x1x768xf32> to vector<4x24x768xf32>
    %mul3A_159 = vector.broadcast %slice3A_152 : vector<4x24x1xf32> to vector<4x24x768xf32>
    %mul3A_160 = arith.mulf %mul3A_158, %mul3A_159 : vector<4x24x768xf32>
    %add3A_161 = arith.addf %mul3A_157, %mul3A_160 : vector<4x24x768xf32>
    %mul3A_162 = vector.broadcast %convert_element_type3A_150 : vector<1x1x768xf32> to vector<4x24x768xf32>
    %mul3A_163 = arith.mulf %add3A_161, %mul3A_162 : vector<4x24x768xf32>
    %add3A_164 = arith.addf %add3A_141, %mul3A_163 : vector<4x24x768xf32>
    %ge3A_165 = arith.constant 256 : i32
    %ge3A_166 = vector.broadcast %ge3A_165 : i32 to vector<1x1x768xi32>
    %ge3A_167 = arith.cmpi sge, %iota3A_77, %ge3A_166 : vector<1x1x768xi32>
    %lt3A_168 = arith.constant 320 : i32
    %lt3A_169 = vector.broadcast %lt3A_168 : i32 to vector<1x1x768xi32>
    %lt3A_170 = arith.cmpi slt, %iota3A_77, %lt3A_169 : vector<1x1x768xi32>
    %and3A_171 = arith.andi %ge3A_167, %lt3A_170 : vector<1x1x768xi1>
    %convert_element_type3A_172 = arith.extui %and3A_171 : vector<1x1x768xi1> to vector<1x1x768xi32>
    %convert_element_type3A_173 = arith.sitofp %convert_element_type3A_172 : vector<1x1x768xi32> to vector<1x1x768xf32>
    %slice3A_174 = vector.extract_strided_slice %get3A_49 {offsets = [0, 96, 0], sizes = [4, 24, 768], strides = [1, 1, 1]} : vector<4x288x768xf32> to vector<4x24x768xf32>
    %slice3A_175 = vector.extract_strided_slice %concatenate3A {offsets = [0, 96, 0], sizes = [4, 24, 1], strides = [1, 1, 1]} : vector<4x288x1xf32> to vector<4x24x1xf32>
    %sub3A_176 = arith.constant 1.000000e+00 : f32
    %sub3A_177 = vector.broadcast %sub3A_176 : f32 to vector<4x24x1xf32>
    %sub3A_178 = arith.subf %sub3A_177, %slice3A_175 : vector<4x24x1xf32>
    %mul3A_179 = vector.broadcast %sub3A_178 : vector<4x24x1xf32> to vector<4x24x768xf32>
    %mul3A_180 = arith.mulf %slice3A_174, %mul3A_179 : vector<4x24x768xf32>
    %mul3A_181 = vector.broadcast %div3A_76 : vector<4x1x768xf32> to vector<4x24x768xf32>
    %mul3A_182 = vector.broadcast %slice3A_175 : vector<4x24x1xf32> to vector<4x24x768xf32>
    %mul3A_183 = arith.mulf %mul3A_181, %mul3A_182 : vector<4x24x768xf32>
    %add3A_184 = arith.addf %mul3A_180, %mul3A_183 : vector<4x24x768xf32>
    %mul3A_185 = vector.broadcast %convert_element_type3A_173 : vector<1x1x768xf32> to vector<4x24x768xf32>
    %mul3A_186 = arith.mulf %add3A_184, %mul3A_185 : vector<4x24x768xf32>
    %add3A_187 = arith.addf %add3A_164, %mul3A_186 : vector<4x24x768xf32>
    %ge3A_188 = arith.constant 320 : i32
    %ge3A_189 = vector.broadcast %ge3A_188 : i32 to vector<1x1x768xi32>
    %ge3A_190 = arith.cmpi sge, %iota3A_77, %ge3A_189 : vector<1x1x768xi32>
    %lt3A_191 = arith.constant 384 : i32
    %lt3A_192 = vector.broadcast %lt3A_191 : i32 to vector<1x1x768xi32>
    %lt3A_193 = arith.cmpi slt, %iota3A_77, %lt3A_192 : vector<1x1x768xi32>
    %and3A_194 = arith.andi %ge3A_190, %lt3A_193 : vector<1x1x768xi1>
    %convert_element_type3A_195 = arith.extui %and3A_194 : vector<1x1x768xi1> to vector<1x1x768xi32>
    %convert_element_type3A_196 = arith.sitofp %convert_element_type3A_195 : vector<1x1x768xi32> to vector<1x1x768xf32>
    %slice3A_197 = vector.extract_strided_slice %get3A_49 {offsets = [0, 120, 0], sizes = [4, 24, 768], strides = [1, 1, 1]} : vector<4x288x768xf32> to vector<4x24x768xf32>
    %slice3A_198 = vector.extract_strided_slice %concatenate3A {offsets = [0, 120, 0], sizes = [4, 24, 1], strides = [1, 1, 1]} : vector<4x288x1xf32> to vector<4x24x1xf32>
    %sub3A_199 = arith.constant 1.000000e+00 : f32
    %sub3A_200 = vector.broadcast %sub3A_199 : f32 to vector<4x24x1xf32>
    %sub3A_201 = arith.subf %sub3A_200, %slice3A_198 : vector<4x24x1xf32>
    %mul3A_202 = vector.broadcast %sub3A_201 : vector<4x24x1xf32> to vector<4x24x768xf32>
    %mul3A_203 = arith.mulf %slice3A_197, %mul3A_202 : vector<4x24x768xf32>
    %mul3A_204 = vector.broadcast %div3A_76 : vector<4x1x768xf32> to vector<4x24x768xf32>
    %mul3A_205 = vector.broadcast %slice3A_198 : vector<4x24x1xf32> to vector<4x24x768xf32>
    %mul3A_206 = arith.mulf %mul3A_204, %mul3A_205 : vector<4x24x768xf32>
    %add3A_207 = arith.addf %mul3A_203, %mul3A_206 : vector<4x24x768xf32>
    %mul3A_208 = vector.broadcast %convert_element_type3A_196 : vector<1x1x768xf32> to vector<4x24x768xf32>
    %mul3A_209 = arith.mulf %add3A_207, %mul3A_208 : vector<4x24x768xf32>
    %add3A_210 = arith.addf %add3A_187, %mul3A_209 : vector<4x24x768xf32>
    %ge3A_211 = arith.constant 384 : i32
    %ge3A_212 = vector.broadcast %ge3A_211 : i32 to vector<1x1x768xi32>
    %ge3A_213 = arith.cmpi sge, %iota3A_77, %ge3A_212 : vector<1x1x768xi32>
    %lt3A_214 = arith.constant 448 : i32
    %lt3A_215 = vector.broadcast %lt3A_214 : i32 to vector<1x1x768xi32>
    %lt3A_216 = arith.cmpi slt, %iota3A_77, %lt3A_215 : vector<1x1x768xi32>
    %and3A_217 = arith.andi %ge3A_213, %lt3A_216 : vector<1x1x768xi1>
    %convert_element_type3A_218 = arith.extui %and3A_217 : vector<1x1x768xi1> to vector<1x1x768xi32>
    %convert_element_type3A_219 = arith.sitofp %convert_element_type3A_218 : vector<1x1x768xi32> to vector<1x1x768xf32>
    %slice3A_220 = vector.extract_strided_slice %get3A_49 {offsets = [0, 144, 0], sizes = [4, 24, 768], strides = [1, 1, 1]} : vector<4x288x768xf32> to vector<4x24x768xf32>
    %slice3A_221 = vector.extract_strided_slice %concatenate3A {offsets = [0, 144, 0], sizes = [4, 24, 1], strides = [1, 1, 1]} : vector<4x288x1xf32> to vector<4x24x1xf32>
    %sub3A_222 = arith.constant 1.000000e+00 : f32
    %sub3A_223 = vector.broadcast %sub3A_222 : f32 to vector<4x24x1xf32>
    %sub3A_224 = arith.subf %sub3A_223, %slice3A_221 : vector<4x24x1xf32>
    %mul3A_225 = vector.broadcast %sub3A_224 : vector<4x24x1xf32> to vector<4x24x768xf32>
    %mul3A_226 = arith.mulf %slice3A_220, %mul3A_225 : vector<4x24x768xf32>
    %mul3A_227 = vector.broadcast %div3A_76 : vector<4x1x768xf32> to vector<4x24x768xf32>
    %mul3A_228 = vector.broadcast %slice3A_221 : vector<4x24x1xf32> to vector<4x24x768xf32>
    %mul3A_229 = arith.mulf %mul3A_227, %mul3A_228 : vector<4x24x768xf32>
    %add3A_230 = arith.addf %mul3A_226, %mul3A_229 : vector<4x24x768xf32>
    %mul3A_231 = vector.broadcast %convert_element_type3A_219 : vector<1x1x768xf32> to vector<4x24x768xf32>
    %mul3A_232 = arith.mulf %add3A_230, %mul3A_231 : vector<4x24x768xf32>
    %add3A_233 = arith.addf %add3A_210, %mul3A_232 : vector<4x24x768xf32>
    %ge3A_234 = arith.constant 448 : i32
    %ge3A_235 = vector.broadcast %ge3A_234 : i32 to vector<1x1x768xi32>
    %ge3A_236 = arith.cmpi sge, %iota3A_77, %ge3A_235 : vector<1x1x768xi32>
    %lt3A_237 = arith.constant 512 : i32
    %lt3A_238 = vector.broadcast %lt3A_237 : i32 to vector<1x1x768xi32>
    %lt3A_239 = arith.cmpi slt, %iota3A_77, %lt3A_238 : vector<1x1x768xi32>
    %and3A_240 = arith.andi %ge3A_236, %lt3A_239 : vector<1x1x768xi1>
    %convert_element_type3A_241 = arith.extui %and3A_240 : vector<1x1x768xi1> to vector<1x1x768xi32>
    %convert_element_type3A_242 = arith.sitofp %convert_element_type3A_241 : vector<1x1x768xi32> to vector<1x1x768xf32>
    %slice3A_243 = vector.extract_strided_slice %get3A_49 {offsets = [0, 168, 0], sizes = [4, 24, 768], strides = [1, 1, 1]} : vector<4x288x768xf32> to vector<4x24x768xf32>
    %slice3A_244 = vector.extract_strided_slice %concatenate3A {offsets = [0, 168, 0], sizes = [4, 24, 1], strides = [1, 1, 1]} : vector<4x288x1xf32> to vector<4x24x1xf32>
    %sub3A_245 = arith.constant 1.000000e+00 : f32
    %sub3A_246 = vector.broadcast %sub3A_245 : f32 to vector<4x24x1xf32>
    %sub3A_247 = arith.subf %sub3A_246, %slice3A_244 : vector<4x24x1xf32>
    %mul3A_248 = vector.broadcast %sub3A_247 : vector<4x24x1xf32> to vector<4x24x768xf32>
    %mul3A_249 = arith.mulf %slice3A_243, %mul3A_248 : vector<4x24x768xf32>
    %mul3A_250 = vector.broadcast %div3A_76 : vector<4x1x768xf32> to vector<4x24x768xf32>
    %mul3A_251 = vector.broadcast %slice3A_244 : vector<4x24x1xf32> to vector<4x24x768xf32>
    %mul3A_252 = arith.mulf %mul3A_250, %mul3A_251 : vector<4x24x768xf32>
    %add3A_253 = arith.addf %mul3A_249, %mul3A_252 : vector<4x24x768xf32>
    %mul3A_254 = vector.broadcast %convert_element_type3A_242 : vector<1x1x768xf32> to vector<4x24x768xf32>
    %mul3A_255 = arith.mulf %add3A_253, %mul3A_254 : vector<4x24x768xf32>
    %add3A_256 = arith.addf %add3A_233, %mul3A_255 : vector<4x24x768xf32>
    %ge3A_257 = arith.constant 512 : i32
    %ge3A_258 = vector.broadcast %ge3A_257 : i32 to vector<1x1x768xi32>
    %ge3A_259 = arith.cmpi sge, %iota3A_77, %ge3A_258 : vector<1x1x768xi32>
    %lt3A_260 = arith.constant 576 : i32
    %lt3A_261 = vector.broadcast %lt3A_260 : i32 to vector<1x1x768xi32>
    %lt3A_262 = arith.cmpi slt, %iota3A_77, %lt3A_261 : vector<1x1x768xi32>
    %and3A_263 = arith.andi %ge3A_259, %lt3A_262 : vector<1x1x768xi1>
    %convert_element_type3A_264 = arith.extui %and3A_263 : vector<1x1x768xi1> to vector<1x1x768xi32>
    %convert_element_type3A_265 = arith.sitofp %convert_element_type3A_264 : vector<1x1x768xi32> to vector<1x1x768xf32>
    %slice3A_266 = vector.extract_strided_slice %get3A_49 {offsets = [0, 192, 0], sizes = [4, 24, 768], strides = [1, 1, 1]} : vector<4x288x768xf32> to vector<4x24x768xf32>
    %slice3A_267 = vector.extract_strided_slice %concatenate3A {offsets = [0, 192, 0], sizes = [4, 24, 1], strides = [1, 1, 1]} : vector<4x288x1xf32> to vector<4x24x1xf32>
    %sub3A_268 = arith.constant 1.000000e+00 : f32
    %sub3A_269 = vector.broadcast %sub3A_268 : f32 to vector<4x24x1xf32>
    %sub3A_270 = arith.subf %sub3A_269, %slice3A_267 : vector<4x24x1xf32>
    %mul3A_271 = vector.broadcast %sub3A_270 : vector<4x24x1xf32> to vector<4x24x768xf32>
    %mul3A_272 = arith.mulf %slice3A_266, %mul3A_271 : vector<4x24x768xf32>
    %mul3A_273 = vector.broadcast %div3A_76 : vector<4x1x768xf32> to vector<4x24x768xf32>
    %mul3A_274 = vector.broadcast %slice3A_267 : vector<4x24x1xf32> to vector<4x24x768xf32>
    %mul3A_275 = arith.mulf %mul3A_273, %mul3A_274 : vector<4x24x768xf32>
    %add3A_276 = arith.addf %mul3A_272, %mul3A_275 : vector<4x24x768xf32>
    %mul3A_277 = vector.broadcast %convert_element_type3A_265 : vector<1x1x768xf32> to vector<4x24x768xf32>
    %mul3A_278 = arith.mulf %add3A_276, %mul3A_277 : vector<4x24x768xf32>
    %add3A_279 = arith.addf %add3A_256, %mul3A_278 : vector<4x24x768xf32>
    %ge3A_280 = arith.constant 576 : i32
    %ge3A_281 = vector.broadcast %ge3A_280 : i32 to vector<1x1x768xi32>
    %ge3A_282 = arith.cmpi sge, %iota3A_77, %ge3A_281 : vector<1x1x768xi32>
    %lt3A_283 = arith.constant 640 : i32
    %lt3A_284 = vector.broadcast %lt3A_283 : i32 to vector<1x1x768xi32>
    %lt3A_285 = arith.cmpi slt, %iota3A_77, %lt3A_284 : vector<1x1x768xi32>
    %and3A_286 = arith.andi %ge3A_282, %lt3A_285 : vector<1x1x768xi1>
    %convert_element_type3A_287 = arith.extui %and3A_286 : vector<1x1x768xi1> to vector<1x1x768xi32>
    %convert_element_type3A_288 = arith.sitofp %convert_element_type3A_287 : vector<1x1x768xi32> to vector<1x1x768xf32>
    %slice3A_289 = vector.extract_strided_slice %get3A_49 {offsets = [0, 216, 0], sizes = [4, 24, 768], strides = [1, 1, 1]} : vector<4x288x768xf32> to vector<4x24x768xf32>
    %slice3A_290 = vector.extract_strided_slice %concatenate3A {offsets = [0, 216, 0], sizes = [4, 24, 1], strides = [1, 1, 1]} : vector<4x288x1xf32> to vector<4x24x1xf32>
    %sub3A_291 = arith.constant 1.000000e+00 : f32
    %sub3A_292 = vector.broadcast %sub3A_291 : f32 to vector<4x24x1xf32>
    %sub3A_293 = arith.subf %sub3A_292, %slice3A_290 : vector<4x24x1xf32>
    %mul3A_294 = vector.broadcast %sub3A_293 : vector<4x24x1xf32> to vector<4x24x768xf32>
    %mul3A_295 = arith.mulf %slice3A_289, %mul3A_294 : vector<4x24x768xf32>
    %mul3A_296 = vector.broadcast %div3A_76 : vector<4x1x768xf32> to vector<4x24x768xf32>
    %mul3A_297 = vector.broadcast %slice3A_290 : vector<4x24x1xf32> to vector<4x24x768xf32>
    %mul3A_298 = arith.mulf %mul3A_296, %mul3A_297 : vector<4x24x768xf32>
    %add3A_299 = arith.addf %mul3A_295, %mul3A_298 : vector<4x24x768xf32>
    %mul3A_300 = vector.broadcast %convert_element_type3A_288 : vector<1x1x768xf32> to vector<4x24x768xf32>
    %mul3A_301 = arith.mulf %add3A_299, %mul3A_300 : vector<4x24x768xf32>
    %add3A_302 = arith.addf %add3A_279, %mul3A_301 : vector<4x24x768xf32>
    %ge3A_303 = arith.constant 640 : i32
    %ge3A_304 = vector.broadcast %ge3A_303 : i32 to vector<1x1x768xi32>
    %ge3A_305 = arith.cmpi sge, %iota3A_77, %ge3A_304 : vector<1x1x768xi32>
    %lt3A_306 = arith.constant 704 : i32
    %lt3A_307 = vector.broadcast %lt3A_306 : i32 to vector<1x1x768xi32>
    %lt3A_308 = arith.cmpi slt, %iota3A_77, %lt3A_307 : vector<1x1x768xi32>
    %and3A_309 = arith.andi %ge3A_305, %lt3A_308 : vector<1x1x768xi1>
    %convert_element_type3A_310 = arith.extui %and3A_309 : vector<1x1x768xi1> to vector<1x1x768xi32>
    %convert_element_type3A_311 = arith.sitofp %convert_element_type3A_310 : vector<1x1x768xi32> to vector<1x1x768xf32>
    %slice3A_312 = vector.extract_strided_slice %get3A_49 {offsets = [0, 240, 0], sizes = [4, 24, 768], strides = [1, 1, 1]} : vector<4x288x768xf32> to vector<4x24x768xf32>
    %slice3A_313 = vector.extract_strided_slice %concatenate3A {offsets = [0, 240, 0], sizes = [4, 24, 1], strides = [1, 1, 1]} : vector<4x288x1xf32> to vector<4x24x1xf32>
    %sub3A_314 = arith.constant 1.000000e+00 : f32
    %sub3A_315 = vector.broadcast %sub3A_314 : f32 to vector<4x24x1xf32>
    %sub3A_316 = arith.subf %sub3A_315, %slice3A_313 : vector<4x24x1xf32>
    %mul3A_317 = vector.broadcast %sub3A_316 : vector<4x24x1xf32> to vector<4x24x768xf32>
    %mul3A_318 = arith.mulf %slice3A_312, %mul3A_317 : vector<4x24x768xf32>
    %mul3A_319 = vector.broadcast %div3A_76 : vector<4x1x768xf32> to vector<4x24x768xf32>
    %mul3A_320 = vector.broadcast %slice3A_313 : vector<4x24x1xf32> to vector<4x24x768xf32>
    %mul3A_321 = arith.mulf %mul3A_319, %mul3A_320 : vector<4x24x768xf32>
    %add3A_322 = arith.addf %mul3A_318, %mul3A_321 : vector<4x24x768xf32>
    %mul3A_323 = vector.broadcast %convert_element_type3A_311 : vector<1x1x768xf32> to vector<4x24x768xf32>
    %mul3A_324 = arith.mulf %add3A_322, %mul3A_323 : vector<4x24x768xf32>
    %add3A_325 = arith.addf %add3A_302, %mul3A_324 : vector<4x24x768xf32>
    %ge3A_326 = arith.constant 704 : i32
    %ge3A_327 = vector.broadcast %ge3A_326 : i32 to vector<1x1x768xi32>
    %ge3A_328 = arith.cmpi sge, %iota3A_77, %ge3A_327 : vector<1x1x768xi32>
    %lt3A_329 = arith.constant 768 : i32
    %lt3A_330 = vector.broadcast %lt3A_329 : i32 to vector<1x1x768xi32>
    %lt3A_331 = arith.cmpi slt, %iota3A_77, %lt3A_330 : vector<1x1x768xi32>
    %and3A_332 = arith.andi %ge3A_328, %lt3A_331 : vector<1x1x768xi1>
    %convert_element_type3A_333 = arith.extui %and3A_332 : vector<1x1x768xi1> to vector<1x1x768xi32>
    %convert_element_type3A_334 = arith.sitofp %convert_element_type3A_333 : vector<1x1x768xi32> to vector<1x1x768xf32>
    %slice3A_335 = vector.extract_strided_slice %get3A_49 {offsets = [0, 264, 0], sizes = [4, 24, 768], strides = [1, 1, 1]} : vector<4x288x768xf32> to vector<4x24x768xf32>
    %slice3A_336 = vector.extract_strided_slice %concatenate3A {offsets = [0, 264, 0], sizes = [4, 24, 1], strides = [1, 1, 1]} : vector<4x288x1xf32> to vector<4x24x1xf32>
    %sub3A_337 = arith.constant 1.000000e+00 : f32
    %sub3A_338 = vector.broadcast %sub3A_337 : f32 to vector<4x24x1xf32>
    %sub3A_339 = arith.subf %sub3A_338, %slice3A_336 : vector<4x24x1xf32>
    %mul3A_340 = vector.broadcast %sub3A_339 : vector<4x24x1xf32> to vector<4x24x768xf32>
    %mul3A_341 = arith.mulf %slice3A_335, %mul3A_340 : vector<4x24x768xf32>
    %mul3A_342 = vector.broadcast %div3A_76 : vector<4x1x768xf32> to vector<4x24x768xf32>
    %mul3A_343 = vector.broadcast %slice3A_336 : vector<4x24x1xf32> to vector<4x24x768xf32>
    %mul3A_344 = arith.mulf %mul3A_342, %mul3A_343 : vector<4x24x768xf32>
    %add3A_345 = arith.addf %mul3A_341, %mul3A_344 : vector<4x24x768xf32>
    %mul3A_346 = vector.broadcast %convert_element_type3A_334 : vector<1x1x768xf32> to vector<4x24x768xf32>
    %mul3A_347 = arith.mulf %add3A_345, %mul3A_346 : vector<4x24x768xf32>
    %add3A_348 = arith.addf %add3A_325, %mul3A_347 : vector<4x24x768xf32>
    %reshape3A = vector.shape_cast %add3A_348 : vector<4x24x768xf32> to vector<96x768xf32>
    %get3A_349 = arith.constant 0 : index
    %get3A_350 = arith.constant 0 : index
    %get3A_351 = vector.load %arg5[%get3A_349, %get3A_350] : memref<768x768xf32, #tpu.memory_space<vmem>>, vector<768x768xf32>
    %dot_general3A_352 = arith.constant dense<0.000000e+00> : vector<96x768xf32>
    %dot_general3A_353 = tpu.matmul %reshape3A, %get3A_351, %dot_general3A_352 {dimension_numbers = #tpu.dot_dimension_numbers<[1], [1], [0], [0], [0, 0, 1, 0], [], []>, transpose_lhs_hint = false} : vector<96x768xf32>, vector<768x768xf32>, vector<96x768xf32> -> vector<96x768xf32>
    %get3A_354 = arith.constant 0 : index
    %get3A_355 = vector.load %arg6[%get3A_354] : memref<768xf32, #tpu.memory_space<vmem>>, vector<768xf32>
    %broadcast_in_dim3A_356 = vector.shape_cast %get3A_355 : vector<768xf32> to vector<1x768xf32>
    %add3A_357 = vector.broadcast %broadcast_in_dim3A_356 : vector<1x768xf32> to vector<96x768xf32>
    %add3A_358 = arith.addf %dot_general3A_353, %add3A_357 : vector<96x768xf32>
    %add3A_359 = arith.addf %add3A_358, %add3A_358 : vector<96x768xf32>
    %get3A_360 = arith.constant 0 : index
    %get3A_361 = vector.load %arg11[%get3A_360] : memref<768xf32, #tpu.memory_space<vmem>>, vector<768xf32>
    %get3A_362 = arith.constant 0 : index
    %get3A_363 = vector.load %arg12[%get3A_362] : memref<768xf32, #tpu.memory_space<vmem>>, vector<768xf32>
    %reduce_sum3A = arith.constant dense<0.000000e+00> : vector<96xf32>
    %reduce_sum3A_364 = vector.multi_reduction <add>, %add3A_359, %reduce_sum3A [1] : vector<96x768xf32> to vector<96xf32>
    %broadcast_in_dim3A_365 = vector.shape_cast %reduce_sum3A_364 : vector<96xf32> to vector<96x1xf32>
    %div3A_366 = arith.constant 7.680000e+02 : f32
    %div3A_367 = vector.broadcast %div3A_366 : f32 to vector<96x1xf32>
    %div3A_368 = arith.divf %broadcast_in_dim3A_365, %div3A_367 : vector<96x1xf32>
    %sub3A_369 = vector.broadcast %div3A_368 : vector<96x1xf32> to vector<96x768xf32>
    %sub3A_370 = arith.subf %add3A_359, %sub3A_369 : vector<96x768xf32>
    %integer_pow3A = arith.mulf %sub3A_370, %sub3A_370 : vector<96x768xf32>
    %reduce_sum3A_371 = arith.constant dense<0.000000e+00> : vector<96xf32>
    %reduce_sum3A_372 = vector.multi_reduction <add>, %integer_pow3A, %reduce_sum3A_371 [1] : vector<96x768xf32> to vector<96xf32>
    %broadcast_in_dim3A_373 = vector.shape_cast %reduce_sum3A_372 : vector<96xf32> to vector<96x1xf32>
    %div3A_374 = arith.constant 7.680000e+02 : f32
    %div3A_375 = vector.broadcast %div3A_374 : f32 to vector<96x1xf32>
    %div3A_376 = arith.divf %broadcast_in_dim3A_373, %div3A_375 : vector<96x1xf32>
    %sub3A_377 = vector.broadcast %div3A_368 : vector<96x1xf32> to vector<96x768xf32>
    %sub3A_378 = arith.subf %add3A_359, %sub3A_377 : vector<96x768xf32>
    %add3A_379 = arith.constant 9.99999974E-6 : f32
    %add3A_380 = vector.broadcast %add3A_379 : f32 to vector<96x1xf32>
    %add3A_381 = arith.addf %div3A_376, %add3A_380 : vector<96x1xf32>
    %sqrt3A = math.sqrt %add3A_381 : vector<96x1xf32>
    %div3A_382 = vector.broadcast %sqrt3A : vector<96x1xf32> to vector<96x768xf32>
    %div3A_383 = arith.divf %sub3A_378, %div3A_382 : vector<96x768xf32>
    %broadcast_in_dim3A_384 = vector.shape_cast %get3A_361 : vector<768xf32> to vector<1x768xf32>
    %mul3A_385 = vector.broadcast %broadcast_in_dim3A_384 : vector<1x768xf32> to vector<96x768xf32>
    %mul3A_386 = arith.mulf %div3A_383, %mul3A_385 : vector<96x768xf32>
    %broadcast_in_dim3A_387 = vector.shape_cast %get3A_363 : vector<768xf32> to vector<1x768xf32>
    %add3A_388 = vector.broadcast %broadcast_in_dim3A_387 : vector<1x768xf32> to vector<96x768xf32>
    %add3A_389 = arith.addf %mul3A_386, %add3A_388 : vector<96x768xf32>
    %get3A_390 = arith.constant 0 : index
    %get3A_391 = arith.constant 0 : index
    %get3A_392 = vector.load %arg7[%get3A_390, %get3A_391] : memref<3072x768xf32, #tpu.memory_space<vmem>>, vector<3072x768xf32>
    %dot_general3A_393 = arith.constant dense<0.000000e+00> : vector<96x3072xf32>
    %dot_general3A_394 = tpu.matmul %add3A_389, %get3A_392, %dot_general3A_393 {dimension_numbers = #tpu.dot_dimension_numbers<[1], [1], [0], [0], [0, 0, 1, 0], [], []>, transpose_lhs_hint = false} : vector<96x768xf32>, vector<3072x768xf32>, vector<96x3072xf32> -> vector<96x3072xf32>
    %get3A_395 = arith.constant 0 : index
    %get3A_396 = vector.load %arg8[%get3A_395] : memref<3072xf32, #tpu.memory_space<vmem>>, vector<3072xf32>
    %broadcast_in_dim3A_397 = vector.shape_cast %get3A_396 : vector<3072xf32> to vector<1x3072xf32>
    %add3A_398 = vector.broadcast %broadcast_in_dim3A_397 : vector<1x3072xf32> to vector<96x3072xf32>
    %add3A_399 = arith.addf %dot_general3A_394, %add3A_398 : vector<96x3072xf32>
    %max3A = arith.constant 0.000000e+00 : f32
    %max3A_400 = vector.broadcast %max3A : f32 to vector<96x3072xf32>
    %max3A_401 = arith.maximumf %add3A_399, %max3A_400 : vector<96x3072xf32>
    %get3A_402 = arith.constant 0 : index
    %get3A_403 = arith.constant 0 : index
    %get3A_404 = vector.load %arg9[%get3A_402, %get3A_403] : memref<768x3072xf32, #tpu.memory_space<vmem>>, vector<768x3072xf32>
    %dot_general3A_405 = arith.constant dense<0.000000e+00> : vector<96x768xf32>
    %dot_general3A_406 = tpu.matmul %max3A_401, %get3A_404, %dot_general3A_405 {dimension_numbers = #tpu.dot_dimension_numbers<[1], [1], [0], [0], [0, 0, 1, 0], [], []>, transpose_lhs_hint = false} : vector<96x3072xf32>, vector<768x3072xf32>, vector<96x768xf32> -> vector<96x768xf32>
    %get3A_407 = arith.constant 0 : index
    %get3A_408 = vector.load %arg10[%get3A_407] : memref<768xf32, #tpu.memory_space<vmem>>, vector<768xf32>
    %broadcast_in_dim3A_409 = vector.shape_cast %get3A_408 : vector<768xf32> to vector<1x768xf32>
    %add3A_410 = vector.broadcast %broadcast_in_dim3A_409 : vector<1x768xf32> to vector<96x768xf32>
    %add3A_411 = arith.addf %dot_general3A_406, %add3A_410 : vector<96x768xf32>
    %add3A_412 = arith.addf %add3A_389, %add3A_411 : vector<96x768xf32>
    %get3A_413 = arith.constant 0 : index
    %get3A_414 = vector.load %arg13[%get3A_413] : memref<768xf32, #tpu.memory_space<vmem>>, vector<768xf32>
    %get3A_415 = arith.constant 0 : index
    %get3A_416 = vector.load %arg14[%get3A_415] : memref<768xf32, #tpu.memory_space<vmem>>, vector<768xf32>
    %reduce_sum3A_417 = arith.constant dense<0.000000e+00> : vector<96xf32>
    %reduce_sum3A_418 = vector.multi_reduction <add>, %add3A_412, %reduce_sum3A_417 [1] : vector<96x768xf32> to vector<96xf32>
    %broadcast_in_dim3A_419 = vector.shape_cast %reduce_sum3A_418 : vector<96xf32> to vector<96x1xf32>
    %div3A_420 = arith.constant 7.680000e+02 : f32
    %div3A_421 = vector.broadcast %div3A_420 : f32 to vector<96x1xf32>
    %div3A_422 = arith.divf %broadcast_in_dim3A_419, %div3A_421 : vector<96x1xf32>
    %sub3A_423 = vector.broadcast %div3A_422 : vector<96x1xf32> to vector<96x768xf32>
    %sub3A_424 = arith.subf %add3A_412, %sub3A_423 : vector<96x768xf32>
    %integer_pow3A_425 = arith.mulf %sub3A_424, %sub3A_424 : vector<96x768xf32>
    %reduce_sum3A_426 = arith.constant dense<0.000000e+00> : vector<96xf32>
    %reduce_sum3A_427 = vector.multi_reduction <add>, %integer_pow3A_425, %reduce_sum3A_426 [1] : vector<96x768xf32> to vector<96xf32>
    %broadcast_in_dim3A_428 = vector.shape_cast %reduce_sum3A_427 : vector<96xf32> to vector<96x1xf32>
    %div3A_429 = arith.constant 7.680000e+02 : f32
    %div3A_430 = vector.broadcast %div3A_429 : f32 to vector<96x1xf32>
    %div3A_431 = arith.divf %broadcast_in_dim3A_428, %div3A_430 : vector<96x1xf32>
    %sub3A_432 = vector.broadcast %div3A_422 : vector<96x1xf32> to vector<96x768xf32>
    %sub3A_433 = arith.subf %add3A_412, %sub3A_432 : vector<96x768xf32>
    %add3A_434 = arith.constant 9.99999974E-6 : f32
    %add3A_435 = vector.broadcast %add3A_434 : f32 to vector<96x1xf32>
    %add3A_436 = arith.addf %div3A_431, %add3A_435 : vector<96x1xf32>
    %sqrt3A_437 = math.sqrt %add3A_436 : vector<96x1xf32>
    %div3A_438 = vector.broadcast %sqrt3A_437 : vector<96x1xf32> to vector<96x768xf32>
    %div3A_439 = arith.divf %sub3A_433, %div3A_438 : vector<96x768xf32>
    %broadcast_in_dim3A_440 = vector.shape_cast %get3A_414 : vector<768xf32> to vector<1x768xf32>
    %mul3A_441 = vector.broadcast %broadcast_in_dim3A_440 : vector<1x768xf32> to vector<96x768xf32>
    %mul3A_442 = arith.mulf %div3A_439, %mul3A_441 : vector<96x768xf32>
    %broadcast_in_dim3A_443 = vector.shape_cast %get3A_416 : vector<768xf32> to vector<1x768xf32>
    %add3A_444 = vector.broadcast %broadcast_in_dim3A_443 : vector<1x768xf32> to vector<96x768xf32>
    %add3A_445 = arith.addf %mul3A_442, %add3A_444 : vector<96x768xf32>
    %get3A_446 = arith.constant 0 : index
    %get3A_447 = arith.constant 0 : index
    %get3A_448 = vector.load %arg15[%get3A_446, %get3A_447] : memref<8x768xf32, #tpu.memory_space<vmem>>, vector<8x768xf32>
    %dot_general3A_449 = arith.constant dense<0.000000e+00> : vector<96x8xf32>
    %dot_general3A_450 = tpu.matmul %add3A_445, %get3A_448, %dot_general3A_449 {dimension_numbers = #tpu.dot_dimension_numbers<[1], [1], [0], [0], [0, 0, 1, 0], [], []>, transpose_lhs_hint = false} : vector<96x768xf32>, vector<8x768xf32>, vector<96x8xf32> -> vector<96x8xf32>
    %swap3A = arith.constant 0 : index
    %swap3A_451 = arith.constant 0 : index
    %swap3A_452 = vector.load %arg17[%swap3A, %swap3A_451] : memref<96x768xf32, #tpu.memory_space<vmem>>, vector<96x768xf32>
    tpu.vector_store %arg17[%swap3A, %swap3A_451], %add3A_445 {strides = array<i32>} : memref<96x768xf32, #tpu.memory_space<vmem>>, vector<96x768xf32>,
    %swap3A_453 = arith.constant 0 : index
    %swap3A_454 = arith.constant 0 : index
    %swap3A_455 = vector.load %arg16[%swap3A_453, %swap3A_454] : memref<96x8xf32, #tpu.memory_space<vmem>>, vector<96x8xf32>
    tpu.vector_store %arg16[%swap3A_453, %swap3A_454], %dot_general3A_450 {strides = array<i32>} : memref<96x8xf32, #tpu.memory_space<vmem>>, vector<96x8xf32>,
    return
  }
}

</mosaic_0001>

<sc_bundles>
// kernel: kernel.6.cloned.1.call-start
scs
__scs_entry_jumppad:
0x0: {  	(pc) =	sbr.rel $0x88, $3  }
0x1: {  	(tag) =	ssettag $0x0;
	lr =	simm.s32 $0x1  }
0x2: {  	[smem:$0x3F8F] =	sst lr;
	_ =	strace $0xD0000000  }
0x3: {  	_ = 	snop  }
0x4: {  	_ = 	snop  }
0x5: {  	_ = 	snop  }
0x6: {  	_ = 	snop  }
0x7: {  	_ = 	snop  }
__scs_overlays_trampoline_lowered:
0x8: {  	[smem:$0x3F9E] =	sst s0  }
0x9: {  	[smem:$0x3F9F] =	sst s1  }
0xa: {  	[smem:$0x3FA0] =	sst s2  }
0xb: {  	[smem:$0x3FA1] =	sst s3  }
0xc: {  	[smem:$0x3FA2] =	sst s4  }
0xd: {  	[smem:$0x3FA3] =	sst s5  }
0xe: {  	[smem:$0x3FA4] =	sst s6  }
0xf: {  	[smem:$0x3FA5] =	sst s7  }
0x10: {  	[smem:$0x3FA6] =	sst s8  }
0x11: {  	[smem:$0x3FA7] =	sst s9;
	s0 =	simm.s32 @!p0 $0x0  }
0x12: {  	s1 =	sld [smem:$0x3F8D];
	s0 =	simm.s32 @p0 $0x1  }
0x13: {  	[smem:$0x3FA8] =	sst s0;
	s0 =	simm.s32 @!p1 $0x0  }
0x14: {  	s2 =	sld [smem:$0x3F8C];
	s0 =	simm.s32 @p1 $0x1  }
0x15: {  	[smem:$0x3FA9] =	sst s0;
	s0 =	simm.s32 @!p2 $0x0  }
0x16: {  	s3 =	sld [smem:$0x3FDB];
	s0 =	simm.s32 @p2 $0x1  }
0x17: {  	s4 =	simm.s32 $0x1BF5;
	[smem:$0x3FAB] =	sst s0  }
0x18: {  	s0 =	sld [smem:$0x3F8E];
	_ =	swait.ge [sflag:s4], $0x0  }
0x19: {  	s7 =	sld [smem:$0x3F8F]  }
0x1a: {  	s8 =	sadd.s32 $0xFFFFE003, lr  }
0x1b: {  	s9 =	sadd.s32 $0xFFFFFEF7, lr;
	s5 =	simm.s32 $0xFFFFFFFF;
	p2 =	slt.u32 s8, $0xFFFFF086  }
0x1c: {  	p1 =	slt.u32 s9, $0xF7A;
	s5 =	simm.s32 @!p2 $0x0  }
0x1d: {  	s5 =	simm.s32 @p1 $0x1;
	p0 =	seq.s32 s7, s2  }
0x1e: {  	s7 =	smul.u32 @!p0 $0xF7A, s2;
	p2 =	seq.s32 @!p0 s5, $0x0  }
0x1f: {  	s9 =	smul.u32 $0xF7A, s1;
	s8 =	simm.s32 @!p0 $0x1BF5;
	p2 =	por !p2, p0  }
0x20: {  	[sflag:s8] =	ssyncset.s32 @!p0 $0xFFFFF086;
	s6 =	sadd.s32 @!p0 s3, s7;
	s7 =	simm.s32 @!p0 $0x108  }
0x21: {  	s3 =	sadd.s32 s3, s9;
	s6 =	sadd.s32 @!p0 $0x88, s6;
	s7 =	simm.s32 @p2 $0x1082  }
0x22: {  	[simem:s7], [sflag:s8] =	dma.local @!p0 [hbm:s6], $0xF7A  }
0x23: {  	s9 =	sor.u32 $0xD0000000, s2;
	s6 =	simm.s32 $0x108;
	_ =	swait.ge @!p0 [sflag:s8], $0x0  }
0x24: {  	s3 =	sadd.s32 $0x88, s3;
	s6 =	simm.s32 @!p1 $0x1082;
	[sflag:s4] =	ssyncset.s32 $0xFFFFF086  }
0x25: {  	[simem:s6], [sflag:s4] =	dma.local [hbm:s3], $0xF7A  }
0x26: {  	[smem:$0x3F8F] =	sst s1;
	(tag) =	ssettag s2;
	_ =	strace s9  }
0x27: {  	s1 =	sld [smem:$0x3F9F]  }
0x28: {  	s2 =	sld [smem:$0x3FA0]  }
0x29: {  	s4 =	sld [smem:$0x3FA2]  }
0x2a: {  	p0 =	seq.s32 s5, $0x0;
	s5 =	sld [smem:$0x3FA3]  }
0x2b: {  	s6 =	sld [smem:$0x3FA4]  }
0x2c: {  	s7 =	sld [smem:$0x3FA5]  }
0x2d: {  	s3 =	simm.s32 $0x108;
	s8 =	sld [smem:$0x3FA6]  }
0x2e: {  	s3 =	simm.s32 @!p0 $0x1082;
	s9 =	sld [smem:$0x3FA7]  }
0x2f: {  	lr =	sadd.s32 s0, s3;
	s0 =	sld [smem:$0x3F9E]  }
0x30: {  	s3 =	sld [smem:$0x3FA1]  }
0x31: {  	[smem:$0x3FAA] =	sst s10  }
0x32: {  	s10 =	sld [smem:$0x3FA8];
	_ =	sdelay $0x3  }
0x33: {  	p0 =	seq.s32 s10, $0x1;
	s10 =	sld [smem:$0x3FAA];
	_ =	sdelay $0x3  }
0x34: {  	[smem:$0x3FAA] =	sst s10  }
0x35: {  	s10 =	sld [smem:$0x3FA9];
	_ =	sdelay $0x3  }
0x36: {  	p1 =	seq.s32 s10, $0x1;
	s10 =	sld [smem:$0x3FAA];
	_ =	sdelay $0x3  }
0x37: {  	[smem:$0x3FAA] =	sst s10  }
0x38: {  	s10 =	sld [smem:$0x3FAB]  }
0x39: {  	_ = 	snop;
	(pc) =	sbr.ind lr, $3  }
0x3a: {  	_ = 	snop  }
0x3b: {  	_ = 	snop  }
0x3c: {  	p2 =	seq.s32 s10, $0x1;
	s10 =	sld [smem:$0x3FAA]  }
0x3d: {  	_ =	shalt  }
0x3e: {  	_ =	shalt  }
0x3f: {  	_ =	shalt  }
0x40: {  	_ =	shalt  }
0x41: {  	_ =	shalt  }
0x42: {  	_ =	shalt  }
0x43: {  	_ =	shalt  }
0x44: {  	_ =	shalt  }
0x45: {  	_ =	shalt  }
0x46: {  	_ =	shalt  }
0x47: {  	_ =	shalt  }
0x48: {  	_ =	shalt  }
0x49: {  	_ =	shalt  }
0x4a: {  	_ =	shalt  }
0x4b: {  	_ =	shalt  }
0x4c: {  	_ =	shalt  }
0x4d: {  	_ =	shalt  }
0x4e: {  	_ =	shalt  }
0x4f: {  	_ =	shalt  }
0x50: {  	_ =	shalt  }
0x51: {  	_ =	shalt  }
0x52: {  	_ =	shalt  }
0x53: {  	_ =	shalt  }
0x54: {  	_ =	shalt  }
0x55: {  	_ =	shalt  }
0x56: {  	_ =	shalt  }
0x57: {  	_ =	shalt  }
0x58: {  	_ =	shalt  }
0x59: {  	_ =	shalt  }
0x5a: {  	_ =	shalt  }
0x5b: {  	_ =	shalt  }
0x5c: {  	_ =	shalt  }
0x5d: {  	_ =	shalt  }
0x5e: {  	_ =	shalt  }
0x5f: {  	_ =	shalt  }
0x60: {  	_ =	shalt  }
0x61: {  	_ =	shalt  }
0x62: {  	_ =	shalt  }
0x63: {  	_ =	shalt  }
0x64: {  	_ =	shalt  }
0x65: {  	_ =	shalt  }
0x66: {  	_ =	shalt  }
0x67: {  	_ =	shalt  }
0x68: {  	_ =	shalt  }
0x69: {  	_ =	shalt  }
0x6a: {  	_ =	shalt  }
0x6b: {  	_ =	shalt  }
0x6c: {  	_ =	shalt  }
0x6d: {  	_ =	shalt  }
0x6e: {  	_ =	shalt  }
0x6f: {  	_ =	shalt  }
0x70: {  	_ =	shalt  }
0x71: {  	_ =	shalt  }
0x72: {  	_ =	shalt  }
0x73: {  	_ =	shalt  }
0x74: {  	_ =	shalt  }
0x75: {  	_ =	shalt  }
0x76: {  	_ =	shalt  }
0x77: {  	_ =	shalt  }
0x78: {  	_ =	shalt  }
0x79: {  	_ =	shalt  }
0x7a: {  	_ =	shalt  }
0x7b: {  	_ =	shalt  }
0x7c: {  	_ =	shalt  }
0x7d: {  	_ =	shalt  }
0x7e: {  	_ =	shalt  }
0x7f: {  	_ =	shalt  }
0x80: {  	_ =	shalt  }
0x81: {  	_ =	shalt  }
0x82: {  	_ =	shalt  }
0x83: {  	_ =	shalt  }
0x84: {  	_ =	shalt  }
0x85: {  	_ =	shalt  }
0x86: {  	_ =	shalt  }
0x87: {  	_ =	shalt  }
.Lfunc_end0:
.L_simem_size_0:
called_computation_lowered:
.L_overlay_start_0:
0x88: {  	s2 =	sld [smem:$0x3FD9]  }
0x89: {  	s3 =	sld [smem:$0x3FFE];
	_ =	sdelay $0x1  }
0x8a: {  	s1 =	srdreg.scid  }
0x8b: {  	s0 =	sand.u32 $0x1, s1  }
0x8c: {  	s14 =	sshll.u32 s0, $0xA;
	s2 =	sadd.s32 s3, s2  }
0x8d: {  	s2 =	sadd.s32 s2, s14  }
0x8e: {  	[smem:$0x3FB6] =	sst s2  }
0x8f: {  	_ = 	snop  }
0x90: {  	s2 =	sld [smem:$0x3FD0];
	_ =	sdelay $0x2  }
0x91: {  	s15 =	simm.s32 $0xA;
	s4 =	simm.s32 $0x10  }
0x92: {  	[smem:s4], [sflag:s15] =	dma.local [hbm:s2], $0x1  }
0x93: {  	_ =	swait.eq [sflag:s15], $0x1  }
0x94: {  	[sflag:s15] =	ssyncset.done $0x0  }
0x95: {  	[sflag:s15] =	ssyncadd.s32 $0xFFFFFFFF  }
0x96: {  	s16 =	sld [smem:$0x11];
	(tm) =	ssettm $0x1  }
0x97: {  	s17 =	sld [smem:$0x3FFB];
	_ =	sdelay $0x3  }
0x98: {  	_ =	strace s17  }
0x99: {  	s3 =	sld [smem:$0x3FFC];
	_ =	sdelay $0x3  }
0x9a: {  	_ =	strace s3  }
0x9b: {  	s3 =	sld [smem:$0x3FFD];
	_ =	sdelay $0x3  }
0x9c: {  	_ =	strace s3  }
0x9d: {  	_ =	strace $0x8FFFFFFF  }
0x9e: {  	s18 =	sld [smem:$0x3FDB];
	_ =	sdelay $0x1  }
0x9f: {  	s19 =	simm.s32 $_scs_section_size  }
0xa0: {  	s5 =	simm.s32 $_size__tile_overlayer_lowered;
	s6 =	simm.s32 $_tile_overlayer_lowered  }
0xa1: {  	s22 =	simm.s32 $0x1BFF;
	s21 =	sshll.u32 s6, $0x1;
	s3 =	sadd.s32 s19, s18  }
0xa2: {  	s7 =	simm.s32 $0x0;
	s20 =	sshll.u32 s5, $0x1;
	s5 =	sadd.s32 s21, s3  }
0xa3: {  	[timem:s7], [sflag:s22] =	dma.local [hbm:s5], s20  }
0xa4: {  	_ =	swait.ge [sflag:s22], s20  }
0xa5: {  	s4 =	ssub.s32 $0x0, s20;
	[sflag:s22] =	ssyncset.done $0x0  }
0xa6: {  	[sflag:s22] =	ssyncadd.s32 s4;
	_ =	sdelay $0x1  }
0xa7: {  	s23 =	simm.s32 $0x1B8B  }
0xa8: {  	_ =	swait.ge [sflag:s23], $0x1  }
0xa9: {  	[sflag:s23] =	ssyncset.done $0x0  }
0xaa: {  	s25 =	simm.s32 $0x1B8E;
	s24 =	sld [smem:$0x3FFE];
	[sflag:s23] =	ssyncadd.s32 $0xFFFFFFFF  }
0xab: {  	s26 =	simm.s32 $execute0_lowered;
	[smem:$0x3FD2] =	sst s25  }
0xac: {  	s5 =	sshll.u32 s26, $0x1;
	_ =	strace $0x80000046;
	[dreg:$0x1] =	wrdreg $0xFFFFFFFF  }
0xad: {  	s28 =	simm.s32 $_size_execute0_lowered;
	s3 =	sadd.s32 s3, s5;
	[dreg:$0x0] =	wrdreg $0x0  }
0xae: {  	s5 =	sshll.u32 s28, $0x1;
	[dreg:$0x2] =	wrdreg s3  }
0xaf: {  	[dreg:$0x3] =	wrdreg s5  }
0xb0: {  	[dreg:$0x4] =	wrdreg $0xC0  }
0xb1: {  	_ =	task [dreg:s7], $0x5FFFF  }
0xb2: {  	[dreg:$0x1] =	wrdreg $0xFFFFFFFF  }
0xb3: {  	[dreg:$0x0] =	wrdreg $0x60  }
0xb4: {  	[dreg:$0x2] =	wrdreg s24  }
0xb5: {  	[dreg:$0x3] =	wrdreg s16  }
0xb6: {  	[dreg:$0x4] =	wrdreg $0x9  }
0xb7: {  	_ =	task.clear_ibuf [dreg:s7], $0x5FFFF;
	_ =	strace $0x90000046  }
0xb8: {  	s29 =	simm.s32 $0x9;
	_ =	strace $0x80000048  }
0xb9: {  	_ =	swait.ge [sflag:s29], $0x1  }
0xba: {  	[sflag:s29] =	ssyncadd.s32 $0xFFFFFFFF  }
0xbb: {  	_ =	strace $0x90000048  }
0xbc: {  	_ =	sfence  }
0xbd: {  	s30 =	sld [smem:$0x0];
	_ =	sdelay $0x2  }
0xbe: {  	s31 =	sshll.u32 s1, $0xD;
	s1 =	sshrl.u32 s1, $0x2  }
0xbf: {  	s3 =	sand.u32 $0x4000, s31;
	s1 =	sadd.s32 s1, s30  }
0xc0: {  	s0 =	sor.u32 s3, s0;
	s1 =	sshll.u32 s1, $0x11  }
0xc1: {  	s0 =	sor.u32 s1, s0  }
0xc2: {  	s0 =	sadd.s32 $0x8F2B, s0  }
0xc3: {  	[sflag:s0] =	ssyncadd.remote.s32 $0x1  }
0xc4: {  	_ =	sfence.sel $0xFFFF  }
0xc5: {  	[dreg:$0x0] =	wrdreg $0xFFFFFFFF;
	(pc) =	sbr.abs _section_cstart, $3  }
0xc6: {  	[dreg:$0x1] =	wrdreg $0xFFFFFFFF  }
0xc7: {  	_ =	task.clear_ibuf [dreg:s7], $0x2FFFF;
	_ =	strace $0x9FFFFFFF  }
0xc8: {  	(tm) =	ssettm $0x7FFFFFFF  }
0xc9: {  	_ =	shalt  }
tec
execute0_lowered:
.L_overlay_start_1:
0x0: {  	(tag) =	ssettag $0x1  }
0x1: {  	s1 =	srdreg.scid;
	s0 =	stileid.u32  }
0x2: {  	s3 =	sand.u32 $0x1, s1;
	s23 =	sshll.u32 s0, $0x1  }
0x3: {  	s22 =	sor.u32 s3, s23  }
0x4: {  	s4 =	rddreg [dreg:$0x0];
	s5 =	smul.u32 $0x56, s22  }
0x5: {  	s2 =	simm.s32 $0x0;
	s29 =	simm.s32 $0x1;
	s30 =	simm.s32 $0x600  }
0x6: {  	s31 =	simm.s32 $0xE00;
	[smem:$0x7FF] =	sst s2;
	s5 =	sshrl.u32 s5, $0x8  }
0x7: {  	s6 =	sadd.s32 $0x182400, s4;
	s23 =	rddreg [dreg:$0x1];
	s5 =	smul.u32 $0x3, s5  }
0x8: {  	_ =	strace $0x80000047;
	s7 =	ssub.s32 $0x2, s3;
	[dreg:$0x3] =	wrdreg s6  }
0x9: {  	s3 =	sadd.s32 $0x182600, s4;
	s25 =	sshrl.u32 s7, $0x1;
	s24 =	ssub.s32 s22, s5  }
0xa: {  	s25 =	ssub.s32 s7, s25;
	s26 =	sand.u32 $0xFF, s24;
	s24 =	sshll.u32 s22, $0x6  }
0xb: {  	s25 =	smax.u32 s25, $0x1;
	s4 =	sshll.u32 s26, $0x9;
	s23 =	sadd.s32 s23, s24  }
0xc: {  	s5 =	sor.u32 $0x10, s4;
	s6 =	sor.u32 $0x20, s4;
	s7 =	sor.u32 $0x30, s4  }
0xd: {  	s8 =	sor.u32 $0x40, s4;
	s9 =	sor.u32 $0x50, s4;
	s10 =	sor.u32 $0x60, s4  }
0xe: {  	s11 =	sor.u32 $0x70, s4;
	s12 =	sor.u32 $0x80, s4;
	s13 =	sor.u32 $0x90, s4  }
0xf: {  	s14 =	sor.u32 $0xA0, s4;
	s15 =	sor.u32 $0xB0, s4;
	s16 =	sor.u32 $0xC0, s4  }
0x10: {  	s17 =	sor.u32 $0xD0, s4;
	s18 =	sor.u32 $0xE0, s4;
	s19 =	sor.u32 $0xF0, s4  }
0x11: {  	s20 =	sor.u32 $0x100, s4;
	s21 =	sor.u32 $0x110, s4;
	s22 =	sor.u32 $0x120, s4  }
0x12: {  	v0 =	vimm.f32 $0.0e+00;
	s24 =	sor.u32 $0x130, s4;
	s26 =	sor.u32 $0x140, s4;
	s28 =	sor.u32 $0x150, s4  }
.LBB2_1:
0x13: {  	s1 =	rddreg [dreg:$0x3]  }
0x14: {  	[tilespmem:s2], [sflag:$0x1] =	stream.linear.gather [hbm4b:s1+s2], $0x600, $0x38;
	[tilespmem:$0x1000] =	vst v63  }
0x15: {  	_ =	swait.ge [sflag:s29], $0x600  }
0x16: {  	[sflag:s29] =	ssyncset.done $0x0  }
0x17: {  	[sflag:s29] =	ssyncadd.s32 $0xFFFFFA00  }
0x18: {  	[tilespmem:s30], [sflag:$0x1] =	stream.linear.gather [hbm4b:s3+s2], $0x600, $0x38;
	[tilespmem:$0x1000] =	vst v63  }
0x19: {  	_ =	swait.ge [sflag:s29], $0x600  }
0x1a: {  	[sflag:s29] =	ssyncset.done $0x0  }
0x1b: {  	[sflag:s29] =	ssyncadd.s32 $0xFFFFFA00  }
0x1c: {  	v1 =	vld [tilespmem:s4+$0x600];
	_ =	sdelay $0x1  }
0x1d: {  	v2 =	vld [tilespmem:s4+$0x0];
	_ =	sdelay $0x2  }
0x1e: {  	v1 =	vmul.f32 $1.220703130e-04, v1;
	_ =	sdelay $0x1  }
0x1f: {  	v1 =	vsub.f32 v2, v1;
	_ =	sdelay $0x1  }
0x20: {  	[tilespmem:$0xC00] =	vst v1  }
0x21: {  	v2 =	vld [tilespmem:s5+$0x600];
	_ =	sdelay $0x1  }
0x22: {  	v3 =	vld [tilespmem:s5+$0x0];
	_ =	sdelay $0x2  }
0x23: {  	v2 =	vmul.f32 $1.220703130e-04, v2;
	_ =	sdelay $0x1  }
0x24: {  	v2 =	vsub.f32 v3, v2;
	_ =	sdelay $0x1  }
0x25: {  	[tilespmem:$0xC10] =	vst v2  }
0x26: {  	v3 =	vld [tilespmem:s6+$0x600];
	_ =	sdelay $0x1  }
0x27: {  	v4 =	vld [tilespmem:s6+$0x0];
	_ =	sdelay $0x2  }
0x28: {  	v3 =	vmul.f32 $1.220703130e-04, v3;
	_ =	sdelay $0x1  }
0x29: {  	v8 =	vsub.f32 v4, v3;
	_ =	sdelay $0x1  }
0x2a: {  	[tilespmem:$0xC20] =	vst v8  }
0x2b: {  	v3 =	vld [tilespmem:s7+$0x600];
	_ =	sdelay $0x1  }
0x2c: {  	v29 =	vld [tilespmem:s7+$0x0];
	_ =	sdelay $0x2  }
0x2d: {  	v3 =	vmul.f32 $1.220703130e-04, v3;
	_ =	sdelay $0x1  }
0x2e: {  	v11 =	vsub.f32 v29, v3;
	_ =	sdelay $0x1  }
0x2f: {  	[tilespmem:$0xC30] =	vst v11  }
0x30: {  	v3 =	vld [tilespmem:s8+$0x600];
	_ =	sdelay $0x1  }
0x31: {  	v30 =	vld [tilespmem:s8+$0x0];
	_ =	sdelay $0x2  }
0x32: {  	v3 =	vmul.f32 $1.220703130e-04, v3;
	_ =	sdelay $0x1  }
0x33: {  	v12 =	vsub.f32 v30, v3;
	_ =	sdelay $0x1  }
0x34: {  	[tilespmem:$0xC40] =	vst v12  }
0x35: {  	v3 =	vld [tilespmem:s9+$0x600];
	_ =	sdelay $0x1  }
0x36: {  	v31 =	vld [tilespmem:s9+$0x0];
	_ =	sdelay $0x2  }
0x37: {  	v3 =	vmul.f32 $1.220703130e-04, v3;
	_ =	sdelay $0x1  }
0x38: {  	v13 =	vsub.f32 v31, v3;
	_ =	sdelay $0x1  }
0x39: {  	[tilespmem:$0xC50] =	vst v13  }
0x3a: {  	v3 =	vld [tilespmem:s10+$0x600];
	_ =	sdelay $0x1  }
0x3b: {  	v32 =	vld [tilespmem:s10+$0x0];
	_ =	sdelay $0x2  }
0x3c: {  	v3 =	vmul.f32 $1.220703130e-04, v3;
	_ =	sdelay $0x1  }
0x3d: {  	v14 =	vsub.f32 v32, v3;
	_ =	sdelay $0x1  }
0x3e: {  	[tilespmem:$0xC60] =	vst v14  }
0x3f: {  	v3 =	vld [tilespmem:s11+$0x600];
	_ =	sdelay $0x1  }
0x40: {  	v33 =	vld [tilespmem:s11+$0x0];
	_ =	sdelay $0x2  }
0x41: {  	v3 =	vmul.f32 $1.220703130e-04, v3;
	_ =	sdelay $0x1  }
0x42: {  	v15 =	vsub.f32 v33, v3;
	_ =	sdelay $0x1  }
0x43: {  	[tilespmem:$0xC70] =	vst v15  }
0x44: {  	v3 =	vld [tilespmem:s12+$0x600];
	_ =	sdelay $0x1  }
0x45: {  	v34 =	vld [tilespmem:s12+$0x0];
	_ =	sdelay $0x2  }
0x46: {  	v3 =	vmul.f32 $1.220703130e-04, v3;
	_ =	sdelay $0x1  }
0x47: {  	v16 =	vsub.f32 v34, v3;
	_ =	sdelay $0x1  }
0x48: {  	[tilespmem:$0xC80] =	vst v16  }
0x49: {  	v3 =	vld [tilespmem:s13+$0x600];
	_ =	sdelay $0x1  }
0x4a: {  	v35 =	vld [tilespmem:s13+$0x0];
	_ =	sdelay $0x2  }
0x4b: {  	v3 =	vmul.f32 $1.220703130e-04, v3;
	_ =	sdelay $0x1  }
0x4c: {  	v17 =	vsub.f32 v35, v3;
	_ =	sdelay $0x1  }
0x4d: {  	[tilespmem:$0xC90] =	vst v17  }
0x4e: {  	v3 =	vld [tilespmem:s14+$0x600];
	_ =	sdelay $0x1  }
0x4f: {  	v36 =	vld [tilespmem:s14+$0x0];
	_ =	sdelay $0x2  }
0x50: {  	v3 =	vmul.f32 $1.220703130e-04, v3;
	_ =	sdelay $0x1  }
0x51: {  	v18 =	vsub.f32 v36, v3;
	_ =	sdelay $0x1  }
0x52: {  	[tilespmem:$0xCA0] =	vst v18  }
0x53: {  	v3 =	vld [tilespmem:s15+$0x600];
	_ =	sdelay $0x1  }
0x54: {  	v37 =	vld [tilespmem:s15+$0x0];
	_ =	sdelay $0x2  }
0x55: {  	v3 =	vmul.f32 $1.220703130e-04, v3;
	_ =	sdelay $0x1  }
0x56: {  	v19 =	vsub.f32 v37, v3;
	_ =	sdelay $0x1  }
0x57: {  	[tilespmem:$0xCB0] =	vst v19  }
0x58: {  	v3 =	vld [tilespmem:s16+$0x600];
	_ =	sdelay $0x1  }
0x59: {  	v38 =	vld [tilespmem:s16+$0x0];
	_ =	sdelay $0x2  }
0x5a: {  	v3 =	vmul.f32 $1.220703130e-04, v3;
	_ =	sdelay $0x1  }
0x5b: {  	v20 =	vsub.f32 v38, v3;
	_ =	sdelay $0x1  }
0x5c: {  	[tilespmem:$0xCC0] =	vst v20  }
0x5d: {  	v3 =	vld [tilespmem:s17+$0x600];
	_ =	sdelay $0x1  }
0x5e: {  	v39 =	vld [tilespmem:s17+$0x0];
	_ =	sdelay $0x2  }
0x5f: {  	v3 =	vmul.f32 $1.220703130e-04, v3;
	_ =	sdelay $0x1  }
0x60: {  	v21 =	vsub.f32 v39, v3;
	_ =	sdelay $0x1  }
0x61: {  	[tilespmem:$0xCD0] =	vst v21  }
0x62: {  	v3 =	vld [tilespmem:s18+$0x600];
	_ =	sdelay $0x1  }
0x63: {  	v40 =	vld [tilespmem:s18+$0x0];
	_ =	sdelay $0x2  }
0x64: {  	v3 =	vmul.f32 $1.220703130e-04, v3;
	_ =	sdelay $0x1  }
0x65: {  	v22 =	vsub.f32 v40, v3;
	_ =	sdelay $0x1  }
0x66: {  	[tilespmem:$0xCE0] =	vst v22  }
0x67: {  	v3 =	vld [tilespmem:s19+$0x600];
	_ =	sdelay $0x1  }
0x68: {  	v41 =	vld [tilespmem:s19+$0x0];
	_ =	sdelay $0x2  }
0x69: {  	v3 =	vmul.f32 $1.220703130e-04, v3;
	_ =	sdelay $0x1  }
0x6a: {  	v10 =	vsub.f32 v41, v3;
	_ =	sdelay $0x1  }
0x6b: {  	[tilespmem:$0xCF0] =	vst v10  }
0x6c: {  	v3 =	vld [tilespmem:s20+$0x600];
	_ =	sdelay $0x1  }
0x6d: {  	v42 =	vld [tilespmem:s20+$0x0];
	_ =	sdelay $0x2  }
0x6e: {  	v3 =	vmul.f32 $1.220703130e-04, v3;
	_ =	sdelay $0x1  }
0x6f: {  	v9 =	vsub.f32 v42, v3;
	_ =	sdelay $0x1  }
0x70: {  	[tilespmem:$0xD00] =	vst v9  }
0x71: {  	v3 =	vld [tilespmem:s21+$0x600];
	_ =	sdelay $0x1  }
0x72: {  	v43 =	vld [tilespmem:s21+$0x0];
	_ =	sdelay $0x2  }
0x73: {  	v3 =	vmul.f32 $1.220703130e-04, v3;
	_ =	sdelay $0x1  }
0x74: {  	v7 =	vsub.f32 v43, v3;
	_ =	sdelay $0x1  }
0x75: {  	[tilespmem:$0xD10] =	vst v7  }
0x76: {  	v3 =	vld [tilespmem:s22+$0x600];
	_ =	sdelay $0x1  }
0x77: {  	v44 =	vld [tilespmem:s22+$0x0];
	_ =	sdelay $0x2  }
0x78: {  	v3 =	vmul.f32 $1.220703130e-04, v3;
	_ =	sdelay $0x1  }
0x79: {  	v6 =	vsub.f32 v44, v3;
	_ =	sdelay $0x1  }
0x7a: {  	[tilespmem:$0xD20] =	vst v6  }
0x7b: {  	v3 =	vld [tilespmem:s24+$0x600];
	_ =	sdelay $0x1  }
0x7c: {  	v45 =	vld [tilespmem:s24+$0x0];
	_ =	sdelay $0x2  }
0x7d: {  	v3 =	vmul.f32 $1.220703130e-04, v3;
	_ =	sdelay $0x1  }
0x7e: {  	v5 =	vsub.f32 v45, v3;
	_ =	sdelay $0x1  }
0x7f: {  	[tilespmem:$0xD30] =	vst v5  }
0x80: {  	v3 =	vld [tilespmem:s26+$0x600];
	_ =	sdelay $0x1  }
0x81: {  	v46 =	vld [tilespmem:s26+$0x0];
	_ =	sdelay $0x2  }
0x82: {  	v3 =	vmul.f32 $1.220703130e-04, v3;
	_ =	sdelay $0x1  }
0x83: {  	v4 =	vsub.f32 v46, v3;
	_ =	sdelay $0x1  }
0x84: {  	[tilespmem:$0xD40] =	vst v4  }
0x85: {  	v23 =	vld [tilespmem:s28+$0x0]  }
0x86: {  	v24 =	vld [tilespmem:s28+$0x600]  }
0x87: {  	v3 =	vld [tilespmem:$0xC10]  }
0x88: {  	vm0 =	vgt.f32 v2, v1;
	v2 =	vld [tilespmem:$0xC00]  }
0x89: {  	v26 =	vld [tilespmem:$0xC20]  }
0x8a: {  	v50 =	vld [tilespmem:$0xC30]  }
0x8b: {  	v52 =	vld [tilespmem:$0xC40]  }
0x8c: {  	vm1 =	vgt.f32 v8, v1;
	v54 =	vld [tilespmem:$0xC50]  }
0x8d: {  	v47 =	vsel vm0, $0x3F800000, v0;
	v25 =	vsel vm1, $0x3F800000, v0;
	v56 =	vld [tilespmem:$0xC60]  }
0x8e: {  	v8 =	vadd.f32 v25, v47;
	vm10 =	vgt.f32 v11, v1;
	vm11 =	vgt.f32 v12, v1;
	v58 =	vld [tilespmem:$0xC70]  }
0x8f: {  	v49 =	vsel vm10, $0x3F800000, v0;
	v51 =	vsel vm11, $0x3F800000, v0;
	vm2 =	vgt.f32 v13, v1;
	v60 =	vld [tilespmem:$0xC80]  }
0x90: {  	v55 =	vsel vm2, $0x3F800000, v0;
	vm15 =	vgt.f32 v14, v1;
	vm5 =	vgt.f32 v15, v1;
	v62 =	vld [tilespmem:$0xC90]  }
0x91: {  	v59 =	vsel vm15, $0x3F800000, v0;
	v63 =	vsel vm5, $0x3F800000, v0;
	vm7 =	vgt.f32 v16, v1;
	v28 =	vld [tilespmem:$0xCA0]  }
0x92: {  	v31 =	vsel vm7, $0x3F800000, v0;
	vm9 =	vgt.f32 v17, v1;
	vm15 =	vgt.f32 v20, v1;
	v30 =	vld [tilespmem:$0xCB0]  }
0x93: {  	v35 =	vsel vm9, $0x3F800000, v0;
	vm11 =	vgt.f32 v18, v1;
	v47 =	vsel vm15, $0x3F800000, v0;
	v32 =	vld [tilespmem:$0xCC0]  }
0x94: {  	v39 =	vsel vm11, $0x3F800000, v0;
	vm5 =	vgt.f32 v21, v1;
	vm7 =	vgt.f32 v22, v1;
	v34 =	vld [tilespmem:$0xCD0]  }
0x95: {  	vm9 =	vgt.f32 v10, v1;
	vm11 =	vgt.f32 v9, v1;
	vm15 =	vgt.f32 v6, v1;
	v36 =	vld [tilespmem:$0xCE0]  }
0x96: {  	v38 =	vld [tilespmem:$0xCF0];
	v48 =	vmul.f32 $1.220703130e-04, v24;
	v24 =	vadd.f32 v49, v8;
	vm12 =	vge.f32 v2, v3  }
0x97: {  	v40 =	vld [tilespmem:$0xD00];
	vm13 =	vgt.f32 v26, v3;
	vm14 =	vgt.f32 v50, v3;
	vm4 =	vgt.f32 v52, v3  }
0x98: {  	v42 =	vld [tilespmem:$0xD10];
	vm6 =	vgt.f32 v54, v3;
	vm8 =	vgt.f32 v56, v3;
	vm10 =	vgt.f32 v58, v3  }
0x99: {  	v44 =	vld [tilespmem:$0xD20];
	v54 =	vsel vm7, $0x3F800000, v0;
	v2 =	vsel vm12, $0x3F800000, v0;
	v53 =	vsel vm13, $0x3F800000, v0  }
0x9a: {  	v46 =	vld [tilespmem:$0xD30];
	v58 =	vsel vm9, $0x3F800000, v0;
	vm7 =	vgt.f32 v4, v1;
	v2 =	vadd.f32 v53, v2  }
0x9b: {  	v15 =	vld [tilespmem:$0xCE0];
	v57 =	vsel vm14, $0x3F800000, v0;
	v61 =	vsel vm4, $0x3F800000, v0;
	v11 =	vadd.f32 v51, v24  }
0x9c: {  	v20 =	vld [tilespmem:$0xD00];
	v29 =	vsel vm6, $0x3F800000, v0;
	v33 =	vsel vm8, $0x3F800000, v0;
	v2 =	vadd.f32 v57, v2  }
0x9d: {  	v25 =	vld [tilespmem:$0xD10];
	v37 =	vsel vm10, $0x3F800000, v0;
	vm12 =	vgt.f32 v60, v3;
	v11 =	vadd.f32 v55, v11  }
0x9e: {  	v16 =	vld [tilespmem:$0xCD0];
	vm13 =	vgt.f32 v19, v1;
	vm14 =	vgt.f32 v62, v3;
	v2 =	vadd.f32 v61, v2  }
0x9f: {  	v22 =	vld [tilespmem:$0xD40];
	vm4 =	vgt.f32 v28, v3;
	vm6 =	vgt.f32 v30, v3;
	v11 =	vadd.f32 v59, v11  }
0xa0: {  	v26 =	vld [tilespmem:$0xD40];
	vm8 =	vgt.f32 v32, v3;
	vm10 =	vgt.f32 v34, v3;
	v2 =	vadd.f32 v29, v2  }
0xa1: {  	v62 =	vsel vm11, $0x3F800000, v0;
	v34 =	vsel vm15, $0x3F800000, v0;
	v19 =	vld [tilespmem:$0xCD0];
	v11 =	vadd.f32 v63, v11  }
0xa2: {  	v8 =	vsub.f32 v23, v48;
	v41 =	vsel vm12, $0x3F800000, v0;
	v48 =	vld [tilespmem:$0xD40];
	v2 =	vadd.f32 v33, v2  }
0xa3: {  	v43 =	vsel vm13, $0x3F800000, v0;
	v45 =	vsel vm14, $0x3F800000, v0;
	v53 =	vld [tilespmem:$0xC00];
	v11 =	vadd.f32 v31, v11  }
0xa4: {  	v49 =	vsel vm4, $0x3F800000, v0;
	v51 =	vsel vm5, $0x3F800000, v0;
	v55 =	vld [tilespmem:$0xC10];
	v2 =	vadd.f32 v37, v2  }
0xa5: {  	v52 =	vsel vm6, $0x3F800000, v0;
	v56 =	vsel vm8, $0x3F800000, v0;
	v57 =	vld [tilespmem:$0xC30];
	v11 =	vadd.f32 v35, v11  }
0xa6: {  	v60 =	vsel vm10, $0x3F800000, v0;
	[tilespmem:$0xD50] =	vst v8;
	vm9 =	vgt.f32 v8, v1;
	v8 =	vld [tilespmem:$0xCF0];
	v2 =	vadd.f32 v41, v2  }
0xa7: {  	vm12 =	vgt.f32 v36, v3;
	vm13 =	vgt.f32 v7, v1;
	v50 =	vld [tilespmem:$0xD50];
	v11 =	vadd.f32 v39, v11  }
0xa8: {  	vm14 =	vgt.f32 v38, v3;
	vm4 =	vgt.f32 v40, v3;
	v17 =	vld [tilespmem:$0xD50];
	v2 =	vadd.f32 v45, v2  }
0xa9: {  	vm5 =	vgt.f32 v5, v1;
	vm6 =	vgt.f32 v42, v3;
	v23 =	vld [tilespmem:$0xD50];
	v11 =	vadd.f32 v43, v11  }
0xaa: {  	v40 =	vsel vm7, $0x3F800000, v0;
	vm8 =	vgt.f32 v44, v3;
	v59 =	vld [tilespmem:$0xC40];
	v18 =	vadd.f32 v49, v2  }
0xab: {  	vm10 =	vgt.f32 v46, v3;
	v28 =	vsel vm12, $0x3F800000, v0;
	v61 =	vld [tilespmem:$0xC50];
	v11 =	vadd.f32 v47, v11  }
0xac: {  	v30 =	vsel vm13, $0x3F800000, v0;
	vm13 =	vgt.f32 v48, v3;
	v48 =	vld [tilespmem:$0xC10];
	v18 =	vadd.f32 v52, v18  }
0xad: {  	v32 =	vsel vm14, $0x3F800000, v0;
	v36 =	vsel vm4, $0x3F800000, v0;
	v2 =	vld [tilespmem:$0xC20];
	v11 =	vadd.f32 v51, v11  }
0xae: {  	v38 =	vsel vm5, $0x3F800000, v0;
	v1 =	vsel vm8, $0x3F800000, v0;
	v63 =	vld [tilespmem:$0xC60];
	v10 =	vadd.f32 v56, v18  }
0xaf: {  	v42 =	vsel vm9, $0x3F800000, v0;
	v29 =	vld [tilespmem:$0xC70];
	v46 =	vsel vm13, $0x3F800000, v0;
	v11 =	vadd.f32 v54, v11  }
0xb0: {  	v31 =	vld [tilespmem:$0xC80];
	vm15 =	vgt.f32 v50, v3;
	v39 =	vsel vm6, $0x3F800000, v0;
	v9 =	vadd.f32 v60, v10  }
0xb1: {  	v33 =	vld [tilespmem:$0xC90];
	v43 =	vsel vm10, $0x3F800000, v0;
	v49 =	vsel vm15, $0x3F800000, v0;
	v11 =	vadd.f32 v58, v11  }
0xb2: {  	v35 =	vld [tilespmem:$0xCA0];
	vm11 =	vge.f32 v53, v2;
	vm12 =	vge.f32 v55, v2;
	v7 =	vadd.f32 v28, v9  }
0xb3: {  	v37 =	vld [tilespmem:$0xCB0];
	vm14 =	vgt.f32 v57, v2;
	vm4 =	vgt.f32 v59, v2;
	v11 =	vadd.f32 v62, v11  }
0xb4: {  	v47 =	vld [tilespmem:$0xC00];
	v44 =	vsel vm11, $0x3F800000, v0;
	v45 =	vsel vm12, $0x3F800000, v0;
	v6 =	vadd.f32 v32, v7  }
0xb5: {  	v51 =	vld [tilespmem:$0xC20];
	vm6 =	vgt.f32 v61, v2;
	v13 =	vadd.f32 v45, v44;
	v11 =	vadd.f32 v30, v11  }
0xb6: {  	v53 =	vld [tilespmem:$0xC40];
	vm9 =	vgt.f32 v63, v2;
	v3 =	vsel vm14, $0x3F800000, v0;
	v5 =	vadd.f32 v36, v6  }
0xb7: {  	vm13 =	vgt.f32 v31, v2;
	v3 =	vadd.f32 v3, v13;
	v13 =	vld [tilespmem:$0xD30];
	v11 =	vadd.f32 v34, v11  }
0xb8: {  	vm15 =	vgt.f32 v33, v2;
	v52 =	vsel vm6, $0x3F800000, v0;
	v6 =	vld [tilespmem:$0xCC0];
	v4 =	vadd.f32 v39, v5  }
0xb9: {  	v56 =	vsel vm9, $0x3F800000, v0;
	vm11 =	vgt.f32 v29, v2;
	v11 =	vadd.f32 v38, v11;
	v5 =	vld [tilespmem:$0xD20]  }
0xba: {  	v27 =	vsel vm13, $0x3F800000, v0;
	v24 =	vsel vm15, $0x3F800000, v0;
	v1 =	vadd.f32 v1, v4;
	v4 =	vld [tilespmem:$0xC30]  }
0xbb: {  	v55 =	vld [tilespmem:$0xC50];
	v60 =	vsel vm11, $0x3F800000, v0;
	vm11 =	vgt.f32 v19, v2;
	v41 =	vadd.f32 v40, v11  }
0xbc: {  	v59 =	vld [tilespmem:$0xC70];
	vm13 =	vgt.f32 v15, v2;
	vm15 =	vgt.f32 v8, v2;
	v44 =	vsel vm11, $0x3F800000, v0  }
0xbd: {  	v57 =	vld [tilespmem:$0xC60];
	vm9 =	vgt.f32 v6, v2;
	v11 =	vadd.f32 v42, v41;
	v1 =	vadd.f32 v43, v1  }
0xbe: {  	v61 =	vld [tilespmem:$0xC80];
	vm11 =	vgt.f32 v13, v2;
	v41 =	vsel vm9, $0x3F800000, v0;
	vm9 =	vgt.f32 v5, v2  }
0xbf: {  	v63 =	vld [tilespmem:$0xC90];
	v1 =	vadd.f32 v46, v1;
	vm5 =	vge.f32 v11, $2.000000000e+01;
	vm7 =	vge.f32 v47, v4  }
0xc0: {  	v29 =	vld [tilespmem:$0xCB0];
	vm8 =	vge.f32 v48, v4;
	vm10 =	vge.f32 v51, v4;
	vm12 =	vgt.f32 v53, v4  }
0xc1: {  	v8 =	vld [tilespmem:$0xD00];
	vm14 =	vgt.f32 v55, v4;
	vm6 =	vgt.f32 v59, v4;
	v48 =	vsel vm13, $0x3F800000, v0  }
0xc2: {  	v28 =	vld [tilespmem:$0xCA0];
	v51 =	vsel vm15, $0x3F800000, v0;
	vm15 =	vgt.f32 v17, v2;
	v50 =	vadd.f32 v49, v1  }
0xc3: {  	v45 =	vld [tilespmem:$0xD40];
	v1 =	vsel vm4, $0x3F800000, v0;
	v14 =	vsel vm7, $0x3F800000, v0;
	v54 =	vsel vm8, $0x3F800000, v0  }
0xc4: {  	v30 =	vld [tilespmem:$0xCC0];
	v58 =	vsel vm10, $0x3F800000, v0;
	v62 =	vsel vm12, $0x3F800000, v0;
	v3 =	vadd.f32 v1, v3  }
0xc5: {  	v32 =	vld [tilespmem:$0xCD0];
	v21 =	vsel vm14, $0x3F800000, v0;
	vm4 =	vgt.f32 v57, v4;
	vm7 =	vgt.f32 v37, v2  }
0xc6: {  	v34 =	vld [tilespmem:$0xCE0];
	vm8 =	vgt.f32 v61, v4;
	vm10 =	vgt.f32 v63, v4;
	v3 =	vadd.f32 v52, v3  }
0xc7: {  	v36 =	vld [tilespmem:$0xCF0];
	vm12 =	vgt.f32 v28, v4;
	vm14 =	vgt.f32 v29, v4;
	v10 =	vadd.f32 v54, v14  }
0xc8: {  	v38 =	vld [tilespmem:$0xD00];
	v17 =	vsel vm15, $0x3F800000, v0;
	v1 =	vsel vm5, $0x3F800000, v0;
	v3 =	vadd.f32 v56, v3  }
0xc9: {  	v40 =	vld [tilespmem:$0xD10];
	vm5 =	vgt.f32 v35, v2;
	v31 =	vsel vm4, $0x3F800000, v0;
	v10 =	vadd.f32 v58, v10  }
0xca: {  	v42 =	vld [tilespmem:$0xD20];
	v35 =	vsel vm6, $0x3F800000, v0;
	v37 =	vsel vm7, $0x3F800000, v0;
	v3 =	vadd.f32 v60, v3  }
0xcb: {  	v43 =	vld [tilespmem:$0xD30];
	v39 =	vsel vm8, $0x3F800000, v0;
	v18 =	vsel vm10, $0x3F800000, v0;
	v9 =	vadd.f32 v62, v10  }
0xcc: {  	v11 =	vld [tilespmem:$0xD40];
	v49 =	vsel vm14, $0x3F800000, v0;
	vm4 =	vgt.f32 v30, v4;
	v3 =	vadd.f32 v27, v3  }
0xcd: {  	v47 =	vld [tilespmem:$0xD50];
	vm6 =	vgt.f32 v32, v4;
	vm7 =	vgt.f32 v25, v2;
	v9 =	vadd.f32 v21, v9  }
0xce: {  	v55 =	vld [tilespmem:$0xC20];
	vm8 =	vgt.f32 v34, v4;
	vm10 =	vgt.f32 v36, v4;
	v3 =	vadd.f32 v24, v3  }
0xcf: {  	v59 =	vld [tilespmem:$0xC60];
	v30 =	vsel vm11, $0x3F800000, v0;
	v33 =	vsel vm5, $0x3F800000, v0;
	v7 =	vadd.f32 v31, v9  }
0xd0: {  	v57 =	vld [tilespmem:$0xC30];
	vm14 =	vgt.f32 v40, v4;
	vm0 =	vge.f32 v50, $2.000000000e+01;
	v3 =	vadd.f32 v33, v3  }
0xd1: {  	v61 =	vld [tilespmem:$0xC70];
	vm5 =	vgt.f32 v20, v2;
	v54 =	vsel vm4, $0x3F800000, v0;
	v7 =	vadd.f32 v35, v7  }
0xd2: {  	v63 =	vld [tilespmem:$0xC80];
	v25 =	vsel vm7, $0x3F800000, v0;
	v28 =	vsel vm10, $0x3F800000, v0;
	v3 =	vadd.f32 v37, v3  }
0xd3: {  	v29 =	vld [tilespmem:$0xC90];
	vm4 =	vgt.f32 v42, v4;
	vm7 =	vgt.f32 v43, v4;
	v6 =	vadd.f32 v39, v7  }
0xd4: {  	v34 =	vld [tilespmem:$0xCB0];
	vm13 =	vgt.f32 v11, v2;
	v2 =	vsel vm14, $0x3F800000, v0;
	v3 =	vadd.f32 v41, v3  }
0xd5: {  	v50 =	vld [tilespmem:$0xC00];
	v40 =	vsel vm7, $0x3F800000, v0;
	vm11 =	vgt.f32 v47, v4;
	v6 =	vadd.f32 v18, v6  }
0xd6: {  	v52 =	vld [tilespmem:$0xC10];
	v56 =	vsel vm5, $0x3F800000, v0;
	v46 =	vadd.f32 v44, v3;
	v3 =	vsel vm12, $0x3F800000, v0  }
0xd7: {  	v62 =	vsel vm9, $0x3F800000, v0;
	vm9 =	vgt.f32 v45, v4;
	v6 =	vadd.f32 v3, v6;
	v3 =	vld [tilespmem:$0xC40]  }
0xd8: {  	v58 =	vld [tilespmem:$0xC50];
	v47 =	vsel vm11, $0x3F800000, v0;
	v21 =	vsel vm6, $0x3F800000, v0;
	v18 =	vadd.f32 v48, v46  }
0xd9: {  	v36 =	vld [tilespmem:$0xCC0];
	v60 =	vsel vm8, $0x3F800000, v0;
	v35 =	vsel vm13, $0x3F800000, v0;
	v6 =	vadd.f32 v49, v6  }
0xda: {  	v43 =	vld [tilespmem:$0xC10];
	v37 =	vsel vm4, $0x3F800000, v0;
	vm12 =	vgt.f32 v38, v4;
	v53 =	vadd.f32 v51, v18  }
0xdb: {  	v31 =	vld [tilespmem:$0xCA0];
	v44 =	vsel vm9, $0x3F800000, v0;
	v33 =	vsel vm12, $0x3F800000, v0;
	v6 =	vadd.f32 v54, v6  }
0xdc: {  	v27 =	vld [tilespmem:$0xCB0];
	v14 =	vadd.f32 v56, v53;
	vm5 =	vge.f32 v50, v3;
	vm6 =	vge.f32 v52, v3  }
0xdd: {  	v24 =	vld [tilespmem:$0xD20];
	vm8 =	vge.f32 v55, v3;
	vm10 =	vge.f32 v57, v3;
	vm12 =	vgt.f32 v58, v3  }
0xde: {  	v7 =	vld [tilespmem:$0xCE0];
	vm15 =	vgt.f32 v59, v3;
	vm7 =	vgt.f32 v63, v3;
	vm9 =	vgt.f32 v29, v3  }
0xdf: {  	v41 =	vld [tilespmem:$0xC00];
	v6 =	vadd.f32 v21, v6;
	v38 =	vsel vm5, $0x3F800000, v0;
	v39 =	vsel vm6, $0x3F800000, v0  }
0xe0: {  	v46 =	vld [tilespmem:$0xC20];
	vm11 =	vgt.f32 v31, v3;
	v42 =	vsel vm8, $0x3F800000, v0;
	v19 =	vadd.f32 v39, v38  }
0xe1: {  	v49 =	vld [tilespmem:$0xC30];
	v45 =	vsel vm10, $0x3F800000, v0;
	v14 =	vadd.f32 v25, v14;
	v5 =	vadd.f32 v60, v6  }
0xe2: {  	v18 =	vld [tilespmem:$0xD10];
	v48 =	vsel vm12, $0x3F800000, v0;
	v53 =	vsel vm15, $0x3F800000, v0;
	v10 =	vadd.f32 v42, v19  }
0xe3: {  	v54 =	vld [tilespmem:$0xC60];
	vm5 =	vgt.f32 v61, v3;
	v14 =	vadd.f32 v62, v14;
	v5 =	vadd.f32 v28, v5  }
0xe4: {  	v52 =	vld [tilespmem:$0xC40];
	v57 =	vsel vm7, $0x3F800000, v0;
	v61 =	vsel vm9, $0x3F800000, v0;
	v10 =	vadd.f32 v45, v10  }
0xe5: {  	v56 =	vld [tilespmem:$0xC70];
	vm15 =	vgt.f32 v36, v3;
	v32 =	vadd.f32 v30, v14;
	v5 =	vadd.f32 v33, v5  }
0xe6: {  	vm7 =	vgt.f32 v7, v3;
	v25 =	vld [tilespmem:$0xCF0];
	v21 =	vsel vm5, $0x3F800000, v0;
	v10 =	vadd.f32 v48, v10  }
0xe7: {  	v58 =	vld [tilespmem:$0xC80];
	v36 =	vsel vm15, $0x3F800000, v0;
	v13 =	vadd.f32 v35, v32;
	v5 =	vadd.f32 v2, v5  }
0xe8: {  	v29 =	vld [tilespmem:$0xCC0];
	vm5 =	vgt.f32 v16, v3;
	vm15 =	vgt.f32 v24, v3;
	v10 =	vadd.f32 v53, v10  }
0xe9: {  	v24 =	vsel vm15, $0x3F800000, v0;
	v13 =	vadd.f32 v17, v13;
	v17 =	vadd.f32 v37, v5;
	v5 =	vld [tilespmem:$0xC50]  }
0xea: {  	v31 =	vld [tilespmem:$0xCD0];
	v28 =	vsel vm11, $0x3F800000, v0;
	vm11 =	vgt.f32 v8, v3;
	v10 =	vadd.f32 v21, v10  }
0xeb: {  	v39 =	vld [tilespmem:$0xD10];
	vm9 =	vgt.f32 v25, v3;
	v2 =	vsel vm0, $0x3F800000, v0;
	v17 =	vadd.f32 v40, v17  }
0xec: {  	v60 =	vld [tilespmem:$0xC90];
	vm0 =	vge.f32 v13, $2.000000000e+01;
	v40 =	vsel vm5, $0x3F800000, v0;
	v10 =	vadd.f32 v57, v10  }
0xed: {  	v62 =	vld [tilespmem:$0xCA0];
	v17 =	vadd.f32 v44, v17;
	v44 =	vsel vm7, $0x3F800000, v0;
	vm7 =	vgt.f32 v26, v3  }
0xee: {  	v45 =	vld [tilespmem:$0xD40];
	vm13 =	vge.f32 v41, v5;
	vm14 =	vge.f32 v43, v5;
	vm4 =	vge.f32 v46, v5  }
0xef: {  	v33 =	vld [tilespmem:$0xCE0];
	vm6 =	vge.f32 v49, v5;
	vm8 =	vge.f32 v52, v5;
	vm10 =	vgt.f32 v54, v5  }
0xf0: {  	v25 =	vld [tilespmem:$0xCD0];
	v10 =	vadd.f32 v61, v10;
	vm12 =	vgt.f32 v56, v5;
	v49 =	vsel vm9, $0x3F800000, v0  }
0xf1: {  	v35 =	vld [tilespmem:$0xCF0];
	v52 =	vsel vm11, $0x3F800000, v0;
	v50 =	vsel vm13, $0x3F800000, v0;
	v51 =	vsel vm14, $0x3F800000, v0  }
0xf2: {  	v48 =	vld [tilespmem:$0xD50];
	vm13 =	vgt.f32 v34, v3;
	v9 =	vadd.f32 v51, v50;
	v10 =	vadd.f32 v28, v10  }
0xf3: {  	v53 =	vld [tilespmem:$0xC10];
	v4 =	vadd.f32 v47, v17;
	v15 =	vsel vm4, $0x3F800000, v0;
	v32 =	vsel vm13, $0x3F800000, v0  }
0xf4: {  	v13 =	vld [tilespmem:$0xD30];
	vm9 =	vgt.f32 v23, v3;
	v9 =	vadd.f32 v15, v9;
	v10 =	vadd.f32 v32, v10  }
0xf5: {  	v37 =	vld [tilespmem:$0xD00];
	v55 =	vsel vm6, $0x3F800000, v0;
	v59 =	vsel vm8, $0x3F800000, v0;
	v63 =	vsel vm10, $0x3F800000, v0  }
0xf6: {  	v26 =	vld [tilespmem:$0xD00];
	v30 =	vsel vm12, $0x3F800000, v0;
	v6 =	vadd.f32 v55, v9;
	v10 =	vadd.f32 v36, v10  }
0xf7: {  	v41 =	vld [tilespmem:$0xD20];
	vm14 =	vgt.f32 v58, v5;
	vm4 =	vgt.f32 v60, v5;
	vm6 =	vgt.f32 v62, v5  }
0xf8: {  	v43 =	vld [tilespmem:$0xD30];
	vm8 =	vgt.f32 v27, v5;
	v6 =	vadd.f32 v59, v6;
	v10 =	vadd.f32 v40, v10  }
0xf9: {  	v54 =	vld [tilespmem:$0xC20];
	vm10 =	vgt.f32 v29, v5;
	vm12 =	vgt.f32 v31, v5;
	vm5 =	vgt.f32 v13, v3  }
0xfa: {  	v56 =	vld [tilespmem:$0xC30];
	v23 =	vsel vm9, $0x3F800000, v0;
	v6 =	vadd.f32 v63, v6;
	v46 =	vadd.f32 v44, v10  }
0xfb: {  	v61 =	vld [tilespmem:$0xC70];
	v34 =	vsel vm14, $0x3F800000, v0;
	v38 =	vsel vm4, $0x3F800000, v0;
	v42 =	vsel vm6, $0x3F800000, v0  }
0xfc: {  	v58 =	vld [tilespmem:$0xC40];
	v47 =	vsel vm8, $0x3F800000, v0;
	v6 =	vadd.f32 v30, v6;
	v7 =	vadd.f32 v49, v46  }
0xfd: {  	v17 =	vld [tilespmem:$0xCE0];
	v50 =	vsel vm10, $0x3F800000, v0;
	vm13 =	vgt.f32 v18, v3;
	vm14 =	vgt.f32 v33, v5  }
0xfe: {  	v51 =	vld [tilespmem:$0xC00];
	vm4 =	vgt.f32 v35, v5;
	v6 =	vadd.f32 v34, v6;
	v7 =	vadd.f32 v52, v7  }
0xff: {  	v62 =	vsel vm5, $0x3F800000, v0;
	vm6 =	vgt.f32 v37, v5;
	v35 =	vld [tilespmem:$0xCB0];
	v55 =	vsel vm13, $0x3F800000, v0  }
0x100: {  	vm8 =	vgt.f32 v39, v5;
	v39 =	vld [tilespmem:$0xC00];
	v6 =	vadd.f32 v38, v6;
	v7 =	vadd.f32 v55, v7  }
0x101: {  	v33 =	vsel vm7, $0x3F800000, v0;
	v18 =	vld [tilespmem:$0xCF0];
	v57 =	vsel vm14, $0x3F800000, v0;
	v60 =	vsel vm4, $0x3F800000, v0  }
0x102: {  	v28 =	vld [tilespmem:$0xD20];
	v31 =	vsel vm6, $0x3F800000, v0;
	v6 =	vadd.f32 v42, v6;
	v7 =	vadd.f32 v24, v7  }
0x103: {  	v3 =	vsel vm8, $0x3F800000, v0;
	vm11 =	vge.f32 v4, $2.000000000e+01;
	vm4 =	vgt.f32 v45, v5;
	v32 =	vld [tilespmem:$0xC90]  }
0x104: {  	vm6 =	vgt.f32 v48, v5;
	v10 =	vadd.f32 v47, v6;
	v6 =	vld [tilespmem:$0xC60];
	v7 =	vadd.f32 v62, v7  }
0x105: {  	v15 =	vsel vm12, $0x3F800000, v0;
	v4 =	vsel vm11, $0x3F800000, v0;
	vm10 =	vgt.f32 v41, v5;
	v59 =	vld [tilespmem:$0xC50]  }
0x106: {  	vm12 =	vgt.f32 v43, v5;
	v63 =	vld [tilespmem:$0xC80];
	v8 =	vadd.f32 v50, v10;
	v7 =	vadd.f32 v33, v7  }
0x107: {  	v48 =	vld [tilespmem:$0xC40];
	v21 =	vsel vm6, $0x3F800000, v0;
	v37 =	vsel vm10, $0x3F800000, v0;
	v38 =	vsel vm12, $0x3F800000, v0  }
0x108: {  	v41 =	vld [tilespmem:$0xC10];
	v42 =	vsel vm4, $0x3F800000, v0;
	v8 =	vadd.f32 v15, v8;
	v7 =	vadd.f32 v23, v7  }
0x109: {  	v36 =	vld [tilespmem:$0xCC0];
	vm14 =	vge.f32 v51, v6;
	vm15 =	vge.f32 v53, v6;
	vm5 =	vge.f32 v54, v6  }
0x10a: {  	v44 =	vld [tilespmem:$0xC20];
	vm7 =	vge.f32 v56, v6;
	vm10 =	vge.f32 v58, v6;
	vm12 =	vge.f32 v59, v6  }
0x10b: {  	v46 =	vld [tilespmem:$0xC30];
	vm4 =	vgt.f32 v63, v6;
	vm6 =	vgt.f32 v32, v6;
	v8 =	vadd.f32 v57, v8  }
0x10c: {  	vm13 =	vge.f32 v7, $2.000000000e+01;
	v7 =	vld [tilespmem:$0xC70];
	v12 =	vsel vm14, $0x3F800000, v0;
	v40 =	vsel vm15, $0x3F800000, v0  }
0x10d: {  	v30 =	vld [tilespmem:$0xCC0];
	v43 =	vsel vm5, $0x3F800000, v0;
	v45 =	vsel vm7, $0x3F800000, v0;
	v27 =	vsel vm10, $0x3F800000, v0  }
0x10e: {  	v34 =	vld [tilespmem:$0xCA0];
	v51 =	vsel vm12, $0x3F800000, v0;
	vm14 =	vgt.f32 v61, v6;
	v8 =	vadd.f32 v60, v8  }
0x10f: {  	v50 =	vld [tilespmem:$0xC50];
	v57 =	vsel vm4, $0x3F800000, v0;
	vm10 =	vgt.f32 v35, v6;
	vm12 =	vgt.f32 v36, v6  }
0x110: {  	v33 =	vld [tilespmem:$0xCE0];
	vm4 =	vgt.f32 v17, v6;
	v12 =	vadd.f32 v40, v12;
	v8 =	vadd.f32 v31, v8  }
0x111: {  	v23 =	vld [tilespmem:$0xD50];
	v5 =	vsel vm13, $0x3F800000, v0;
	vm8 =	vge.f32 v39, v7;
	vm9 =	vge.f32 v41, v7  }
0x112: {  	v53 =	vld [tilespmem:$0xC60];
	v8 =	vadd.f32 v3, v8;
	v10 =	vsel vm8, $0x3F800000, v0;
	v47 =	vsel vm9, $0x3F800000, v0  }
0x113: {  	v56 =	vld [tilespmem:$0xC80];
	v54 =	vsel vm14, $0x3F800000, v0;
	vm11 =	vge.f32 v44, v7;
	v10 =	vadd.f32 v47, v10  }
0x114: {  	v59 =	vld [tilespmem:$0xC90];
	v32 =	vsel vm10, $0x3F800000, v0;
	v49 =	vsel vm11, $0x3F800000, v0;
	v8 =	vadd.f32 v37, v8  }
0x115: {  	v63 =	vld [tilespmem:$0xCB0];
	v36 =	vsel vm12, $0x3F800000, v0;
	vm13 =	vge.f32 v46, v7;
	v10 =	vadd.f32 v49, v10  }
0x116: {  	v61 =	vld [tilespmem:$0xCA0];
	vm14 =	vgt.f32 v25, v6;
	v52 =	vsel vm13, $0x3F800000, v0;
	v8 =	vadd.f32 v38, v8  }
0x117: {  	v35 =	vld [tilespmem:$0xCF0];
	vm12 =	vgt.f32 v28, v6;
	vm15 =	vge.f32 v48, v7;
	v10 =	vadd.f32 v52, v10  }
0x118: {  	v17 =	vld [tilespmem:$0xCC0];
	v12 =	vadd.f32 v43, v12;
	v55 =	vsel vm15, $0x3F800000, v0;
	v8 =	vadd.f32 v42, v8  }
0x119: {  	v28 =	vld [tilespmem:$0xD20];
	v60 =	vsel vm6, $0x3F800000, v0;
	vm5 =	vge.f32 v50, v7;
	v10 =	vadd.f32 v55, v10  }
0x11a: {  	v25 =	vld [tilespmem:$0xD50];
	v58 =	vsel vm5, $0x3F800000, v0;
	v9 =	vadd.f32 v21, v8;
	v8 =	vadd.f32 v45, v12  }
0x11b: {  	v40 =	vsel vm14, $0x3F800000, v0;
	v43 =	vld [tilespmem:$0xD30];
	vm7 =	vge.f32 v53, v7;
	v10 =	vadd.f32 v58, v10  }
0x11c: {  	vm6 =	vgt.f32 v18, v6;
	v31 =	vld [tilespmem:$0xCD0];
	v62 =	vsel vm7, $0x3F800000, v0;
	v8 =	vadd.f32 v27, v8  }
0x11d: {  	v39 =	vld [tilespmem:$0xD10];
	v44 =	vsel vm4, $0x3F800000, v0;
	vm9 =	vgt.f32 v56, v7;
	v10 =	vadd.f32 v62, v10  }
0x11e: {  	v41 =	vld [tilespmem:$0xD20];
	vm4 =	vgt.f32 v22, v6;
	v14 =	vsel vm9, $0x3F800000, v0;
	v8 =	vadd.f32 v51, v8  }
0x11f: {  	v48 =	vld [tilespmem:$0xD50];
	v3 =	vsel vm0, $0x3F800000, v0;
	vm11 =	vgt.f32 v59, v7;
	v10 =	vadd.f32 v14, v10  }
0x120: {  	v50 =	vld [tilespmem:$0xC00];
	vm8 =	vgt.f32 v34, v6;
	v34 =	vsel vm11, $0x3F800000, v0;
	v8 =	vadd.f32 v54, v8  }
0x121: {  	vm13 =	vgt.f32 v61, v7;
	vm15 =	vgt.f32 v63, v7;
	v56 =	vld [tilespmem:$0xC30];
	v10 =	vadd.f32 v34, v10  }
0x122: {  	vm5 =	vgt.f32 v30, v7;
	v59 =	vld [tilespmem:$0xC50];
	v38 =	vsel vm13, $0x3F800000, v0;
	v8 =	vadd.f32 v57, v8  }
0x123: {  	v61 =	vld [tilespmem:$0xC60];
	v29 =	vsel vm8, $0x3F800000, v0;
	v47 =	vsel vm5, $0x3F800000, v0;
	v10 =	vadd.f32 v38, v10  }
0x124: {  	v63 =	vld [tilespmem:$0xC90];
	vm8 =	vgt.f32 v26, v6;
	v42 =	vsel vm15, $0x3F800000, v0;
	v8 =	vadd.f32 v60, v8  }
0x125: {  	vm9 =	vgt.f32 v33, v7;
	vm11 =	vgt.f32 v35, v7;
	v33 =	vld [tilespmem:$0xCA0];
	v10 =	vadd.f32 v42, v10  }
0x126: {  	v37 =	vld [tilespmem:$0xD00];
	v53 =	vsel vm9, $0x3F800000, v0;
	v19 =	vsel vm11, $0x3F800000, v0;
	v8 =	vadd.f32 v29, v8  }
0x127: {  	v35 =	vld [tilespmem:$0xCB0];
	v49 =	vsel vm6, $0x3F800000, v0;
	vm7 =	vgt.f32 v31, v7;
	v10 =	vadd.f32 v47, v10  }
0x128: {  	vm6 =	vgt.f32 v23, v6;
	v20 =	vsel vm7, $0x3F800000, v0;
	v12 =	vld [tilespmem:$0xD10];
	v8 =	vadd.f32 v32, v8  }
0x129: {  	vm5 =	vgt.f32 v41, v7;
	v23 =	vsel vm6, $0x3F800000, v0;
	v45 =	vld [tilespmem:$0xD40];
	v10 =	vadd.f32 v20, v10  }
0x12a: {  	vm7 =	vgt.f32 v43, v7;
	vm15 =	vgt.f32 v39, v7;
	v27 =	vld [tilespmem:$0xD30];
	v8 =	vadd.f32 v36, v8  }
0x12b: {  	v31 =	vld [tilespmem:$0xCA0];
	vm13 =	vgt.f32 v37, v7;
	v21 =	vsel vm15, $0x3F800000, v0;
	v10 =	vadd.f32 v53, v10  }
0x12c: {  	v52 =	vld [tilespmem:$0xC10];
	v58 =	vsel vm12, $0x3F800000, v0;
	v51 =	vsel vm8, $0x3F800000, v0;
	v8 =	vadd.f32 v40, v8  }
0x12d: {  	v62 =	vld [tilespmem:$0xC70];
	vm8 =	vge.f32 v9, $2.000000000e+01;
	vm10 =	vgt.f32 v12, v6;
	v10 =	vadd.f32 v19, v10  }
0x12e: {  	vm11 =	vgt.f32 v45, v7;
	v60 =	vsel vm13, $0x3F800000, v0;
	v46 =	vadd.f32 v44, v8;
	v8 =	vld [tilespmem:$0xC80]  }
0x12f: {  	v54 =	vld [tilespmem:$0xC20];
	v55 =	vsel vm10, $0x3F800000, v0;
	vm14 =	vgt.f32 v27, v6;
	v10 =	vadd.f32 v60, v10  }
0x130: {  	v34 =	vsel vm5, $0x3F800000, v0;
	v57 =	vld [tilespmem:$0xC40];
	v27 =	vsel vm14, $0x3F800000, v0;
	v38 =	vsel vm7, $0x3F800000, v0  }
0x131: {  	v43 =	vld [tilespmem:$0xC00];
	vm13 =	vgt.f32 v48, v7;
	v16 =	vadd.f32 v49, v46;
	v10 =	vadd.f32 v21, v10  }
0x132: {  	v39 =	vld [tilespmem:$0xCD0];
	v42 =	vsel vm11, $0x3F800000, v0;
	v7 =	vsel vm13, $0x3F800000, v0;
	v32 =	vsel vm4, $0x3F800000, v0  }
0x133: {  	v14 =	vld [tilespmem:$0xCE0];
	v16 =	vadd.f32 v51, v16;
	v6 =	vadd.f32 v34, v10;
	vm9 =	vge.f32 v50, v8  }
0x134: {  	v36 =	vld [tilespmem:$0xCC0];
	vm10 =	vge.f32 v52, v8;
	vm12 =	vge.f32 v54, v8;
	vm14 =	vge.f32 v56, v8  }
0x135: {  	v47 =	vld [tilespmem:$0xCF0];
	vm4 =	vge.f32 v57, v8;
	vm7 =	vge.f32 v59, v8;
	vm11 =	vge.f32 v62, v8  }
0x136: {  	v60 =	vld [tilespmem:$0xC60];
	vm13 =	vgt.f32 v63, v8;
	v16 =	vadd.f32 v55, v16;
	v40 =	vsel vm9, $0x3F800000, v0  }
0x137: {  	v46 =	vld [tilespmem:$0xC10];
	v41 =	vsel vm10, $0x3F800000, v0;
	v45 =	vsel vm12, $0x3F800000, v0;
	v48 =	vsel vm14, $0x3F800000, v0  }
0x138: {  	v49 =	vld [tilespmem:$0xC20];
	v51 =	vsel vm4, $0x3F800000, v0;
	v56 =	vsel vm7, $0x3F800000, v0;
	vm9 =	vge.f32 v61, v8  }
0x139: {  	v10 =	vld [tilespmem:$0xC90];
	v61 =	vsel vm11, $0x3F800000, v0;
	v22 =	vsel vm13, $0x3F800000, v0;
	vm7 =	vgt.f32 v36, v8  }
0x13a: {  	v52 =	vld [tilespmem:$0xC30];
	vm11 =	vgt.f32 v14, v8;
	vm13 =	vgt.f32 v47, v8;
	v6 =	vadd.f32 v38, v6  }
0x13b: {  	v29 =	vld [tilespmem:$0xC80];
	v13 =	vadd.f32 v41, v40;
	v26 =	vsel vm9, $0x3F800000, v0;
	vm9 =	vgt.f32 v39, v8  }
0x13c: {  	v63 =	vld [tilespmem:$0xC70];
	v16 =	vadd.f32 v58, v16;
	v41 =	vsel vm9, $0x3F800000, v0;
	v44 =	vadd.f32 v42, v6  }
0x13d: {  	v55 =	vld [tilespmem:$0xC40];
	v13 =	vadd.f32 v45, v13;
	v6 =	vsel vm8, $0x3F800000, v0;
	v45 =	vsel vm11, $0x3F800000, v0  }
0x13e: {  	v34 =	vld [tilespmem:$0xCC0];
	v16 =	vadd.f32 v27, v16;
	vm5 =	vge.f32 v43, v10;
	vm6 =	vge.f32 v46, v10  }
0x13f: {  	v36 =	vld [tilespmem:$0xCD0];
	vm8 =	vge.f32 v49, v10;
	vm10 =	vge.f32 v52, v10;
	vm4 =	vge.f32 v60, v10  }
0x140: {  	v38 =	vld [tilespmem:$0xCE0];
	v49 =	vsel vm13, $0x3F800000, v0;
	vm13 =	vgt.f32 v25, v8;
	v50 =	vadd.f32 v48, v13  }
0x141: {  	v40 =	vld [tilespmem:$0xCF0];
	v53 =	vsel vm5, $0x3F800000, v0;
	v54 =	vsel vm6, $0x3F800000, v0;
	v57 =	vsel vm8, $0x3F800000, v0  }
0x142: {  	v58 =	vld [tilespmem:$0xC50];
	v59 =	vsel vm10, $0x3F800000, v0;
	vm12 =	vge.f32 v55, v10;
	vm5 =	vgt.f32 v35, v8  }
0x143: {  	v42 =	vld [tilespmem:$0xD00];
	v19 =	vsel vm4, $0x3F800000, v0;
	vm6 =	vge.f32 v63, v10;
	v11 =	vadd.f32 v54, v53  }
0x144: {  	v27 =	vld [tilespmem:$0xD30];
	vm8 =	vge.f32 v29, v10;
	vm10 =	vgt.f32 v31, v10;
	vm4 =	vgt.f32 v36, v10  }
0x145: {  	v46 =	vld [tilespmem:$0xD20];
	v25 =	vsel vm13, $0x3F800000, v0;
	v9 =	vadd.f32 v51, v50;
	v11 =	vadd.f32 v57, v11  }
0x146: {  	v60 =	vld [tilespmem:$0xC30];
	v16 =	vadd.f32 v32, v16;
	v62 =	vsel vm12, $0x3F800000, v0;
	v35 =	vsel vm6, $0x3F800000, v0  }
0x147: {  	v13 =	vld [tilespmem:$0xD00];
	v39 =	vsel vm8, $0x3F800000, v0;
	v9 =	vadd.f32 v56, v9;
	v11 =	vadd.f32 v59, v11  }
0x148: {  	v48 =	vld [tilespmem:$0xD30];
	v43 =	vsel vm10, $0x3F800000, v0;
	v20 =	vsel vm4, $0x3F800000, v0;
	v37 =	vadd.f32 v23, v16  }
0x149: {  	v55 =	vld [tilespmem:$0xC00];
	vm14 =	vge.f32 v58, v10;
	v9 =	vadd.f32 v26, v9;
	v11 =	vadd.f32 v62, v11  }
0x14a: {  	v63 =	vld [tilespmem:$0xC50];
	vm6 =	vgt.f32 v38, v10;
	vm8 =	vgt.f32 v40, v10;
	v24 =	vsel vm14, $0x3F800000, v0  }
0x14b: {  	v29 =	vld [tilespmem:$0xC60];
	vm15 =	vge.f32 v37, $2.000000000e+01;
	v9 =	vadd.f32 v61, v9;
	v11 =	vadd.f32 v24, v11  }
0x14c: {  	v31 =	vld [tilespmem:$0xD20];
	v23 =	vadd.f32 v7, v44;
	vm14 =	vgt.f32 v34, v10;
	v7 =	vsel vm15, $0x3F800000, v0  }
0x14d: {  	v32 =	vld [tilespmem:$0xCB0];
	vm15 =	vgt.f32 v33, v8;
	v9 =	vadd.f32 v22, v9;
	v11 =	vadd.f32 v19, v11  }
0x14e: {  	v53 =	vld [tilespmem:$0xD50];
	v57 =	vsel vm6, $0x3F800000, v0;
	vm10 =	vgt.f32 v42, v10;
	v30 =	vsel vm15, $0x3F800000, v0  }
0x14f: {  	v38 =	vld [tilespmem:$0xC90];
	v52 =	vsel vm14, $0x3F800000, v0;
	v9 =	vadd.f32 v30, v9;
	v11 =	vadd.f32 v35, v11  }
0x150: {  	v40 =	vld [tilespmem:$0xCB0];
	vm9 =	vgt.f32 v27, v8;
	vm14 =	vgt.f32 v46, v10;
	v33 =	vsel vm5, $0x3F800000, v0  }
0x151: {  	v50 =	vld [tilespmem:$0xD40];
	vm0 =	vge.f32 v23, $2.000000000e+01;
	v9 =	vadd.f32 v33, v9;
	v11 =	vadd.f32 v39, v11  }
0x152: {  	v44 =	vld [tilespmem:$0xD10];
	v37 =	vsel vm7, $0x3F800000, v0;
	vm7 =	vgt.f32 v28, v8;
	v27 =	vsel vm9, $0x3F800000, v0  }
0x153: {  	v23 =	vld [tilespmem:$0xD10];
	vm12 =	vgt.f32 v32, v10;
	v9 =	vadd.f32 v37, v9;
	v11 =	vadd.f32 v43, v11  }
0x154: {  	v58 =	vld [tilespmem:$0xC20];
	v59 =	vsel vm7, $0x3F800000, v0;
	v32 =	vsel vm10, $0x3F800000, v0;
	v47 =	vsel vm12, $0x3F800000, v0  }
0x155: {  	v26 =	vld [tilespmem:$0xD40];
	vm15 =	vgt.f32 v13, v8;
	v9 =	vadd.f32 v41, v9;
	v11 =	vadd.f32 v47, v11  }
0x156: {  	v56 =	vld [tilespmem:$0xC10];
	vm9 =	vgt.f32 v53, v10;
	vm7 =	vgt.f32 v50, v10;
	v54 =	vsel vm15, $0x3F800000, v0  }
0x157: {  	v46 =	vld [tilespmem:$0xC10];
	vm12 =	vgt.f32 v44, v10;
	v9 =	vadd.f32 v45, v9;
	v11 =	vadd.f32 v52, v11  }
0x158: {  	v62 =	vld [tilespmem:$0xC40];
	v61 =	vsel vm8, $0x3F800000, v0;
	v36 =	vsel vm12, $0x3F800000, v0;
	vm5 =	vgt.f32 v23, v8  }
0x159: {  	v23 =	vsel vm5, $0x3F800000, v0;
	v51 =	vadd.f32 v49, v9;
	v9 =	vld [tilespmem:$0xCA0];
	v11 =	vadd.f32 v20, v11  }
0x15a: {  	vm11 =	vgt.f32 v26, v8;
	v8 =	vsel vm0, $0x3F800000, v0;
	vm5 =	vgt.f32 v48, v10;
	v35 =	vld [tilespmem:$0xC70]  }
0x15b: {  	v34 =	vsel vm11, $0x3F800000, v0;
	v37 =	vld [tilespmem:$0xC80];
	v12 =	vadd.f32 v54, v51;
	v11 =	vadd.f32 v57, v11  }
0x15c: {  	v50 =	vld [tilespmem:$0xC20];
	v39 =	vsel vm14, $0x3F800000, v0;
	v43 =	vsel vm5, $0x3F800000, v0;
	v47 =	vsel vm7, $0x3F800000, v0  }
0x15d: {  	v44 =	vld [tilespmem:$0xC00];
	v51 =	vsel vm9, $0x3F800000, v0;
	v12 =	vadd.f32 v23, v12;
	v11 =	vadd.f32 v61, v11  }
0x15e: {  	v33 =	vld [tilespmem:$0xC60];
	vm15 =	vge.f32 v55, v9;
	vm4 =	vge.f32 v56, v9;
	vm6 =	vge.f32 v58, v9  }
0x15f: {  	v48 =	vld [tilespmem:$0xCD0];
	vm8 =	vge.f32 v60, v9;
	vm10 =	vge.f32 v62, v9;
	vm13 =	vge.f32 v63, v9  }
0x160: {  	v52 =	vld [tilespmem:$0xCE0];
	vm5 =	vge.f32 v35, v9;
	vm7 =	vge.f32 v37, v9;
	vm9 =	vge.f32 v38, v9  }
0x161: {  	v54 =	vld [tilespmem:$0xC30];
	v12 =	vadd.f32 v59, v12;
	v41 =	vsel vm15, $0x3F800000, v0;
	v42 =	vsel vm4, $0x3F800000, v0  }
0x162: {  	v57 =	vld [tilespmem:$0xC40];
	v45 =	vsel vm6, $0x3F800000, v0;
	v49 =	vsel vm8, $0x3F800000, v0;
	v11 =	vadd.f32 v32, v11  }
0x163: {  	v55 =	vld [tilespmem:$0xCF0];
	v53 =	vsel vm10, $0x3F800000, v0;
	v58 =	vsel vm13, $0x3F800000, v0;
	vm15 =	vge.f32 v33, v9  }
0x164: {  	v60 =	vld [tilespmem:$0xC50];
	v30 =	vsel vm5, $0x3F800000, v0;
	v12 =	vadd.f32 v27, v12;
	v11 =	vadd.f32 v36, v11  }
0x165: {  	v59 =	vld [tilespmem:$0xD00];
	v38 =	vsel vm9, $0x3F800000, v0;
	vm13 =	vgt.f32 v17, v9;
	v21 =	vadd.f32 v42, v41  }
0x166: {  	v35 =	vld [tilespmem:$0xD30];
	vm5 =	vgt.f32 v52, v9;
	v12 =	vadd.f32 v34, v12;
	v11 =	vadd.f32 v39, v11  }
0x167: {  	v62 =	vld [tilespmem:$0xD10];
	v61 =	vsel vm15, $0x3F800000, v0;
	vm15 =	vgt.f32 v48, v9;
	v19 =	vadd.f32 v45, v21  }
0x168: {  	v52 =	vsel vm5, $0x3F800000, v0;
	v25 =	vadd.f32 v25, v12;
	v12 =	vld [tilespmem:$0xCB0];
	v11 =	vadd.f32 v43, v11  }
0x169: {  	v34 =	vsel vm7, $0x3F800000, v0;
	vm7 =	vgt.f32 v55, v9;
	v19 =	vadd.f32 v49, v19;
	v39 =	vld [tilespmem:$0xD40]  }
0x16a: {  	v37 =	vld [tilespmem:$0xC80];
	v49 =	vsel vm15, $0x3F800000, v0;
	vm9 =	vgt.f32 v59, v9;
	v11 =	vadd.f32 v47, v11  }
0x16b: {  	v33 =	vld [tilespmem:$0xC70];
	v55 =	vsel vm7, $0x3F800000, v0;
	vm15 =	vgt.f32 v35, v9;
	v59 =	vsel vm9, $0x3F800000, v0  }
0x16c: {  	v41 =	vld [tilespmem:$0xC90];
	v35 =	vsel vm15, $0x3F800000, v0;
	vm0 =	vge.f32 v25, $2.000000000e+01;
	v10 =	vadd.f32 v51, v11  }
0x16d: {  	v48 =	vld [tilespmem:$0xCD0];
	v11 =	vadd.f32 v53, v19;
	vm11 =	vge.f32 v44, v12;
	vm12 =	vge.f32 v46, v12  }
0x16e: {  	v45 =	vld [tilespmem:$0xCA0];
	vm5 =	vgt.f32 v39, v9;
	v22 =	vsel vm11, $0x3F800000, v0;
	v56 =	vsel vm12, $0x3F800000, v0  }
0x16f: {  	v43 =	vld [tilespmem:$0xD50];
	vm14 =	vge.f32 v50, v12;
	v15 =	vadd.f32 v56, v22;
	v11 =	vadd.f32 v58, v11  }
0x170: {  	v47 =	vld [tilespmem:$0xCC0];
	vm4 =	vge.f32 v54, v12;
	vm6 =	vge.f32 v57, v12;
	v13 =	vsel vm14, $0x3F800000, v0  }
0x171: {  	vm8 =	vge.f32 v60, v12;
	v50 =	vld [tilespmem:$0xCE0];
	v13 =	vadd.f32 v13, v15;
	v11 =	vadd.f32 v61, v11  }
0x172: {  	vm10 =	vge.f32 v29, v12;
	v46 =	vsel vm13, $0x3F800000, v0;
	v51 =	vld [tilespmem:$0xCF0];
	v63 =	vsel vm4, $0x3F800000, v0  }
0x173: {  	v53 =	vld [tilespmem:$0xD00];
	vm13 =	vgt.f32 v31, v9;
	v13 =	vadd.f32 v63, v13;
	v11 =	vadd.f32 v30, v11  }
0x174: {  	v54 =	vld [tilespmem:$0xD10];
	v39 =	vsel vm5, $0x3F800000, v0;
	v32 =	vsel vm6, $0x3F800000, v0;
	v36 =	vsel vm8, $0x3F800000, v0  }
0x175: {  	v60 =	vld [tilespmem:$0xD40];
	vm11 =	vgt.f32 v40, v9;
	v13 =	vadd.f32 v32, v13;
	v11 =	vadd.f32 v34, v11  }
0x176: {  	v31 =	vld [tilespmem:$0xC00];
	v40 =	vsel vm10, $0x3F800000, v0;
	vm12 =	vge.f32 v33, v12;
	vm14 =	vge.f32 v37, v12  }
0x177: {  	vm4 =	vge.f32 v41, v12;
	v33 =	vld [tilespmem:$0xC10];
	v13 =	vadd.f32 v36, v13;
	v11 =	vadd.f32 v38, v11  }
0x178: {  	vm6 =	vge.f32 v45, v12;
	vm10 =	vgt.f32 v48, v12;
	v42 =	vsel vm11, $0x3F800000, v0;
	v56 =	vld [tilespmem:$0xD20]  }
0x179: {  	vm7 =	vgt.f32 v43, v9;
	v58 =	vld [tilespmem:$0xD30];
	v13 =	vadd.f32 v40, v13;
	v11 =	vadd.f32 v42, v11  }
0x17a: {  	v44 =	vsel vm12, $0x3F800000, v0;
	v16 =	vsel vm4, $0x3F800000, v0;
	vm8 =	vgt.f32 v47, v12;
	v47 =	vld [tilespmem:$0xC80]  }
0x17b: {  	vm12 =	vgt.f32 v50, v12;
	v50 =	vld [tilespmem:$0xC10];
	v13 =	vadd.f32 v44, v13;
	v11 =	vadd.f32 v46, v11  }
0x17c: {  	v17 =	vsel vm6, $0x3F800000, v0;
	v15 =	vsel vm14, $0x3F800000, v0;
	vm4 =	vgt.f32 v53, v12;
	v53 =	vld [tilespmem:$0xC90]  }
0x17d: {  	vm11 =	vgt.f32 v62, v9;
	v63 =	vld [tilespmem:$0xD50];
	v13 =	vadd.f32 v15, v13;
	v11 =	vadd.f32 v49, v11  }
0x17e: {  	v62 =	vsel vm10, $0x3F800000, v0;
	v57 =	vsel vm8, $0x3F800000, v0;
	vm8 =	vgt.f32 v56, v12;
	v56 =	vld [tilespmem:$0xCA0]  }
0x17f: {  	vm10 =	vgt.f32 v58, v12;
	v58 =	vld [tilespmem:$0xC30];
	v13 =	vadd.f32 v16, v13;
	v11 =	vadd.f32 v52, v11  }
0x180: {  	v43 =	vsel vm7, $0x3F800000, v0;
	v9 =	vsel vm0, $0x3F800000, v0;
	vm9 =	vge.f32 v10, $2.000000000e+01;
	v34 =	vld [tilespmem:$0xC20]  }
0x181: {  	v26 =	vsel vm11, $0x3F800000, v0;
	v36 =	vld [tilespmem:$0xC30];
	v13 =	vadd.f32 v17, v13;
	v11 =	vadd.f32 v55, v11  }
0x182: {  	v10 =	vsel vm9, $0x3F800000, v0;
	vm14 =	vgt.f32 v51, v12;
	vm6 =	vgt.f32 v54, v12;
	v38 =	vld [tilespmem:$0xC40]  }
0x183: {  	v30 =	vsel vm12, $0x3F800000, v0;
	v13 =	vadd.f32 v57, v13;
	v61 =	vadd.f32 v59, v11;
	v11 =	vld [tilespmem:$0xCC0]  }
0x184: {  	v20 =	vsel vm14, $0x3F800000, v0;
	v37 =	vsel vm4, $0x3F800000, v0;
	v41 =	vsel vm6, $0x3F800000, v0;
	v40 =	vld [tilespmem:$0xC50]  }
0x185: {  	v32 =	vsel vm13, $0x3F800000, v0;
	v48 =	vsel vm10, $0x3F800000, v0;
	v42 =	vld [tilespmem:$0xC60];
	v13 =	vadd.f32 v62, v13  }
0x186: {  	vm13 =	vgt.f32 v60, v12;
	vm1 =	vgt.f32 v63, v12;
	v63 =	vld [tilespmem:$0xC40];
	v29 =	vadd.f32 v26, v61  }
0x187: {  	v54 =	vsel vm13, $0x3F800000, v0;
	v44 =	vld [tilespmem:$0xC70];
	v46 =	vsel vm8, $0x3F800000, v0;
	v13 =	vadd.f32 v30, v13  }
0x188: {  	v49 =	vld [tilespmem:$0xC00];
	v15 =	vadd.f32 v32, v29;
	vm11 =	vge.f32 v31, v11;
	vm12 =	vge.f32 v33, v11  }
0x189: {  	v55 =	vld [tilespmem:$0xC20];
	vm14 =	vge.f32 v34, v11;
	vm15 =	vge.f32 v36, v11;
	vm6 =	vge.f32 v38, v11  }
0x18a: {  	v59 =	vld [tilespmem:$0xCB0];
	vm8 =	vge.f32 v40, v11;
	vm10 =	vge.f32 v42, v11;
	v13 =	vadd.f32 v20, v13  }
0x18b: {  	v33 =	vld [tilespmem:$0xCD0];
	v15 =	vadd.f32 v35, v15;
	v51 =	vsel vm11, $0x3F800000, v0;
	v52 =	vsel vm12, $0x3F800000, v0  }
0x18c: {  	v34 =	vld [tilespmem:$0xC50];
	v23 =	vsel vm14, $0x3F800000, v0;
	v57 =	vsel vm15, $0x3F800000, v0;
	v32 =	vsel vm6, $0x3F800000, v0  }
0x18d: {  	v36 =	vld [tilespmem:$0xCE0];
	v35 =	vsel vm8, $0x3F800000, v0;
	vm12 =	vge.f32 v44, v11;
	v13 =	vadd.f32 v37, v13  }
0x18e: {  	v40 =	vld [tilespmem:$0xCF0];
	vm14 =	vge.f32 v47, v11;
	vm6 =	vge.f32 v56, v11;
	v17 =	vadd.f32 v52, v51  }
0x18f: {  	vm8 =	vge.f32 v59, v11;
	v52 =	vld [tilespmem:$0xD20];
	v15 =	vadd.f32 v39, v15;
	v13 =	vadd.f32 v41, v13  }
0x190: {  	v38 =	vld [tilespmem:$0xC60];
	v47 =	vsel vm14, $0x3F800000, v0;
	v59 =	vsel vm8, $0x3F800000, v0;
	v17 =	vadd.f32 v23, v17  }
0x191: {  	v39 =	vsel vm10, $0x3F800000, v0;
	v45 =	vadd.f32 v43, v15;
	v15 =	vadd.f32 v46, v13;
	v13 =	vld [tilespmem:$0xCD0]  }
0x192: {  	v42 =	vld [tilespmem:$0xC70];
	v43 =	vsel vm12, $0x3F800000, v0;
	vm10 =	vgt.f32 v33, v11;
	v61 =	vadd.f32 v57, v17  }
0x193: {  	v44 =	vld [tilespmem:$0xD00];
	vm12 =	vgt.f32 v36, v11;
	vm14 =	vgt.f32 v40, v11;
	v14 =	vadd.f32 v48, v15  }
0x194: {  	v56 =	vld [tilespmem:$0xD30];
	v23 =	vsel vm14, $0x3F800000, v0;
	vm8 =	vgt.f32 v52, v11;
	v15 =	vadd.f32 v32, v61  }
0x195: {  	v33 =	vld [tilespmem:$0xCE0];
	vm0 =	vge.f32 v45, $2.000000000e+01;
	v25 =	vsel vm8, $0x3F800000, v0;
	v14 =	vadd.f32 v54, v14  }
0x196: {  	v46 =	vld [tilespmem:$0xC80];
	v15 =	vadd.f32 v35, v15;
	vm4 =	vge.f32 v49, v13;
	vm5 =	vge.f32 v50, v13  }
0x197: {  	v48 =	vld [tilespmem:$0xD10];
	vm7 =	vge.f32 v55, v13;
	vm9 =	vge.f32 v58, v13;
	vm11 =	vge.f32 v63, v13  }
0x198: {  	v32 =	vld [tilespmem:$0xD50];
	vm13 =	vge.f32 v34, v13;
	vm15 =	vge.f32 v38, v13;
	v55 =	vsel vm6, $0x3F800000, v0  }
0x199: {  	v54 =	vld [tilespmem:$0xCA0];
	v63 =	vsel vm10, $0x3F800000, v0;
	v60 =	vsel vm4, $0x3F800000, v0;
	v62 =	vsel vm5, $0x3F800000, v0  }
0x19a: {  	v35 =	vld [tilespmem:$0xCF0];
	v34 =	vsel vm12, $0x3F800000, v0;
	v15 =	vadd.f32 v39, v15;
	v17 =	vadd.f32 v62, v60  }
0x19b: {  	v50 =	vld [tilespmem:$0xC90];
	vm10 =	vgt.f32 v56, v11;
	v56 =	vsel vm1, $0x3F800000, v0;
	v18 =	vsel vm7, $0x3F800000, v0  }
0x19c: {  	v58 =	vld [tilespmem:$0xCB0];
	v37 =	vsel vm9, $0x3F800000, v0;
	v15 =	vadd.f32 v43, v15;
	v17 =	vadd.f32 v18, v17  }
0x19d: {  	v38 =	vld [tilespmem:$0xD10];
	v41 =	vsel vm11, $0x3F800000, v0;
	v45 =	vsel vm13, $0x3F800000, v0;
	v49 =	vsel vm15, $0x3F800000, v0  }
0x19e: {  	vm4 =	vge.f32 v53, v11;
	v39 =	vld [tilespmem:$0xD20];
	v15 =	vadd.f32 v47, v15;
	v17 =	vadd.f32 v37, v17  }
0x19f: {  	vm5 =	vge.f32 v42, v13;
	v14 =	vadd.f32 v56, v14;
	v51 =	vsel vm4, $0x3F800000, v0;
	v60 =	vld [tilespmem:$0xD40]  }
0x1a0: {  	vm7 =	vge.f32 v46, v13;
	v62 =	vld [tilespmem:$0xCC0];
	v15 =	vadd.f32 v51, v15;
	v17 =	vadd.f32 v41, v17  }
0x1a1: {  	v53 =	vsel vm5, $0x3F800000, v0;
	v57 =	vsel vm7, $0x3F800000, v0;
	vm4 =	vgt.f32 v44, v11;
	v44 =	vld [tilespmem:$0xD50]  }
0x1a2: {  	vm14 =	vgt.f32 v32, v11;
	v32 =	vld [tilespmem:$0xCD0];
	v15 =	vadd.f32 v55, v15;
	v17 =	vadd.f32 v45, v17  }
0x1a3: {  	vm5 =	vgt.f32 v33, v13;
	vm6 =	vgt.f32 v48, v11;
	v40 =	vsel vm4, $0x3F800000, v0;
	v43 =	vld [tilespmem:$0xD40]  }
0x1a4: {  	vm11 =	vge.f32 v54, v13;
	v47 =	vld [tilespmem:$0xC00];
	v15 =	vadd.f32 v59, v15;
	v17 =	vadd.f32 v49, v17  }
0x1a5: {  	v42 =	vsel vm5, $0x3F800000, v0;
	v16 =	vsel vm11, $0x3F800000, v0;
	vm13 =	vge.f32 v58, v13;
	v58 =	vld [tilespmem:$0xC50]  }
0x1a6: {  	vm11 =	vgt.f32 v38, v13;
	v38 =	vld [tilespmem:$0xC90];
	v15 =	vadd.f32 v63, v15;
	v17 =	vadd.f32 v53, v17  }
0x1a7: {  	v26 =	vsel vm6, $0x3F800000, v0;
	vm5 =	vge.f32 v14, $2.000000000e+01;
	vm7 =	vgt.f32 v35, v13;
	v37 =	vld [tilespmem:$0xD00]  }
0x1a8: {  	vm9 =	vge.f32 v50, v13;
	v51 =	vld [tilespmem:$0xC20];
	v15 =	vadd.f32 v34, v15;
	v17 =	vadd.f32 v57, v17  }
0x1a9: {  	v46 =	vsel vm7, $0x3F800000, v0;
	v61 =	vsel vm9, $0x3F800000, v0;
	vm12 =	vgt.f32 v60, v11;
	v60 =	vld [tilespmem:$0xC60]  }
0x1aa: {  	vm7 =	vgt.f32 v44, v13;
	v44 =	vld [tilespmem:$0xC20];
	v15 =	vadd.f32 v23, v15;
	v17 =	vadd.f32 v61, v17  }
0x1ab: {  	v50 =	vsel vm10, $0x3F800000, v0;
	v36 =	vsel vm13, $0x3F800000, v0;
	v52 =	vsel vm11, $0x3F800000, v0;
	v41 =	vld [tilespmem:$0xD30]  }
0x1ac: {  	vm15 =	vge.f32 v62, v13;
	v55 =	vld [tilespmem:$0xC40];
	v15 =	vadd.f32 v40, v15;
	v16 =	vadd.f32 v16, v17  }
0x1ad: {  	vm13 =	vgt.f32 v39, v13;
	v11 =	vsel vm0, $0x3F800000, v0;
	v19 =	vsel vm15, $0x3F800000, v0;
	v49 =	vld [tilespmem:$0xC10]  }
0x1ae: {  	v54 =	vsel vm12, $0x3F800000, v0;
	v45 =	vadd.f32 v26, v15;
	v15 =	vld [tilespmem:$0xCE0];
	v16 =	vadd.f32 v36, v16  }
0x1af: {  	vm4 =	vgt.f32 v43, v13;
	v39 =	vsel vm7, $0x3F800000, v0;
	vm9 =	vgt.f32 v37, v13;
	v63 =	vld [tilespmem:$0xC70]  }
0x1b0: {  	v37 =	vsel vm4, $0x3F800000, v0;
	v48 =	vsel vm9, $0x3F800000, v0;
	v53 =	vld [tilespmem:$0xC30];
	v16 =	vadd.f32 v19, v16  }
0x1b1: {  	vm15 =	vgt.f32 v41, v13;
	v13 =	vsel vm5, $0x3F800000, v0;
	v41 =	vld [tilespmem:$0xC10];
	v19 =	vadd.f32 v25, v45  }
0x1b2: {  	v62 =	vsel vm15, $0x3F800000, v0;
	v57 =	vsel vm13, $0x3F800000, v0;
	v40 =	vld [tilespmem:$0xC00];
	v16 =	vadd.f32 v42, v16  }
0x1b3: {  	v61 =	vsel vm14, $0x3F800000, v0;
	v36 =	vld [tilespmem:$0xC80];
	v19 =	vadd.f32 v50, v19;
	vm8 =	vge.f32 v47, v15  }
0x1b4: {  	v45 =	vld [tilespmem:$0xCB0];
	vm9 =	vge.f32 v49, v15;
	vm10 =	vge.f32 v51, v15;
	v16 =	vadd.f32 v46, v16  }
0x1b5: {  	v42 =	vld [tilespmem:$0xCA0];
	vm11 =	vge.f32 v53, v15;
	vm12 =	vge.f32 v55, v15;
	vm13 =	vge.f32 v58, v15  }
0x1b6: {  	v47 =	vld [tilespmem:$0xC30];
	v20 =	vsel vm8, $0x3F800000, v0;
	v22 =	vsel vm9, $0x3F800000, v0;
	v16 =	vadd.f32 v48, v16  }
0x1b7: {  	vm4 =	vge.f32 v60, v15;
	v55 =	vld [tilespmem:$0xCF0];
	v43 =	vsel vm10, $0x3F800000, v0;
	v20 =	vadd.f32 v22, v20  }
0x1b8: {  	v51 =	vld [tilespmem:$0xC40];
	v29 =	vsel vm11, $0x3F800000, v0;
	v30 =	vsel vm13, $0x3F800000, v0;
	v16 =	vadd.f32 v52, v16  }
0x1b9: {  	vm8 =	vge.f32 v36, v15;
	v19 =	vadd.f32 v54, v19;
	v48 =	vld [tilespmem:$0xCC0];
	v49 =	vadd.f32 v43, v20  }
0x1ba: {  	v53 =	vld [tilespmem:$0xC50];
	vm10 =	vge.f32 v38, v15;
	v46 =	vsel vm12, $0x3F800000, v0;
	v59 =	vadd.f32 v57, v16  }
0x1bb: {  	v58 =	vsel vm8, $0x3F800000, v0;
	v43 =	vld [tilespmem:$0xCA0];
	v16 =	vadd.f32 v61, v19;
	v19 =	vadd.f32 v29, v49  }
0x1bc: {  	v25 =	vsel vm10, $0x3F800000, v0;
	vm12 =	vge.f32 v42, v15;
	vm8 =	vgt.f32 v55, v15;
	v57 =	vld [tilespmem:$0xC60]  }
0x1bd: {  	v35 =	vadd.f32 v62, v59;
	vm6 =	vge.f32 v16, $2.000000000e+01;
	v16 =	vld [tilespmem:$0xCF0];
	v19 =	vadd.f32 v46, v19  }
0x1be: {  	v52 =	vsel vm4, $0x3F800000, v0;
	vm4 =	vge.f32 v48, v15;
	v48 =	vld [tilespmem:$0xCB0];
	v12 =	vsel vm6, $0x3F800000, v0  }
0x1bf: {  	v59 =	vld [tilespmem:$0xD00];
	vm6 =	vge.f32 v63, v15;
	v14 =	vadd.f32 v37, v35;
	v60 =	vadd.f32 v30, v19  }
0x1c0: {  	v36 =	vsel vm12, $0x3F800000, v0;
	v62 =	vld [tilespmem:$0xC70];
	v54 =	vsel vm6, $0x3F800000, v0;
	vm6 =	vge.f32 v32, v15  }
0x1c1: {  	v63 =	vld [tilespmem:$0xD10];
	v49 =	vsel vm6, $0x3F800000, v0;
	v14 =	vadd.f32 v39, v14;
	v18 =	vadd.f32 v52, v60  }
0x1c2: {  	v35 =	vld [tilespmem:$0xC80];
	vm14 =	vge.f32 v40, v16;
	vm15 =	vge.f32 v41, v16;
	vm5 =	vge.f32 v44, v16  }
0x1c3: {  	v37 =	vld [tilespmem:$0xD20];
	vm7 =	vge.f32 v47, v16;
	vm9 =	vge.f32 v51, v16;
	vm11 =	vge.f32 v53, v16  }
0x1c4: {  	v39 =	vld [tilespmem:$0xC90];
	vm13 =	vge.f32 v57, v16;
	v44 =	vsel vm4, $0x3F800000, v0;
	v53 =	vsel vm8, $0x3F800000, v0  }
0x1c5: {  	v52 =	vld [tilespmem:$0xCC0];
	vm10 =	vgt.f32 v59, v15;
	v31 =	vsel vm14, $0x3F800000, v0;
	v50 =	vsel vm15, $0x3F800000, v0  }
0x1c6: {  	v60 =	vld [tilespmem:$0xD30];
	vm0 =	vge.f32 v14, $2.000000000e+01;
	v21 =	vsel vm5, $0x3F800000, v0;
	v20 =	vadd.f32 v50, v31  }
0x1c7: {  	v41 =	vld [tilespmem:$0xD30];
	v56 =	vsel vm7, $0x3F800000, v0;
	v61 =	vsel vm9, $0x3F800000, v0;
	v34 =	vsel vm11, $0x3F800000, v0  }
0x1c8: {  	v57 =	vld [tilespmem:$0xD00];
	v18 =	vadd.f32 v54, v18;
	v38 =	vsel vm13, $0x3F800000, v0;
	v20 =	vadd.f32 v21, v20  }
0x1c9: {  	v59 =	vld [tilespmem:$0xD20];
	vm14 =	vge.f32 v45, v15;
	vm15 =	vge.f32 v62, v16;
	vm9 =	vge.f32 v43, v16  }
0x1ca: {  	v45 =	vld [tilespmem:$0xD40];
	v28 =	vsel vm10, $0x3F800000, v0;
	v18 =	vadd.f32 v58, v18;
	v20 =	vadd.f32 v56, v20  }
0x1cb: {  	v54 =	vld [tilespmem:$0xCD0];
	vm11 =	vge.f32 v48, v16;
	vm12 =	vgt.f32 v63, v15;
	v40 =	vsel vm14, $0x3F800000, v0  }
0x1cc: {  	v62 =	vld [tilespmem:$0xD50];
	v42 =	vsel vm15, $0x3F800000, v0;
	v46 =	vadd.f32 v25, v18;
	v19 =	vadd.f32 v61, v20  }
0x1cd: {  	v63 =	vld [tilespmem:$0xC00];
	vm5 =	vge.f32 v35, v16;
	v55 =	vsel vm9, $0x3F800000, v0;
	v30 =	vsel vm12, $0x3F800000, v0  }
0x1ce: {  	v43 =	vld [tilespmem:$0xC40];
	vm14 =	vgt.f32 v37, v15;
	v17 =	vadd.f32 v36, v46;
	v19 =	vadd.f32 v34, v19  }
0x1cf: {  	v48 =	vld [tilespmem:$0xC30];
	v47 =	vsel vm5, $0x3F800000, v0;
	v26 =	vsel vm14, $0x3F800000, v0;
	vm7 =	vge.f32 v39, v16  }
0x1d0: {  	v50 =	vld [tilespmem:$0xD50];
	vm13 =	vge.f32 v52, v16;
	v17 =	vadd.f32 v40, v17;
	v19 =	vadd.f32 v38, v19  }
0x1d1: {  	v58 =	vld [tilespmem:$0xD10];
	v51 =	vsel vm7, $0x3F800000, v0;
	v22 =	vsel vm13, $0x3F800000, v0;
	vm4 =	vgt.f32 v41, v15  }
0x1d2: {  	vm7 =	vgt.f32 v57, v16;
	v41 =	vld [tilespmem:$0xC10];
	v17 =	vadd.f32 v44, v17;
	v19 =	vadd.f32 v42, v19  }
0x1d3: {  	vm10 =	vgt.f32 v59, v16;
	v59 =	vld [tilespmem:$0xC60];
	vm15 =	vge.f32 v54, v16;
	v29 =	vsel vm4, $0x3F800000, v0  }
0x1d4: {  	v56 =	vld [tilespmem:$0xCE0];
	vm6 =	vgt.f32 v45, v15;
	v17 =	vadd.f32 v49, v17;
	v18 =	vadd.f32 v47, v19  }
0x1d5: {  	v35 =	vsel vm7, $0x3F800000, v0;
	vm13 =	vgt.f32 v62, v16;
	v14 =	vsel vm15, $0x3F800000, v0;
	v36 =	vld [tilespmem:$0xC20]  }
0x1d6: {  	vm8 =	vgt.f32 v50, v15;
	v15 =	vld [tilespmem:$0xD10];
	v17 =	vadd.f32 v53, v17;
	v18 =	vadd.f32 v51, v18  }
0x1d7: {  	v33 =	vsel vm6, $0x3F800000, v0;
	v20 =	vsel vm11, $0x3F800000, v0;
	vm9 =	vgt.f32 v58, v16;
	v44 =	vld [tilespmem:$0xC20]  }
0x1d8: {  	v61 =	vld [tilespmem:$0xD40];
	vm11 =	vgt.f32 v60, v16;
	v17 =	vadd.f32 v28, v17;
	v18 =	vadd.f32 v55, v18  }
0x1d9: {  	v37 =	vsel vm8, $0x3F800000, v0;
	v39 =	vsel vm9, $0x3F800000, v0;
	v40 =	vld [tilespmem:$0xC00];
	v25 =	vsel vm11, $0x3F800000, v0  }
0x1da: {  	vm5 =	vge.f32 v56, v16;
	v56 =	vld [tilespmem:$0xC50];
	v17 =	vadd.f32 v30, v17;
	v18 =	vadd.f32 v20, v18  }
0x1db: {  	v24 =	vsel vm5, $0x3F800000, v0;
	vm5 =	vge.f32 v41, v15;
	vm9 =	vge.f32 v48, v15;
	v53 =	vld [tilespmem:$0xC40]  }
0x1dc: {  	vm7 =	vge.f32 v44, v15;
	v44 =	vld [tilespmem:$0xCA0];
	v17 =	vadd.f32 v26, v17;
	v18 =	vadd.f32 v22, v18  }
0x1dd: {  	v34 =	vld [tilespmem:$0xC10];
	vm12 =	vgt.f32 v61, v16;
	v16 =	vsel vm13, $0x3F800000, v0;
	v52 =	vsel vm5, $0x3F800000, v0  }
0x1de: {  	vm4 =	vge.f32 v40, v15;
	v17 =	vadd.f32 v29, v17;
	v18 =	vadd.f32 v14, v18;
	v14 =	vld [tilespmem:$0xD00]  }
0x1df: {  	v46 =	vld [tilespmem:$0xC50];
	v42 =	vsel vm12, $0x3F800000, v0;
	v50 =	vsel vm4, $0x3F800000, v0;
	vm13 =	vge.f32 v56, v15  }
0x1e0: {  	v58 =	vld [tilespmem:$0xC80];
	vm11 =	vge.f32 v53, v15;
	v17 =	vadd.f32 v33, v17;
	v18 =	vadd.f32 v24, v18  }
0x1e1: {  	v38 =	vld [tilespmem:$0xC30];
	v26 =	vsel vm7, $0x3F800000, v0;
	v62 =	vsel vm11, $0x3F800000, v0;
	vm11 =	vge.f32 v44, v15  }
0x1e2: {  	v41 =	vld [tilespmem:$0xCC0];
	v20 =	vsel vm10, $0x3F800000, v0;
	v17 =	vadd.f32 v37, v17;
	v18 =	vadd.f32 v35, v18  }
0x1e3: {  	v49 =	vld [tilespmem:$0xC60];
	v24 =	vsel vm9, $0x3F800000, v0;
	vm14 =	vge.f32 v63, v14;
	vm15 =	vge.f32 v34, v14  }
0x1e4: {  	v55 =	vld [tilespmem:$0xC70];
	v18 =	vadd.f32 v39, v18;
	v45 =	vsel vm14, $0x3F800000, v0;
	v47 =	vsel vm15, $0x3F800000, v0  }
0x1e5: {  	v61 =	vld [tilespmem:$0xC90];
	v35 =	vsel vm13, $0x3F800000, v0;
	vm6 =	vge.f32 v36, v14;
	v51 =	vadd.f32 v47, v45  }
0x1e6: {  	v53 =	vld [tilespmem:$0xCF0];
	vm8 =	vge.f32 v38, v14;
	v54 =	vsel vm6, $0x3F800000, v0;
	v18 =	vadd.f32 v20, v18  }
0x1e7: {  	v33 =	vld [tilespmem:$0xCA0];
	vm10 =	vge.f32 v43, v14;
	vm12 =	vge.f32 v46, v14;
	v22 =	vadd.f32 v54, v51  }
0x1e8: {  	v63 =	vld [tilespmem:$0xC70];
	v57 =	vsel vm8, $0x3F800000, v0;
	v18 =	vadd.f32 v25, v18;
	v25 =	vadd.f32 v52, v50  }
0x1e9: {  	v36 =	vld [tilespmem:$0xC80];
	vm4 =	vge.f32 v55, v14;
	v60 =	vsel vm10, $0x3F800000, v0;
	v22 =	vadd.f32 v57, v22  }
0x1ea: {  	v38 =	vld [tilespmem:$0xCB0];
	v32 =	vsel vm12, $0x3F800000, v0;
	vm14 =	vge.f32 v49, v14;
	v25 =	vadd.f32 v26, v25  }
0x1eb: {  	v46 =	vld [tilespmem:$0xCD0];
	vm15 =	vge.f32 v59, v15;
	v40 =	vsel vm4, $0x3F800000, v0;
	v22 =	vadd.f32 v60, v22  }
0x1ec: {  	v55 =	vld [tilespmem:$0xCD0];
	vm6 =	vge.f32 v58, v14;
	vm8 =	vge.f32 v61, v14;
	v24 =	vadd.f32 v24, v25  }
0x1ed: {  	v39 =	vld [tilespmem:$0xC90];
	vm10 =	vge.f32 v33, v14;
	v37 =	vsel vm14, $0x3F800000, v0;
	v34 =	vadd.f32 v32, v22  }
0x1ee: {  	v49 =	vld [tilespmem:$0xCE0];
	v23 =	vsel vm15, $0x3F800000, v0;
	v45 =	vsel vm6, $0x3F800000, v0;
	v24 =	vadd.f32 v62, v24  }
0x1ef: {  	v59 =	vld [tilespmem:$0xCE0];
	v48 =	vsel vm8, $0x3F800000, v0;
	vm14 =	vge.f32 v41, v14;
	v21 =	vadd.f32 v37, v34  }
0x1f0: {  	v61 =	vld [tilespmem:$0xD20];
	vm8 =	vge.f32 v53, v14;
	v54 =	vsel vm11, $0x3F800000, v0;
	v22 =	vadd.f32 v35, v24  }
0x1f1: {  	v33 =	vld [tilespmem:$0xD30];
	vm5 =	vge.f32 v63, v15;
	v18 =	vadd.f32 v42, v18;
	v42 =	vadd.f32 v40, v21  }
0x1f2: {  	v47 =	vld [tilespmem:$0xCB0];
	vm7 =	vge.f32 v36, v15;
	v52 =	vsel vm10, $0x3F800000, v0;
	v22 =	vadd.f32 v23, v22  }
0x1f3: {  	v41 =	vld [tilespmem:$0xD50];
	vm12 =	vge.f32 v38, v14;
	v43 =	vsel vm5, $0x3F800000, v0;
	v19 =	vadd.f32 v45, v42  }
0x1f4: {  	v53 =	vld [tilespmem:$0xC40];
	vm4 =	vge.f32 v46, v14;
	v20 =	vsel vm7, $0x3F800000, v0;
	v21 =	vadd.f32 v43, v22  }
0x1f5: {  	v51 =	vld [tilespmem:$0xCC0];
	vm9 =	vge.f32 v39, v15;
	v56 =	vsel vm12, $0x3F800000, v0;
	v19 =	vadd.f32 v48, v19  }
0x1f6: {  	v63 =	vld [tilespmem:$0xCF0];
	vm5 =	vge.f32 v55, v15;
	vm6 =	vge.f32 v49, v14;
	v20 =	vadd.f32 v20, v21  }
0x1f7: {  	v46 =	vld [tilespmem:$0xD50];
	vm7 =	vge.f32 v59, v15;
	v50 =	vsel vm9, $0x3F800000, v0;
	v19 =	vadd.f32 v52, v19  }
0x1f8: {  	v57 =	vld [tilespmem:$0xD10];
	vm12 =	vgt.f32 v61, v14;
	vm13 =	vge.f32 v47, v15;
	v20 =	vadd.f32 v50, v20  }
0x1f9: {  	v39 =	vld [tilespmem:$0xD20];
	v36 =	vsel vm6, $0x3F800000, v0;
	v38 =	vsel vm7, $0x3F800000, v0;
	v19 =	vadd.f32 v56, v19  }
0x1fa: {  	v49 =	vld [tilespmem:$0xC10];
	v47 =	vsel vm12, $0x3F800000, v0;
	v60 =	vsel vm14, $0x3F800000, v0;
	v20 =	vadd.f32 v54, v20  }
0x1fb: {  	v59 =	vld [tilespmem:$0xC10];
	vm6 =	vgt.f32 v41, v14;
	v58 =	vsel vm13, $0x3F800000, v0;
	v19 =	vadd.f32 v60, v19  }
0x1fc: {  	v61 =	vld [tilespmem:$0xC20];
	vm15 =	vge.f32 v51, v15;
	v32 =	vsel vm4, $0x3F800000, v0;
	v20 =	vadd.f32 v58, v20  }
0x1fd: {  	v41 =	vld [tilespmem:$0xC40];
	vm14 =	vgt.f32 v33, v14;
	v62 =	vsel vm15, $0x3F800000, v0;
	v19 =	vadd.f32 v32, v19  }
0x1fe: {  	v29 =	vsel vm14, $0x3F800000, v0;
	vm9 =	vge.f32 v63, v15;
	v63 =	vld [tilespmem:$0xC70];
	v20 =	vadd.f32 v62, v20  }
0x1ff: {  	v55 =	vadd.f32 v16, v18;
	v34 =	vsel vm5, $0x3F800000, v0;
	v35 =	vld [tilespmem:$0xD00];
	v19 =	vadd.f32 v36, v19  }
0x200: {  	vm13 =	vgt.f32 v39, v15;
	v39 =	vld [tilespmem:$0xC80];
	v40 =	vsel vm8, $0x3F800000, v0;
	v20 =	vadd.f32 v34, v20  }
0x201: {  	v16 =	vsel vm0, $0x3F800000, v0;
	vm10 =	vgt.f32 v57, v14;
	v37 =	vld [tilespmem:$0xD40];
	v19 =	vadd.f32 v40, v19  }
0x202: {  	vm7 =	vgt.f32 v46, v15;
	v44 =	vsel vm10, $0x3F800000, v0;
	v45 =	vld [tilespmem:$0xD40];
	v20 =	vadd.f32 v38, v20  }
0x203: {  	vm8 =	vge.f32 v17, $2.000000000e+01;
	v42 =	vsel vm9, $0x3F800000, v0;
	v43 =	vld [tilespmem:$0xD30];
	v19 =	vadd.f32 v44, v19  }
0x204: {  	v17 =	vsel vm8, $0x3F800000, v0;
	vm11 =	vge.f32 v35, v15;
	v48 =	vld [tilespmem:$0xC00];
	v20 =	vadd.f32 v42, v20  }
0x205: {  	vm9 =	vge.f32 v55, $2.000000000e+01;
	v23 =	vsel vm11, $0x3F800000, v0;
	v52 =	vld [tilespmem:$0xC30];
	v19 =	vadd.f32 v47, v19  }
0x206: {  	v22 =	vsel vm13, $0x3F800000, v0;
	vm4 =	vgt.f32 v37, v14;
	v23 =	vadd.f32 v23, v20;
	v20 =	vld [tilespmem:$0xD20]  }
0x207: {  	v14 =	vsel vm6, $0x3F800000, v0;
	v18 =	vsel vm9, $0x3F800000, v0;
	v50 =	vld [tilespmem:$0xC20];
	v19 =	vadd.f32 v29, v19  }
0x208: {  	v51 =	vsel vm4, $0x3F800000, v0;
	vm15 =	vgt.f32 v43, v15;
	v54 =	vld [tilespmem:$0xC50];
	v22 =	vadd.f32 v22, v23  }
0x209: {  	v55 =	vld [tilespmem:$0xCC0];
	vm5 =	vgt.f32 v45, v15;
	v24 =	vsel vm15, $0x3F800000, v0;
	v19 =	vadd.f32 v51, v19  }
0x20a: {  	v37 =	vld [tilespmem:$0xC30];
	v21 =	vsel vm5, $0x3F800000, v0;
	v56 =	vsel vm7, $0x3F800000, v0;
	v22 =	vadd.f32 v24, v22  }
0x20b: {  	v47 =	vld [tilespmem:$0xCA0];
	v14 =	vadd.f32 v14, v19;
	vm12 =	vge.f32 v48, v20;
	vm13 =	vge.f32 v49, v20  }
0x20c: {  	v60 =	vld [tilespmem:$0xC60];
	vm14 =	vge.f32 v50, v20;
	vm15 =	vge.f32 v52, v20;
	vm6 =	vge.f32 v53, v20  }
0x20d: {  	v51 =	vld [tilespmem:$0xCB0];
	vm8 =	vge.f32 v54, v20;
	v22 =	vadd.f32 v21, v22;
	v26 =	vsel vm12, $0x3F800000, v0  }
0x20e: {  	v58 =	vld [tilespmem:$0xC00];
	v62 =	vsel vm13, $0x3F800000, v0;
	v36 =	vsel vm14, $0x3F800000, v0;
	v24 =	vsel vm15, $0x3F800000, v0  }
0x20f: {  	v21 =	vld [tilespmem:$0xD30];
	v42 =	vsel vm6, $0x3F800000, v0;
	v46 =	vsel vm8, $0x3F800000, v0;
	vm12 =	vge.f32 v63, v20  }
0x210: {  	v45 =	vld [tilespmem:$0xC50];
	vm14 =	vge.f32 v39, v20;
	vm6 =	vge.f32 v47, v20;
	vm10 =	vge.f32 v14, $2.000000000e+01  }
0x211: {  	v49 =	vld [tilespmem:$0xC60];
	v26 =	vadd.f32 v62, v26;
	v54 =	vsel vm12, $0x3F800000, v0;
	v57 =	vadd.f32 v56, v22  }
0x212: {  	v63 =	vld [tilespmem:$0xCE0];
	v15 =	vsel vm10, $0x3F800000, v0;
	vm10 =	vge.f32 v60, v20;
	vm8 =	vge.f32 v51, v20  }
0x213: {  	v43 =	vld [tilespmem:$0xC90];
	v26 =	vadd.f32 v36, v26;
	v50 =	vsel vm10, $0x3F800000, v0;
	vm11 =	vge.f32 v57, $2.000000000e+01  }
0x214: {  	v53 =	vld [tilespmem:$0xC70];
	vm10 =	vge.f32 v55, v20;
	v14 =	vsel vm11, $0x3F800000, v0;
	vm4 =	vge.f32 v58, v21  }
0x215: {  	v39 =	vld [tilespmem:$0xCF0];
	vm5 =	vge.f32 v59, v21;
	vm7 =	vge.f32 v61, v21;
	vm9 =	vge.f32 v37, v21  }
0x216: {  	v47 =	vld [tilespmem:$0xD10];
	v24 =	vadd.f32 v24, v26;
	vm11 =	vge.f32 v41, v21;
	vm13 =	vge.f32 v45, v21  }
0x217: {  	v51 =	vld [tilespmem:$0xD30];
	v58 =	vsel vm14, $0x3F800000, v0;
	vm15 =	vge.f32 v49, v21;
	vm14 =	vge.f32 v63, v20  }
0x218: {  	v57 =	vld [tilespmem:$0xC80];
	v38 =	vsel vm4, $0x3F800000, v0;
	v40 =	vsel vm5, $0x3F800000, v0;
	v44 =	vsel vm7, $0x3F800000, v0  }
0x219: {  	v59 =	vld [tilespmem:$0xCD0];
	v48 =	vsel vm9, $0x3F800000, v0;
	v52 =	vsel vm11, $0x3F800000, v0;
	v24 =	vadd.f32 v42, v24  }
0x21a: {  	v61 =	vld [tilespmem:$0xC90];
	v56 =	vsel vm13, $0x3F800000, v0;
	v60 =	vsel vm15, $0x3F800000, v0;
	vm4 =	vge.f32 v43, v20  }
0x21b: {  	v37 =	vld [tilespmem:$0xCA0];
	vm5 =	vge.f32 v53, v21;
	v30 =	vadd.f32 v40, v38;
	v24 =	vadd.f32 v46, v24  }
0x21c: {  	v41 =	vld [tilespmem:$0xCB0];
	v62 =	vsel vm4, $0x3F800000, v0;
	v36 =	vsel vm5, $0x3F800000, v0;
	v38 =	vsel vm6, $0x3F800000, v0  }
0x21d: {  	v45 =	vld [tilespmem:$0xCC0];
	v42 =	vsel vm8, $0x3F800000, v0;
	vm4 =	vge.f32 v39, v20;
	v24 =	vadd.f32 v50, v24  }
0x21e: {  	v49 =	vld [tilespmem:$0xCD0];
	vm8 =	vge.f32 v47, v20;
	v30 =	vadd.f32 v44, v30;
	vm7 =	vge.f32 v57, v21  }
0x21f: {  	v46 =	vsel vm10, $0x3F800000, v0;
	vm10 =	vgt.f32 v51, v20;
	v24 =	vadd.f32 v54, v24  }
0x220: {  	v43 =	vld [tilespmem:$0xD00];
	v40 =	vsel vm7, $0x3F800000, v0;
	vm9 =	vge.f32 v61, v21;
	v26 =	vadd.f32 v48, v30  }
0x221: {  	v53 =	vld [tilespmem:$0xCE0];
	vm11 =	vge.f32 v37, v21;
	vm12 =	vge.f32 v59, v20;
	v24 =	vadd.f32 v58, v24  }
0x222: {  	v55 =	vld [tilespmem:$0xD40];
	vm13 =	vge.f32 v41, v21;
	vm15 =	vge.f32 v45, v21;
	v26 =	vadd.f32 v52, v26  }
0x223: {  	v33 =	vld [tilespmem:$0xD50];
	vm5 =	vge.f32 v49, v21;
	v37 =	vsel vm8, $0x3F800000, v0;
	v24 =	vadd.f32 v62, v24  }
0x224: {  	v63 =	vld [tilespmem:$0xD10];
	v41 =	vsel vm10, $0x3F800000, v0;
	v44 =	vsel vm9, $0x3F800000, v0;
	v26 =	vadd.f32 v56, v26  }
0x225: {  	v61 =	vld [tilespmem:$0xD00];
	v48 =	vsel vm11, $0x3F800000, v0;
	v50 =	vsel vm12, $0x3F800000, v0;
	v24 =	vadd.f32 v38, v24  }
0x226: {  	v57 =	vld [tilespmem:$0xCF0];
	vm6 =	vge.f32 v43, v20;
	vm7 =	vge.f32 v53, v21;
	v26 =	vadd.f32 v60, v26  }
0x227: {  	v51 =	vld [tilespmem:$0xC10];
	vm12 =	vgt.f32 v55, v20;
	v35 =	vsel vm7, $0x3F800000, v0;
	v24 =	vadd.f32 v42, v24  }
0x228: {  	v49 =	vld [tilespmem:$0xC00];
	v45 =	vsel vm12, $0x3F800000, v0;
	v52 =	vsel vm13, $0x3F800000, v0;
	v26 =	vadd.f32 v36, v26  }
0x229: {  	v54 =	vsel vm14, $0x3F800000, v0;
	vm14 =	vgt.f32 v33, v20;
	v20 =	vld [tilespmem:$0xD50];
	v24 =	vadd.f32 v46, v24  }
0x22a: {  	vm13 =	vge.f32 v63, v21;
	vm11 =	vge.f32 v61, v21;
	v61 =	vld [tilespmem:$0xC30];
	v26 =	vadd.f32 v40, v26  }
0x22b: {  	vm9 =	vge.f32 v57, v21;
	v47 =	vsel vm13, $0x3F800000, v0;
	v36 =	vld [tilespmem:$0xD20];
	v59 =	vadd.f32 v50, v24  }
0x22c: {  	v56 =	vsel vm15, $0x3F800000, v0;
	v58 =	vsel vm4, $0x3F800000, v0;
	v38 =	vld [tilespmem:$0xD40];
	v26 =	vadd.f32 v44, v26  }
0x22d: {  	v33 =	vld [tilespmem:$0xC40];
	v39 =	vsel vm9, $0x3F800000, v0;
	v43 =	vsel vm11, $0x3F800000, v0;
	v19 =	vadd.f32 v54, v59  }
0x22e: {  	v60 =	vsel vm5, $0x3F800000, v0;
	v62 =	vsel vm6, $0x3F800000, v0;
	v40 =	vld [tilespmem:$0xD50];
	v26 =	vadd.f32 v48, v26  }
0x22f: {  	vm8 =	vge.f32 v49, v20;
	vm9 =	vge.f32 v51, v20;
	v44 =	vld [tilespmem:$0xC00];
	v30 =	vadd.f32 v58, v19  }
0x230: {  	v29 =	vsel vm9, $0x3F800000, v0;
	vm13 =	vge.f32 v61, v20;
	v46 =	vld [tilespmem:$0xC10];
	v26 =	vadd.f32 v52, v26  }
0x231: {  	vm15 =	vge.f32 v36, v21;
	vm4 =	vgt.f32 v38, v21;
	v19 =	vld [tilespmem:$0xD40];
	v42 =	vadd.f32 v62, v30  }
0x232: {  	v48 =	vsel vm14, $0x3F800000, v0;
	v50 =	vsel vm15, $0x3F800000, v0;
	v54 =	vld [tilespmem:$0xC20];
	v26 =	vadd.f32 v56, v26  }
0x233: {  	vm15 =	vge.f32 v33, v20;
	vm5 =	vgt.f32 v40, v21;
	v56 =	vld [tilespmem:$0xC20];
	v23 =	vadd.f32 v37, v42  }
0x234: {  	v40 =	vsel vm13, $0x3F800000, v0;
	v52 =	vsel vm4, $0x3F800000, v0;
	v59 =	vld [tilespmem:$0xC30];
	v24 =	vadd.f32 v60, v26  }
0x235: {  	v55 =	vsel vm5, $0x3F800000, v0;
	v62 =	vsel vm8, $0x3F800000, v0;
	v23 =	vadd.f32 v41, v23  }
0x236: {  	v63 =	vld [tilespmem:$0xC40];
	v26 =	vadd.f32 v29, v62;
	v24 =	vadd.f32 v35, v24;
	vm6 =	vge.f32 v44, v19  }
0x237: {  	vm7 =	vge.f32 v46, v19;
	vm10 =	vge.f32 v54, v19;
	v23 =	vadd.f32 v45, v23  }
0x238: {  	v35 =	vld [tilespmem:$0xC50];
	vm11 =	vge.f32 v56, v20;
	v58 =	vsel vm6, $0x3F800000, v0;
	v60 =	vsel vm7, $0x3F800000, v0  }
0x239: {  	v37 =	vld [tilespmem:$0xC50];
	vm12 =	vge.f32 v59, v19;
	v21 =	vadd.f32 v48, v23;
	v23 =	vadd.f32 v60, v58  }
0x23a: {  	v24 =	vadd.f32 v39, v24;
	v34 =	vsel vm10, $0x3F800000, v0;
	v36 =	vsel vm11, $0x3F800000, v0  }
0x23b: {  	vm14 =	vge.f32 v63, v19;
	v39 =	vld [tilespmem:$0xC60];
	v26 =	vadd.f32 v36, v26;
	v23 =	vadd.f32 v34, v23  }
0x23c: {  	v44 =	vsel vm15, $0x3F800000, v0;
	v38 =	vsel vm12, $0x3F800000, v0;
	v41 =	vld [tilespmem:$0xC60];
	v24 =	vadd.f32 v43, v24  }
0x23d: {  	v42 =	vsel vm14, $0x3F800000, v0;
	v43 =	vld [tilespmem:$0xC70];
	v26 =	vadd.f32 v40, v26;
	v23 =	vadd.f32 v38, v23  }
0x23e: {  	v45 =	vld [tilespmem:$0xC70];
	vm4 =	vge.f32 v35, v19;
	vm5 =	vge.f32 v37, v20;
	v24 =	vadd.f32 v47, v24  }
0x23f: {  	v46 =	vsel vm4, $0x3F800000, v0;
	v48 =	vsel vm5, $0x3F800000, v0;
	v23 =	vadd.f32 v42, v23  }
0x240: {  	v47 =	vld [tilespmem:$0xC80];
	v26 =	vadd.f32 v44, v26;
	vm6 =	vge.f32 v39, v19;
	v53 =	vadd.f32 v50, v24  }
0x241: {  	v49 =	vld [tilespmem:$0xC80];
	vm7 =	vge.f32 v41, v20;
	v50 =	vsel vm6, $0x3F800000, v0;
	v23 =	vadd.f32 v46, v23  }
0x242: {  	v51 =	vld [tilespmem:$0xC90];
	v26 =	vadd.f32 v48, v26;
	vm8 =	vge.f32 v43, v19;
	v57 =	vadd.f32 v52, v53  }
0x243: {  	vm9 =	vge.f32 v45, v20;
	v52 =	vsel vm7, $0x3F800000, v0;
	v53 =	vld [tilespmem:$0xC90];
	v23 =	vadd.f32 v50, v23  }
0x244: {  	v54 =	vsel vm8, $0x3F800000, v0;
	v26 =	vadd.f32 v52, v26;
	v22 =	vadd.f32 v55, v57;
	v55 =	vld [tilespmem:$0xCA0]  }
0x245: {  	[tilespmem:$0xF60] =	vst v0;
	v56 =	vsel vm9, $0x3F800000, v0;
	vm10 =	vge.f32 v47, v19;
	v57 =	vld [tilespmem:$0xCA0];
	v23 =	vadd.f32 v54, v23  }
0x246: {  	[tilespmem:$0xF70] =	vst v0;
	v59 =	vld [tilespmem:$0xCB0];
	vm11 =	vge.f32 v49, v20;
	v58 =	vsel vm10, $0x3F800000, v0;
	v26 =	vadd.f32 v56, v26  }
0x247: {  	[tilespmem:$0xF80] =	vst v0;
	v61 =	vld [tilespmem:$0xCB0];
	vm12 =	vge.f32 v51, v19;
	v60 =	vsel vm11, $0x3F800000, v0;
	v23 =	vadd.f32 v58, v23  }
0x248: {  	[tilespmem:$0xF90] =	vst v0;
	v63 =	vld [tilespmem:$0xCC0];
	v62 =	vsel vm12, $0x3F800000, v0;
	v26 =	vadd.f32 v60, v26;
	vm13 =	vge.f32 v53, v20  }
0x249: {  	[tilespmem:$0xFA0] =	vst v0;
	v34 =	vld [tilespmem:$0xCC0];
	v33 =	vsel vm13, $0x3F800000, v0;
	vm14 =	vge.f32 v55, v19;
	v23 =	vadd.f32 v62, v23  }
0x24a: {  	[tilespmem:$0xFB0] =	vst v0;
	v36 =	vld [tilespmem:$0xCD0];
	v26 =	vadd.f32 v33, v26;
	vm15 =	vge.f32 v57, v20;
	v35 =	vsel vm14, $0x3F800000, v0  }
0x24b: {  	[tilespmem:$0xFC0] =	vst v0;
	vm4 =	vge.f32 v59, v19;
	v38 =	vld [tilespmem:$0xCD0];
	v37 =	vsel vm15, $0x3F800000, v0;
	v23 =	vadd.f32 v35, v23  }
0x24c: {  	[tilespmem:$0xFD0] =	vst v0;
	v40 =	vld [tilespmem:$0xCE0];
	vm5 =	vge.f32 v61, v20;
	v39 =	vsel vm4, $0x3F800000, v0;
	v26 =	vadd.f32 v37, v26  }
0x24d: {  	[tilespmem:$0xFE0] =	vst v0;
	v41 =	vsel vm5, $0x3F800000, v0;
	vm6 =	vge.f32 v63, v19;
	v42 =	vld [tilespmem:$0xCE0];
	v23 =	vadd.f32 v39, v23  }
0x24e: {  	[tilespmem:$0xFF0] =	vst v0;
	v44 =	vld [tilespmem:$0xCF0];
	v43 =	vsel vm6, $0x3F800000, v0;
	vm7 =	vge.f32 v34, v20;
	v26 =	vadd.f32 v41, v26  }
0x24f: {  	[tilespmem:$0xE00] =	vst v1;
	vm8 =	vge.f32 v36, v19;
	v45 =	vsel vm7, $0x3F800000, v0;
	v46 =	vld [tilespmem:$0xCF0];
	v1 =	vadd.f32 v43, v23  }
0x250: {  	[tilespmem:$0xE10] =	vst v2;
	v48 =	vld [tilespmem:$0xD00];
	v47 =	vsel vm8, $0x3F800000, v0;
	vm9 =	vge.f32 v38, v20;
	v2 =	vadd.f32 v45, v26  }
0x251: {  	[tilespmem:$0xE20] =	vst v3;
	v49 =	vld [tilespmem:$0xD00];
	vm10 =	vge.f32 v40, v19;
	v3 =	vsel vm9, $0x3F800000, v0;
	v1 =	vadd.f32 v47, v1  }
0x252: {  	[tilespmem:$0xE30] =	vst v4;
	v50 =	vld [tilespmem:$0xD10];
	vm11 =	vge.f32 v42, v20;
	v2 =	vadd.f32 v3, v2;
	v3 =	vsel vm10, $0x3F800000, v0  }
0x253: {  	[tilespmem:$0xE40] =	vst v5;
	v51 =	vld [tilespmem:$0xD10];
	vm12 =	vge.f32 v44, v19;
	v1 =	vadd.f32 v3, v1;
	v3 =	vsel vm11, $0x3F800000, v0  }
0x254: {  	[tilespmem:$0xE50] =	vst v6;
	v52 =	vld [tilespmem:$0xD20];
	vm13 =	vge.f32 v46, v20;
	v2 =	vadd.f32 v3, v2;
	v3 =	vsel vm12, $0x3F800000, v0  }
0x255: {  	[tilespmem:$0xE60] =	vst v7;
	v53 =	vld [tilespmem:$0xD20];
	vm14 =	vge.f32 v48, v19;
	v1 =	vadd.f32 v3, v1;
	v3 =	vsel vm13, $0x3F800000, v0  }
0x256: {  	[tilespmem:$0xE70] =	vst v8;
	vm15 =	vge.f32 v49, v20;
	v54 =	vsel vm14, $0x3F800000, v0;
	v2 =	vadd.f32 v3, v2;
	v3 =	vld [tilespmem:$0xD30]  }
0x257: {  	[tilespmem:$0xE80] =	vst v9;
	v56 =	vld [tilespmem:$0xD30];
	v55 =	vsel vm15, $0x3F800000, v0;
	vm4 =	vge.f32 v50, v19;
	v1 =	vadd.f32 v54, v1  }
0x258: {  	[tilespmem:$0xE90] =	vst v10;
	vm5 =	vge.f32 v51, v20;
	v58 =	vld [tilespmem:$0xD50];
	v57 =	vsel vm4, $0x3F800000, v0;
	v2 =	vadd.f32 v55, v2  }
0x259: {  	[tilespmem:$0xEA0] =	vst v11;
	v59 =	vld [tilespmem:$0xD40];
	v5 =	vsel vm5, $0x3F800000, v0;
	vm6 =	vge.f32 v52, v19;
	v1 =	vadd.f32 v57, v1  }
0x25a: {  	[tilespmem:$0xEB0] =	vst v13;
	v60 =	vsel vm6, $0x3F800000, v0;
	vm7 =	vge.f32 v53, v20;
	v2 =	vadd.f32 v5, v2  }
0x25b: {  	[tilespmem:$0xEC0] =	vst v12;
	v61 =	vsel vm7, $0x3F800000, v0;
	v1 =	vadd.f32 v60, v1;
	vm8 =	vge.f32 v3, v19  }
0x25c: {  	[tilespmem:$0xED0] =	vst v16;
	vm9 =	vge.f32 v56, v20;
	v3 =	vsel vm8, $0x3F800000, v0;
	v2 =	vadd.f32 v61, v2  }
0x25d: {  	[tilespmem:$0xEE0] =	vst v17;
	vm10 =	vgt.f32 v58, v19;
	v1 =	vadd.f32 v3, v1;
	v3 =	vsel vm9, $0x3F800000, v0  }
0x25e: {  	[tilespmem:$0xEF0] =	vst v18;
	v62 =	vsel vm10, $0x3F800000, v0;
	vm11 =	vge.f32 v59, v20;
	v2 =	vadd.f32 v3, v2  }
0x25f: {  	[tilespmem:$0xF00] =	vst v15;
	vm12 =	vge.f32 v21, $2.000000000e+01;
	v3 =	vsel vm11, $0x3F800000, v0;
	v1 =	vadd.f32 v62, v1  }
0x260: {  	[tilespmem:$0xF10] =	vst v14;
	v63 =	vsel vm12, $0x3F800000, v0;
	vm13 =	vge.f32 v22, $2.000000000e+01;
	v2 =	vadd.f32 v3, v2  }
0x261: {  	[tilespmem:$0xF20] =	vst v63;
	v3 =	vsel vm13, $0x3F800000, v0;
	vm14 =	vge.f32 v1, $2.000000000e+01  }
0x262: {  	[tilespmem:$0xF30] =	vst v3;
	v1 =	vsel vm14, $0x3F800000, v0;
	vm15 =	vge.f32 v2, $2.000000000e+01  }
0x263: {  	p0 =	sne.s32 s25, $0x1;
	[tilespmem:$0xF40] =	vst v1;
	v1 =	vsel vm15, $0x3F800000, v0  }
.Ltmp0:
0x264: {  	[tilespmem:$0xF50] =	vst v1;
	(pc) =	sbr.rel @p0 .LBB2_1-.Ltmp0, $4  }
0x265: {  	[hbm4b:s23+s2] =	stream.linear.scatter [tilespmem:s31], [sflag:$0x1], $0x200, $0x38;
	[tilespmem:$0x1000] =	vst v63  }
0x266: {  	_ =	swait.ge [sflag:s29], $0x200  }
0x267: {  	[sflag:s29] =	ssyncset.done $0x0  }
0x268: {  	s25 =	sadd.s32 $0xFFFFFFFF, s25;
	[sflag:s29] =	ssyncadd.s32 $0xFFFFFE00  }
0x269: {  	_ =	sfence.sel $0x180000  }
0x26a: {  	[bflag:$0x0] =	sbarrier.arrive $0xFFFF  }
0x26b: {  	_ =	strace $0x90000047  }
0x26c: {  	[bflag:$0x2] =	sbarrier.arrive $0xFFFF  }
0x26d: {  	p0 =	sne.s32 s0, $0x0;
	s0 =	rddreg [dreg:$0x2]  }
0x26e: {  	s0 =	sadd.s32 @!p0 $0x100000, s0  }
0x26f: {  	[sflag:s0] =	ssyncadd.tile.s32 @!p0 $0x1;
	_ =	shalt  }
.Lfunc_end2:
_tile_overlayer_lowered:
.L_overlay_start_2:
0x270: {  	(tag) =	ssettag $0x2  }
0x271: {  	s0 =	rddreg [dreg:$0x0];
	s2 =	stileid.u32  }
0x272: {  	s1 =	rddreg [dreg:$0x1];
	p0 =	sne.s32 s2, $0x0  }
0x273: {  	s3 =	rddreg [dreg:$0x2];
	[bflag:$0x3] =	sbarrier.arrive $0xFFFF;
	s2 =	simm.s32 @!p0 $0x1C01  }
0x274: {  	[timem:s3], [sflag:s2] =	dma.local @!p0 [hbm:s0], s1  }
0x275: {  	s0 =	simm.s32 @!p0 $0x1  }
0x276: {  	_ =	swait.ge @!p0 [sflag:s0], s1  }
0x277: {  	s1 =	ssub.s32 @!p0 $0x0, s1;
	[sflag:s0] =	ssyncset.done @!p0 $0x0  }
0x278: {  	[sflag:s0] =	ssyncadd.s32 @!p0 s1  }
0x279: {  	[bflag:$0x3] =	sbarrier.arrive $0xFFFF  }
0x27a: {  	_ =	shalt  }

</sc_bundles>
